<compile_context>
chip_gen: v7x
topology: tpu7x:2x2x1
jax: 0.10.2.dev20260603
libtpu: 0.0.44.dev20260713+nightly
codegen_flags: <defaults>
</compile_context>

<pallas_src>
import functools

import jax
import jax.numpy as jnp
from jax.experimental import pallas as pl
from jax.experimental.pallas import tpu as pltpu
from jax.experimental.pallas import tpu_sc as plsc

Q = 1024
D = 1024
K = 100000
BS = 128
NB = 784
BN = 512
NBS = BN // BS
NSTEP = NB // NBS
KTOP = 50
KBLK = 56
SB = 16
NSUB = BS // SB
KSUB = 56
NEG = float("-inf")
IMAX = 2**31 - 1


def _scores_body(q_ref, k_ref, qn_ref, kn_ref, t_ref, s_ref, bm_ref, qs_ref):
    j = pl.program_id(0)

    @pl.when(j == 0)
    def _():
        qs_ref[...] = q_ref[...] / qn_ref[...]

    kn = k_ref[...] / kn_ref[...]
    s = jax.lax.dot_general(qs_ref[...], kn, (((1,), (1,)), ((), ())),
                            preferred_element_type=jnp.float32)
    s = s / t_ref[...]
    gcol = j * BN + jax.lax.broadcasted_iota(jnp.int32, (Q, BN), 1)
    s = jnp.where(gcol < K, s, NEG)
    parts = []
    maxes = []
    for i in range(NBS):
        blk = s[:, i * BS:(i + 1) * BS]
        parts.append(blk[None])
        maxes.append(jnp.max(blk, axis=1, keepdims=True)[None])
    s_ref[...] = jnp.concatenate(parts, axis=0)
    bm_ref[...] = jnp.concatenate(maxes, axis=0)


def _scores_call(queries, keys, qnorm, knorm, temp2d, interpret=False):
    return pl.pallas_call(
        _scores_body,
        grid=(NSTEP,),
        in_specs=[
            pl.BlockSpec((Q, D), lambda j: (0, 0)),
            pl.BlockSpec((BN, D), lambda j: (j, 0)),
            pl.BlockSpec((Q, 1), lambda j: (0, 0)),
            pl.BlockSpec((BN, 1), lambda j: (j, 0)),
            pl.BlockSpec((1, 1), lambda j: (0, 0)),
        ],
        out_specs=[
            pl.BlockSpec((NBS, Q, BS), lambda j: (j, 0, 0)),
            pl.BlockSpec((NBS, Q, 1), lambda j: (j, 0, 0)),
        ],
        out_shape=[
            jax.ShapeDtypeStruct((NB, Q, BS), jnp.float32),
            jax.ShapeDtypeStruct((NB, Q, 1), jnp.float32),
        ],
        scratch_shapes=[pltpu.VMEM((Q, D), jnp.float32)],
        interpret=interpret,
    )(queries, keys, qnorm, knorm, temp2d)


def _select_body(bm_ref, f_ref, b_ref):
    col = jax.lax.broadcasted_iota(jnp.int32, (Q, NB), 1)
    sel = jax.lax.broadcasted_iota(jnp.int32, (Q, KBLK), 1)

    def step(t, carry):
        x, acc_b = carry
        m = jnp.max(x, axis=1, keepdims=True)
        ci = jnp.min(jnp.where(x == m, col, IMAX), axis=1, keepdims=True)
        acc_b = jnp.where(sel == t, ci, acc_b)
        x = jnp.where(col == ci, NEG, x)
        return x, acc_b

    _, acc_b = jax.lax.fori_loop(
        0, KBLK, step, (bm_ref[...], jnp.zeros((Q, KBLK), jnp.int32)),
        unroll=2)
    r = jax.lax.broadcasted_iota(jnp.int32, (Q, KBLK), 0)
    f_ref[...] = acc_b * Q + r
    b_ref[...] = acc_b


def _select_call(bm, interpret=False):
    return pl.pallas_call(
        _select_body,
        in_specs=[pl.BlockSpec((Q, NB), lambda: (0, 0))],
        out_specs=[
            pl.BlockSpec((Q, KBLK), lambda: (0, 0)),
            pl.BlockSpec((Q, KBLK), lambda: (0, 0)),
        ],
        out_shape=[
            jax.ShapeDtypeStruct((Q, KBLK), jnp.int32),
            jax.ShapeDtypeStruct((Q, KBLK), jnp.int32),
        ],
        interpret=interpret,
    )(bm)


_MESH = dict(core_axis_name="c", subcore_axis_name="s")
_NWORK = 32
_CH = 128

_GROWS = Q * KBLK
_RPW = _GROWS // _NWORK
_NCH = _RPW // _CH


def _gather_body(tab_hbm, idx_hbm, out_hbm, idx_v, row_v, sem):
    w = jax.lax.axis_index("s") * 2 + jax.lax.axis_index("c")
    base = w * _RPW
    for c in range(_NCH):
        off = base + c * _CH
        pltpu.sync_copy(idx_hbm.at[pl.ds(off, _CH)], idx_v)
        pltpu.async_copy(tab_hbm.at[idx_v], row_v, sem).wait()
        pltpu.sync_copy(row_v, out_hbm.at[pl.ds(off, _CH)])


def _gather_call(table, fidx_flat):
    fn = functools.partial(
        pl.kernel,
        out_type=jax.ShapeDtypeStruct((_GROWS, BS), jnp.float32),
        mesh=plsc.VectorSubcoreMesh(**_MESH),
        scratch_types=[
            pltpu.VMEM((_CH,), jnp.int32),
            pltpu.VMEM((_CH, BS), jnp.float32),
            pltpu.SemaphoreType.DMA,
        ],
    )(_gather_body)
    return fn(table, fidx_flat)


_RB1 = 128
_NSS = KBLK * NSUB


def _refine_body(c_ref, b_ref, f_ref, g_ref):
    v = c_ref[...].reshape(_RB1, KBLK, BS)
    b2 = b_ref[...]
    xs, bases = [], []
    for i in range(NSUB):
        xs.append(jnp.max(v[:, :, i * SB:(i + 1) * SB], axis=2))
        bases.append(b2 * BS + i * SB)
    x = jnp.concatenate(xs, axis=1)
    base2 = jnp.concatenate(bases, axis=1)
    col = jax.lax.broadcasted_iota(jnp.int32, (_RB1, _NSS), 1)
    sel = jax.lax.broadcasted_iota(jnp.int32, (_RB1, KSUB), 1)

    def step(t, carry):
        x, acc_s, acc_g = carry
        m = jnp.max(x, axis=1, keepdims=True)
        gb = jnp.min(jnp.where(x == m, base2, IMAX), axis=1, keepdims=True)
        chosen = base2 == gb
        cc = jnp.min(jnp.where(chosen, col, IMAX), axis=1, keepdims=True)
        si = (cc % KBLK) * NSUB + cc // KBLK
        acc_s = jnp.where(sel == t, si, acc_s)
        acc_g = jnp.where(sel == t, gb, acc_g)
        x = jnp.where(chosen, NEG, x)
        return x, acc_s, acc_g

    _, acc_s, acc_g = jax.lax.fori_loop(
        0, KSUB, step,
        (x, jnp.zeros((_RB1, KSUB), jnp.int32),
         jnp.zeros((_RB1, KSUB), jnp.int32)), unroll=2)
    qg = pl.program_id(0) * _RB1 + jax.lax.broadcasted_iota(
        jnp.int32, (_RB1, KSUB), 0)
    f_ref[...] = qg * _NSS + acc_s
    g_ref[...] = acc_g


def _refine_call(cand, bidx2, interpret=False):
    return pl.pallas_call(
        _refine_body,
        grid=(Q // _RB1,),
        in_specs=[
            pl.BlockSpec((_RB1 * KBLK, BS), lambda r: (r, 0)),
            pl.BlockSpec((_RB1, KBLK), lambda r: (r, 0)),
        ],
        out_specs=[
            pl.BlockSpec((_RB1, KSUB), lambda r: (r, 0)),
            pl.BlockSpec((_RB1, KSUB), lambda r: (r, 0)),
        ],
        out_shape=[
            jax.ShapeDtypeStruct((Q, KSUB), jnp.int32),
            jax.ShapeDtypeStruct((Q, KSUB), jnp.int32),
        ],
        interpret=interpret,
    )(cand, bidx2)


_G2ROWS = Q * KSUB
_RPW2 = _G2ROWS // _NWORK
_NCH2 = _RPW2 // _CH
_PACK = BS // SB


def _gather2_body(tab_hbm, idx_hbm, out_hbm, idx_v, row_idx_v, stage_v, out_v, sem):
    w = jax.lax.axis_index("s") * 2 + jax.lax.axis_index("c")
    base = w * _RPW2

    @pl.loop(0, _NCH2)
    def _chunk(c):
        off = base + c * _CH
        pltpu.sync_copy(idx_hbm.at[pl.ds(off, _CH)], idx_v)
        for vi in range(_CH // 16):
            x = idx_v[pl.ds(vi * 16, 16)]
            row_idx_v[pl.ds(vi * 16, 16)] = jax.lax.shift_right_logical(x, 3)
        pltpu.async_copy(tab_hbm.at[row_idx_v], stage_v, sem).wait()
        iota = jax.lax.iota(jnp.int32, 16)
        for vi in range(_CH // 16):
            fi = idx_v[pl.ds(vi * 16, 16)]
            rows = vi * 16 + iota
            lane0 = jnp.bitwise_and(fi, NSUB - 1) * SB
            orow = jax.lax.shift_right_logical(rows, 3)
            ocol0 = jnp.bitwise_and(rows, _PACK - 1) * SB
            for l in range(SB):
                vals = plsc.load_gather(stage_v, [rows, lane0 + l])
                plsc.store_scatter(out_v, [orow, ocol0 + l], vals)
        ostart = pl.multiple_of(off // _PACK, _CH // _PACK)
        pltpu.sync_copy(out_v, out_hbm.at[pl.ds(ostart, _CH // _PACK)])


def _gather2_call(cand, fidx2_flat):
    fn = functools.partial(
        pl.kernel,
        out_type=jax.ShapeDtypeStruct((_G2ROWS // _PACK, BS), jnp.float32),
        mesh=plsc.VectorSubcoreMesh(**_MESH),
        compiler_params=pltpu.CompilerParams(needs_layout_passes=False),
        scratch_types=[
            pltpu.VMEM((_CH,), jnp.int32),
            pltpu.VMEM((_CH,), jnp.int32),
            pltpu.VMEM((_CH, BS), jnp.float32),
            pltpu.VMEM((_CH // _PACK, BS), jnp.float32),
            pltpu.SemaphoreType.DMA,
        ],
    )(_gather2_body)
    return fn(cand, fidx2_flat)


_RB2 = 128


_NPR = KSUB // _PACK


def _final_body(c_ref, g_ref, p_ref, i_ref):
    gb = g_ref[...]
    parts = [jnp.broadcast_to(gb[:, :, i:i + 1], (_RB2, _NPR, SB))
             for i in range(_PACK)]
    g = (jnp.concatenate(parts, axis=2)
         + (jax.lax.broadcasted_iota(jnp.int32, (_RB2, _NPR, BS), 2) & (SB - 1)))
    sel = jax.lax.broadcasted_iota(jnp.int32, (_RB2, KSUB), 1)

    def step(t, carry):
        v, acc_v, acc_i = carry
        m = jnp.max(jnp.max(v, axis=2, keepdims=True), axis=1, keepdims=True)
        cand = jnp.where(v == m, g, IMAX)
        ci = jnp.min(jnp.min(cand, axis=2, keepdims=True), axis=1, keepdims=True)
        acc_v = jnp.where(sel == t, m[:, 0, :], acc_v)
        acc_i = jnp.where(sel == t, ci[:, 0, :], acc_i)
        v = jnp.where(g == ci, NEG, v)
        return v, acc_v, acc_i

    _, acc_v, acc_i = jax.lax.fori_loop(
        0, KTOP, step,
        (c_ref[...].reshape(_RB2, _NPR, BS),
         jnp.full((_RB2, KSUB), NEG, jnp.float32),
         jnp.zeros((_RB2, KSUB), jnp.int32)), unroll=2)
    e = jnp.exp(acc_v - acc_v[:, 0:1])
    p = e / jnp.sum(e, axis=1, keepdims=True)
    p_ref[...] = p[:, :KTOP]
    i_ref[...] = acc_i[:, :KTOP]


def _final_call(sub, gb3, interpret=False):
    return pl.pallas_call(
        _final_body,
        grid=(Q // _RB2,),
        in_specs=[
            pl.BlockSpec((_RB2 * _NPR, BS), lambda r: (r, 0)),
            pl.BlockSpec((_RB2, _NPR, _PACK), lambda r: (r, 0, 0)),
        ],
        out_specs=[
            pl.BlockSpec((_RB2, KTOP), lambda r: (r, 0)),
            pl.BlockSpec((_RB2, KTOP), lambda r: (r, 0)),
        ],
        out_shape=[
            jax.ShapeDtypeStruct((Q, KTOP), jnp.float32),
            jax.ShapeDtypeStruct((Q, KTOP), jnp.int32),
        ],
        interpret=interpret,
    )(sub, gb3)


def kernel(queries, keys, temp, k):
    del k
    qnorm = jnp.linalg.norm(queries, axis=-1, keepdims=True) + 1e-8
    knorm = jnp.linalg.norm(keys, axis=-1, keepdims=True) + 1e-8
    temp2d = jnp.asarray(temp, jnp.float32).reshape(1, 1)
    scores3, bmax3 = _scores_call(queries, keys, qnorm, knorm, temp2d)
    bm = bmax3.reshape(NB, Q).T
    fidx, bidx = _select_call(bm)
    table = scores3.reshape(NB * Q, BS)
    cand = _gather_call(table, fidx.reshape(_GROWS))
    fidx2, gb2 = _refine_call(cand, bidx)
    sub = _gather2_call(cand, fidx2.reshape(_G2ROWS))
    return _final_call(sub, gb2.reshape(Q, _NPR, _PACK))
    return _final_call(sub, gb2.reshape(Q, _NPR, _PACK))

# --- scband reference (transcript-rebuilt; emitter-appended) ---
"""Pipeline reference for scband-asset-retrieval-module-82145544503717 (READ-ONLY COPY).

The authoritative reference and input builder live on the scoring server;
editing this copy changes nothing except your own understanding.
"""

import jax, jax.numpy as jnp
import numpy as np


def setup_inputs(seed: int = 0) -> dict:
    key = jax.random.key(seed)
    kq, kk = jax.random.split(key, 2)
    queries = jax.random.normal(kq, (1024, 1024), dtype=jnp.float32)
    keys = jax.random.normal(kk, (100000, 1024), dtype=jnp.float32)
    # learned temperature parameter (requires_grad=True in the torch module)
    temp = jnp.asarray(0.07, dtype=jnp.float32)
    return {"queries": queries, "keys": keys, "temp": temp, "k": 50}


def reference(queries, keys, temp, k):
    # Semantic asset retrieval: cosine similarity between query embeddings
    # and the asset catalog embeddings, scaled by learned temperature,
    # then top-k retrieval with softmax over the retrieved candidates.
    qn = queries / (jnp.linalg.norm(queries, axis=-1, keepdims=True) + 1e-8)
    kn = keys / (jnp.linalg.norm(keys, axis=-1, keepdims=True) + 1e-8)
    scores = (qn @ kn.T) / temp  # [Q, K]
    scores = scores + jnp.zeros((), dtype=scores.dtype) * jnp.asarray(k, dtype=scores.dtype)
    k_static = 50
    topk_vals, topk_idx = jax.lax.top_k(scores, k_static)  # [Q, k]
    probs = jax.nn.softmax(topk_vals, axis=-1)  # sampling distribution over retrieved assets
    return probs, topk_idx

if __name__ == "__main__":
    import jax
    _d = setup_inputs()
    print(jax.jit(kernel)(*tuple(_d.values())))

</pallas_src>

<mosaic_0001>
#map = affine_map<(d0, d1) -> (0, 0)>
#map1 = affine_map<(d0, d1) -> (0)>
module attributes {stable_mosaic.version = 14 : i64} {
  func.func @_gather2_body(%arg0: i32, %arg1: i32, %arg2: memref<57344x128xf32, #tpu.memory_space<hbm>>, %arg3: memref<57344xi32, #tpu.memory_space<hbm>>, %arg4: memref<7168x128xf32, #tpu.memory_space<hbm>>, %arg5: memref<128xi32, #tpu.memory_space<vmem>>, %arg6: memref<128xi32, #tpu.memory_space<vmem>>, %arg7: memref<128x128xf32, #tpu.memory_space<vmem>>, %arg8: memref<16x128xf32, #tpu.memory_space<vmem>>, %arg9: memref<!tpu.dma_semaphore, #tpu.memory_space<semaphore_mem>>) attributes {dimension_semantics = [#tpu.dimension_semantics<core_parallel>, #tpu.dimension_semantics<subcore_parallel>], iteration_bounds = array<i64: 2, 16>, scalar_prefetch = 0 : i64, scratch_operands = 5 : i64, tpu.core_type = #tpu.core_type<sc_vector_subcore>, window_params = [{transform_indices = #map}, {transform_indices = #map1}, {transform_indices = #map}]} {
    %mul3A = arith.constant 2 : i32
    %mul3A_0 = arith.muli %arg1, %mul3A : i32
    %add3A = arith.addi %mul3A_0, %arg0 : i32
    %mul3A_1 = arith.constant 1792 : i32
    %mul3A_2 = arith.muli %add3A, %mul3A_1 : i32
    %scan3A = arith.constant 0 : i32
    %scan3A_3 = arith.constant 14 : i32
    %scan3A_4 = arith.addi %scan3A, %scan3A_3 : i32
    %scan3A_5 = arith.constant 1 : i32
    scf.for %scan3A_7 = %scan3A to %scan3A_4 step %scan3A_5  : i32 {
      %mul3A_8 = arith.constant 1 : i32
      %mul3A_9 = arith.muli %scan3A_7, %mul3A_8 : i32
      %add3A_10 = arith.constant 0 : i32
      %add3A_11 = arith.addi %add3A_10, %mul3A_9 : i32
      %mul3A_12 = arith.constant 128 : i32
      %mul3A_13 = arith.muli %add3A_11, %mul3A_12 : i32
      %add3A_14 = arith.addi %mul3A_2, %mul3A_13 : i32
      "tpu.region"() ({
        %run_scoped3A = tpu.sem_alloc : memref<!tpu.dma_semaphore, #tpu.memory_space<semaphore_mem>>
        %dma_start3A_1143 = tpu.memref_slice %arg3[%add3A_14] : memref<57344xi32, #tpu.memory_space<hbm>> -> memref<128xi32, #tpu.memory_space<hbm>>
        %dma_start3A_1144 = tpu.memref_slice %arg3[%add3A_14] : memref<57344xi32, #tpu.memory_space<hbm>> -> memref<128xi32, #tpu.memory_space<hbm>>
        tpu.enqueue_dma source(%dma_start3A_1144 : memref<128xi32, #tpu.memory_space<hbm>>) target(%arg5 : memref<128xi32, #tpu.memory_space<vmem>>) target_semaphore(%run_scoped3A : memref<!tpu.dma_semaphore, #tpu.memory_space<semaphore_mem>>)
        %dma_wait3A_1145 = tpu.memref_slice %arg3[%add3A_14] : memref<57344xi32, #tpu.memory_space<hbm>> -> memref<128xi32, #tpu.memory_space<hbm>>
        %dma_wait3A_1146 = tpu.memref_slice %arg3[%add3A_14] : memref<57344xi32, #tpu.memory_space<hbm>> -> memref<128xi32, #tpu.memory_space<hbm>>
        tpu.wait_dma2 semaphore(%run_scoped3A : memref<!tpu.dma_semaphore, #tpu.memory_space<semaphore_mem>>) src(%dma_wait3A_1146 : memref<128xi32, #tpu.memory_space<hbm>>) dst(%arg5 : memref<128xi32, #tpu.memory_space<vmem>>)
        tpu.yield
      }) : () -> ()
      %get3A = arith.constant 0 : index
      %get3A_15 = tpu.vector_load %arg5[%get3A] {strides = array<i32>} : memref<128xi32, #tpu.memory_space<vmem>>, vector<16xi32>,
      %shift_right_logical3A = arith.constant 3 : i32
      %shift_right_logical3A_16 = vector.broadcast %shift_right_logical3A : i32 to vector<16xi32>
      %shift_right_logical3A_17 = arith.shrui %get3A_15, %shift_right_logical3A_16 : vector<16xi32>
      %swap3A = arith.constant 0 : index
      %swap3A_18 = tpu.vector_load %arg6[%swap3A] {strides = array<i32>} : memref<128xi32, #tpu.memory_space<vmem>>, vector<16xi32>,
      tpu.vector_store %arg6[%swap3A], %shift_right_logical3A_17 {strides = array<i32>} : memref<128xi32, #tpu.memory_space<vmem>>, vector<16xi32>,
      %get3A_19 = arith.constant 16 : index
      %get3A_20 = tpu.vector_load %arg5[%get3A_19] {strides = array<i32>} : memref<128xi32, #tpu.memory_space<vmem>>, vector<16xi32>,
      %shift_right_logical3A_21 = arith.constant 3 : i32
      %shift_right_logical3A_22 = vector.broadcast %shift_right_logical3A_21 : i32 to vector<16xi32>
      %shift_right_logical3A_23 = arith.shrui %get3A_20, %shift_right_logical3A_22 : vector<16xi32>
      %swap3A_24 = arith.constant 16 : index
      %swap3A_25 = tpu.vector_load %arg6[%swap3A_24] {strides = array<i32>} : memref<128xi32, #tpu.memory_space<vmem>>, vector<16xi32>,
      tpu.vector_store %arg6[%swap3A_24], %shift_right_logical3A_23 {strides = array<i32>} : memref<128xi32, #tpu.memory_space<vmem>>, vector<16xi32>,
      %get3A_26 = arith.constant 32 : index
      %get3A_27 = tpu.vector_load %arg5[%get3A_26] {strides = array<i32>} : memref<128xi32, #tpu.memory_space<vmem>>, vector<16xi32>,
      %shift_right_logical3A_28 = arith.constant 3 : i32
      %shift_right_logical3A_29 = vector.broadcast %shift_right_logical3A_28 : i32 to vector<16xi32>
      %shift_right_logical3A_30 = arith.shrui %get3A_27, %shift_right_logical3A_29 : vector<16xi32>
      %swap3A_31 = arith.constant 32 : index
      %swap3A_32 = tpu.vector_load %arg6[%swap3A_31] {strides = array<i32>} : memref<128xi32, #tpu.memory_space<vmem>>, vector<16xi32>,
      tpu.vector_store %arg6[%swap3A_31], %shift_right_logical3A_30 {strides = array<i32>} : memref<128xi32, #tpu.memory_space<vmem>>, vector<16xi32>,
      %get3A_33 = arith.constant 48 : index
      %get3A_34 = tpu.vector_load %arg5[%get3A_33] {strides = array<i32>} : memref<128xi32, #tpu.memory_space<vmem>>, vector<16xi32>,
      %shift_right_logical3A_35 = arith.constant 3 : i32
      %shift_right_logical3A_36 = vector.broadcast %shift_right_logical3A_35 : i32 to vector<16xi32>
      %shift_right_logical3A_37 = arith.shrui %get3A_34, %shift_right_logical3A_36 : vector<16xi32>
      %swap3A_38 = arith.constant 48 : index
      %swap3A_39 = tpu.vector_load %arg6[%swap3A_38] {strides = array<i32>} : memref<128xi32, #tpu.memory_space<vmem>>, vector<16xi32>,
      tpu.vector_store %arg6[%swap3A_38], %shift_right_logical3A_37 {strides = array<i32>} : memref<128xi32, #tpu.memory_space<vmem>>, vector<16xi32>,
      %get3A_40 = arith.constant 64 : index
      %get3A_41 = tpu.vector_load %arg5[%get3A_40] {strides = array<i32>} : memref<128xi32, #tpu.memory_space<vmem>>, vector<16xi32>,
      %shift_right_logical3A_42 = arith.constant 3 : i32
      %shift_right_logical3A_43 = vector.broadcast %shift_right_logical3A_42 : i32 to vector<16xi32>
      %shift_right_logical3A_44 = arith.shrui %get3A_41, %shift_right_logical3A_43 : vector<16xi32>
      %swap3A_45 = arith.constant 64 : index
      %swap3A_46 = tpu.vector_load %arg6[%swap3A_45] {strides = array<i32>} : memref<128xi32, #tpu.memory_space<vmem>>, vector<16xi32>,
      tpu.vector_store %arg6[%swap3A_45], %shift_right_logical3A_44 {strides = array<i32>} : memref<128xi32, #tpu.memory_space<vmem>>, vector<16xi32>,
      %get3A_47 = arith.constant 80 : index
      %get3A_48 = tpu.vector_load %arg5[%get3A_47] {strides = array<i32>} : memref<128xi32, #tpu.memory_space<vmem>>, vector<16xi32>,
      %shift_right_logical3A_49 = arith.constant 3 : i32
      %shift_right_logical3A_50 = vector.broadcast %shift_right_logical3A_49 : i32 to vector<16xi32>
      %shift_right_logical3A_51 = arith.shrui %get3A_48, %shift_right_logical3A_50 : vector<16xi32>
      %swap3A_52 = arith.constant 80 : index
      %swap3A_53 = tpu.vector_load %arg6[%swap3A_52] {strides = array<i32>} : memref<128xi32, #tpu.memory_space<vmem>>, vector<16xi32>,
      tpu.vector_store %arg6[%swap3A_52], %shift_right_logical3A_51 {strides = array<i32>} : memref<128xi32, #tpu.memory_space<vmem>>, vector<16xi32>,
      %get3A_54 = arith.constant 96 : index
      %get3A_55 = tpu.vector_load %arg5[%get3A_54] {strides = array<i32>} : memref<128xi32, #tpu.memory_space<vmem>>, vector<16xi32>,
      %shift_right_logical3A_56 = arith.constant 3 : i32
      %shift_right_logical3A_57 = vector.broadcast %shift_right_logical3A_56 : i32 to vector<16xi32>
      %shift_right_logical3A_58 = arith.shrui %get3A_55, %shift_right_logical3A_57 : vector<16xi32>
      %swap3A_59 = arith.constant 96 : index
      %swap3A_60 = tpu.vector_load %arg6[%swap3A_59] {strides = array<i32>} : memref<128xi32, #tpu.memory_space<vmem>>, vector<16xi32>,
      tpu.vector_store %arg6[%swap3A_59], %shift_right_logical3A_58 {strides = array<i32>} : memref<128xi32, #tpu.memory_space<vmem>>, vector<16xi32>,
      %get3A_61 = arith.constant 112 : index
      %get3A_62 = tpu.vector_load %arg5[%get3A_61] {strides = array<i32>} : memref<128xi32, #tpu.memory_space<vmem>>, vector<16xi32>,
      %shift_right_logical3A_63 = arith.constant 3 : i32
      %shift_right_logical3A_64 = vector.broadcast %shift_right_logical3A_63 : i32 to vector<16xi32>
      %shift_right_logical3A_65 = arith.shrui %get3A_62, %shift_right_logical3A_64 : vector<16xi32>
      %swap3A_66 = arith.constant 112 : index
      %swap3A_67 = tpu.vector_load %arg6[%swap3A_66] {strides = array<i32>} : memref<128xi32, #tpu.memory_space<vmem>>, vector<16xi32>,
      tpu.vector_store %arg6[%swap3A_66], %shift_right_logical3A_65 {strides = array<i32>} : memref<128xi32, #tpu.memory_space<vmem>>, vector<16xi32>,
      %dma_start3A = arith.constant 0 : i32
      %dma_start3A_68 = arith.constant 0 : i32
      %dma_start3A_69 = tpu.memref_slice %arg2[%dma_start3A, %dma_start3A_68] : memref<57344x128xf32, #tpu.memory_space<hbm>> -> memref<57344x128xf32, #tpu.memory_space<hbm>>
      tpu.enqueue_indirect_dma source(%dma_start3A_69 : memref<57344x128xf32, #tpu.memory_space<hbm>>) target(%arg7 : memref<128x128xf32, #tpu.memory_space<vmem>>) offsets(%arg6 : memref<128xi32, #tpu.memory_space<vmem>>) semaphore(%arg9 : memref<!tpu.dma_semaphore, #tpu.memory_space<semaphore_mem>>)
      %dma_wait3A = arith.constant 0 : i32
      %dma_wait3A_70 = arith.constant 0 : i32
      %dma_wait3A_71 = tpu.memref_slice %arg2[%dma_wait3A, %dma_wait3A_70] : memref<57344x128xf32, #tpu.memory_space<hbm>> -> memref<57344x128xf32, #tpu.memory_space<hbm>>
      tpu.wait_indirect_dma semaphore(%arg9 : memref<!tpu.dma_semaphore, #tpu.memory_space<semaphore_mem>>) src(%dma_wait3A_71 : memref<57344x128xf32, #tpu.memory_space<hbm>>) dst(%arg7 : memref<128x128xf32, #tpu.memory_space<vmem>>)
      %iota3A = tpu.iota {dimensions = array<i32: 0>} : vector<16xi32>
      %get3A_72 = arith.constant 0 : index
      %get3A_73 = tpu.vector_load %arg5[%get3A_72] {strides = array<i32>} : memref<128xi32, #tpu.memory_space<vmem>>, vector<16xi32>,
      %add3A_74 = arith.constant 0 : i32
      %add3A_75 = vector.broadcast %add3A_74 : i32 to vector<16xi32>
      %add3A_76 = arith.addi %add3A_75, %iota3A : vector<16xi32>
      %and3A = arith.constant 7 : i32
      %and3A_77 = vector.broadcast %and3A : i32 to vector<16xi32>
      %and3A_78 = arith.andi %get3A_73, %and3A_77 : vector<16xi32>
      %mul3A_79 = arith.constant 16 : i32
      %mul3A_80 = vector.broadcast %mul3A_79 : i32 to vector<16xi32>
      %mul3A_81 = arith.muli %and3A_78, %mul3A_80 : vector<16xi32>
      %shift_right_logical3A_82 = arith.constant 3 : i32
      %shift_right_logical3A_83 = vector.broadcast %shift_right_logical3A_82 : i32 to vector<16xi32>
      %shift_right_logical3A_84 = arith.shrui %add3A_76, %shift_right_logical3A_83 : vector<16xi32>
      %and3A_85 = arith.constant 7 : i32
      %and3A_86 = vector.broadcast %and3A_85 : i32 to vector<16xi32>
      %and3A_87 = arith.andi %add3A_76, %and3A_86 : vector<16xi32>
      %mul3A_88 = arith.constant 16 : i32
      %mul3A_89 = vector.broadcast %mul3A_88 : i32 to vector<16xi32>
      %mul3A_90 = arith.muli %and3A_87, %mul3A_89 : vector<16xi32>
      %add3A_91 = arith.constant 0 : i32
      %add3A_92 = vector.broadcast %add3A_91 : i32 to vector<16xi32>
      %add3A_93 = arith.addi %mul3A_81, %add3A_92 : vector<16xi32>
      %gather3A = tpu.vector_load_idx %arg7[%add3A_76, %add3A_93] : memref<128x128xf32, #tpu.memory_space<vmem>>[vector<16xi32>, vector<16xi32>], vector<16xf32>,
      %add3A_94 = arith.constant 0 : i32
      %add3A_95 = vector.broadcast %add3A_94 : i32 to vector<16xi32>
      %add3A_96 = arith.addi %mul3A_90, %add3A_95 : vector<16xi32>
      tpu.vector_store_idx %arg8[%shift_right_logical3A_84, %add3A_96], %gather3A : memref<16x128xf32, #tpu.memory_space<vmem>>[vector<16xi32>, vector<16xi32>], vector<16xf32>,
      %add3A_97 = arith.constant 1 : i32
      %add3A_98 = vector.broadcast %add3A_97 : i32 to vector<16xi32>
      %add3A_99 = arith.addi %mul3A_81, %add3A_98 : vector<16xi32>
      %gather3A_100 = tpu.vector_load_idx %arg7[%add3A_76, %add3A_99] : memref<128x128xf32, #tpu.memory_space<vmem>>[vector<16xi32>, vector<16xi32>], vector<16xf32>,
      %add3A_101 = arith.constant 1 : i32
      %add3A_102 = vector.broadcast %add3A_101 : i32 to vector<16xi32>
      %add3A_103 = arith.addi %mul3A_90, %add3A_102 : vector<16xi32>
      tpu.vector_store_idx %arg8[%shift_right_logical3A_84, %add3A_103], %gather3A_100 : memref<16x128xf32, #tpu.memory_space<vmem>>[vector<16xi32>, vector<16xi32>], vector<16xf32>,
      %add3A_104 = arith.constant 2 : i32
      %add3A_105 = vector.broadcast %add3A_104 : i32 to vector<16xi32>
      %add3A_106 = arith.addi %mul3A_81, %add3A_105 : vector<16xi32>
      %gather3A_107 = tpu.vector_load_idx %arg7[%add3A_76, %add3A_106] : memref<128x128xf32, #tpu.memory_space<vmem>>[vector<16xi32>, vector<16xi32>], vector<16xf32>,
      %add3A_108 = arith.constant 2 : i32
      %add3A_109 = vector.broadcast %add3A_108 : i32 to vector<16xi32>
      %add3A_110 = arith.addi %mul3A_90, %add3A_109 : vector<16xi32>
      tpu.vector_store_idx %arg8[%shift_right_logical3A_84, %add3A_110], %gather3A_107 : memref<16x128xf32, #tpu.memory_space<vmem>>[vector<16xi32>, vector<16xi32>], vector<16xf32>,
      %add3A_111 = arith.constant 3 : i32
      %add3A_112 = vector.broadcast %add3A_111 : i32 to vector<16xi32>
      %add3A_113 = arith.addi %mul3A_81, %add3A_112 : vector<16xi32>
      %gather3A_114 = tpu.vector_load_idx %arg7[%add3A_76, %add3A_113] : memref<128x128xf32, #tpu.memory_space<vmem>>[vector<16xi32>, vector<16xi32>], vector<16xf32>,
      %add3A_115 = arith.constant 3 : i32
      %add3A_116 = vector.broadcast %add3A_115 : i32 to vector<16xi32>
      %add3A_117 = arith.addi %mul3A_90, %add3A_116 : vector<16xi32>
      tpu.vector_store_idx %arg8[%shift_right_logical3A_84, %add3A_117], %gather3A_114 : memref<16x128xf32, #tpu.memory_space<vmem>>[vector<16xi32>, vector<16xi32>], vector<16xf32>,
      %add3A_118 = arith.constant 4 : i32
      %add3A_119 = vector.broadcast %add3A_118 : i32 to vector<16xi32>
      %add3A_120 = arith.addi %mul3A_81, %add3A_119 : vector<16xi32>
      %gather3A_121 = tpu.vector_load_idx %arg7[%add3A_76, %add3A_120] : memref<128x128xf32, #tpu.memory_space<vmem>>[vector<16xi32>, vector<16xi32>], vector<16xf32>,
      %add3A_122 = arith.constant 4 : i32
      %add3A_123 = vector.broadcast %add3A_122 : i32 to vector<16xi32>
      %add3A_124 = arith.addi %mul3A_90, %add3A_123 : vector<16xi32>
      tpu.vector_store_idx %arg8[%shift_right_logical3A_84, %add3A_124], %gather3A_121 : memref<16x128xf32, #tpu.memory_space<vmem>>[vector<16xi32>, vector<16xi32>], vector<16xf32>,
      %add3A_125 = arith.constant 5 : i32
      %add3A_126 = vector.broadcast %add3A_125 : i32 to vector<16xi32>
      %add3A_127 = arith.addi %mul3A_81, %add3A_126 : vector<16xi32>
      %gather3A_128 = tpu.vector_load_idx %arg7[%add3A_76, %add3A_127] : memref<128x128xf32, #tpu.memory_space<vmem>>[vector<16xi32>, vector<16xi32>], vector<16xf32>,
      %add3A_129 = arith.constant 5 : i32
      %add3A_130 = vector.broadcast %add3A_129 : i32 to vector<16xi32>
      %add3A_131 = arith.addi %mul3A_90, %add3A_130 : vector<16xi32>
      tpu.vector_store_idx %arg8[%shift_right_logical3A_84, %add3A_131], %gather3A_128 : memref<16x128xf32, #tpu.memory_space<vmem>>[vector<16xi32>, vector<16xi32>], vector<16xf32>,
      %add3A_132 = arith.constant 6 : i32
      %add3A_133 = vector.broadcast %add3A_132 : i32 to vector<16xi32>
      %add3A_134 = arith.addi %mul3A_81, %add3A_133 : vector<16xi32>
      %gather3A_135 = tpu.vector_load_idx %arg7[%add3A_76, %add3A_134] : memref<128x128xf32, #tpu.memory_space<vmem>>[vector<16xi32>, vector<16xi32>], vector<16xf32>,
      %add3A_136 = arith.constant 6 : i32
      %add3A_137 = vector.broadcast %add3A_136 : i32 to vector<16xi32>
      %add3A_138 = arith.addi %mul3A_90, %add3A_137 : vector<16xi32>
      tpu.vector_store_idx %arg8[%shift_right_logical3A_84, %add3A_138], %gather3A_135 : memref<16x128xf32, #tpu.memory_space<vmem>>[vector<16xi32>, vector<16xi32>], vector<16xf32>,
      %add3A_139 = arith.constant 7 : i32
      %add3A_140 = vector.broadcast %add3A_139 : i32 to vector<16xi32>
      %add3A_141 = arith.addi %mul3A_81, %add3A_140 : vector<16xi32>
      %gather3A_142 = tpu.vector_load_idx %arg7[%add3A_76, %add3A_141] : memref<128x128xf32, #tpu.memory_space<vmem>>[vector<16xi32>, vector<16xi32>], vector<16xf32>,
      %add3A_143 = arith.constant 7 : i32
      %add3A_144 = vector.broadcast %add3A_143 : i32 to vector<16xi32>
      %add3A_145 = arith.addi %mul3A_90, %add3A_144 : vector<16xi32>
      tpu.vector_store_idx %arg8[%shift_right_logical3A_84, %add3A_145], %gather3A_142 : memref<16x128xf32, #tpu.memory_space<vmem>>[vector<16xi32>, vector<16xi32>], vector<16xf32>,
      %add3A_146 = arith.constant 8 : i32
      %add3A_147 = vector.broadcast %add3A_146 : i32 to vector<16xi32>
      %add3A_148 = arith.addi %mul3A_81, %add3A_147 : vector<16xi32>
      %gather3A_149 = tpu.vector_load_idx %arg7[%add3A_76, %add3A_148] : memref<128x128xf32, #tpu.memory_space<vmem>>[vector<16xi32>, vector<16xi32>], vector<16xf32>,
      %add3A_150 = arith.constant 8 : i32
      %add3A_151 = vector.broadcast %add3A_150 : i32 to vector<16xi32>
      %add3A_152 = arith.addi %mul3A_90, %add3A_151 : vector<16xi32>
      tpu.vector_store_idx %arg8[%shift_right_logical3A_84, %add3A_152], %gather3A_149 : memref<16x128xf32, #tpu.memory_space<vmem>>[vector<16xi32>, vector<16xi32>], vector<16xf32>,
      %add3A_153 = arith.constant 9 : i32
      %add3A_154 = vector.broadcast %add3A_153 : i32 to vector<16xi32>
      %add3A_155 = arith.addi %mul3A_81, %add3A_154 : vector<16xi32>
      %gather3A_156 = tpu.vector_load_idx %arg7[%add3A_76, %add3A_155] : memref<128x128xf32, #tpu.memory_space<vmem>>[vector<16xi32>, vector<16xi32>], vector<16xf32>,
      %add3A_157 = arith.constant 9 : i32
      %add3A_158 = vector.broadcast %add3A_157 : i32 to vector<16xi32>
      %add3A_159 = arith.addi %mul3A_90, %add3A_158 : vector<16xi32>
      tpu.vector_store_idx %arg8[%shift_right_logical3A_84, %add3A_159], %gather3A_156 : memref<16x128xf32, #tpu.memory_space<vmem>>[vector<16xi32>, vector<16xi32>], vector<16xf32>,
      %add3A_160 = arith.constant 10 : i32
      %add3A_161 = vector.broadcast %add3A_160 : i32 to vector<16xi32>
      %add3A_162 = arith.addi %mul3A_81, %add3A_161 : vector<16xi32>
      %gather3A_163 = tpu.vector_load_idx %arg7[%add3A_76, %add3A_162] : memref<128x128xf32, #tpu.memory_space<vmem>>[vector<16xi32>, vector<16xi32>], vector<16xf32>,
      %add3A_164 = arith.constant 10 : i32
      %add3A_165 = vector.broadcast %add3A_164 : i32 to vector<16xi32>
      %add3A_166 = arith.addi %mul3A_90, %add3A_165 : vector<16xi32>
      tpu.vector_store_idx %arg8[%shift_right_logical3A_84, %add3A_166], %gather3A_163 : memref<16x128xf32, #tpu.memory_space<vmem>>[vector<16xi32>, vector<16xi32>], vector<16xf32>,
      %add3A_167 = arith.constant 11 : i32
      %add3A_168 = vector.broadcast %add3A_167 : i32 to vector<16xi32>
      %add3A_169 = arith.addi %mul3A_81, %add3A_168 : vector<16xi32>
      %gather3A_170 = tpu.vector_load_idx %arg7[%add3A_76, %add3A_169] : memref<128x128xf32, #tpu.memory_space<vmem>>[vector<16xi32>, vector<16xi32>], vector<16xf32>,
      %add3A_171 = arith.constant 11 : i32
      %add3A_172 = vector.broadcast %add3A_171 : i32 to vector<16xi32>
      %add3A_173 = arith.addi %mul3A_90, %add3A_172 : vector<16xi32>
      tpu.vector_store_idx %arg8[%shift_right_logical3A_84, %add3A_173], %gather3A_170 : memref<16x128xf32, #tpu.memory_space<vmem>>[vector<16xi32>, vector<16xi32>], vector<16xf32>,
      %add3A_174 = arith.constant 12 : i32
      %add3A_175 = vector.broadcast %add3A_174 : i32 to vector<16xi32>
      %add3A_176 = arith.addi %mul3A_81, %add3A_175 : vector<16xi32>
      %gather3A_177 = tpu.vector_load_idx %arg7[%add3A_76, %add3A_176] : memref<128x128xf32, #tpu.memory_space<vmem>>[vector<16xi32>, vector<16xi32>], vector<16xf32>,
      %add3A_178 = arith.constant 12 : i32
      %add3A_179 = vector.broadcast %add3A_178 : i32 to vector<16xi32>
      %add3A_180 = arith.addi %mul3A_90, %add3A_179 : vector<16xi32>
      tpu.vector_store_idx %arg8[%shift_right_logical3A_84, %add3A_180], %gather3A_177 : memref<16x128xf32, #tpu.memory_space<vmem>>[vector<16xi32>, vector<16xi32>], vector<16xf32>,
      %add3A_181 = arith.constant 13 : i32
      %add3A_182 = vector.broadcast %add3A_181 : i32 to vector<16xi32>
      %add3A_183 = arith.addi %mul3A_81, %add3A_182 : vector<16xi32>
      %gather3A_184 = tpu.vector_load_idx %arg7[%add3A_76, %add3A_183] : memref<128x128xf32, #tpu.memory_space<vmem>>[vector<16xi32>, vector<16xi32>], vector<16xf32>,
      %add3A_185 = arith.constant 13 : i32
      %add3A_186 = vector.broadcast %add3A_185 : i32 to vector<16xi32>
      %add3A_187 = arith.addi %mul3A_90, %add3A_186 : vector<16xi32>
      tpu.vector_store_idx %arg8[%shift_right_logical3A_84, %add3A_187], %gather3A_184 : memref<16x128xf32, #tpu.memory_space<vmem>>[vector<16xi32>, vector<16xi32>], vector<16xf32>,
      %add3A_188 = arith.constant 14 : i32
      %add3A_189 = vector.broadcast %add3A_188 : i32 to vector<16xi32>
      %add3A_190 = arith.addi %mul3A_81, %add3A_189 : vector<16xi32>
      %gather3A_191 = tpu.vector_load_idx %arg7[%add3A_76, %add3A_190] : memref<128x128xf32, #tpu.memory_space<vmem>>[vector<16xi32>, vector<16xi32>], vector<16xf32>,
      %add3A_192 = arith.constant 14 : i32
      %add3A_193 = vector.broadcast %add3A_192 : i32 to vector<16xi32>
      %add3A_194 = arith.addi %mul3A_90, %add3A_193 : vector<16xi32>
      tpu.vector_store_idx %arg8[%shift_right_logical3A_84, %add3A_194], %gather3A_191 : memref<16x128xf32, #tpu.memory_space<vmem>>[vector<16xi32>, vector<16xi32>], vector<16xf32>,
      %add3A_195 = arith.constant 15 : i32
      %add3A_196 = vector.broadcast %add3A_195 : i32 to vector<16xi32>
      %add3A_197 = arith.addi %mul3A_81, %add3A_196 : vector<16xi32>
      %gather3A_198 = tpu.vector_load_idx %arg7[%add3A_76, %add3A_197] : memref<128x128xf32, #tpu.memory_space<vmem>>[vector<16xi32>, vector<16xi32>], vector<16xf32>,
      %add3A_199 = arith.constant 15 : i32
      %add3A_200 = vector.broadcast %add3A_199 : i32 to vector<16xi32>
      %add3A_201 = arith.addi %mul3A_90, %add3A_200 : vector<16xi32>
      tpu.vector_store_idx %arg8[%shift_right_logical3A_84, %add3A_201], %gather3A_198 : memref<16x128xf32, #tpu.memory_space<vmem>>[vector<16xi32>, vector<16xi32>], vector<16xf32>,
      %get3A_202 = arith.constant 16 : index
      %get3A_203 = tpu.vector_load %arg5[%get3A_202] {strides = array<i32>} : memref<128xi32, #tpu.memory_space<vmem>>, vector<16xi32>,
      %add3A_204 = arith.constant 16 : i32
      %add3A_205 = vector.broadcast %add3A_204 : i32 to vector<16xi32>
      %add3A_206 = arith.addi %add3A_205, %iota3A : vector<16xi32>
      %and3A_207 = arith.constant 7 : i32
      %and3A_208 = vector.broadcast %and3A_207 : i32 to vector<16xi32>
      %and3A_209 = arith.andi %get3A_203, %and3A_208 : vector<16xi32>
      %mul3A_210 = arith.constant 16 : i32
      %mul3A_211 = vector.broadcast %mul3A_210 : i32 to vector<16xi32>
      %mul3A_212 = arith.muli %and3A_209, %mul3A_211 : vector<16xi32>
      %shift_right_logical3A_213 = arith.constant 3 : i32
      %shift_right_logical3A_214 = vector.broadcast %shift_right_logical3A_213 : i32 to vector<16xi32>
      %shift_right_logical3A_215 = arith.shrui %add3A_206, %shift_right_logical3A_214 : vector<16xi32>
      %and3A_216 = arith.constant 7 : i32
      %and3A_217 = vector.broadcast %and3A_216 : i32 to vector<16xi32>
      %and3A_218 = arith.andi %add3A_206, %and3A_217 : vector<16xi32>
      %mul3A_219 = arith.constant 16 : i32
      %mul3A_220 = vector.broadcast %mul3A_219 : i32 to vector<16xi32>
      %mul3A_221 = arith.muli %and3A_218, %mul3A_220 : vector<16xi32>
      %add3A_222 = arith.constant 0 : i32
      %add3A_223 = vector.broadcast %add3A_222 : i32 to vector<16xi32>
      %add3A_224 = arith.addi %mul3A_212, %add3A_223 : vector<16xi32>
      %gather3A_225 = tpu.vector_load_idx %arg7[%add3A_206, %add3A_224] : memref<128x128xf32, #tpu.memory_space<vmem>>[vector<16xi32>, vector<16xi32>], vector<16xf32>,
      %add3A_226 = arith.constant 0 : i32
      %add3A_227 = vector.broadcast %add3A_226 : i32 to vector<16xi32>
      %add3A_228 = arith.addi %mul3A_221, %add3A_227 : vector<16xi32>
      tpu.vector_store_idx %arg8[%shift_right_logical3A_215, %add3A_228], %gather3A_225 : memref<16x128xf32, #tpu.memory_space<vmem>>[vector<16xi32>, vector<16xi32>], vector<16xf32>,
      %add3A_229 = arith.constant 1 : i32
      %add3A_230 = vector.broadcast %add3A_229 : i32 to vector<16xi32>
      %add3A_231 = arith.addi %mul3A_212, %add3A_230 : vector<16xi32>
      %gather3A_232 = tpu.vector_load_idx %arg7[%add3A_206, %add3A_231] : memref<128x128xf32, #tpu.memory_space<vmem>>[vector<16xi32>, vector<16xi32>], vector<16xf32>,
      %add3A_233 = arith.constant 1 : i32
      %add3A_234 = vector.broadcast %add3A_233 : i32 to vector<16xi32>
      %add3A_235 = arith.addi %mul3A_221, %add3A_234 : vector<16xi32>
      tpu.vector_store_idx %arg8[%shift_right_logical3A_215, %add3A_235], %gather3A_232 : memref<16x128xf32, #tpu.memory_space<vmem>>[vector<16xi32>, vector<16xi32>], vector<16xf32>,
      %add3A_236 = arith.constant 2 : i32
      %add3A_237 = vector.broadcast %add3A_236 : i32 to vector<16xi32>
      %add3A_238 = arith.addi %mul3A_212, %add3A_237 : vector<16xi32>
      %gather3A_239 = tpu.vector_load_idx %arg7[%add3A_206, %add3A_238] : memref<128x128xf32, #tpu.memory_space<vmem>>[vector<16xi32>, vector<16xi32>], vector<16xf32>,
      %add3A_240 = arith.constant 2 : i32
      %add3A_241 = vector.broadcast %add3A_240 : i32 to vector<16xi32>
      %add3A_242 = arith.addi %mul3A_221, %add3A_241 : vector<16xi32>
      tpu.vector_store_idx %arg8[%shift_right_logical3A_215, %add3A_242], %gather3A_239 : memref<16x128xf32, #tpu.memory_space<vmem>>[vector<16xi32>, vector<16xi32>], vector<16xf32>,
      %add3A_243 = arith.constant 3 : i32
      %add3A_244 = vector.broadcast %add3A_243 : i32 to vector<16xi32>
      %add3A_245 = arith.addi %mul3A_212, %add3A_244 : vector<16xi32>
      %gather3A_246 = tpu.vector_load_idx %arg7[%add3A_206, %add3A_245] : memref<128x128xf32, #tpu.memory_space<vmem>>[vector<16xi32>, vector<16xi32>], vector<16xf32>,
      %add3A_247 = arith.constant 3 : i32
      %add3A_248 = vector.broadcast %add3A_247 : i32 to vector<16xi32>
      %add3A_249 = arith.addi %mul3A_221, %add3A_248 : vector<16xi32>
      tpu.vector_store_idx %arg8[%shift_right_logical3A_215, %add3A_249], %gather3A_246 : memref<16x128xf32, #tpu.memory_space<vmem>>[vector<16xi32>, vector<16xi32>], vector<16xf32>,
      %add3A_250 = arith.constant 4 : i32
      %add3A_251 = vector.broadcast %add3A_250 : i32 to vector<16xi32>
      %add3A_252 = arith.addi %mul3A_212, %add3A_251 : vector<16xi32>
      %gather3A_253 = tpu.vector_load_idx %arg7[%add3A_206, %add3A_252] : memref<128x128xf32, #tpu.memory_space<vmem>>[vector<16xi32>, vector<16xi32>], vector<16xf32>,
      %add3A_254 = arith.constant 4 : i32
      %add3A_255 = vector.broadcast %add3A_254 : i32 to vector<16xi32>
      %add3A_256 = arith.addi %mul3A_221, %add3A_255 : vector<16xi32>
      tpu.vector_store_idx %arg8[%shift_right_logical3A_215, %add3A_256], %gather3A_253 : memref<16x128xf32, #tpu.memory_space<vmem>>[vector<16xi32>, vector<16xi32>], vector<16xf32>,
      %add3A_257 = arith.constant 5 : i32
      %add3A_258 = vector.broadcast %add3A_257 : i32 to vector<16xi32>
      %add3A_259 = arith.addi %mul3A_212, %add3A_258 : vector<16xi32>
      %gather3A_260 = tpu.vector_load_idx %arg7[%add3A_206, %add3A_259] : memref<128x128xf32, #tpu.memory_space<vmem>>[vector<16xi32>, vector<16xi32>], vector<16xf32>,
      %add3A_261 = arith.constant 5 : i32
      %add3A_262 = vector.broadcast %add3A_261 : i32 to vector<16xi32>
      %add3A_263 = arith.addi %mul3A_221, %add3A_262 : vector<16xi32>
      tpu.vector_store_idx %arg8[%shift_right_logical3A_215, %add3A_263], %gather3A_260 : memref<16x128xf32, #tpu.memory_space<vmem>>[vector<16xi32>, vector<16xi32>], vector<16xf32>,
      %add3A_264 = arith.constant 6 : i32
      %add3A_265 = vector.broadcast %add3A_264 : i32 to vector<16xi32>
      %add3A_266 = arith.addi %mul3A_212, %add3A_265 : vector<16xi32>
      %gather3A_267 = tpu.vector_load_idx %arg7[%add3A_206, %add3A_266] : memref<128x128xf32, #tpu.memory_space<vmem>>[vector<16xi32>, vector<16xi32>], vector<16xf32>,
      %add3A_268 = arith.constant 6 : i32
      %add3A_269 = vector.broadcast %add3A_268 : i32 to vector<16xi32>
      %add3A_270 = arith.addi %mul3A_221, %add3A_269 : vector<16xi32>
      tpu.vector_store_idx %arg8[%shift_right_logical3A_215, %add3A_270], %gather3A_267 : memref<16x128xf32, #tpu.memory_space<vmem>>[vector<16xi32>, vector<16xi32>], vector<16xf32>,
      %add3A_271 = arith.constant 7 : i32
      %add3A_272 = vector.broadcast %add3A_271 : i32 to vector<16xi32>
      %add3A_273 = arith.addi %mul3A_212, %add3A_272 : vector<16xi32>
      %gather3A_274 = tpu.vector_load_idx %arg7[%add3A_206, %add3A_273] : memref<128x128xf32, #tpu.memory_space<vmem>>[vector<16xi32>, vector<16xi32>], vector<16xf32>,
      %add3A_275 = arith.constant 7 : i32
      %add3A_276 = vector.broadcast %add3A_275 : i32 to vector<16xi32>
      %add3A_277 = arith.addi %mul3A_221, %add3A_276 : vector<16xi32>
      tpu.vector_store_idx %arg8[%shift_right_logical3A_215, %add3A_277], %gather3A_274 : memref<16x128xf32, #tpu.memory_space<vmem>>[vector<16xi32>, vector<16xi32>], vector<16xf32>,
      %add3A_278 = arith.constant 8 : i32
      %add3A_279 = vector.broadcast %add3A_278 : i32 to vector<16xi32>
      %add3A_280 = arith.addi %mul3A_212, %add3A_279 : vector<16xi32>
      %gather3A_281 = tpu.vector_load_idx %arg7[%add3A_206, %add3A_280] : memref<128x128xf32, #tpu.memory_space<vmem>>[vector<16xi32>, vector<16xi32>], vector<16xf32>,
      %add3A_282 = arith.constant 8 : i32
      %add3A_283 = vector.broadcast %add3A_282 : i32 to vector<16xi32>
      %add3A_284 = arith.addi %mul3A_221, %add3A_283 : vector<16xi32>
      tpu.vector_store_idx %arg8[%shift_right_logical3A_215, %add3A_284], %gather3A_281 : memref<16x128xf32, #tpu.memory_space<vmem>>[vector<16xi32>, vector<16xi32>], vector<16xf32>,
      %add3A_285 = arith.constant 9 : i32
      %add3A_286 = vector.broadcast %add3A_285 : i32 to vector<16xi32>
      %add3A_287 = arith.addi %mul3A_212, %add3A_286 : vector<16xi32>
      %gather3A_288 = tpu.vector_load_idx %arg7[%add3A_206, %add3A_287] : memref<128x128xf32, #tpu.memory_space<vmem>>[vector<16xi32>, vector<16xi32>], vector<16xf32>,
      %add3A_289 = arith.constant 9 : i32
      %add3A_290 = vector.broadcast %add3A_289 : i32 to vector<16xi32>
      %add3A_291 = arith.addi %mul3A_221, %add3A_290 : vector<16xi32>
      tpu.vector_store_idx %arg8[%shift_right_logical3A_215, %add3A_291], %gather3A_288 : memref<16x128xf32, #tpu.memory_space<vmem>>[vector<16xi32>, vector<16xi32>], vector<16xf32>,
      %add3A_292 = arith.constant 10 : i32
      %add3A_293 = vector.broadcast %add3A_292 : i32 to vector<16xi32>
      %add3A_294 = arith.addi %mul3A_212, %add3A_293 : vector<16xi32>
      %gather3A_295 = tpu.vector_load_idx %arg7[%add3A_206, %add3A_294] : memref<128x128xf32, #tpu.memory_space<vmem>>[vector<16xi32>, vector<16xi32>], vector<16xf32>,
      %add3A_296 = arith.constant 10 : i32
      %add3A_297 = vector.broadcast %add3A_296 : i32 to vector<16xi32>
      %add3A_298 = arith.addi %mul3A_221, %add3A_297 : vector<16xi32>
      tpu.vector_store_idx %arg8[%shift_right_logical3A_215, %add3A_298], %gather3A_295 : memref<16x128xf32, #tpu.memory_space<vmem>>[vector<16xi32>, vector<16xi32>], vector<16xf32>,
      %add3A_299 = arith.constant 11 : i32
      %add3A_300 = vector.broadcast %add3A_299 : i32 to vector<16xi32>
      %add3A_301 = arith.addi %mul3A_212, %add3A_300 : vector<16xi32>
      %gather3A_302 = tpu.vector_load_idx %arg7[%add3A_206, %add3A_301] : memref<128x128xf32, #tpu.memory_space<vmem>>[vector<16xi32>, vector<16xi32>], vector<16xf32>,
      %add3A_303 = arith.constant 11 : i32
      %add3A_304 = vector.broadcast %add3A_303 : i32 to vector<16xi32>
      %add3A_305 = arith.addi %mul3A_221, %add3A_304 : vector<16xi32>
      tpu.vector_store_idx %arg8[%shift_right_logical3A_215, %add3A_305], %gather3A_302 : memref<16x128xf32, #tpu.memory_space<vmem>>[vector<16xi32>, vector<16xi32>], vector<16xf32>,
      %add3A_306 = arith.constant 12 : i32
      %add3A_307 = vector.broadcast %add3A_306 : i32 to vector<16xi32>
      %add3A_308 = arith.addi %mul3A_212, %add3A_307 : vector<16xi32>
      %gather3A_309 = tpu.vector_load_idx %arg7[%add3A_206, %add3A_308] : memref<128x128xf32, #tpu.memory_space<vmem>>[vector<16xi32>, vector<16xi32>], vector<16xf32>,
      %add3A_310 = arith.constant 12 : i32
      %add3A_311 = vector.broadcast %add3A_310 : i32 to vector<16xi32>
      %add3A_312 = arith.addi %mul3A_221, %add3A_311 : vector<16xi32>
      tpu.vector_store_idx %arg8[%shift_right_logical3A_215, %add3A_312], %gather3A_309 : memref<16x128xf32, #tpu.memory_space<vmem>>[vector<16xi32>, vector<16xi32>], vector<16xf32>,
      %add3A_313 = arith.constant 13 : i32
      %add3A_314 = vector.broadcast %add3A_313 : i32 to vector<16xi32>
      %add3A_315 = arith.addi %mul3A_212, %add3A_314 : vector<16xi32>
      %gather3A_316 = tpu.vector_load_idx %arg7[%add3A_206, %add3A_315] : memref<128x128xf32, #tpu.memory_space<vmem>>[vector<16xi32>, vector<16xi32>], vector<16xf32>,
      %add3A_317 = arith.constant 13 : i32
      %add3A_318 = vector.broadcast %add3A_317 : i32 to vector<16xi32>
      %add3A_319 = arith.addi %mul3A_221, %add3A_318 : vector<16xi32>
      tpu.vector_store_idx %arg8[%shift_right_logical3A_215, %add3A_319], %gather3A_316 : memref<16x128xf32, #tpu.memory_space<vmem>>[vector<16xi32>, vector<16xi32>], vector<16xf32>,
      %add3A_320 = arith.constant 14 : i32
      %add3A_321 = vector.broadcast %add3A_320 : i32 to vector<16xi32>
      %add3A_322 = arith.addi %mul3A_212, %add3A_321 : vector<16xi32>
      %gather3A_323 = tpu.vector_load_idx %arg7[%add3A_206, %add3A_322] : memref<128x128xf32, #tpu.memory_space<vmem>>[vector<16xi32>, vector<16xi32>], vector<16xf32>,
      %add3A_324 = arith.constant 14 : i32
      %add3A_325 = vector.broadcast %add3A_324 : i32 to vector<16xi32>
      %add3A_326 = arith.addi %mul3A_221, %add3A_325 : vector<16xi32>
      tpu.vector_store_idx %arg8[%shift_right_logical3A_215, %add3A_326], %gather3A_323 : memref<16x128xf32, #tpu.memory_space<vmem>>[vector<16xi32>, vector<16xi32>], vector<16xf32>,
      %add3A_327 = arith.constant 15 : i32
      %add3A_328 = vector.broadcast %add3A_327 : i32 to vector<16xi32>
      %add3A_329 = arith.addi %mul3A_212, %add3A_328 : vector<16xi32>
      %gather3A_330 = tpu.vector_load_idx %arg7[%add3A_206, %add3A_329] : memref<128x128xf32, #tpu.memory_space<vmem>>[vector<16xi32>, vector<16xi32>], vector<16xf32>,
      %add3A_331 = arith.constant 15 : i32
      %add3A_332 = vector.broadcast %add3A_331 : i32 to vector<16xi32>
      %add3A_333 = arith.addi %mul3A_221, %add3A_332 : vector<16xi32>
      tpu.vector_store_idx %arg8[%shift_right_logical3A_215, %add3A_333], %gather3A_330 : memref<16x128xf32, #tpu.memory_space<vmem>>[vector<16xi32>, vector<16xi32>], vector<16xf32>,
      %get3A_334 = arith.constant 32 : index
      %get3A_335 = tpu.vector_load %arg5[%get3A_334] {strides = array<i32>} : memref<128xi32, #tpu.memory_space<vmem>>, vector<16xi32>,
      %add3A_336 = arith.constant 32 : i32
      %add3A_337 = vector.broadcast %add3A_336 : i32 to vector<16xi32>
      %add3A_338 = arith.addi %add3A_337, %iota3A : vector<16xi32>
      %and3A_339 = arith.constant 7 : i32
      %and3A_340 = vector.broadcast %and3A_339 : i32 to vector<16xi32>
      %and3A_341 = arith.andi %get3A_335, %and3A_340 : vector<16xi32>
      %mul3A_342 = arith.constant 16 : i32
      %mul3A_343 = vector.broadcast %mul3A_342 : i32 to vector<16xi32>
      %mul3A_344 = arith.muli %and3A_341, %mul3A_343 : vector<16xi32>
      %shift_right_logical3A_345 = arith.constant 3 : i32
      %shift_right_logical3A_346 = vector.broadcast %shift_right_logical3A_345 : i32 to vector<16xi32>
      %shift_right_logical3A_347 = arith.shrui %add3A_338, %shift_right_logical3A_346 : vector<16xi32>
      %and3A_348 = arith.constant 7 : i32
      %and3A_349 = vector.broadcast %and3A_348 : i32 to vector<16xi32>
      %and3A_350 = arith.andi %add3A_338, %and3A_349 : vector<16xi32>
      %mul3A_351 = arith.constant 16 : i32
      %mul3A_352 = vector.broadcast %mul3A_351 : i32 to vector<16xi32>
      %mul3A_353 = arith.muli %and3A_350, %mul3A_352 : vector<16xi32>
      %add3A_354 = arith.constant 0 : i32
      %add3A_355 = vector.broadcast %add3A_354 : i32 to vector<16xi32>
      %add3A_356 = arith.addi %mul3A_344, %add3A_355 : vector<16xi32>
      %gather3A_357 = tpu.vector_load_idx %arg7[%add3A_338, %add3A_356] : memref<128x128xf32, #tpu.memory_space<vmem>>[vector<16xi32>, vector<16xi32>], vector<16xf32>,
      %add3A_358 = arith.constant 0 : i32
      %add3A_359 = vector.broadcast %add3A_358 : i32 to vector<16xi32>
      %add3A_360 = arith.addi %mul3A_353, %add3A_359 : vector<16xi32>
      tpu.vector_store_idx %arg8[%shift_right_logical3A_347, %add3A_360], %gather3A_357 : memref<16x128xf32, #tpu.memory_space<vmem>>[vector<16xi32>, vector<16xi32>], vector<16xf32>,
      %add3A_361 = arith.constant 1 : i32
      %add3A_362 = vector.broadcast %add3A_361 : i32 to vector<16xi32>
      %add3A_363 = arith.addi %mul3A_344, %add3A_362 : vector<16xi32>
      %gather3A_364 = tpu.vector_load_idx %arg7[%add3A_338, %add3A_363] : memref<128x128xf32, #tpu.memory_space<vmem>>[vector<16xi32>, vector<16xi32>], vector<16xf32>,
      %add3A_365 = arith.constant 1 : i32
      %add3A_366 = vector.broadcast %add3A_365 : i32 to vector<16xi32>
      %add3A_367 = arith.addi %mul3A_353, %add3A_366 : vector<16xi32>
      tpu.vector_store_idx %arg8[%shift_right_logical3A_347, %add3A_367], %gather3A_364 : memref<16x128xf32, #tpu.memory_space<vmem>>[vector<16xi32>, vector<16xi32>], vector<16xf32>,
      %add3A_368 = arith.constant 2 : i32
      %add3A_369 = vector.broadcast %add3A_368 : i32 to vector<16xi32>
      %add3A_370 = arith.addi %mul3A_344, %add3A_369 : vector<16xi32>
      %gather3A_371 = tpu.vector_load_idx %arg7[%add3A_338, %add3A_370] : memref<128x128xf32, #tpu.memory_space<vmem>>[vector<16xi32>, vector<16xi32>], vector<16xf32>,
      %add3A_372 = arith.constant 2 : i32
      %add3A_373 = vector.broadcast %add3A_372 : i32 to vector<16xi32>
      %add3A_374 = arith.addi %mul3A_353, %add3A_373 : vector<16xi32>
      tpu.vector_store_idx %arg8[%shift_right_logical3A_347, %add3A_374], %gather3A_371 : memref<16x128xf32, #tpu.memory_space<vmem>>[vector<16xi32>, vector<16xi32>], vector<16xf32>,
      %add3A_375 = arith.constant 3 : i32
      %add3A_376 = vector.broadcast %add3A_375 : i32 to vector<16xi32>
      %add3A_377 = arith.addi %mul3A_344, %add3A_376 : vector<16xi32>
      %gather3A_378 = tpu.vector_load_idx %arg7[%add3A_338, %add3A_377] : memref<128x128xf32, #tpu.memory_space<vmem>>[vector<16xi32>, vector<16xi32>], vector<16xf32>,
      %add3A_379 = arith.constant 3 : i32
      %add3A_380 = vector.broadcast %add3A_379 : i32 to vector<16xi32>
      %add3A_381 = arith.addi %mul3A_353, %add3A_380 : vector<16xi32>
      tpu.vector_store_idx %arg8[%shift_right_logical3A_347, %add3A_381], %gather3A_378 : memref<16x128xf32, #tpu.memory_space<vmem>>[vector<16xi32>, vector<16xi32>], vector<16xf32>,
      %add3A_382 = arith.constant 4 : i32
      %add3A_383 = vector.broadcast %add3A_382 : i32 to vector<16xi32>
      %add3A_384 = arith.addi %mul3A_344, %add3A_383 : vector<16xi32>
      %gather3A_385 = tpu.vector_load_idx %arg7[%add3A_338, %add3A_384] : memref<128x128xf32, #tpu.memory_space<vmem>>[vector<16xi32>, vector<16xi32>], vector<16xf32>,
      %add3A_386 = arith.constant 4 : i32
      %add3A_387 = vector.broadcast %add3A_386 : i32 to vector<16xi32>
      %add3A_388 = arith.addi %mul3A_353, %add3A_387 : vector<16xi32>
      tpu.vector_store_idx %arg8[%shift_right_logical3A_347, %add3A_388], %gather3A_385 : memref<16x128xf32, #tpu.memory_space<vmem>>[vector<16xi32>, vector<16xi32>], vector<16xf32>,
      %add3A_389 = arith.constant 5 : i32
      %add3A_390 = vector.broadcast %add3A_389 : i32 to vector<16xi32>
      %add3A_391 = arith.addi %mul3A_344, %add3A_390 : vector<16xi32>
      %gather3A_392 = tpu.vector_load_idx %arg7[%add3A_338, %add3A_391] : memref<128x128xf32, #tpu.memory_space<vmem>>[vector<16xi32>, vector<16xi32>], vector<16xf32>,
      %add3A_393 = arith.constant 5 : i32
      %add3A_394 = vector.broadcast %add3A_393 : i32 to vector<16xi32>
      %add3A_395 = arith.addi %mul3A_353, %add3A_394 : vector<16xi32>
      tpu.vector_store_idx %arg8[%shift_right_logical3A_347, %add3A_395], %gather3A_392 : memref<16x128xf32, #tpu.memory_space<vmem>>[vector<16xi32>, vector<16xi32>], vector<16xf32>,
      %add3A_396 = arith.constant 6 : i32
      %add3A_397 = vector.broadcast %add3A_396 : i32 to vector<16xi32>
      %add3A_398 = arith.addi %mul3A_344, %add3A_397 : vector<16xi32>
      %gather3A_399 = tpu.vector_load_idx %arg7[%add3A_338, %add3A_398] : memref<128x128xf32, #tpu.memory_space<vmem>>[vector<16xi32>, vector<16xi32>], vector<16xf32>,
      %add3A_400 = arith.constant 6 : i32
      %add3A_401 = vector.broadcast %add3A_400 : i32 to vector<16xi32>
      %add3A_402 = arith.addi %mul3A_353, %add3A_401 : vector<16xi32>
      tpu.vector_store_idx %arg8[%shift_right_logical3A_347, %add3A_402], %gather3A_399 : memref<16x128xf32, #tpu.memory_space<vmem>>[vector<16xi32>, vector<16xi32>], vector<16xf32>,
      %add3A_403 = arith.constant 7 : i32
      %add3A_404 = vector.broadcast %add3A_403 : i32 to vector<16xi32>
      %add3A_405 = arith.addi %mul3A_344, %add3A_404 : vector<16xi32>
      %gather3A_406 = tpu.vector_load_idx %arg7[%add3A_338, %add3A_405] : memref<128x128xf32, #tpu.memory_space<vmem>>[vector<16xi32>, vector<16xi32>], vector<16xf32>,
      %add3A_407 = arith.constant 7 : i32
      %add3A_408 = vector.broadcast %add3A_407 : i32 to vector<16xi32>
      %add3A_409 = arith.addi %mul3A_353, %add3A_408 : vector<16xi32>
      tpu.vector_store_idx %arg8[%shift_right_logical3A_347, %add3A_409], %gather3A_406 : memref<16x128xf32, #tpu.memory_space<vmem>>[vector<16xi32>, vector<16xi32>], vector<16xf32>,
      %add3A_410 = arith.constant 8 : i32
      %add3A_411 = vector.broadcast %add3A_410 : i32 to vector<16xi32>
      %add3A_412 = arith.addi %mul3A_344, %add3A_411 : vector<16xi32>
      %gather3A_413 = tpu.vector_load_idx %arg7[%add3A_338, %add3A_412] : memref<128x128xf32, #tpu.memory_space<vmem>>[vector<16xi32>, vector<16xi32>], vector<16xf32>,
      %add3A_414 = arith.constant 8 : i32
      %add3A_415 = vector.broadcast %add3A_414 : i32 to vector<16xi32>
      %add3A_416 = arith.addi %mul3A_353, %add3A_415 : vector<16xi32>
      tpu.vector_store_idx %arg8[%shift_right_logical3A_347, %add3A_416], %gather3A_413 : memref<16x128xf32, #tpu.memory_space<vmem>>[vector<16xi32>, vector<16xi32>], vector<16xf32>,
      %add3A_417 = arith.constant 9 : i32
      %add3A_418 = vector.broadcast %add3A_417 : i32 to vector<16xi32>
      %add3A_419 = arith.addi %mul3A_344, %add3A_418 : vector<16xi32>
      %gather3A_420 = tpu.vector_load_idx %arg7[%add3A_338, %add3A_419] : memref<128x128xf32, #tpu.memory_space<vmem>>[vector<16xi32>, vector<16xi32>], vector<16xf32>,
      %add3A_421 = arith.constant 9 : i32
      %add3A_422 = vector.broadcast %add3A_421 : i32 to vector<16xi32>
      %add3A_423 = arith.addi %mul3A_353, %add3A_422 : vector<16xi32>
      tpu.vector_store_idx %arg8[%shift_right_logical3A_347, %add3A_423], %gather3A_420 : memref<16x128xf32, #tpu.memory_space<vmem>>[vector<16xi32>, vector<16xi32>], vector<16xf32>,
      %add3A_424 = arith.constant 10 : i32
      %add3A_425 = vector.broadcast %add3A_424 : i32 to vector<16xi32>
      %add3A_426 = arith.addi %mul3A_344, %add3A_425 : vector<16xi32>
      %gather3A_427 = tpu.vector_load_idx %arg7[%add3A_338, %add3A_426] : memref<128x128xf32, #tpu.memory_space<vmem>>[vector<16xi32>, vector<16xi32>], vector<16xf32>,
      %add3A_428 = arith.constant 10 : i32
      %add3A_429 = vector.broadcast %add3A_428 : i32 to vector<16xi32>
      %add3A_430 = arith.addi %mul3A_353, %add3A_429 : vector<16xi32>
      tpu.vector_store_idx %arg8[%shift_right_logical3A_347, %add3A_430], %gather3A_427 : memref<16x128xf32, #tpu.memory_space<vmem>>[vector<16xi32>, vector<16xi32>], vector<16xf32>,
      %add3A_431 = arith.constant 11 : i32
      %add3A_432 = vector.broadcast %add3A_431 : i32 to vector<16xi32>
      %add3A_433 = arith.addi %mul3A_344, %add3A_432 : vector<16xi32>
      %gather3A_434 = tpu.vector_load_idx %arg7[%add3A_338, %add3A_433] : memref<128x128xf32, #tpu.memory_space<vmem>>[vector<16xi32>, vector<16xi32>], vector<16xf32>,
      %add3A_435 = arith.constant 11 : i32
      %add3A_436 = vector.broadcast %add3A_435 : i32 to vector<16xi32>
      %add3A_437 = arith.addi %mul3A_353, %add3A_436 : vector<16xi32>
      tpu.vector_store_idx %arg8[%shift_right_logical3A_347, %add3A_437], %gather3A_434 : memref<16x128xf32, #tpu.memory_space<vmem>>[vector<16xi32>, vector<16xi32>], vector<16xf32>,
      %add3A_438 = arith.constant 12 : i32
      %add3A_439 = vector.broadcast %add3A_438 : i32 to vector<16xi32>
      %add3A_440 = arith.addi %mul3A_344, %add3A_439 : vector<16xi32>
      %gather3A_441 = tpu.vector_load_idx %arg7[%add3A_338, %add3A_440] : memref<128x128xf32, #tpu.memory_space<vmem>>[vector<16xi32>, vector<16xi32>], vector<16xf32>,
      %add3A_442 = arith.constant 12 : i32
      %add3A_443 = vector.broadcast %add3A_442 : i32 to vector<16xi32>
      %add3A_444 = arith.addi %mul3A_353, %add3A_443 : vector<16xi32>
      tpu.vector_store_idx %arg8[%shift_right_logical3A_347, %add3A_444], %gather3A_441 : memref<16x128xf32, #tpu.memory_space<vmem>>[vector<16xi32>, vector<16xi32>], vector<16xf32>,
      %add3A_445 = arith.constant 13 : i32
      %add3A_446 = vector.broadcast %add3A_445 : i32 to vector<16xi32>
      %add3A_447 = arith.addi %mul3A_344, %add3A_446 : vector<16xi32>
      %gather3A_448 = tpu.vector_load_idx %arg7[%add3A_338, %add3A_447] : memref<128x128xf32, #tpu.memory_space<vmem>>[vector<16xi32>, vector<16xi32>], vector<16xf32>,
      %add3A_449 = arith.constant 13 : i32
      %add3A_450 = vector.broadcast %add3A_449 : i32 to vector<16xi32>
      %add3A_451 = arith.addi %mul3A_353, %add3A_450 : vector<16xi32>
      tpu.vector_store_idx %arg8[%shift_right_logical3A_347, %add3A_451], %gather3A_448 : memref<16x128xf32, #tpu.memory_space<vmem>>[vector<16xi32>, vector<16xi32>], vector<16xf32>,
      %add3A_452 = arith.constant 14 : i32
      %add3A_453 = vector.broadcast %add3A_452 : i32 to vector<16xi32>
      %add3A_454 = arith.addi %mul3A_344, %add3A_453 : vector<16xi32>
      %gather3A_455 = tpu.vector_load_idx %arg7[%add3A_338, %add3A_454] : memref<128x128xf32, #tpu.memory_space<vmem>>[vector<16xi32>, vector<16xi32>], vector<16xf32>,
      %add3A_456 = arith.constant 14 : i32
      %add3A_457 = vector.broadcast %add3A_456 : i32 to vector<16xi32>
      %add3A_458 = arith.addi %mul3A_353, %add3A_457 : vector<16xi32>
      tpu.vector_store_idx %arg8[%shift_right_logical3A_347, %add3A_458], %gather3A_455 : memref<16x128xf32, #tpu.memory_space<vmem>>[vector<16xi32>, vector<16xi32>], vector<16xf32>,
      %add3A_459 = arith.constant 15 : i32
      %add3A_460 = vector.broadcast %add3A_459 : i32 to vector<16xi32>
      %add3A_461 = arith.addi %mul3A_344, %add3A_460 : vector<16xi32>
      %gather3A_462 = tpu.vector_load_idx %arg7[%add3A_338, %add3A_461] : memref<128x128xf32, #tpu.memory_space<vmem>>[vector<16xi32>, vector<16xi32>], vector<16xf32>,
      %add3A_463 = arith.constant 15 : i32
      %add3A_464 = vector.broadcast %add3A_463 : i32 to vector<16xi32>
      %add3A_465 = arith.addi %mul3A_353, %add3A_464 : vector<16xi32>
      tpu.vector_store_idx %arg8[%shift_right_logical3A_347, %add3A_465], %gather3A_462 : memref<16x128xf32, #tpu.memory_space<vmem>>[vector<16xi32>, vector<16xi32>], vector<16xf32>,
      %get3A_466 = arith.constant 48 : index
      %get3A_467 = tpu.vector_load %arg5[%get3A_466] {strides = array<i32>} : memref<128xi32, #tpu.memory_space<vmem>>, vector<16xi32>,
      %add3A_468 = arith.constant 48 : i32
      %add3A_469 = vector.broadcast %add3A_468 : i32 to vector<16xi32>
      %add3A_470 = arith.addi %add3A_469, %iota3A : vector<16xi32>
      %and3A_471 = arith.constant 7 : i32
      %and3A_472 = vector.broadcast %and3A_471 : i32 to vector<16xi32>
      %and3A_473 = arith.andi %get3A_467, %and3A_472 : vector<16xi32>
      %mul3A_474 = arith.constant 16 : i32
      %mul3A_475 = vector.broadcast %mul3A_474 : i32 to vector<16xi32>
      %mul3A_476 = arith.muli %and3A_473, %mul3A_475 : vector<16xi32>
      %shift_right_logical3A_477 = arith.constant 3 : i32
      %shift_right_logical3A_478 = vector.broadcast %shift_right_logical3A_477 : i32 to vector<16xi32>
      %shift_right_logical3A_479 = arith.shrui %add3A_470, %shift_right_logical3A_478 : vector<16xi32>
      %and3A_480 = arith.constant 7 : i32
      %and3A_481 = vector.broadcast %and3A_480 : i32 to vector<16xi32>
      %and3A_482 = arith.andi %add3A_470, %and3A_481 : vector<16xi32>
      %mul3A_483 = arith.constant 16 : i32
      %mul3A_484 = vector.broadcast %mul3A_483 : i32 to vector<16xi32>
      %mul3A_485 = arith.muli %and3A_482, %mul3A_484 : vector<16xi32>
      %add3A_486 = arith.constant 0 : i32
      %add3A_487 = vector.broadcast %add3A_486 : i32 to vector<16xi32>
      %add3A_488 = arith.addi %mul3A_476, %add3A_487 : vector<16xi32>
      %gather3A_489 = tpu.vector_load_idx %arg7[%add3A_470, %add3A_488] : memref<128x128xf32, #tpu.memory_space<vmem>>[vector<16xi32>, vector<16xi32>], vector<16xf32>,
      %add3A_490 = arith.constant 0 : i32
      %add3A_491 = vector.broadcast %add3A_490 : i32 to vector<16xi32>
      %add3A_492 = arith.addi %mul3A_485, %add3A_491 : vector<16xi32>
      tpu.vector_store_idx %arg8[%shift_right_logical3A_479, %add3A_492], %gather3A_489 : memref<16x128xf32, #tpu.memory_space<vmem>>[vector<16xi32>, vector<16xi32>], vector<16xf32>,
      %add3A_493 = arith.constant 1 : i32
      %add3A_494 = vector.broadcast %add3A_493 : i32 to vector<16xi32>
      %add3A_495 = arith.addi %mul3A_476, %add3A_494 : vector<16xi32>
      %gather3A_496 = tpu.vector_load_idx %arg7[%add3A_470, %add3A_495] : memref<128x128xf32, #tpu.memory_space<vmem>>[vector<16xi32>, vector<16xi32>], vector<16xf32>,
      %add3A_497 = arith.constant 1 : i32
      %add3A_498 = vector.broadcast %add3A_497 : i32 to vector<16xi32>
      %add3A_499 = arith.addi %mul3A_485, %add3A_498 : vector<16xi32>
      tpu.vector_store_idx %arg8[%shift_right_logical3A_479, %add3A_499], %gather3A_496 : memref<16x128xf32, #tpu.memory_space<vmem>>[vector<16xi32>, vector<16xi32>], vector<16xf32>,
      %add3A_500 = arith.constant 2 : i32
      %add3A_501 = vector.broadcast %add3A_500 : i32 to vector<16xi32>
      %add3A_502 = arith.addi %mul3A_476, %add3A_501 : vector<16xi32>
      %gather3A_503 = tpu.vector_load_idx %arg7[%add3A_470, %add3A_502] : memref<128x128xf32, #tpu.memory_space<vmem>>[vector<16xi32>, vector<16xi32>], vector<16xf32>,
      %add3A_504 = arith.constant 2 : i32
      %add3A_505 = vector.broadcast %add3A_504 : i32 to vector<16xi32>
      %add3A_506 = arith.addi %mul3A_485, %add3A_505 : vector<16xi32>
      tpu.vector_store_idx %arg8[%shift_right_logical3A_479, %add3A_506], %gather3A_503 : memref<16x128xf32, #tpu.memory_space<vmem>>[vector<16xi32>, vector<16xi32>], vector<16xf32>,
      %add3A_507 = arith.constant 3 : i32
      %add3A_508 = vector.broadcast %add3A_507 : i32 to vector<16xi32>
      %add3A_509 = arith.addi %mul3A_476, %add3A_508 : vector<16xi32>
      %gather3A_510 = tpu.vector_load_idx %arg7[%add3A_470, %add3A_509] : memref<128x128xf32, #tpu.memory_space<vmem>>[vector<16xi32>, vector<16xi32>], vector<16xf32>,
      %add3A_511 = arith.constant 3 : i32
      %add3A_512 = vector.broadcast %add3A_511 : i32 to vector<16xi32>
      %add3A_513 = arith.addi %mul3A_485, %add3A_512 : vector<16xi32>
      tpu.vector_store_idx %arg8[%shift_right_logical3A_479, %add3A_513], %gather3A_510 : memref<16x128xf32, #tpu.memory_space<vmem>>[vector<16xi32>, vector<16xi32>], vector<16xf32>,
      %add3A_514 = arith.constant 4 : i32
      %add3A_515 = vector.broadcast %add3A_514 : i32 to vector<16xi32>
      %add3A_516 = arith.addi %mul3A_476, %add3A_515 : vector<16xi32>
      %gather3A_517 = tpu.vector_load_idx %arg7[%add3A_470, %add3A_516] : memref<128x128xf32, #tpu.memory_space<vmem>>[vector<16xi32>, vector<16xi32>], vector<16xf32>,
      %add3A_518 = arith.constant 4 : i32
      %add3A_519 = vector.broadcast %add3A_518 : i32 to vector<16xi32>
      %add3A_520 = arith.addi %mul3A_485, %add3A_519 : vector<16xi32>
      tpu.vector_store_idx %arg8[%shift_right_logical3A_479, %add3A_520], %gather3A_517 : memref<16x128xf32, #tpu.memory_space<vmem>>[vector<16xi32>, vector<16xi32>], vector<16xf32>,
      %add3A_521 = arith.constant 5 : i32
      %add3A_522 = vector.broadcast %add3A_521 : i32 to vector<16xi32>
      %add3A_523 = arith.addi %mul3A_476, %add3A_522 : vector<16xi32>
      %gather3A_524 = tpu.vector_load_idx %arg7[%add3A_470, %add3A_523] : memref<128x128xf32, #tpu.memory_space<vmem>>[vector<16xi32>, vector<16xi32>], vector<16xf32>,
      %add3A_525 = arith.constant 5 : i32
      %add3A_526 = vector.broadcast %add3A_525 : i32 to vector<16xi32>
      %add3A_527 = arith.addi %mul3A_485, %add3A_526 : vector<16xi32>
      tpu.vector_store_idx %arg8[%shift_right_logical3A_479, %add3A_527], %gather3A_524 : memref<16x128xf32, #tpu.memory_space<vmem>>[vector<16xi32>, vector<16xi32>], vector<16xf32>,
      %add3A_528 = arith.constant 6 : i32
      %add3A_529 = vector.broadcast %add3A_528 : i32 to vector<16xi32>
      %add3A_530 = arith.addi %mul3A_476, %add3A_529 : vector<16xi32>
      %gather3A_531 = tpu.vector_load_idx %arg7[%add3A_470, %add3A_530] : memref<128x128xf32, #tpu.memory_space<vmem>>[vector<16xi32>, vector<16xi32>], vector<16xf32>,
      %add3A_532 = arith.constant 6 : i32
      %add3A_533 = vector.broadcast %add3A_532 : i32 to vector<16xi32>
      %add3A_534 = arith.addi %mul3A_485, %add3A_533 : vector<16xi32>
      tpu.vector_store_idx %arg8[%shift_right_logical3A_479, %add3A_534], %gather3A_531 : memref<16x128xf32, #tpu.memory_space<vmem>>[vector<16xi32>, vector<16xi32>], vector<16xf32>,
      %add3A_535 = arith.constant 7 : i32
      %add3A_536 = vector.broadcast %add3A_535 : i32 to vector<16xi32>
      %add3A_537 = arith.addi %mul3A_476, %add3A_536 : vector<16xi32>
      %gather3A_538 = tpu.vector_load_idx %arg7[%add3A_470, %add3A_537] : memref<128x128xf32, #tpu.memory_space<vmem>>[vector<16xi32>, vector<16xi32>], vector<16xf32>,
      %add3A_539 = arith.constant 7 : i32
      %add3A_540 = vector.broadcast %add3A_539 : i32 to vector<16xi32>
      %add3A_541 = arith.addi %mul3A_485, %add3A_540 : vector<16xi32>
      tpu.vector_store_idx %arg8[%shift_right_logical3A_479, %add3A_541], %gather3A_538 : memref<16x128xf32, #tpu.memory_space<vmem>>[vector<16xi32>, vector<16xi32>], vector<16xf32>,
      %add3A_542 = arith.constant 8 : i32
      %add3A_543 = vector.broadcast %add3A_542 : i32 to vector<16xi32>
      %add3A_544 = arith.addi %mul3A_476, %add3A_543 : vector<16xi32>
      %gather3A_545 = tpu.vector_load_idx %arg7[%add3A_470, %add3A_544] : memref<128x128xf32, #tpu.memory_space<vmem>>[vector<16xi32>, vector<16xi32>], vector<16xf32>,
      %add3A_546 = arith.constant 8 : i32
      %add3A_547 = vector.broadcast %add3A_546 : i32 to vector<16xi32>
      %add3A_548 = arith.addi %mul3A_485, %add3A_547 : vector<16xi32>
      tpu.vector_store_idx %arg8[%shift_right_logical3A_479, %add3A_548], %gather3A_545 : memref<16x128xf32, #tpu.memory_space<vmem>>[vector<16xi32>, vector<16xi32>], vector<16xf32>,
      %add3A_549 = arith.constant 9 : i32
      %add3A_550 = vector.broadcast %add3A_549 : i32 to vector<16xi32>
      %add3A_551 = arith.addi %mul3A_476, %add3A_550 : vector<16xi32>
      %gather3A_552 = tpu.vector_load_idx %arg7[%add3A_470, %add3A_551] : memref<128x128xf32, #tpu.memory_space<vmem>>[vector<16xi32>, vector<16xi32>], vector<16xf32>,
      %add3A_553 = arith.constant 9 : i32
      %add3A_554 = vector.broadcast %add3A_553 : i32 to vector<16xi32>
      %add3A_555 = arith.addi %mul3A_485, %add3A_554 : vector<16xi32>
      tpu.vector_store_idx %arg8[%shift_right_logical3A_479, %add3A_555], %gather3A_552 : memref<16x128xf32, #tpu.memory_space<vmem>>[vector<16xi32>, vector<16xi32>], vector<16xf32>,
      %add3A_556 = arith.constant 10 : i32
      %add3A_557 = vector.broadcast %add3A_556 : i32 to vector<16xi32>
      %add3A_558 = arith.addi %mul3A_476, %add3A_557 : vector<16xi32>
      %gather3A_559 = tpu.vector_load_idx %arg7[%add3A_470, %add3A_558] : memref<128x128xf32, #tpu.memory_space<vmem>>[vector<16xi32>, vector<16xi32>], vector<16xf32>,
      %add3A_560 = arith.constant 10 : i32
      %add3A_561 = vector.broadcast %add3A_560 : i32 to vector<16xi32>
      %add3A_562 = arith.addi %mul3A_485, %add3A_561 : vector<16xi32>
      tpu.vector_store_idx %arg8[%shift_right_logical3A_479, %add3A_562], %gather3A_559 : memref<16x128xf32, #tpu.memory_space<vmem>>[vector<16xi32>, vector<16xi32>], vector<16xf32>,
      %add3A_563 = arith.constant 11 : i32
      %add3A_564 = vector.broadcast %add3A_563 : i32 to vector<16xi32>
      %add3A_565 = arith.addi %mul3A_476, %add3A_564 : vector<16xi32>
      %gather3A_566 = tpu.vector_load_idx %arg7[%add3A_470, %add3A_565] : memref<128x128xf32, #tpu.memory_space<vmem>>[vector<16xi32>, vector<16xi32>], vector<16xf32>,
      %add3A_567 = arith.constant 11 : i32
      %add3A_568 = vector.broadcast %add3A_567 : i32 to vector<16xi32>
      %add3A_569 = arith.addi %mul3A_485, %add3A_568 : vector<16xi32>
      tpu.vector_store_idx %arg8[%shift_right_logical3A_479, %add3A_569], %gather3A_566 : memref<16x128xf32, #tpu.memory_space<vmem>>[vector<16xi32>, vector<16xi32>], vector<16xf32>,
      %add3A_570 = arith.constant 12 : i32
      %add3A_571 = vector.broadcast %add3A_570 : i32 to vector<16xi32>
      %add3A_572 = arith.addi %mul3A_476, %add3A_571 : vector<16xi32>
      %gather3A_573 = tpu.vector_load_idx %arg7[%add3A_470, %add3A_572] : memref<128x128xf32, #tpu.memory_space<vmem>>[vector<16xi32>, vector<16xi32>], vector<16xf32>,
      %add3A_574 = arith.constant 12 : i32
      %add3A_575 = vector.broadcast %add3A_574 : i32 to vector<16xi32>
      %add3A_576 = arith.addi %mul3A_485, %add3A_575 : vector<16xi32>
      tpu.vector_store_idx %arg8[%shift_right_logical3A_479, %add3A_576], %gather3A_573 : memref<16x128xf32, #tpu.memory_space<vmem>>[vector<16xi32>, vector<16xi32>], vector<16xf32>,
      %add3A_577 = arith.constant 13 : i32
      %add3A_578 = vector.broadcast %add3A_577 : i32 to vector<16xi32>
      %add3A_579 = arith.addi %mul3A_476, %add3A_578 : vector<16xi32>
      %gather3A_580 = tpu.vector_load_idx %arg7[%add3A_470, %add3A_579] : memref<128x128xf32, #tpu.memory_space<vmem>>[vector<16xi32>, vector<16xi32>], vector<16xf32>,
      %add3A_581 = arith.constant 13 : i32
      %add3A_582 = vector.broadcast %add3A_581 : i32 to vector<16xi32>
      %add3A_583 = arith.addi %mul3A_485, %add3A_582 : vector<16xi32>
      tpu.vector_store_idx %arg8[%shift_right_logical3A_479, %add3A_583], %gather3A_580 : memref<16x128xf32, #tpu.memory_space<vmem>>[vector<16xi32>, vector<16xi32>], vector<16xf32>,
      %add3A_584 = arith.constant 14 : i32
      %add3A_585 = vector.broadcast %add3A_584 : i32 to vector<16xi32>
      %add3A_586 = arith.addi %mul3A_476, %add3A_585 : vector<16xi32>
      %gather3A_587 = tpu.vector_load_idx %arg7[%add3A_470, %add3A_586] : memref<128x128xf32, #tpu.memory_space<vmem>>[vector<16xi32>, vector<16xi32>], vector<16xf32>,
      %add3A_588 = arith.constant 14 : i32
      %add3A_589 = vector.broadcast %add3A_588 : i32 to vector<16xi32>
      %add3A_590 = arith.addi %mul3A_485, %add3A_589 : vector<16xi32>
      tpu.vector_store_idx %arg8[%shift_right_logical3A_479, %add3A_590], %gather3A_587 : memref<16x128xf32, #tpu.memory_space<vmem>>[vector<16xi32>, vector<16xi32>], vector<16xf32>,
      %add3A_591 = arith.constant 15 : i32
      %add3A_592 = vector.broadcast %add3A_591 : i32 to vector<16xi32>
      %add3A_593 = arith.addi %mul3A_476, %add3A_592 : vector<16xi32>
      %gather3A_594 = tpu.vector_load_idx %arg7[%add3A_470, %add3A_593] : memref<128x128xf32, #tpu.memory_space<vmem>>[vector<16xi32>, vector<16xi32>], vector<16xf32>,
      %add3A_595 = arith.constant 15 : i32
      %add3A_596 = vector.broadcast %add3A_595 : i32 to vector<16xi32>
      %add3A_597 = arith.addi %mul3A_485, %add3A_596 : vector<16xi32>
      tpu.vector_store_idx %arg8[%shift_right_logical3A_479, %add3A_597], %gather3A_594 : memref<16x128xf32, #tpu.memory_space<vmem>>[vector<16xi32>, vector<16xi32>], vector<16xf32>,
      %get3A_598 = arith.constant 64 : index
      %get3A_599 = tpu.vector_load %arg5[%get3A_598] {strides = array<i32>} : memref<128xi32, #tpu.memory_space<vmem>>, vector<16xi32>,
      %add3A_600 = arith.constant 64 : i32
      %add3A_601 = vector.broadcast %add3A_600 : i32 to vector<16xi32>
      %add3A_602 = arith.addi %add3A_601, %iota3A : vector<16xi32>
      %and3A_603 = arith.constant 7 : i32
      %and3A_604 = vector.broadcast %and3A_603 : i32 to vector<16xi32>
      %and3A_605 = arith.andi %get3A_599, %and3A_604 : vector<16xi32>
      %mul3A_606 = arith.constant 16 : i32
      %mul3A_607 = vector.broadcast %mul3A_606 : i32 to vector<16xi32>
      %mul3A_608 = arith.muli %and3A_605, %mul3A_607 : vector<16xi32>
      %shift_right_logical3A_609 = arith.constant 3 : i32
      %shift_right_logical3A_610 = vector.broadcast %shift_right_logical3A_609 : i32 to vector<16xi32>
      %shift_right_logical3A_611 = arith.shrui %add3A_602, %shift_right_logical3A_610 : vector<16xi32>
      %and3A_612 = arith.constant 7 : i32
      %and3A_613 = vector.broadcast %and3A_612 : i32 to vector<16xi32>
      %and3A_614 = arith.andi %add3A_602, %and3A_613 : vector<16xi32>
      %mul3A_615 = arith.constant 16 : i32
      %mul3A_616 = vector.broadcast %mul3A_615 : i32 to vector<16xi32>
      %mul3A_617 = arith.muli %and3A_614, %mul3A_616 : vector<16xi32>
      %add3A_618 = arith.constant 0 : i32
      %add3A_619 = vector.broadcast %add3A_618 : i32 to vector<16xi32>
      %add3A_620 = arith.addi %mul3A_608, %add3A_619 : vector<16xi32>
      %gather3A_621 = tpu.vector_load_idx %arg7[%add3A_602, %add3A_620] : memref<128x128xf32, #tpu.memory_space<vmem>>[vector<16xi32>, vector<16xi32>], vector<16xf32>,
      %add3A_622 = arith.constant 0 : i32
      %add3A_623 = vector.broadcast %add3A_622 : i32 to vector<16xi32>
      %add3A_624 = arith.addi %mul3A_617, %add3A_623 : vector<16xi32>
      tpu.vector_store_idx %arg8[%shift_right_logical3A_611, %add3A_624], %gather3A_621 : memref<16x128xf32, #tpu.memory_space<vmem>>[vector<16xi32>, vector<16xi32>], vector<16xf32>,
      %add3A_625 = arith.constant 1 : i32
      %add3A_626 = vector.broadcast %add3A_625 : i32 to vector<16xi32>
      %add3A_627 = arith.addi %mul3A_608, %add3A_626 : vector<16xi32>
      %gather3A_628 = tpu.vector_load_idx %arg7[%add3A_602, %add3A_627] : memref<128x128xf32, #tpu.memory_space<vmem>>[vector<16xi32>, vector<16xi32>], vector<16xf32>,
      %add3A_629 = arith.constant 1 : i32
      %add3A_630 = vector.broadcast %add3A_629 : i32 to vector<16xi32>
      %add3A_631 = arith.addi %mul3A_617, %add3A_630 : vector<16xi32>
      tpu.vector_store_idx %arg8[%shift_right_logical3A_611, %add3A_631], %gather3A_628 : memref<16x128xf32, #tpu.memory_space<vmem>>[vector<16xi32>, vector<16xi32>], vector<16xf32>,
      %add3A_632 = arith.constant 2 : i32
      %add3A_633 = vector.broadcast %add3A_632 : i32 to vector<16xi32>
      %add3A_634 = arith.addi %mul3A_608, %add3A_633 : vector<16xi32>
      %gather3A_635 = tpu.vector_load_idx %arg7[%add3A_602, %add3A_634] : memref<128x128xf32, #tpu.memory_space<vmem>>[vector<16xi32>, vector<16xi32>], vector<16xf32>,
      %add3A_636 = arith.constant 2 : i32
      %add3A_637 = vector.broadcast %add3A_636 : i32 to vector<16xi32>
      %add3A_638 = arith.addi %mul3A_617, %add3A_637 : vector<16xi32>
      tpu.vector_store_idx %arg8[%shift_right_logical3A_611, %add3A_638], %gather3A_635 : memref<16x128xf32, #tpu.memory_space<vmem>>[vector<16xi32>, vector<16xi32>], vector<16xf32>,
      %add3A_639 = arith.constant 3 : i32
      %add3A_640 = vector.broadcast %add3A_639 : i32 to vector<16xi32>
      %add3A_641 = arith.addi %mul3A_608, %add3A_640 : vector<16xi32>
      %gather3A_642 = tpu.vector_load_idx %arg7[%add3A_602, %add3A_641] : memref<128x128xf32, #tpu.memory_space<vmem>>[vector<16xi32>, vector<16xi32>], vector<16xf32>,
      %add3A_643 = arith.constant 3 : i32
      %add3A_644 = vector.broadcast %add3A_643 : i32 to vector<16xi32>
      %add3A_645 = arith.addi %mul3A_617, %add3A_644 : vector<16xi32>
      tpu.vector_store_idx %arg8[%shift_right_logical3A_611, %add3A_645], %gather3A_642 : memref<16x128xf32, #tpu.memory_space<vmem>>[vector<16xi32>, vector<16xi32>], vector<16xf32>,
      %add3A_646 = arith.constant 4 : i32
      %add3A_647 = vector.broadcast %add3A_646 : i32 to vector<16xi32>
      %add3A_648 = arith.addi %mul3A_608, %add3A_647 : vector<16xi32>
      %gather3A_649 = tpu.vector_load_idx %arg7[%add3A_602, %add3A_648] : memref<128x128xf32, #tpu.memory_space<vmem>>[vector<16xi32>, vector<16xi32>], vector<16xf32>,
      %add3A_650 = arith.constant 4 : i32
      %add3A_651 = vector.broadcast %add3A_650 : i32 to vector<16xi32>
      %add3A_652 = arith.addi %mul3A_617, %add3A_651 : vector<16xi32>
      tpu.vector_store_idx %arg8[%shift_right_logical3A_611, %add3A_652], %gather3A_649 : memref<16x128xf32, #tpu.memory_space<vmem>>[vector<16xi32>, vector<16xi32>], vector<16xf32>,
      %add3A_653 = arith.constant 5 : i32
      %add3A_654 = vector.broadcast %add3A_653 : i32 to vector<16xi32>
      %add3A_655 = arith.addi %mul3A_608, %add3A_654 : vector<16xi32>
      %gather3A_656 = tpu.vector_load_idx %arg7[%add3A_602, %add3A_655] : memref<128x128xf32, #tpu.memory_space<vmem>>[vector<16xi32>, vector<16xi32>], vector<16xf32>,
      %add3A_657 = arith.constant 5 : i32
      %add3A_658 = vector.broadcast %add3A_657 : i32 to vector<16xi32>
      %add3A_659 = arith.addi %mul3A_617, %add3A_658 : vector<16xi32>
      tpu.vector_store_idx %arg8[%shift_right_logical3A_611, %add3A_659], %gather3A_656 : memref<16x128xf32, #tpu.memory_space<vmem>>[vector<16xi32>, vector<16xi32>], vector<16xf32>,
      %add3A_660 = arith.constant 6 : i32
      %add3A_661 = vector.broadcast %add3A_660 : i32 to vector<16xi32>
      %add3A_662 = arith.addi %mul3A_608, %add3A_661 : vector<16xi32>
      %gather3A_663 = tpu.vector_load_idx %arg7[%add3A_602, %add3A_662] : memref<128x128xf32, #tpu.memory_space<vmem>>[vector<16xi32>, vector<16xi32>], vector<16xf32>,
      %add3A_664 = arith.constant 6 : i32
      %add3A_665 = vector.broadcast %add3A_664 : i32 to vector<16xi32>
      %add3A_666 = arith.addi %mul3A_617, %add3A_665 : vector<16xi32>
      tpu.vector_store_idx %arg8[%shift_right_logical3A_611, %add3A_666], %gather3A_663 : memref<16x128xf32, #tpu.memory_space<vmem>>[vector<16xi32>, vector<16xi32>], vector<16xf32>,
      %add3A_667 = arith.constant 7 : i32
      %add3A_668 = vector.broadcast %add3A_667 : i32 to vector<16xi32>
      %add3A_669 = arith.addi %mul3A_608, %add3A_668 : vector<16xi32>
      %gather3A_670 = tpu.vector_load_idx %arg7[%add3A_602, %add3A_669] : memref<128x128xf32, #tpu.memory_space<vmem>>[vector<16xi32>, vector<16xi32>], vector<16xf32>,
      %add3A_671 = arith.constant 7 : i32
      %add3A_672 = vector.broadcast %add3A_671 : i32 to vector<16xi32>
      %add3A_673 = arith.addi %mul3A_617, %add3A_672 : vector<16xi32>
      tpu.vector_store_idx %arg8[%shift_right_logical3A_611, %add3A_673], %gather3A_670 : memref<16x128xf32, #tpu.memory_space<vmem>>[vector<16xi32>, vector<16xi32>], vector<16xf32>,
      %add3A_674 = arith.constant 8 : i32
      %add3A_675 = vector.broadcast %add3A_674 : i32 to vector<16xi32>
      %add3A_676 = arith.addi %mul3A_608, %add3A_675 : vector<16xi32>
      %gather3A_677 = tpu.vector_load_idx %arg7[%add3A_602, %add3A_676] : memref<128x128xf32, #tpu.memory_space<vmem>>[vector<16xi32>, vector<16xi32>], vector<16xf32>,
      %add3A_678 = arith.constant 8 : i32
      %add3A_679 = vector.broadcast %add3A_678 : i32 to vector<16xi32>
      %add3A_680 = arith.addi %mul3A_617, %add3A_679 : vector<16xi32>
      tpu.vector_store_idx %arg8[%shift_right_logical3A_611, %add3A_680], %gather3A_677 : memref<16x128xf32, #tpu.memory_space<vmem>>[vector<16xi32>, vector<16xi32>], vector<16xf32>,
      %add3A_681 = arith.constant 9 : i32
      %add3A_682 = vector.broadcast %add3A_681 : i32 to vector<16xi32>
      %add3A_683 = arith.addi %mul3A_608, %add3A_682 : vector<16xi32>
      %gather3A_684 = tpu.vector_load_idx %arg7[%add3A_602, %add3A_683] : memref<128x128xf32, #tpu.memory_space<vmem>>[vector<16xi32>, vector<16xi32>], vector<16xf32>,
      %add3A_685 = arith.constant 9 : i32
      %add3A_686 = vector.broadcast %add3A_685 : i32 to vector<16xi32>
      %add3A_687 = arith.addi %mul3A_617, %add3A_686 : vector<16xi32>
      tpu.vector_store_idx %arg8[%shift_right_logical3A_611, %add3A_687], %gather3A_684 : memref<16x128xf32, #tpu.memory_space<vmem>>[vector<16xi32>, vector<16xi32>], vector<16xf32>,
      %add3A_688 = arith.constant 10 : i32
      %add3A_689 = vector.broadcast %add3A_688 : i32 to vector<16xi32>
      %add3A_690 = arith.addi %mul3A_608, %add3A_689 : vector<16xi32>
      %gather3A_691 = tpu.vector_load_idx %arg7[%add3A_602, %add3A_690] : memref<128x128xf32, #tpu.memory_space<vmem>>[vector<16xi32>, vector<16xi32>], vector<16xf32>,
      %add3A_692 = arith.constant 10 : i32
      %add3A_693 = vector.broadcast %add3A_692 : i32 to vector<16xi32>
      %add3A_694 = arith.addi %mul3A_617, %add3A_693 : vector<16xi32>
      tpu.vector_store_idx %arg8[%shift_right_logical3A_611, %add3A_694], %gather3A_691 : memref<16x128xf32, #tpu.memory_space<vmem>>[vector<16xi32>, vector<16xi32>], vector<16xf32>,
      %add3A_695 = arith.constant 11 : i32
      %add3A_696 = vector.broadcast %add3A_695 : i32 to vector<16xi32>
      %add3A_697 = arith.addi %mul3A_608, %add3A_696 : vector<16xi32>
      %gather3A_698 = tpu.vector_load_idx %arg7[%add3A_602, %add3A_697] : memref<128x128xf32, #tpu.memory_space<vmem>>[vector<16xi32>, vector<16xi32>], vector<16xf32>,
      %add3A_699 = arith.constant 11 : i32
      %add3A_700 = vector.broadcast %add3A_699 : i32 to vector<16xi32>
      %add3A_701 = arith.addi %mul3A_617, %add3A_700 : vector<16xi32>
      tpu.vector_store_idx %arg8[%shift_right_logical3A_611, %add3A_701], %gather3A_698 : memref<16x128xf32, #tpu.memory_space<vmem>>[vector<16xi32>, vector<16xi32>], vector<16xf32>,
      %add3A_702 = arith.constant 12 : i32
      %add3A_703 = vector.broadcast %add3A_702 : i32 to vector<16xi32>
      %add3A_704 = arith.addi %mul3A_608, %add3A_703 : vector<16xi32>
      %gather3A_705 = tpu.vector_load_idx %arg7[%add3A_602, %add3A_704] : memref<128x128xf32, #tpu.memory_space<vmem>>[vector<16xi32>, vector<16xi32>], vector<16xf32>,
      %add3A_706 = arith.constant 12 : i32
      %add3A_707 = vector.broadcast %add3A_706 : i32 to vector<16xi32>
      %add3A_708 = arith.addi %mul3A_617, %add3A_707 : vector<16xi32>
      tpu.vector_store_idx %arg8[%shift_right_logical3A_611, %add3A_708], %gather3A_705 : memref<16x128xf32, #tpu.memory_space<vmem>>[vector<16xi32>, vector<16xi32>], vector<16xf32>,
      %add3A_709 = arith.constant 13 : i32
      %add3A_710 = vector.broadcast %add3A_709 : i32 to vector<16xi32>
      %add3A_711 = arith.addi %mul3A_608, %add3A_710 : vector<16xi32>
      %gather3A_712 = tpu.vector_load_idx %arg7[%add3A_602, %add3A_711] : memref<128x128xf32, #tpu.memory_space<vmem>>[vector<16xi32>, vector<16xi32>], vector<16xf32>,
      %add3A_713 = arith.constant 13 : i32
      %add3A_714 = vector.broadcast %add3A_713 : i32 to vector<16xi32>
      %add3A_715 = arith.addi %mul3A_617, %add3A_714 : vector<16xi32>
      tpu.vector_store_idx %arg8[%shift_right_logical3A_611, %add3A_715], %gather3A_712 : memref<16x128xf32, #tpu.memory_space<vmem>>[vector<16xi32>, vector<16xi32>], vector<16xf32>,
      %add3A_716 = arith.constant 14 : i32
      %add3A_717 = vector.broadcast %add3A_716 : i32 to vector<16xi32>
      %add3A_718 = arith.addi %mul3A_608, %add3A_717 : vector<16xi32>
      %gather3A_719 = tpu.vector_load_idx %arg7[%add3A_602, %add3A_718] : memref<128x128xf32, #tpu.memory_space<vmem>>[vector<16xi32>, vector<16xi32>], vector<16xf32>,
      %add3A_720 = arith.constant 14 : i32
      %add3A_721 = vector.broadcast %add3A_720 : i32 to vector<16xi32>
      %add3A_722 = arith.addi %mul3A_617, %add3A_721 : vector<16xi32>
      tpu.vector_store_idx %arg8[%shift_right_logical3A_611, %add3A_722], %gather3A_719 : memref<16x128xf32, #tpu.memory_space<vmem>>[vector<16xi32>, vector<16xi32>], vector<16xf32>,
      %add3A_723 = arith.constant 15 : i32
      %add3A_724 = vector.broadcast %add3A_723 : i32 to vector<16xi32>
      %add3A_725 = arith.addi %mul3A_608, %add3A_724 : vector<16xi32>
      %gather3A_726 = tpu.vector_load_idx %arg7[%add3A_602, %add3A_725] : memref<128x128xf32, #tpu.memory_space<vmem>>[vector<16xi32>, vector<16xi32>], vector<16xf32>,
      %add3A_727 = arith.constant 15 : i32
      %add3A_728 = vector.broadcast %add3A_727 : i32 to vector<16xi32>
      %add3A_729 = arith.addi %mul3A_617, %add3A_728 : vector<16xi32>
      tpu.vector_store_idx %arg8[%shift_right_logical3A_611, %add3A_729], %gather3A_726 : memref<16x128xf32, #tpu.memory_space<vmem>>[vector<16xi32>, vector<16xi32>], vector<16xf32>,
      %get3A_730 = arith.constant 80 : index
      %get3A_731 = tpu.vector_load %arg5[%get3A_730] {strides = array<i32>} : memref<128xi32, #tpu.memory_space<vmem>>, vector<16xi32>,
      %add3A_732 = arith.constant 80 : i32
      %add3A_733 = vector.broadcast %add3A_732 : i32 to vector<16xi32>
      %add3A_734 = arith.addi %add3A_733, %iota3A : vector<16xi32>
      %and3A_735 = arith.constant 7 : i32
      %and3A_736 = vector.broadcast %and3A_735 : i32 to vector<16xi32>
      %and3A_737 = arith.andi %get3A_731, %and3A_736 : vector<16xi32>
      %mul3A_738 = arith.constant 16 : i32
      %mul3A_739 = vector.broadcast %mul3A_738 : i32 to vector<16xi32>
      %mul3A_740 = arith.muli %and3A_737, %mul3A_739 : vector<16xi32>
      %shift_right_logical3A_741 = arith.constant 3 : i32
      %shift_right_logical3A_742 = vector.broadcast %shift_right_logical3A_741 : i32 to vector<16xi32>
      %shift_right_logical3A_743 = arith.shrui %add3A_734, %shift_right_logical3A_742 : vector<16xi32>
      %and3A_744 = arith.constant 7 : i32
      %and3A_745 = vector.broadcast %and3A_744 : i32 to vector<16xi32>
      %and3A_746 = arith.andi %add3A_734, %and3A_745 : vector<16xi32>
      %mul3A_747 = arith.constant 16 : i32
      %mul3A_748 = vector.broadcast %mul3A_747 : i32 to vector<16xi32>
      %mul3A_749 = arith.muli %and3A_746, %mul3A_748 : vector<16xi32>
      %add3A_750 = arith.constant 0 : i32
      %add3A_751 = vector.broadcast %add3A_750 : i32 to vector<16xi32>
      %add3A_752 = arith.addi %mul3A_740, %add3A_751 : vector<16xi32>
      %gather3A_753 = tpu.vector_load_idx %arg7[%add3A_734, %add3A_752] : memref<128x128xf32, #tpu.memory_space<vmem>>[vector<16xi32>, vector<16xi32>], vector<16xf32>,
      %add3A_754 = arith.constant 0 : i32
      %add3A_755 = vector.broadcast %add3A_754 : i32 to vector<16xi32>
      %add3A_756 = arith.addi %mul3A_749, %add3A_755 : vector<16xi32>
      tpu.vector_store_idx %arg8[%shift_right_logical3A_743, %add3A_756], %gather3A_753 : memref<16x128xf32, #tpu.memory_space<vmem>>[vector<16xi32>, vector<16xi32>], vector<16xf32>,
      %add3A_757 = arith.constant 1 : i32
      %add3A_758 = vector.broadcast %add3A_757 : i32 to vector<16xi32>
      %add3A_759 = arith.addi %mul3A_740, %add3A_758 : vector<16xi32>
      %gather3A_760 = tpu.vector_load_idx %arg7[%add3A_734, %add3A_759] : memref<128x128xf32, #tpu.memory_space<vmem>>[vector<16xi32>, vector<16xi32>], vector<16xf32>,
      %add3A_761 = arith.constant 1 : i32
      %add3A_762 = vector.broadcast %add3A_761 : i32 to vector<16xi32>
      %add3A_763 = arith.addi %mul3A_749, %add3A_762 : vector<16xi32>
      tpu.vector_store_idx %arg8[%shift_right_logical3A_743, %add3A_763], %gather3A_760 : memref<16x128xf32, #tpu.memory_space<vmem>>[vector<16xi32>, vector<16xi32>], vector<16xf32>,
      %add3A_764 = arith.constant 2 : i32
      %add3A_765 = vector.broadcast %add3A_764 : i32 to vector<16xi32>
      %add3A_766 = arith.addi %mul3A_740, %add3A_765 : vector<16xi32>
      %gather3A_767 = tpu.vector_load_idx %arg7[%add3A_734, %add3A_766] : memref<128x128xf32, #tpu.memory_space<vmem>>[vector<16xi32>, vector<16xi32>], vector<16xf32>,
      %add3A_768 = arith.constant 2 : i32
      %add3A_769 = vector.broadcast %add3A_768 : i32 to vector<16xi32>
      %add3A_770 = arith.addi %mul3A_749, %add3A_769 : vector<16xi32>
      tpu.vector_store_idx %arg8[%shift_right_logical3A_743, %add3A_770], %gather3A_767 : memref<16x128xf32, #tpu.memory_space<vmem>>[vector<16xi32>, vector<16xi32>], vector<16xf32>,
      %add3A_771 = arith.constant 3 : i32
      %add3A_772 = vector.broadcast %add3A_771 : i32 to vector<16xi32>
      %add3A_773 = arith.addi %mul3A_740, %add3A_772 : vector<16xi32>
      %gather3A_774 = tpu.vector_load_idx %arg7[%add3A_734, %add3A_773] : memref<128x128xf32, #tpu.memory_space<vmem>>[vector<16xi32>, vector<16xi32>], vector<16xf32>,
      %add3A_775 = arith.constant 3 : i32
      %add3A_776 = vector.broadcast %add3A_775 : i32 to vector<16xi32>
      %add3A_777 = arith.addi %mul3A_749, %add3A_776 : vector<16xi32>
      tpu.vector_store_idx %arg8[%shift_right_logical3A_743, %add3A_777], %gather3A_774 : memref<16x128xf32, #tpu.memory_space<vmem>>[vector<16xi32>, vector<16xi32>], vector<16xf32>,
      %add3A_778 = arith.constant 4 : i32
      %add3A_779 = vector.broadcast %add3A_778 : i32 to vector<16xi32>
      %add3A_780 = arith.addi %mul3A_740, %add3A_779 : vector<16xi32>
      %gather3A_781 = tpu.vector_load_idx %arg7[%add3A_734, %add3A_780] : memref<128x128xf32, #tpu.memory_space<vmem>>[vector<16xi32>, vector<16xi32>], vector<16xf32>,
      %add3A_782 = arith.constant 4 : i32
      %add3A_783 = vector.broadcast %add3A_782 : i32 to vector<16xi32>
      %add3A_784 = arith.addi %mul3A_749, %add3A_783 : vector<16xi32>
      tpu.vector_store_idx %arg8[%shift_right_logical3A_743, %add3A_784], %gather3A_781 : memref<16x128xf32, #tpu.memory_space<vmem>>[vector<16xi32>, vector<16xi32>], vector<16xf32>,
      %add3A_785 = arith.constant 5 : i32
      %add3A_786 = vector.broadcast %add3A_785 : i32 to vector<16xi32>
      %add3A_787 = arith.addi %mul3A_740, %add3A_786 : vector<16xi32>
      %gather3A_788 = tpu.vector_load_idx %arg7[%add3A_734, %add3A_787] : memref<128x128xf32, #tpu.memory_space<vmem>>[vector<16xi32>, vector<16xi32>], vector<16xf32>,
      %add3A_789 = arith.constant 5 : i32
      %add3A_790 = vector.broadcast %add3A_789 : i32 to vector<16xi32>
      %add3A_791 = arith.addi %mul3A_749, %add3A_790 : vector<16xi32>
      tpu.vector_store_idx %arg8[%shift_right_logical3A_743, %add3A_791], %gather3A_788 : memref<16x128xf32, #tpu.memory_space<vmem>>[vector<16xi32>, vector<16xi32>], vector<16xf32>,
      %add3A_792 = arith.constant 6 : i32
      %add3A_793 = vector.broadcast %add3A_792 : i32 to vector<16xi32>
      %add3A_794 = arith.addi %mul3A_740, %add3A_793 : vector<16xi32>
      %gather3A_795 = tpu.vector_load_idx %arg7[%add3A_734, %add3A_794] : memref<128x128xf32, #tpu.memory_space<vmem>>[vector<16xi32>, vector<16xi32>], vector<16xf32>,
      %add3A_796 = arith.constant 6 : i32
      %add3A_797 = vector.broadcast %add3A_796 : i32 to vector<16xi32>
      %add3A_798 = arith.addi %mul3A_749, %add3A_797 : vector<16xi32>
      tpu.vector_store_idx %arg8[%shift_right_logical3A_743, %add3A_798], %gather3A_795 : memref<16x128xf32, #tpu.memory_space<vmem>>[vector<16xi32>, vector<16xi32>], vector<16xf32>,
      %add3A_799 = arith.constant 7 : i32
      %add3A_800 = vector.broadcast %add3A_799 : i32 to vector<16xi32>
      %add3A_801 = arith.addi %mul3A_740, %add3A_800 : vector<16xi32>
      %gather3A_802 = tpu.vector_load_idx %arg7[%add3A_734, %add3A_801] : memref<128x128xf32, #tpu.memory_space<vmem>>[vector<16xi32>, vector<16xi32>], vector<16xf32>,
      %add3A_803 = arith.constant 7 : i32
      %add3A_804 = vector.broadcast %add3A_803 : i32 to vector<16xi32>
      %add3A_805 = arith.addi %mul3A_749, %add3A_804 : vector<16xi32>
      tpu.vector_store_idx %arg8[%shift_right_logical3A_743, %add3A_805], %gather3A_802 : memref<16x128xf32, #tpu.memory_space<vmem>>[vector<16xi32>, vector<16xi32>], vector<16xf32>,
      %add3A_806 = arith.constant 8 : i32
      %add3A_807 = vector.broadcast %add3A_806 : i32 to vector<16xi32>
      %add3A_808 = arith.addi %mul3A_740, %add3A_807 : vector<16xi32>
      %gather3A_809 = tpu.vector_load_idx %arg7[%add3A_734, %add3A_808] : memref<128x128xf32, #tpu.memory_space<vmem>>[vector<16xi32>, vector<16xi32>], vector<16xf32>,
      %add3A_810 = arith.constant 8 : i32
      %add3A_811 = vector.broadcast %add3A_810 : i32 to vector<16xi32>
      %add3A_812 = arith.addi %mul3A_749, %add3A_811 : vector<16xi32>
      tpu.vector_store_idx %arg8[%shift_right_logical3A_743, %add3A_812], %gather3A_809 : memref<16x128xf32, #tpu.memory_space<vmem>>[vector<16xi32>, vector<16xi32>], vector<16xf32>,
      %add3A_813 = arith.constant 9 : i32
      %add3A_814 = vector.broadcast %add3A_813 : i32 to vector<16xi32>
      %add3A_815 = arith.addi %mul3A_740, %add3A_814 : vector<16xi32>
      %gather3A_816 = tpu.vector_load_idx %arg7[%add3A_734, %add3A_815] : memref<128x128xf32, #tpu.memory_space<vmem>>[vector<16xi32>, vector<16xi32>], vector<16xf32>,
      %add3A_817 = arith.constant 9 : i32
      %add3A_818 = vector.broadcast %add3A_817 : i32 to vector<16xi32>
      %add3A_819 = arith.addi %mul3A_749, %add3A_818 : vector<16xi32>
      tpu.vector_store_idx %arg8[%shift_right_logical3A_743, %add3A_819], %gather3A_816 : memref<16x128xf32, #tpu.memory_space<vmem>>[vector<16xi32>, vector<16xi32>], vector<16xf32>,
      %add3A_820 = arith.constant 10 : i32
      %add3A_821 = vector.broadcast %add3A_820 : i32 to vector<16xi32>
      %add3A_822 = arith.addi %mul3A_740, %add3A_821 : vector<16xi32>
      %gather3A_823 = tpu.vector_load_idx %arg7[%add3A_734, %add3A_822] : memref<128x128xf32, #tpu.memory_space<vmem>>[vector<16xi32>, vector<16xi32>], vector<16xf32>,
      %add3A_824 = arith.constant 10 : i32
      %add3A_825 = vector.broadcast %add3A_824 : i32 to vector<16xi32>
      %add3A_826 = arith.addi %mul3A_749, %add3A_825 : vector<16xi32>
      tpu.vector_store_idx %arg8[%shift_right_logical3A_743, %add3A_826], %gather3A_823 : memref<16x128xf32, #tpu.memory_space<vmem>>[vector<16xi32>, vector<16xi32>], vector<16xf32>,
      %add3A_827 = arith.constant 11 : i32
      %add3A_828 = vector.broadcast %add3A_827 : i32 to vector<16xi32>
      %add3A_829 = arith.addi %mul3A_740, %add3A_828 : vector<16xi32>
      %gather3A_830 = tpu.vector_load_idx %arg7[%add3A_734, %add3A_829] : memref<128x128xf32, #tpu.memory_space<vmem>>[vector<16xi32>, vector<16xi32>], vector<16xf32>,
      %add3A_831 = arith.constant 11 : i32
      %add3A_832 = vector.broadcast %add3A_831 : i32 to vector<16xi32>
      %add3A_833 = arith.addi %mul3A_749, %add3A_832 : vector<16xi32>
      tpu.vector_store_idx %arg8[%shift_right_logical3A_743, %add3A_833], %gather3A_830 : memref<16x128xf32, #tpu.memory_space<vmem>>[vector<16xi32>, vector<16xi32>], vector<16xf32>,
      %add3A_834 = arith.constant 12 : i32
      %add3A_835 = vector.broadcast %add3A_834 : i32 to vector<16xi32>
      %add3A_836 = arith.addi %mul3A_740, %add3A_835 : vector<16xi32>
      %gather3A_837 = tpu.vector_load_idx %arg7[%add3A_734, %add3A_836] : memref<128x128xf32, #tpu.memory_space<vmem>>[vector<16xi32>, vector<16xi32>], vector<16xf32>,
      %add3A_838 = arith.constant 12 : i32
      %add3A_839 = vector.broadcast %add3A_838 : i32 to vector<16xi32>
      %add3A_840 = arith.addi %mul3A_749, %add3A_839 : vector<16xi32>
      tpu.vector_store_idx %arg8[%shift_right_logical3A_743, %add3A_840], %gather3A_837 : memref<16x128xf32, #tpu.memory_space<vmem>>[vector<16xi32>, vector<16xi32>], vector<16xf32>,
      %add3A_841 = arith.constant 13 : i32
      %add3A_842 = vector.broadcast %add3A_841 : i32 to vector<16xi32>
      %add3A_843 = arith.addi %mul3A_740, %add3A_842 : vector<16xi32>
      %gather3A_844 = tpu.vector_load_idx %arg7[%add3A_734, %add3A_843] : memref<128x128xf32, #tpu.memory_space<vmem>>[vector<16xi32>, vector<16xi32>], vector<16xf32>,
      %add3A_845 = arith.constant 13 : i32
      %add3A_846 = vector.broadcast %add3A_845 : i32 to vector<16xi32>
      %add3A_847 = arith.addi %mul3A_749, %add3A_846 : vector<16xi32>
      tpu.vector_store_idx %arg8[%shift_right_logical3A_743, %add3A_847], %gather3A_844 : memref<16x128xf32, #tpu.memory_space<vmem>>[vector<16xi32>, vector<16xi32>], vector<16xf32>,
      %add3A_848 = arith.constant 14 : i32
      %add3A_849 = vector.broadcast %add3A_848 : i32 to vector<16xi32>
      %add3A_850 = arith.addi %mul3A_740, %add3A_849 : vector<16xi32>
      %gather3A_851 = tpu.vector_load_idx %arg7[%add3A_734, %add3A_850] : memref<128x128xf32, #tpu.memory_space<vmem>>[vector<16xi32>, vector<16xi32>], vector<16xf32>,
      %add3A_852 = arith.constant 14 : i32
      %add3A_853 = vector.broadcast %add3A_852 : i32 to vector<16xi32>
      %add3A_854 = arith.addi %mul3A_749, %add3A_853 : vector<16xi32>
      tpu.vector_store_idx %arg8[%shift_right_logical3A_743, %add3A_854], %gather3A_851 : memref<16x128xf32, #tpu.memory_space<vmem>>[vector<16xi32>, vector<16xi32>], vector<16xf32>,
      %add3A_855 = arith.constant 15 : i32
      %add3A_856 = vector.broadcast %add3A_855 : i32 to vector<16xi32>
      %add3A_857 = arith.addi %mul3A_740, %add3A_856 : vector<16xi32>
      %gather3A_858 = tpu.vector_load_idx %arg7[%add3A_734, %add3A_857] : memref<128x128xf32, #tpu.memory_space<vmem>>[vector<16xi32>, vector<16xi32>], vector<16xf32>,
      %add3A_859 = arith.constant 15 : i32
      %add3A_860 = vector.broadcast %add3A_859 : i32 to vector<16xi32>
      %add3A_861 = arith.addi %mul3A_749, %add3A_860 : vector<16xi32>
      tpu.vector_store_idx %arg8[%shift_right_logical3A_743, %add3A_861], %gather3A_858 : memref<16x128xf32, #tpu.memory_space<vmem>>[vector<16xi32>, vector<16xi32>], vector<16xf32>,
      %get3A_862 = arith.constant 96 : index
      %get3A_863 = tpu.vector_load %arg5[%get3A_862] {strides = array<i32>} : memref<128xi32, #tpu.memory_space<vmem>>, vector<16xi32>,
      %add3A_864 = arith.constant 96 : i32
      %add3A_865 = vector.broadcast %add3A_864 : i32 to vector<16xi32>
      %add3A_866 = arith.addi %add3A_865, %iota3A : vector<16xi32>
      %and3A_867 = arith.constant 7 : i32
      %and3A_868 = vector.broadcast %and3A_867 : i32 to vector<16xi32>
      %and3A_869 = arith.andi %get3A_863, %and3A_868 : vector<16xi32>
      %mul3A_870 = arith.constant 16 : i32
      %mul3A_871 = vector.broadcast %mul3A_870 : i32 to vector<16xi32>
      %mul3A_872 = arith.muli %and3A_869, %mul3A_871 : vector<16xi32>
      %shift_right_logical3A_873 = arith.constant 3 : i32
      %shift_right_logical3A_874 = vector.broadcast %shift_right_logical3A_873 : i32 to vector<16xi32>
      %shift_right_logical3A_875 = arith.shrui %add3A_866, %shift_right_logical3A_874 : vector<16xi32>
      %and3A_876 = arith.constant 7 : i32
      %and3A_877 = vector.broadcast %and3A_876 : i32 to vector<16xi32>
      %and3A_878 = arith.andi %add3A_866, %and3A_877 : vector<16xi32>
      %mul3A_879 = arith.constant 16 : i32
      %mul3A_880 = vector.broadcast %mul3A_879 : i32 to vector<16xi32>
      %mul3A_881 = arith.muli %and3A_878, %mul3A_880 : vector<16xi32>
      %add3A_882 = arith.constant 0 : i32
      %add3A_883 = vector.broadcast %add3A_882 : i32 to vector<16xi32>
      %add3A_884 = arith.addi %mul3A_872, %add3A_883 : vector<16xi32>
      %gather3A_885 = tpu.vector_load_idx %arg7[%add3A_866, %add3A_884] : memref<128x128xf32, #tpu.memory_space<vmem>>[vector<16xi32>, vector<16xi32>], vector<16xf32>,
      %add3A_886 = arith.constant 0 : i32
      %add3A_887 = vector.broadcast %add3A_886 : i32 to vector<16xi32>
      %add3A_888 = arith.addi %mul3A_881, %add3A_887 : vector<16xi32>
      tpu.vector_store_idx %arg8[%shift_right_logical3A_875, %add3A_888], %gather3A_885 : memref<16x128xf32, #tpu.memory_space<vmem>>[vector<16xi32>, vector<16xi32>], vector<16xf32>,
      %add3A_889 = arith.constant 1 : i32
      %add3A_890 = vector.broadcast %add3A_889 : i32 to vector<16xi32>
      %add3A_891 = arith.addi %mul3A_872, %add3A_890 : vector<16xi32>
      %gather3A_892 = tpu.vector_load_idx %arg7[%add3A_866, %add3A_891] : memref<128x128xf32, #tpu.memory_space<vmem>>[vector<16xi32>, vector<16xi32>], vector<16xf32>,
      %add3A_893 = arith.constant 1 : i32
      %add3A_894 = vector.broadcast %add3A_893 : i32 to vector<16xi32>
      %add3A_895 = arith.addi %mul3A_881, %add3A_894 : vector<16xi32>
      tpu.vector_store_idx %arg8[%shift_right_logical3A_875, %add3A_895], %gather3A_892 : memref<16x128xf32, #tpu.memory_space<vmem>>[vector<16xi32>, vector<16xi32>], vector<16xf32>,
      %add3A_896 = arith.constant 2 : i32
      %add3A_897 = vector.broadcast %add3A_896 : i32 to vector<16xi32>
      %add3A_898 = arith.addi %mul3A_872, %add3A_897 : vector<16xi32>
      %gather3A_899 = tpu.vector_load_idx %arg7[%add3A_866, %add3A_898] : memref<128x128xf32, #tpu.memory_space<vmem>>[vector<16xi32>, vector<16xi32>], vector<16xf32>,
      %add3A_900 = arith.constant 2 : i32
      %add3A_901 = vector.broadcast %add3A_900 : i32 to vector<16xi32>
      %add3A_902 = arith.addi %mul3A_881, %add3A_901 : vector<16xi32>
      tpu.vector_store_idx %arg8[%shift_right_logical3A_875, %add3A_902], %gather3A_899 : memref<16x128xf32, #tpu.memory_space<vmem>>[vector<16xi32>, vector<16xi32>], vector<16xf32>,
      %add3A_903 = arith.constant 3 : i32
      %add3A_904 = vector.broadcast %add3A_903 : i32 to vector<16xi32>
      %add3A_905 = arith.addi %mul3A_872, %add3A_904 : vector<16xi32>
      %gather3A_906 = tpu.vector_load_idx %arg7[%add3A_866, %add3A_905] : memref<128x128xf32, #tpu.memory_space<vmem>>[vector<16xi32>, vector<16xi32>], vector<16xf32>,
      %add3A_907 = arith.constant 3 : i32
      %add3A_908 = vector.broadcast %add3A_907 : i32 to vector<16xi32>
      %add3A_909 = arith.addi %mul3A_881, %add3A_908 : vector<16xi32>
      tpu.vector_store_idx %arg8[%shift_right_logical3A_875, %add3A_909], %gather3A_906 : memref<16x128xf32, #tpu.memory_space<vmem>>[vector<16xi32>, vector<16xi32>], vector<16xf32>,
      %add3A_910 = arith.constant 4 : i32
      %add3A_911 = vector.broadcast %add3A_910 : i32 to vector<16xi32>
      %add3A_912 = arith.addi %mul3A_872, %add3A_911 : vector<16xi32>
      %gather3A_913 = tpu.vector_load_idx %arg7[%add3A_866, %add3A_912] : memref<128x128xf32, #tpu.memory_space<vmem>>[vector<16xi32>, vector<16xi32>], vector<16xf32>,
      %add3A_914 = arith.constant 4 : i32
      %add3A_915 = vector.broadcast %add3A_914 : i32 to vector<16xi32>
      %add3A_916 = arith.addi %mul3A_881, %add3A_915 : vector<16xi32>
      tpu.vector_store_idx %arg8[%shift_right_logical3A_875, %add3A_916], %gather3A_913 : memref<16x128xf32, #tpu.memory_space<vmem>>[vector<16xi32>, vector<16xi32>], vector<16xf32>,
      %add3A_917 = arith.constant 5 : i32
      %add3A_918 = vector.broadcast %add3A_917 : i32 to vector<16xi32>
      %add3A_919 = arith.addi %mul3A_872, %add3A_918 : vector<16xi32>
      %gather3A_920 = tpu.vector_load_idx %arg7[%add3A_866, %add3A_919] : memref<128x128xf32, #tpu.memory_space<vmem>>[vector<16xi32>, vector<16xi32>], vector<16xf32>,
      %add3A_921 = arith.constant 5 : i32
      %add3A_922 = vector.broadcast %add3A_921 : i32 to vector<16xi32>
      %add3A_923 = arith.addi %mul3A_881, %add3A_922 : vector<16xi32>
      tpu.vector_store_idx %arg8[%shift_right_logical3A_875, %add3A_923], %gather3A_920 : memref<16x128xf32, #tpu.memory_space<vmem>>[vector<16xi32>, vector<16xi32>], vector<16xf32>,
      %add3A_924 = arith.constant 6 : i32
      %add3A_925 = vector.broadcast %add3A_924 : i32 to vector<16xi32>
      %add3A_926 = arith.addi %mul3A_872, %add3A_925 : vector<16xi32>
      %gather3A_927 = tpu.vector_load_idx %arg7[%add3A_866, %add3A_926] : memref<128x128xf32, #tpu.memory_space<vmem>>[vector<16xi32>, vector<16xi32>], vector<16xf32>,
      %add3A_928 = arith.constant 6 : i32
      %add3A_929 = vector.broadcast %add3A_928 : i32 to vector<16xi32>
      %add3A_930 = arith.addi %mul3A_881, %add3A_929 : vector<16xi32>
      tpu.vector_store_idx %arg8[%shift_right_logical3A_875, %add3A_930], %gather3A_927 : memref<16x128xf32, #tpu.memory_space<vmem>>[vector<16xi32>, vector<16xi32>], vector<16xf32>,
      %add3A_931 = arith.constant 7 : i32
      %add3A_932 = vector.broadcast %add3A_931 : i32 to vector<16xi32>
      %add3A_933 = arith.addi %mul3A_872, %add3A_932 : vector<16xi32>
      %gather3A_934 = tpu.vector_load_idx %arg7[%add3A_866, %add3A_933] : memref<128x128xf32, #tpu.memory_space<vmem>>[vector<16xi32>, vector<16xi32>], vector<16xf32>,
      %add3A_935 = arith.constant 7 : i32
      %add3A_936 = vector.broadcast %add3A_935 : i32 to vector<16xi32>
      %add3A_937 = arith.addi %mul3A_881, %add3A_936 : vector<16xi32>
      tpu.vector_store_idx %arg8[%shift_right_logical3A_875, %add3A_937], %gather3A_934 : memref<16x128xf32, #tpu.memory_space<vmem>>[vector<16xi32>, vector<16xi32>], vector<16xf32>,
      %add3A_938 = arith.constant 8 : i32
      %add3A_939 = vector.broadcast %add3A_938 : i32 to vector<16xi32>
      %add3A_940 = arith.addi %mul3A_872, %add3A_939 : vector<16xi32>
      %gather3A_941 = tpu.vector_load_idx %arg7[%add3A_866, %add3A_940] : memref<128x128xf32, #tpu.memory_space<vmem>>[vector<16xi32>, vector<16xi32>], vector<16xf32>,
      %add3A_942 = arith.constant 8 : i32
      %add3A_943 = vector.broadcast %add3A_942 : i32 to vector<16xi32>
      %add3A_944 = arith.addi %mul3A_881, %add3A_943 : vector<16xi32>
      tpu.vector_store_idx %arg8[%shift_right_logical3A_875, %add3A_944], %gather3A_941 : memref<16x128xf32, #tpu.memory_space<vmem>>[vector<16xi32>, vector<16xi32>], vector<16xf32>,
      %add3A_945 = arith.constant 9 : i32
      %add3A_946 = vector.broadcast %add3A_945 : i32 to vector<16xi32>
      %add3A_947 = arith.addi %mul3A_872, %add3A_946 : vector<16xi32>
      %gather3A_948 = tpu.vector_load_idx %arg7[%add3A_866, %add3A_947] : memref<128x128xf32, #tpu.memory_space<vmem>>[vector<16xi32>, vector<16xi32>], vector<16xf32>,
      %add3A_949 = arith.constant 9 : i32
      %add3A_950 = vector.broadcast %add3A_949 : i32 to vector<16xi32>
      %add3A_951 = arith.addi %mul3A_881, %add3A_950 : vector<16xi32>
      tpu.vector_store_idx %arg8[%shift_right_logical3A_875, %add3A_951], %gather3A_948 : memref<16x128xf32, #tpu.memory_space<vmem>>[vector<16xi32>, vector<16xi32>], vector<16xf32>,
      %add3A_952 = arith.constant 10 : i32
      %add3A_953 = vector.broadcast %add3A_952 : i32 to vector<16xi32>
      %add3A_954 = arith.addi %mul3A_872, %add3A_953 : vector<16xi32>
      %gather3A_955 = tpu.vector_load_idx %arg7[%add3A_866, %add3A_954] : memref<128x128xf32, #tpu.memory_space<vmem>>[vector<16xi32>, vector<16xi32>], vector<16xf32>,
      %add3A_956 = arith.constant 10 : i32
      %add3A_957 = vector.broadcast %add3A_956 : i32 to vector<16xi32>
      %add3A_958 = arith.addi %mul3A_881, %add3A_957 : vector<16xi32>
      tpu.vector_store_idx %arg8[%shift_right_logical3A_875, %add3A_958], %gather3A_955 : memref<16x128xf32, #tpu.memory_space<vmem>>[vector<16xi32>, vector<16xi32>], vector<16xf32>,
      %add3A_959 = arith.constant 11 : i32
      %add3A_960 = vector.broadcast %add3A_959 : i32 to vector<16xi32>
      %add3A_961 = arith.addi %mul3A_872, %add3A_960 : vector<16xi32>
      %gather3A_962 = tpu.vector_load_idx %arg7[%add3A_866, %add3A_961] : memref<128x128xf32, #tpu.memory_space<vmem>>[vector<16xi32>, vector<16xi32>], vector<16xf32>,
      %add3A_963 = arith.constant 11 : i32
      %add3A_964 = vector.broadcast %add3A_963 : i32 to vector<16xi32>
      %add3A_965 = arith.addi %mul3A_881, %add3A_964 : vector<16xi32>
      tpu.vector_store_idx %arg8[%shift_right_logical3A_875, %add3A_965], %gather3A_962 : memref<16x128xf32, #tpu.memory_space<vmem>>[vector<16xi32>, vector<16xi32>], vector<16xf32>,
      %add3A_966 = arith.constant 12 : i32
      %add3A_967 = vector.broadcast %add3A_966 : i32 to vector<16xi32>
      %add3A_968 = arith.addi %mul3A_872, %add3A_967 : vector<16xi32>
      %gather3A_969 = tpu.vector_load_idx %arg7[%add3A_866, %add3A_968] : memref<128x128xf32, #tpu.memory_space<vmem>>[vector<16xi32>, vector<16xi32>], vector<16xf32>,
      %add3A_970 = arith.constant 12 : i32
      %add3A_971 = vector.broadcast %add3A_970 : i32 to vector<16xi32>
      %add3A_972 = arith.addi %mul3A_881, %add3A_971 : vector<16xi32>
      tpu.vector_store_idx %arg8[%shift_right_logical3A_875, %add3A_972], %gather3A_969 : memref<16x128xf32, #tpu.memory_space<vmem>>[vector<16xi32>, vector<16xi32>], vector<16xf32>,
      %add3A_973 = arith.constant 13 : i32
      %add3A_974 = vector.broadcast %add3A_973 : i32 to vector<16xi32>
      %add3A_975 = arith.addi %mul3A_872, %add3A_974 : vector<16xi32>
      %gather3A_976 = tpu.vector_load_idx %arg7[%add3A_866, %add3A_975] : memref<128x128xf32, #tpu.memory_space<vmem>>[vector<16xi32>, vector<16xi32>], vector<16xf32>,
      %add3A_977 = arith.constant 13 : i32
      %add3A_978 = vector.broadcast %add3A_977 : i32 to vector<16xi32>
      %add3A_979 = arith.addi %mul3A_881, %add3A_978 : vector<16xi32>
      tpu.vector_store_idx %arg8[%shift_right_logical3A_875, %add3A_979], %gather3A_976 : memref<16x128xf32, #tpu.memory_space<vmem>>[vector<16xi32>, vector<16xi32>], vector<16xf32>,
      %add3A_980 = arith.constant 14 : i32
      %add3A_981 = vector.broadcast %add3A_980 : i32 to vector<16xi32>
      %add3A_982 = arith.addi %mul3A_872, %add3A_981 : vector<16xi32>
      %gather3A_983 = tpu.vector_load_idx %arg7[%add3A_866, %add3A_982] : memref<128x128xf32, #tpu.memory_space<vmem>>[vector<16xi32>, vector<16xi32>], vector<16xf32>,
      %add3A_984 = arith.constant 14 : i32
      %add3A_985 = vector.broadcast %add3A_984 : i32 to vector<16xi32>
      %add3A_986 = arith.addi %mul3A_881, %add3A_985 : vector<16xi32>
      tpu.vector_store_idx %arg8[%shift_right_logical3A_875, %add3A_986], %gather3A_983 : memref<16x128xf32, #tpu.memory_space<vmem>>[vector<16xi32>, vector<16xi32>], vector<16xf32>,
      %add3A_987 = arith.constant 15 : i32
      %add3A_988 = vector.broadcast %add3A_987 : i32 to vector<16xi32>
      %add3A_989 = arith.addi %mul3A_872, %add3A_988 : vector<16xi32>
      %gather3A_990 = tpu.vector_load_idx %arg7[%add3A_866, %add3A_989] : memref<128x128xf32, #tpu.memory_space<vmem>>[vector<16xi32>, vector<16xi32>], vector<16xf32>,
      %add3A_991 = arith.constant 15 : i32
      %add3A_992 = vector.broadcast %add3A_991 : i32 to vector<16xi32>
      %add3A_993 = arith.addi %mul3A_881, %add3A_992 : vector<16xi32>
      tpu.vector_store_idx %arg8[%shift_right_logical3A_875, %add3A_993], %gather3A_990 : memref<16x128xf32, #tpu.memory_space<vmem>>[vector<16xi32>, vector<16xi32>], vector<16xf32>,
      %get3A_994 = arith.constant 112 : index
      %get3A_995 = tpu.vector_load %arg5[%get3A_994] {strides = array<i32>} : memref<128xi32, #tpu.memory_space<vmem>>, vector<16xi32>,
      %add3A_996 = arith.constant 112 : i32
      %add3A_997 = vector.broadcast %add3A_996 : i32 to vector<16xi32>
      %add3A_998 = arith.addi %add3A_997, %iota3A : vector<16xi32>
      %and3A_999 = arith.constant 7 : i32
      %and3A_1000 = vector.broadcast %and3A_999 : i32 to vector<16xi32>
      %and3A_1001 = arith.andi %get3A_995, %and3A_1000 : vector<16xi32>
      %mul3A_1002 = arith.constant 16 : i32
      %mul3A_1003 = vector.broadcast %mul3A_1002 : i32 to vector<16xi32>
      %mul3A_1004 = arith.muli %and3A_1001, %mul3A_1003 : vector<16xi32>
      %shift_right_logical3A_1005 = arith.constant 3 : i32
      %shift_right_logical3A_1006 = vector.broadcast %shift_right_logical3A_1005 : i32 to vector<16xi32>
      %shift_right_logical3A_1007 = arith.shrui %add3A_998, %shift_right_logical3A_1006 : vector<16xi32>
      %and3A_1008 = arith.constant 7 : i32
      %and3A_1009 = vector.broadcast %and3A_1008 : i32 to vector<16xi32>
      %and3A_1010 = arith.andi %add3A_998, %and3A_1009 : vector<16xi32>
      %mul3A_1011 = arith.constant 16 : i32
      %mul3A_1012 = vector.broadcast %mul3A_1011 : i32 to vector<16xi32>
      %mul3A_1013 = arith.muli %and3A_1010, %mul3A_1012 : vector<16xi32>
      %add3A_1014 = arith.constant 0 : i32
      %add3A_1015 = vector.broadcast %add3A_1014 : i32 to vector<16xi32>
      %add3A_1016 = arith.addi %mul3A_1004, %add3A_1015 : vector<16xi32>
      %gather3A_1017 = tpu.vector_load_idx %arg7[%add3A_998, %add3A_1016] : memref<128x128xf32, #tpu.memory_space<vmem>>[vector<16xi32>, vector<16xi32>], vector<16xf32>,
      %add3A_1018 = arith.constant 0 : i32
      %add3A_1019 = vector.broadcast %add3A_1018 : i32 to vector<16xi32>
      %add3A_1020 = arith.addi %mul3A_1013, %add3A_1019 : vector<16xi32>
      tpu.vector_store_idx %arg8[%shift_right_logical3A_1007, %add3A_1020], %gather3A_1017 : memref<16x128xf32, #tpu.memory_space<vmem>>[vector<16xi32>, vector<16xi32>], vector<16xf32>,
      %add3A_1021 = arith.constant 1 : i32
      %add3A_1022 = vector.broadcast %add3A_1021 : i32 to vector<16xi32>
      %add3A_1023 = arith.addi %mul3A_1004, %add3A_1022 : vector<16xi32>
      %gather3A_1024 = tpu.vector_load_idx %arg7[%add3A_998, %add3A_1023] : memref<128x128xf32, #tpu.memory_space<vmem>>[vector<16xi32>, vector<16xi32>], vector<16xf32>,
      %add3A_1025 = arith.constant 1 : i32
      %add3A_1026 = vector.broadcast %add3A_1025 : i32 to vector<16xi32>
      %add3A_1027 = arith.addi %mul3A_1013, %add3A_1026 : vector<16xi32>
      tpu.vector_store_idx %arg8[%shift_right_logical3A_1007, %add3A_1027], %gather3A_1024 : memref<16x128xf32, #tpu.memory_space<vmem>>[vector<16xi32>, vector<16xi32>], vector<16xf32>,
      %add3A_1028 = arith.constant 2 : i32
      %add3A_1029 = vector.broadcast %add3A_1028 : i32 to vector<16xi32>
      %add3A_1030 = arith.addi %mul3A_1004, %add3A_1029 : vector<16xi32>
      %gather3A_1031 = tpu.vector_load_idx %arg7[%add3A_998, %add3A_1030] : memref<128x128xf32, #tpu.memory_space<vmem>>[vector<16xi32>, vector<16xi32>], vector<16xf32>,
      %add3A_1032 = arith.constant 2 : i32
      %add3A_1033 = vector.broadcast %add3A_1032 : i32 to vector<16xi32>
      %add3A_1034 = arith.addi %mul3A_1013, %add3A_1033 : vector<16xi32>
      tpu.vector_store_idx %arg8[%shift_right_logical3A_1007, %add3A_1034], %gather3A_1031 : memref<16x128xf32, #tpu.memory_space<vmem>>[vector<16xi32>, vector<16xi32>], vector<16xf32>,
      %add3A_1035 = arith.constant 3 : i32
      %add3A_1036 = vector.broadcast %add3A_1035 : i32 to vector<16xi32>
      %add3A_1037 = arith.addi %mul3A_1004, %add3A_1036 : vector<16xi32>
      %gather3A_1038 = tpu.vector_load_idx %arg7[%add3A_998, %add3A_1037] : memref<128x128xf32, #tpu.memory_space<vmem>>[vector<16xi32>, vector<16xi32>], vector<16xf32>,
      %add3A_1039 = arith.constant 3 : i32
      %add3A_1040 = vector.broadcast %add3A_1039 : i32 to vector<16xi32>
      %add3A_1041 = arith.addi %mul3A_1013, %add3A_1040 : vector<16xi32>
      tpu.vector_store_idx %arg8[%shift_right_logical3A_1007, %add3A_1041], %gather3A_1038 : memref<16x128xf32, #tpu.memory_space<vmem>>[vector<16xi32>, vector<16xi32>], vector<16xf32>,
      %add3A_1042 = arith.constant 4 : i32
      %add3A_1043 = vector.broadcast %add3A_1042 : i32 to vector<16xi32>
      %add3A_1044 = arith.addi %mul3A_1004, %add3A_1043 : vector<16xi32>
      %gather3A_1045 = tpu.vector_load_idx %arg7[%add3A_998, %add3A_1044] : memref<128x128xf32, #tpu.memory_space<vmem>>[vector<16xi32>, vector<16xi32>], vector<16xf32>,
      %add3A_1046 = arith.constant 4 : i32
      %add3A_1047 = vector.broadcast %add3A_1046 : i32 to vector<16xi32>
      %add3A_1048 = arith.addi %mul3A_1013, %add3A_1047 : vector<16xi32>
      tpu.vector_store_idx %arg8[%shift_right_logical3A_1007, %add3A_1048], %gather3A_1045 : memref<16x128xf32, #tpu.memory_space<vmem>>[vector<16xi32>, vector<16xi32>], vector<16xf32>,
      %add3A_1049 = arith.constant 5 : i32
      %add3A_1050 = vector.broadcast %add3A_1049 : i32 to vector<16xi32>
      %add3A_1051 = arith.addi %mul3A_1004, %add3A_1050 : vector<16xi32>
      %gather3A_1052 = tpu.vector_load_idx %arg7[%add3A_998, %add3A_1051] : memref<128x128xf32, #tpu.memory_space<vmem>>[vector<16xi32>, vector<16xi32>], vector<16xf32>,
      %add3A_1053 = arith.constant 5 : i32
      %add3A_1054 = vector.broadcast %add3A_1053 : i32 to vector<16xi32>
      %add3A_1055 = arith.addi %mul3A_1013, %add3A_1054 : vector<16xi32>
      tpu.vector_store_idx %arg8[%shift_right_logical3A_1007, %add3A_1055], %gather3A_1052 : memref<16x128xf32, #tpu.memory_space<vmem>>[vector<16xi32>, vector<16xi32>], vector<16xf32>,
      %add3A_1056 = arith.constant 6 : i32
      %add3A_1057 = vector.broadcast %add3A_1056 : i32 to vector<16xi32>
      %add3A_1058 = arith.addi %mul3A_1004, %add3A_1057 : vector<16xi32>
      %gather3A_1059 = tpu.vector_load_idx %arg7[%add3A_998, %add3A_1058] : memref<128x128xf32, #tpu.memory_space<vmem>>[vector<16xi32>, vector<16xi32>], vector<16xf32>,
      %add3A_1060 = arith.constant 6 : i32
      %add3A_1061 = vector.broadcast %add3A_1060 : i32 to vector<16xi32>
      %add3A_1062 = arith.addi %mul3A_1013, %add3A_1061 : vector<16xi32>
      tpu.vector_store_idx %arg8[%shift_right_logical3A_1007, %add3A_1062], %gather3A_1059 : memref<16x128xf32, #tpu.memory_space<vmem>>[vector<16xi32>, vector<16xi32>], vector<16xf32>,
      %add3A_1063 = arith.constant 7 : i32
      %add3A_1064 = vector.broadcast %add3A_1063 : i32 to vector<16xi32>
      %add3A_1065 = arith.addi %mul3A_1004, %add3A_1064 : vector<16xi32>
      %gather3A_1066 = tpu.vector_load_idx %arg7[%add3A_998, %add3A_1065] : memref<128x128xf32, #tpu.memory_space<vmem>>[vector<16xi32>, vector<16xi32>], vector<16xf32>,
      %add3A_1067 = arith.constant 7 : i32
      %add3A_1068 = vector.broadcast %add3A_1067 : i32 to vector<16xi32>
      %add3A_1069 = arith.addi %mul3A_1013, %add3A_1068 : vector<16xi32>
      tpu.vector_store_idx %arg8[%shift_right_logical3A_1007, %add3A_1069], %gather3A_1066 : memref<16x128xf32, #tpu.memory_space<vmem>>[vector<16xi32>, vector<16xi32>], vector<16xf32>,
      %add3A_1070 = arith.constant 8 : i32
      %add3A_1071 = vector.broadcast %add3A_1070 : i32 to vector<16xi32>
      %add3A_1072 = arith.addi %mul3A_1004, %add3A_1071 : vector<16xi32>
      %gather3A_1073 = tpu.vector_load_idx %arg7[%add3A_998, %add3A_1072] : memref<128x128xf32, #tpu.memory_space<vmem>>[vector<16xi32>, vector<16xi32>], vector<16xf32>,
      %add3A_1074 = arith.constant 8 : i32
      %add3A_1075 = vector.broadcast %add3A_1074 : i32 to vector<16xi32>
      %add3A_1076 = arith.addi %mul3A_1013, %add3A_1075 : vector<16xi32>
      tpu.vector_store_idx %arg8[%shift_right_logical3A_1007, %add3A_1076], %gather3A_1073 : memref<16x128xf32, #tpu.memory_space<vmem>>[vector<16xi32>, vector<16xi32>], vector<16xf32>,
      %add3A_1077 = arith.constant 9 : i32
      %add3A_1078 = vector.broadcast %add3A_1077 : i32 to vector<16xi32>
      %add3A_1079 = arith.addi %mul3A_1004, %add3A_1078 : vector<16xi32>
      %gather3A_1080 = tpu.vector_load_idx %arg7[%add3A_998, %add3A_1079] : memref<128x128xf32, #tpu.memory_space<vmem>>[vector<16xi32>, vector<16xi32>], vector<16xf32>,
      %add3A_1081 = arith.constant 9 : i32
      %add3A_1082 = vector.broadcast %add3A_1081 : i32 to vector<16xi32>
      %add3A_1083 = arith.addi %mul3A_1013, %add3A_1082 : vector<16xi32>
      tpu.vector_store_idx %arg8[%shift_right_logical3A_1007, %add3A_1083], %gather3A_1080 : memref<16x128xf32, #tpu.memory_space<vmem>>[vector<16xi32>, vector<16xi32>], vector<16xf32>,
      %add3A_1084 = arith.constant 10 : i32
      %add3A_1085 = vector.broadcast %add3A_1084 : i32 to vector<16xi32>
      %add3A_1086 = arith.addi %mul3A_1004, %add3A_1085 : vector<16xi32>
      %gather3A_1087 = tpu.vector_load_idx %arg7[%add3A_998, %add3A_1086] : memref<128x128xf32, #tpu.memory_space<vmem>>[vector<16xi32>, vector<16xi32>], vector<16xf32>,
      %add3A_1088 = arith.constant 10 : i32
      %add3A_1089 = vector.broadcast %add3A_1088 : i32 to vector<16xi32>
      %add3A_1090 = arith.addi %mul3A_1013, %add3A_1089 : vector<16xi32>
      tpu.vector_store_idx %arg8[%shift_right_logical3A_1007, %add3A_1090], %gather3A_1087 : memref<16x128xf32, #tpu.memory_space<vmem>>[vector<16xi32>, vector<16xi32>], vector<16xf32>,
      %add3A_1091 = arith.constant 11 : i32
      %add3A_1092 = vector.broadcast %add3A_1091 : i32 to vector<16xi32>
      %add3A_1093 = arith.addi %mul3A_1004, %add3A_1092 : vector<16xi32>
      %gather3A_1094 = tpu.vector_load_idx %arg7[%add3A_998, %add3A_1093] : memref<128x128xf32, #tpu.memory_space<vmem>>[vector<16xi32>, vector<16xi32>], vector<16xf32>,
      %add3A_1095 = arith.constant 11 : i32
      %add3A_1096 = vector.broadcast %add3A_1095 : i32 to vector<16xi32>
      %add3A_1097 = arith.addi %mul3A_1013, %add3A_1096 : vector<16xi32>
      tpu.vector_store_idx %arg8[%shift_right_logical3A_1007, %add3A_1097], %gather3A_1094 : memref<16x128xf32, #tpu.memory_space<vmem>>[vector<16xi32>, vector<16xi32>], vector<16xf32>,
      %add3A_1098 = arith.constant 12 : i32
      %add3A_1099 = vector.broadcast %add3A_1098 : i32 to vector<16xi32>
      %add3A_1100 = arith.addi %mul3A_1004, %add3A_1099 : vector<16xi32>
      %gather3A_1101 = tpu.vector_load_idx %arg7[%add3A_998, %add3A_1100] : memref<128x128xf32, #tpu.memory_space<vmem>>[vector<16xi32>, vector<16xi32>], vector<16xf32>,
      %add3A_1102 = arith.constant 12 : i32
      %add3A_1103 = vector.broadcast %add3A_1102 : i32 to vector<16xi32>
      %add3A_1104 = arith.addi %mul3A_1013, %add3A_1103 : vector<16xi32>
      tpu.vector_store_idx %arg8[%shift_right_logical3A_1007, %add3A_1104], %gather3A_1101 : memref<16x128xf32, #tpu.memory_space<vmem>>[vector<16xi32>, vector<16xi32>], vector<16xf32>,
      %add3A_1105 = arith.constant 13 : i32
      %add3A_1106 = vector.broadcast %add3A_1105 : i32 to vector<16xi32>
      %add3A_1107 = arith.addi %mul3A_1004, %add3A_1106 : vector<16xi32>
      %gather3A_1108 = tpu.vector_load_idx %arg7[%add3A_998, %add3A_1107] : memref<128x128xf32, #tpu.memory_space<vmem>>[vector<16xi32>, vector<16xi32>], vector<16xf32>,
      %add3A_1109 = arith.constant 13 : i32
      %add3A_1110 = vector.broadcast %add3A_1109 : i32 to vector<16xi32>
      %add3A_1111 = arith.addi %mul3A_1013, %add3A_1110 : vector<16xi32>
      tpu.vector_store_idx %arg8[%shift_right_logical3A_1007, %add3A_1111], %gather3A_1108 : memref<16x128xf32, #tpu.memory_space<vmem>>[vector<16xi32>, vector<16xi32>], vector<16xf32>,
      %add3A_1112 = arith.constant 14 : i32
      %add3A_1113 = vector.broadcast %add3A_1112 : i32 to vector<16xi32>
      %add3A_1114 = arith.addi %mul3A_1004, %add3A_1113 : vector<16xi32>
      %gather3A_1115 = tpu.vector_load_idx %arg7[%add3A_998, %add3A_1114] : memref<128x128xf32, #tpu.memory_space<vmem>>[vector<16xi32>, vector<16xi32>], vector<16xf32>,
      %add3A_1116 = arith.constant 14 : i32
      %add3A_1117 = vector.broadcast %add3A_1116 : i32 to vector<16xi32>
      %add3A_1118 = arith.addi %mul3A_1013, %add3A_1117 : vector<16xi32>
      tpu.vector_store_idx %arg8[%shift_right_logical3A_1007, %add3A_1118], %gather3A_1115 : memref<16x128xf32, #tpu.memory_space<vmem>>[vector<16xi32>, vector<16xi32>], vector<16xf32>,
      %add3A_1119 = arith.constant 15 : i32
      %add3A_1120 = vector.broadcast %add3A_1119 : i32 to vector<16xi32>
      %add3A_1121 = arith.addi %mul3A_1004, %add3A_1120 : vector<16xi32>
      %gather3A_1122 = tpu.vector_load_idx %arg7[%add3A_998, %add3A_1121] : memref<128x128xf32, #tpu.memory_space<vmem>>[vector<16xi32>, vector<16xi32>], vector<16xf32>,
      %add3A_1123 = arith.constant 15 : i32
      %add3A_1124 = vector.broadcast %add3A_1123 : i32 to vector<16xi32>
      %add3A_1125 = arith.addi %mul3A_1013, %add3A_1124 : vector<16xi32>
      tpu.vector_store_idx %arg8[%shift_right_logical3A_1007, %add3A_1125], %gather3A_1122 : memref<16x128xf32, #tpu.memory_space<vmem>>[vector<16xi32>, vector<16xi32>], vector<16xf32>,
      %jit3A = arith.constant 8 : i32
      %div3A = arith.divsi %add3A_14, %jit3A : i32
      %sign3A = arith.constant 0 : i32
      %sign3A_1126 = arith.cmpi sgt, %add3A_14, %sign3A : i32
      %sign3A_1127 = arith.extui %sign3A_1126 : i1 to i32
      %sign3A_1128 = arith.constant 0 : i32
      %sign3A_1129 = arith.cmpi slt, %add3A_14, %sign3A_1128 : i32
      %sign3A_1130 = arith.extui %sign3A_1129 : i1 to i32
      %sign3A_1131 = arith.subi %sign3A_1127, %sign3A_1130 : i32
      %sign3A_1132 = arith.constant 0 : i32
      %sign3A_1133 = arith.cmpi sgt, %jit3A, %sign3A_1132 : i32
      %sign3A_1134 = arith.extui %sign3A_1133 : i1 to i32
      %sign3A_1135 = arith.constant 0 : i32
      %sign3A_1136 = arith.cmpi slt, %jit3A, %sign3A_1135 : i32
      %sign3A_1137 = arith.extui %sign3A_1136 : i1 to i32
      %sign3A_1138 = arith.subi %sign3A_1134, %sign3A_1137 : i32
      %ne3A = arith.cmpi ne, %sign3A_1131, %sign3A_1138 : i32
      %rem3A = arith.remsi %add3A_14, %jit3A : i32
      %ne3A_1139 = arith.constant 0 : i32
      %ne3A_1140 = arith.cmpi ne, %rem3A, %ne3A_1139 : i32
      %and3A_1141 = arith.andi %ne3A, %ne3A_1140 : i1
      %sub3A = arith.constant 1 : i32
      %sub3A_1142 = arith.subi %div3A, %sub3A : i32
      %select_n3A = arith.select %and3A_1141, %sub3A_1142, %div3A : i32
      %multiple_of3A = tpu.assume_multiple %select_n3A, 16 : i32
      "tpu.region"() ({
        %run_scoped3A = tpu.sem_alloc : memref<!tpu.dma_semaphore, #tpu.memory_space<semaphore_mem>>
        %dma_start3A_1143 = arith.constant 0 : i32
        %dma_start3A_1144 = tpu.memref_slice %arg4[%multiple_of3A, %dma_start3A_1143] : memref<7168x128xf32, #tpu.memory_space<hbm>> -> memref<16x128xf32, #tpu.memory_space<hbm>>
        %dma_start3A_1145 = arith.constant 0 : i32
        %dma_start3A_1146 = tpu.memref_slice %arg4[%multiple_of3A, %dma_start3A_1145] : memref<7168x128xf32, #tpu.memory_space<hbm>> -> memref<16x128xf32, #tpu.memory_space<hbm>>
        tpu.enqueue_dma source(%arg8 : memref<16x128xf32, #tpu.memory_space<vmem>>) target(%dma_start3A_1146 : memref<16x128xf32, #tpu.memory_space<hbm>>) target_semaphore(%run_scoped3A : memref<!tpu.dma_semaphore, #tpu.memory_space<semaphore_mem>>)
        %dma_wait3A_1147 = arith.constant 0 : i32
        %dma_wait3A_1148 = tpu.memref_slice %arg4[%multiple_of3A, %dma_wait3A_1147] : memref<7168x128xf32, #tpu.memory_space<hbm>> -> memref<16x128xf32, #tpu.memory_space<hbm>>
        %dma_wait3A_1149 = arith.constant 0 : i32
        %dma_wait3A_1150 = tpu.memref_slice %arg4[%multiple_of3A, %dma_wait3A_1149] : memref<7168x128xf32, #tpu.memory_space<hbm>> -> memref<16x128xf32, #tpu.memory_space<hbm>>
        tpu.wait_dma2 semaphore(%run_scoped3A : memref<!tpu.dma_semaphore, #tpu.memory_space<semaphore_mem>>) src(%arg8 : memref<16x128xf32, #tpu.memory_space<vmem>>) dst(%dma_wait3A_1150 : memref<16x128xf32, #tpu.memory_space<hbm>>)
        tpu.yield
      }) : () -> ()
    }
    %scan3A_6 = arith.constant 14 : i32
    return
  }
}

#map = affine_map<(d0, d1) -> (0, 0)>
#map1 = affine_map<(d0, d1) -> (0)>
module attributes {stable_mosaic.version = 14 : i64} {
  func.func @_gather_body(%arg0: i32, %arg1: i32, %arg2: memref<802816x128xf32, #tpu.memory_space<hbm>>, %arg3: memref<57344xi32, #tpu.memory_space<hbm>>, %arg4: memref<57344x128xf32, #tpu.memory_space<hbm>>, %arg5: memref<128xi32, #tpu.memory_space<vmem>>, %arg6: memref<128x128xf32, #tpu.memory_space<vmem>>, %arg7: memref<!tpu.dma_semaphore, #tpu.memory_space<semaphore_mem>>) attributes {dimension_semantics = [#tpu.dimension_semantics<core_parallel>, #tpu.dimension_semantics<subcore_parallel>], iteration_bounds = array<i64: 2, 16>, scalar_prefetch = 0 : i64, scratch_operands = 3 : i64, tpu.core_type = #tpu.core_type<sc_vector_subcore>, window_params = [{transform_indices = #map}, {transform_indices = #map1}, {transform_indices = #map}]} {
    %mul3A = arith.constant 2 : i32
    %mul3A_0 = arith.muli %arg1, %mul3A : i32
    %add3A = arith.addi %mul3A_0, %arg0 : i32
    %mul3A_1 = arith.constant 1792 : i32
    %mul3A_2 = arith.muli %add3A, %mul3A_1 : i32
    %add3A_3 = arith.constant 0 : i32
    %add3A_4 = arith.addi %mul3A_2, %add3A_3 : i32
    "tpu.region"() ({
      %run_scoped3A = tpu.sem_alloc : memref<!tpu.dma_semaphore, #tpu.memory_space<semaphore_mem>>
      %dma_start3A_113 = tpu.memref_slice %arg3[%add3A_4] : memref<57344xi32, #tpu.memory_space<hbm>> -> memref<128xi32, #tpu.memory_space<hbm>>
      %dma_start3A_114 = tpu.memref_slice %arg3[%add3A_4] : memref<57344xi32, #tpu.memory_space<hbm>> -> memref<128xi32, #tpu.memory_space<hbm>>
      tpu.enqueue_dma source(%dma_start3A_114 : memref<128xi32, #tpu.memory_space<hbm>>) target(%arg5 : memref<128xi32, #tpu.memory_space<vmem>>) target_semaphore(%run_scoped3A : memref<!tpu.dma_semaphore, #tpu.memory_space<semaphore_mem>>)
      %dma_wait3A_115 = tpu.memref_slice %arg3[%add3A_4] : memref<57344xi32, #tpu.memory_space<hbm>> -> memref<128xi32, #tpu.memory_space<hbm>>
      %dma_wait3A_116 = tpu.memref_slice %arg3[%add3A_4] : memref<57344xi32, #tpu.memory_space<hbm>> -> memref<128xi32, #tpu.memory_space<hbm>>
      tpu.wait_dma2 semaphore(%run_scoped3A : memref<!tpu.dma_semaphore, #tpu.memory_space<semaphore_mem>>) src(%dma_wait3A_116 : memref<128xi32, #tpu.memory_space<hbm>>) dst(%arg5 : memref<128xi32, #tpu.memory_space<vmem>>)
      tpu.yield
    }) : () -> ()
    %dma_start3A = arith.constant 0 : i32
    %dma_start3A_5 = arith.constant 0 : i32
    %dma_start3A_6 = tpu.memref_slice %arg2[%dma_start3A, %dma_start3A_5] : memref<802816x128xf32, #tpu.memory_space<hbm>> -> memref<802816x128xf32, #tpu.memory_space<hbm>>
    tpu.enqueue_indirect_dma source(%dma_start3A_6 : memref<802816x128xf32, #tpu.memory_space<hbm>>) target(%arg6 : memref<128x128xf32, #tpu.memory_space<vmem>>) offsets(%arg5 : memref<128xi32, #tpu.memory_space<vmem>>) semaphore(%arg7 : memref<!tpu.dma_semaphore, #tpu.memory_space<semaphore_mem>>)
    %dma_wait3A = arith.constant 0 : i32
    %dma_wait3A_7 = arith.constant 0 : i32
    %dma_wait3A_8 = tpu.memref_slice %arg2[%dma_wait3A, %dma_wait3A_7] : memref<802816x128xf32, #tpu.memory_space<hbm>> -> memref<802816x128xf32, #tpu.memory_space<hbm>>
    tpu.wait_indirect_dma semaphore(%arg7 : memref<!tpu.dma_semaphore, #tpu.memory_space<semaphore_mem>>) src(%dma_wait3A_8 : memref<802816x128xf32, #tpu.memory_space<hbm>>) dst(%arg6 : memref<128x128xf32, #tpu.memory_space<vmem>>)
    "tpu.region"() ({
      %run_scoped3A = tpu.sem_alloc : memref<!tpu.dma_semaphore, #tpu.memory_space<semaphore_mem>>
      %dma_start3A_113 = arith.constant 0 : i32
      %dma_start3A_114 = tpu.memref_slice %arg4[%add3A_4, %dma_start3A_113] : memref<57344x128xf32, #tpu.memory_space<hbm>> -> memref<128x128xf32, #tpu.memory_space<hbm>>
      %dma_start3A_115 = arith.constant 0 : i32
      %dma_start3A_116 = tpu.memref_slice %arg4[%add3A_4, %dma_start3A_115] : memref<57344x128xf32, #tpu.memory_space<hbm>> -> memref<128x128xf32, #tpu.memory_space<hbm>>
      tpu.enqueue_dma source(%arg6 : memref<128x128xf32, #tpu.memory_space<vmem>>) target(%dma_start3A_116 : memref<128x128xf32, #tpu.memory_space<hbm>>) target_semaphore(%run_scoped3A : memref<!tpu.dma_semaphore, #tpu.memory_space<semaphore_mem>>)
      %dma_wait3A_117 = arith.constant 0 : i32
      %dma_wait3A_118 = tpu.memref_slice %arg4[%add3A_4, %dma_wait3A_117] : memref<57344x128xf32, #tpu.memory_space<hbm>> -> memref<128x128xf32, #tpu.memory_space<hbm>>
      %dma_wait3A_119 = arith.constant 0 : i32
      %dma_wait3A_120 = tpu.memref_slice %arg4[%add3A_4, %dma_wait3A_119] : memref<57344x128xf32, #tpu.memory_space<hbm>> -> memref<128x128xf32, #tpu.memory_space<hbm>>
      tpu.wait_dma2 semaphore(%run_scoped3A : memref<!tpu.dma_semaphore, #tpu.memory_space<semaphore_mem>>) src(%arg6 : memref<128x128xf32, #tpu.memory_space<vmem>>) dst(%dma_wait3A_120 : memref<128x128xf32, #tpu.memory_space<hbm>>)
      tpu.yield
    }) : () -> ()
    %add3A_9 = arith.constant 128 : i32
    %add3A_10 = arith.addi %mul3A_2, %add3A_9 : i32
    "tpu.region"() ({
      %run_scoped3A = tpu.sem_alloc : memref<!tpu.dma_semaphore, #tpu.memory_space<semaphore_mem>>
      %dma_start3A_113 = tpu.memref_slice %arg3[%add3A_10] : memref<57344xi32, #tpu.memory_space<hbm>> -> memref<128xi32, #tpu.memory_space<hbm>>
      %dma_start3A_114 = tpu.memref_slice %arg3[%add3A_10] : memref<57344xi32, #tpu.memory_space<hbm>> -> memref<128xi32, #tpu.memory_space<hbm>>
      tpu.enqueue_dma source(%dma_start3A_114 : memref<128xi32, #tpu.memory_space<hbm>>) target(%arg5 : memref<128xi32, #tpu.memory_space<vmem>>) target_semaphore(%run_scoped3A : memref<!tpu.dma_semaphore, #tpu.memory_space<semaphore_mem>>)
      %dma_wait3A_115 = tpu.memref_slice %arg3[%add3A_10] : memref<57344xi32, #tpu.memory_space<hbm>> -> memref<128xi32, #tpu.memory_space<hbm>>
      %dma_wait3A_116 = tpu.memref_slice %arg3[%add3A_10] : memref<57344xi32, #tpu.memory_space<hbm>> -> memref<128xi32, #tpu.memory_space<hbm>>
      tpu.wait_dma2 semaphore(%run_scoped3A : memref<!tpu.dma_semaphore, #tpu.memory_space<semaphore_mem>>) src(%dma_wait3A_116 : memref<128xi32, #tpu.memory_space<hbm>>) dst(%arg5 : memref<128xi32, #tpu.memory_space<vmem>>)
      tpu.yield
    }) : () -> ()
    %dma_start3A_11 = arith.constant 0 : i32
    %dma_start3A_12 = arith.constant 0 : i32
    %dma_start3A_13 = tpu.memref_slice %arg2[%dma_start3A_11, %dma_start3A_12] : memref<802816x128xf32, #tpu.memory_space<hbm>> -> memref<802816x128xf32, #tpu.memory_space<hbm>>
    tpu.enqueue_indirect_dma source(%dma_start3A_13 : memref<802816x128xf32, #tpu.memory_space<hbm>>) target(%arg6 : memref<128x128xf32, #tpu.memory_space<vmem>>) offsets(%arg5 : memref<128xi32, #tpu.memory_space<vmem>>) semaphore(%arg7 : memref<!tpu.dma_semaphore, #tpu.memory_space<semaphore_mem>>)
    %dma_wait3A_14 = arith.constant 0 : i32
    %dma_wait3A_15 = arith.constant 0 : i32
    %dma_wait3A_16 = tpu.memref_slice %arg2[%dma_wait3A_14, %dma_wait3A_15] : memref<802816x128xf32, #tpu.memory_space<hbm>> -> memref<802816x128xf32, #tpu.memory_space<hbm>>
    tpu.wait_indirect_dma semaphore(%arg7 : memref<!tpu.dma_semaphore, #tpu.memory_space<semaphore_mem>>) src(%dma_wait3A_16 : memref<802816x128xf32, #tpu.memory_space<hbm>>) dst(%arg6 : memref<128x128xf32, #tpu.memory_space<vmem>>)
    "tpu.region"() ({
      %run_scoped3A = tpu.sem_alloc : memref<!tpu.dma_semaphore, #tpu.memory_space<semaphore_mem>>
      %dma_start3A_113 = arith.constant 0 : i32
      %dma_start3A_114 = tpu.memref_slice %arg4[%add3A_10, %dma_start3A_113] : memref<57344x128xf32, #tpu.memory_space<hbm>> -> memref<128x128xf32, #tpu.memory_space<hbm>>
      %dma_start3A_115 = arith.constant 0 : i32
      %dma_start3A_116 = tpu.memref_slice %arg4[%add3A_10, %dma_start3A_115] : memref<57344x128xf32, #tpu.memory_space<hbm>> -> memref<128x128xf32, #tpu.memory_space<hbm>>
      tpu.enqueue_dma source(%arg6 : memref<128x128xf32, #tpu.memory_space<vmem>>) target(%dma_start3A_116 : memref<128x128xf32, #tpu.memory_space<hbm>>) target_semaphore(%run_scoped3A : memref<!tpu.dma_semaphore, #tpu.memory_space<semaphore_mem>>)
      %dma_wait3A_117 = arith.constant 0 : i32
      %dma_wait3A_118 = tpu.memref_slice %arg4[%add3A_10, %dma_wait3A_117] : memref<57344x128xf32, #tpu.memory_space<hbm>> -> memref<128x128xf32, #tpu.memory_space<hbm>>
      %dma_wait3A_119 = arith.constant 0 : i32
      %dma_wait3A_120 = tpu.memref_slice %arg4[%add3A_10, %dma_wait3A_119] : memref<57344x128xf32, #tpu.memory_space<hbm>> -> memref<128x128xf32, #tpu.memory_space<hbm>>
      tpu.wait_dma2 semaphore(%run_scoped3A : memref<!tpu.dma_semaphore, #tpu.memory_space<semaphore_mem>>) src(%arg6 : memref<128x128xf32, #tpu.memory_space<vmem>>) dst(%dma_wait3A_120 : memref<128x128xf32, #tpu.memory_space<hbm>>)
      tpu.yield
    }) : () -> ()
    %add3A_17 = arith.constant 256 : i32
    %add3A_18 = arith.addi %mul3A_2, %add3A_17 : i32
    "tpu.region"() ({
      %run_scoped3A = tpu.sem_alloc : memref<!tpu.dma_semaphore, #tpu.memory_space<semaphore_mem>>
      %dma_start3A_113 = tpu.memref_slice %arg3[%add3A_18] : memref<57344xi32, #tpu.memory_space<hbm>> -> memref<128xi32, #tpu.memory_space<hbm>>
      %dma_start3A_114 = tpu.memref_slice %arg3[%add3A_18] : memref<57344xi32, #tpu.memory_space<hbm>> -> memref<128xi32, #tpu.memory_space<hbm>>
      tpu.enqueue_dma source(%dma_start3A_114 : memref<128xi32, #tpu.memory_space<hbm>>) target(%arg5 : memref<128xi32, #tpu.memory_space<vmem>>) target_semaphore(%run_scoped3A : memref<!tpu.dma_semaphore, #tpu.memory_space<semaphore_mem>>)
      %dma_wait3A_115 = tpu.memref_slice %arg3[%add3A_18] : memref<57344xi32, #tpu.memory_space<hbm>> -> memref<128xi32, #tpu.memory_space<hbm>>
      %dma_wait3A_116 = tpu.memref_slice %arg3[%add3A_18] : memref<57344xi32, #tpu.memory_space<hbm>> -> memref<128xi32, #tpu.memory_space<hbm>>
      tpu.wait_dma2 semaphore(%run_scoped3A : memref<!tpu.dma_semaphore, #tpu.memory_space<semaphore_mem>>) src(%dma_wait3A_116 : memref<128xi32, #tpu.memory_space<hbm>>) dst(%arg5 : memref<128xi32, #tpu.memory_space<vmem>>)
      tpu.yield
    }) : () -> ()
    %dma_start3A_19 = arith.constant 0 : i32
    %dma_start3A_20 = arith.constant 0 : i32
    %dma_start3A_21 = tpu.memref_slice %arg2[%dma_start3A_19, %dma_start3A_20] : memref<802816x128xf32, #tpu.memory_space<hbm>> -> memref<802816x128xf32, #tpu.memory_space<hbm>>
    tpu.enqueue_indirect_dma source(%dma_start3A_21 : memref<802816x128xf32, #tpu.memory_space<hbm>>) target(%arg6 : memref<128x128xf32, #tpu.memory_space<vmem>>) offsets(%arg5 : memref<128xi32, #tpu.memory_space<vmem>>) semaphore(%arg7 : memref<!tpu.dma_semaphore, #tpu.memory_space<semaphore_mem>>)
    %dma_wait3A_22 = arith.constant 0 : i32
    %dma_wait3A_23 = arith.constant 0 : i32
    %dma_wait3A_24 = tpu.memref_slice %arg2[%dma_wait3A_22, %dma_wait3A_23] : memref<802816x128xf32, #tpu.memory_space<hbm>> -> memref<802816x128xf32, #tpu.memory_space<hbm>>
    tpu.wait_indirect_dma semaphore(%arg7 : memref<!tpu.dma_semaphore, #tpu.memory_space<semaphore_mem>>) src(%dma_wait3A_24 : memref<802816x128xf32, #tpu.memory_space<hbm>>) dst(%arg6 : memref<128x128xf32, #tpu.memory_space<vmem>>)
    "tpu.region"() ({
      %run_scoped3A = tpu.sem_alloc : memref<!tpu.dma_semaphore, #tpu.memory_space<semaphore_mem>>
      %dma_start3A_113 = arith.constant 0 : i32
      %dma_start3A_114 = tpu.memref_slice %arg4[%add3A_18, %dma_start3A_113] : memref<57344x128xf32, #tpu.memory_space<hbm>> -> memref<128x128xf32, #tpu.memory_space<hbm>>
      %dma_start3A_115 = arith.constant 0 : i32
      %dma_start3A_116 = tpu.memref_slice %arg4[%add3A_18, %dma_start3A_115] : memref<57344x128xf32, #tpu.memory_space<hbm>> -> memref<128x128xf32, #tpu.memory_space<hbm>>
      tpu.enqueue_dma source(%arg6 : memref<128x128xf32, #tpu.memory_space<vmem>>) target(%dma_start3A_116 : memref<128x128xf32, #tpu.memory_space<hbm>>) target_semaphore(%run_scoped3A : memref<!tpu.dma_semaphore, #tpu.memory_space<semaphore_mem>>)
      %dma_wait3A_117 = arith.constant 0 : i32
      %dma_wait3A_118 = tpu.memref_slice %arg4[%add3A_18, %dma_wait3A_117] : memref<57344x128xf32, #tpu.memory_space<hbm>> -> memref<128x128xf32, #tpu.memory_space<hbm>>
      %dma_wait3A_119 = arith.constant 0 : i32
      %dma_wait3A_120 = tpu.memref_slice %arg4[%add3A_18, %dma_wait3A_119] : memref<57344x128xf32, #tpu.memory_space<hbm>> -> memref<128x128xf32, #tpu.memory_space<hbm>>
      tpu.wait_dma2 semaphore(%run_scoped3A : memref<!tpu.dma_semaphore, #tpu.memory_space<semaphore_mem>>) src(%arg6 : memref<128x128xf32, #tpu.memory_space<vmem>>) dst(%dma_wait3A_120 : memref<128x128xf32, #tpu.memory_space<hbm>>)
      tpu.yield
    }) : () -> ()
    %add3A_25 = arith.constant 384 : i32
    %add3A_26 = arith.addi %mul3A_2, %add3A_25 : i32
    "tpu.region"() ({
      %run_scoped3A = tpu.sem_alloc : memref<!tpu.dma_semaphore, #tpu.memory_space<semaphore_mem>>
      %dma_start3A_113 = tpu.memref_slice %arg3[%add3A_26] : memref<57344xi32, #tpu.memory_space<hbm>> -> memref<128xi32, #tpu.memory_space<hbm>>
      %dma_start3A_114 = tpu.memref_slice %arg3[%add3A_26] : memref<57344xi32, #tpu.memory_space<hbm>> -> memref<128xi32, #tpu.memory_space<hbm>>
      tpu.enqueue_dma source(%dma_start3A_114 : memref<128xi32, #tpu.memory_space<hbm>>) target(%arg5 : memref<128xi32, #tpu.memory_space<vmem>>) target_semaphore(%run_scoped3A : memref<!tpu.dma_semaphore, #tpu.memory_space<semaphore_mem>>)
      %dma_wait3A_115 = tpu.memref_slice %arg3[%add3A_26] : memref<57344xi32, #tpu.memory_space<hbm>> -> memref<128xi32, #tpu.memory_space<hbm>>
      %dma_wait3A_116 = tpu.memref_slice %arg3[%add3A_26] : memref<57344xi32, #tpu.memory_space<hbm>> -> memref<128xi32, #tpu.memory_space<hbm>>
      tpu.wait_dma2 semaphore(%run_scoped3A : memref<!tpu.dma_semaphore, #tpu.memory_space<semaphore_mem>>) src(%dma_wait3A_116 : memref<128xi32, #tpu.memory_space<hbm>>) dst(%arg5 : memref<128xi32, #tpu.memory_space<vmem>>)
      tpu.yield
    }) : () -> ()
    %dma_start3A_27 = arith.constant 0 : i32
    %dma_start3A_28 = arith.constant 0 : i32
    %dma_start3A_29 = tpu.memref_slice %arg2[%dma_start3A_27, %dma_start3A_28] : memref<802816x128xf32, #tpu.memory_space<hbm>> -> memref<802816x128xf32, #tpu.memory_space<hbm>>
    tpu.enqueue_indirect_dma source(%dma_start3A_29 : memref<802816x128xf32, #tpu.memory_space<hbm>>) target(%arg6 : memref<128x128xf32, #tpu.memory_space<vmem>>) offsets(%arg5 : memref<128xi32, #tpu.memory_space<vmem>>) semaphore(%arg7 : memref<!tpu.dma_semaphore, #tpu.memory_space<semaphore_mem>>)
    %dma_wait3A_30 = arith.constant 0 : i32
    %dma_wait3A_31 = arith.constant 0 : i32
    %dma_wait3A_32 = tpu.memref_slice %arg2[%dma_wait3A_30, %dma_wait3A_31] : memref<802816x128xf32, #tpu.memory_space<hbm>> -> memref<802816x128xf32, #tpu.memory_space<hbm>>
    tpu.wait_indirect_dma semaphore(%arg7 : memref<!tpu.dma_semaphore, #tpu.memory_space<semaphore_mem>>) src(%dma_wait3A_32 : memref<802816x128xf32, #tpu.memory_space<hbm>>) dst(%arg6 : memref<128x128xf32, #tpu.memory_space<vmem>>)
    "tpu.region"() ({
      %run_scoped3A = tpu.sem_alloc : memref<!tpu.dma_semaphore, #tpu.memory_space<semaphore_mem>>
      %dma_start3A_113 = arith.constant 0 : i32
      %dma_start3A_114 = tpu.memref_slice %arg4[%add3A_26, %dma_start3A_113] : memref<57344x128xf32, #tpu.memory_space<hbm>> -> memref<128x128xf32, #tpu.memory_space<hbm>>
      %dma_start3A_115 = arith.constant 0 : i32
      %dma_start3A_116 = tpu.memref_slice %arg4[%add3A_26, %dma_start3A_115] : memref<57344x128xf32, #tpu.memory_space<hbm>> -> memref<128x128xf32, #tpu.memory_space<hbm>>
      tpu.enqueue_dma source(%arg6 : memref<128x128xf32, #tpu.memory_space<vmem>>) target(%dma_start3A_116 : memref<128x128xf32, #tpu.memory_space<hbm>>) target_semaphore(%run_scoped3A : memref<!tpu.dma_semaphore, #tpu.memory_space<semaphore_mem>>)
      %dma_wait3A_117 = arith.constant 0 : i32
      %dma_wait3A_118 = tpu.memref_slice %arg4[%add3A_26, %dma_wait3A_117] : memref<57344x128xf32, #tpu.memory_space<hbm>> -> memref<128x128xf32, #tpu.memory_space<hbm>>
      %dma_wait3A_119 = arith.constant 0 : i32
      %dma_wait3A_120 = tpu.memref_slice %arg4[%add3A_26, %dma_wait3A_119] : memref<57344x128xf32, #tpu.memory_space<hbm>> -> memref<128x128xf32, #tpu.memory_space<hbm>>
      tpu.wait_dma2 semaphore(%run_scoped3A : memref<!tpu.dma_semaphore, #tpu.memory_space<semaphore_mem>>) src(%arg6 : memref<128x128xf32, #tpu.memory_space<vmem>>) dst(%dma_wait3A_120 : memref<128x128xf32, #tpu.memory_space<hbm>>)
      tpu.yield
    }) : () -> ()
    %add3A_33 = arith.constant 512 : i32
    %add3A_34 = arith.addi %mul3A_2, %add3A_33 : i32
    "tpu.region"() ({
      %run_scoped3A = tpu.sem_alloc : memref<!tpu.dma_semaphore, #tpu.memory_space<semaphore_mem>>
      %dma_start3A_113 = tpu.memref_slice %arg3[%add3A_34] : memref<57344xi32, #tpu.memory_space<hbm>> -> memref<128xi32, #tpu.memory_space<hbm>>
      %dma_start3A_114 = tpu.memref_slice %arg3[%add3A_34] : memref<57344xi32, #tpu.memory_space<hbm>> -> memref<128xi32, #tpu.memory_space<hbm>>
      tpu.enqueue_dma source(%dma_start3A_114 : memref<128xi32, #tpu.memory_space<hbm>>) target(%arg5 : memref<128xi32, #tpu.memory_space<vmem>>) target_semaphore(%run_scoped3A : memref<!tpu.dma_semaphore, #tpu.memory_space<semaphore_mem>>)
      %dma_wait3A_115 = tpu.memref_slice %arg3[%add3A_34] : memref<57344xi32, #tpu.memory_space<hbm>> -> memref<128xi32, #tpu.memory_space<hbm>>
      %dma_wait3A_116 = tpu.memref_slice %arg3[%add3A_34] : memref<57344xi32, #tpu.memory_space<hbm>> -> memref<128xi32, #tpu.memory_space<hbm>>
      tpu.wait_dma2 semaphore(%run_scoped3A : memref<!tpu.dma_semaphore, #tpu.memory_space<semaphore_mem>>) src(%dma_wait3A_116 : memref<128xi32, #tpu.memory_space<hbm>>) dst(%arg5 : memref<128xi32, #tpu.memory_space<vmem>>)
      tpu.yield
    }) : () -> ()
    %dma_start3A_35 = arith.constant 0 : i32
    %dma_start3A_36 = arith.constant 0 : i32
    %dma_start3A_37 = tpu.memref_slice %arg2[%dma_start3A_35, %dma_start3A_36] : memref<802816x128xf32, #tpu.memory_space<hbm>> -> memref<802816x128xf32, #tpu.memory_space<hbm>>
    tpu.enqueue_indirect_dma source(%dma_start3A_37 : memref<802816x128xf32, #tpu.memory_space<hbm>>) target(%arg6 : memref<128x128xf32, #tpu.memory_space<vmem>>) offsets(%arg5 : memref<128xi32, #tpu.memory_space<vmem>>) semaphore(%arg7 : memref<!tpu.dma_semaphore, #tpu.memory_space<semaphore_mem>>)
    %dma_wait3A_38 = arith.constant 0 : i32
    %dma_wait3A_39 = arith.constant 0 : i32
    %dma_wait3A_40 = tpu.memref_slice %arg2[%dma_wait3A_38, %dma_wait3A_39] : memref<802816x128xf32, #tpu.memory_space<hbm>> -> memref<802816x128xf32, #tpu.memory_space<hbm>>
    tpu.wait_indirect_dma semaphore(%arg7 : memref<!tpu.dma_semaphore, #tpu.memory_space<semaphore_mem>>) src(%dma_wait3A_40 : memref<802816x128xf32, #tpu.memory_space<hbm>>) dst(%arg6 : memref<128x128xf32, #tpu.memory_space<vmem>>)
    "tpu.region"() ({
      %run_scoped3A = tpu.sem_alloc : memref<!tpu.dma_semaphore, #tpu.memory_space<semaphore_mem>>
      %dma_start3A_113 = arith.constant 0 : i32
      %dma_start3A_114 = tpu.memref_slice %arg4[%add3A_34, %dma_start3A_113] : memref<57344x128xf32, #tpu.memory_space<hbm>> -> memref<128x128xf32, #tpu.memory_space<hbm>>
      %dma_start3A_115 = arith.constant 0 : i32
      %dma_start3A_116 = tpu.memref_slice %arg4[%add3A_34, %dma_start3A_115] : memref<57344x128xf32, #tpu.memory_space<hbm>> -> memref<128x128xf32, #tpu.memory_space<hbm>>
      tpu.enqueue_dma source(%arg6 : memref<128x128xf32, #tpu.memory_space<vmem>>) target(%dma_start3A_116 : memref<128x128xf32, #tpu.memory_space<hbm>>) target_semaphore(%run_scoped3A : memref<!tpu.dma_semaphore, #tpu.memory_space<semaphore_mem>>)
      %dma_wait3A_117 = arith.constant 0 : i32
      %dma_wait3A_118 = tpu.memref_slice %arg4[%add3A_34, %dma_wait3A_117] : memref<57344x128xf32, #tpu.memory_space<hbm>> -> memref<128x128xf32, #tpu.memory_space<hbm>>
      %dma_wait3A_119 = arith.constant 0 : i32
      %dma_wait3A_120 = tpu.memref_slice %arg4[%add3A_34, %dma_wait3A_119] : memref<57344x128xf32, #tpu.memory_space<hbm>> -> memref<128x128xf32, #tpu.memory_space<hbm>>
      tpu.wait_dma2 semaphore(%run_scoped3A : memref<!tpu.dma_semaphore, #tpu.memory_space<semaphore_mem>>) src(%arg6 : memref<128x128xf32, #tpu.memory_space<vmem>>) dst(%dma_wait3A_120 : memref<128x128xf32, #tpu.memory_space<hbm>>)
      tpu.yield
    }) : () -> ()
    %add3A_41 = arith.constant 640 : i32
    %add3A_42 = arith.addi %mul3A_2, %add3A_41 : i32
    "tpu.region"() ({
      %run_scoped3A = tpu.sem_alloc : memref<!tpu.dma_semaphore, #tpu.memory_space<semaphore_mem>>
      %dma_start3A_113 = tpu.memref_slice %arg3[%add3A_42] : memref<57344xi32, #tpu.memory_space<hbm>> -> memref<128xi32, #tpu.memory_space<hbm>>
      %dma_start3A_114 = tpu.memref_slice %arg3[%add3A_42] : memref<57344xi32, #tpu.memory_space<hbm>> -> memref<128xi32, #tpu.memory_space<hbm>>
      tpu.enqueue_dma source(%dma_start3A_114 : memref<128xi32, #tpu.memory_space<hbm>>) target(%arg5 : memref<128xi32, #tpu.memory_space<vmem>>) target_semaphore(%run_scoped3A : memref<!tpu.dma_semaphore, #tpu.memory_space<semaphore_mem>>)
      %dma_wait3A_115 = tpu.memref_slice %arg3[%add3A_42] : memref<57344xi32, #tpu.memory_space<hbm>> -> memref<128xi32, #tpu.memory_space<hbm>>
      %dma_wait3A_116 = tpu.memref_slice %arg3[%add3A_42] : memref<57344xi32, #tpu.memory_space<hbm>> -> memref<128xi32, #tpu.memory_space<hbm>>
      tpu.wait_dma2 semaphore(%run_scoped3A : memref<!tpu.dma_semaphore, #tpu.memory_space<semaphore_mem>>) src(%dma_wait3A_116 : memref<128xi32, #tpu.memory_space<hbm>>) dst(%arg5 : memref<128xi32, #tpu.memory_space<vmem>>)
      tpu.yield
    }) : () -> ()
    %dma_start3A_43 = arith.constant 0 : i32
    %dma_start3A_44 = arith.constant 0 : i32
    %dma_start3A_45 = tpu.memref_slice %arg2[%dma_start3A_43, %dma_start3A_44] : memref<802816x128xf32, #tpu.memory_space<hbm>> -> memref<802816x128xf32, #tpu.memory_space<hbm>>
    tpu.enqueue_indirect_dma source(%dma_start3A_45 : memref<802816x128xf32, #tpu.memory_space<hbm>>) target(%arg6 : memref<128x128xf32, #tpu.memory_space<vmem>>) offsets(%arg5 : memref<128xi32, #tpu.memory_space<vmem>>) semaphore(%arg7 : memref<!tpu.dma_semaphore, #tpu.memory_space<semaphore_mem>>)
    %dma_wait3A_46 = arith.constant 0 : i32
    %dma_wait3A_47 = arith.constant 0 : i32
    %dma_wait3A_48 = tpu.memref_slice %arg2[%dma_wait3A_46, %dma_wait3A_47] : memref<802816x128xf32, #tpu.memory_space<hbm>> -> memref<802816x128xf32, #tpu.memory_space<hbm>>
    tpu.wait_indirect_dma semaphore(%arg7 : memref<!tpu.dma_semaphore, #tpu.memory_space<semaphore_mem>>) src(%dma_wait3A_48 : memref<802816x128xf32, #tpu.memory_space<hbm>>) dst(%arg6 : memref<128x128xf32, #tpu.memory_space<vmem>>)
    "tpu.region"() ({
      %run_scoped3A = tpu.sem_alloc : memref<!tpu.dma_semaphore, #tpu.memory_space<semaphore_mem>>
      %dma_start3A_113 = arith.constant 0 : i32
      %dma_start3A_114 = tpu.memref_slice %arg4[%add3A_42, %dma_start3A_113] : memref<57344x128xf32, #tpu.memory_space<hbm>> -> memref<128x128xf32, #tpu.memory_space<hbm>>
      %dma_start3A_115 = arith.constant 0 : i32
      %dma_start3A_116 = tpu.memref_slice %arg4[%add3A_42, %dma_start3A_115] : memref<57344x128xf32, #tpu.memory_space<hbm>> -> memref<128x128xf32, #tpu.memory_space<hbm>>
      tpu.enqueue_dma source(%arg6 : memref<128x128xf32, #tpu.memory_space<vmem>>) target(%dma_start3A_116 : memref<128x128xf32, #tpu.memory_space<hbm>>) target_semaphore(%run_scoped3A : memref<!tpu.dma_semaphore, #tpu.memory_space<semaphore_mem>>)
      %dma_wait3A_117 = arith.constant 0 : i32
      %dma_wait3A_118 = tpu.memref_slice %arg4[%add3A_42, %dma_wait3A_117] : memref<57344x128xf32, #tpu.memory_space<hbm>> -> memref<128x128xf32, #tpu.memory_space<hbm>>
      %dma_wait3A_119 = arith.constant 0 : i32
      %dma_wait3A_120 = tpu.memref_slice %arg4[%add3A_42, %dma_wait3A_119] : memref<57344x128xf32, #tpu.memory_space<hbm>> -> memref<128x128xf32, #tpu.memory_space<hbm>>
      tpu.wait_dma2 semaphore(%run_scoped3A : memref<!tpu.dma_semaphore, #tpu.memory_space<semaphore_mem>>) src(%arg6 : memref<128x128xf32, #tpu.memory_space<vmem>>) dst(%dma_wait3A_120 : memref<128x128xf32, #tpu.memory_space<hbm>>)
      tpu.yield
    }) : () -> ()
    %add3A_49 = arith.constant 768 : i32
    %add3A_50 = arith.addi %mul3A_2, %add3A_49 : i32
    "tpu.region"() ({
      %run_scoped3A = tpu.sem_alloc : memref<!tpu.dma_semaphore, #tpu.memory_space<semaphore_mem>>
      %dma_start3A_113 = tpu.memref_slice %arg3[%add3A_50] : memref<57344xi32, #tpu.memory_space<hbm>> -> memref<128xi32, #tpu.memory_space<hbm>>
      %dma_start3A_114 = tpu.memref_slice %arg3[%add3A_50] : memref<57344xi32, #tpu.memory_space<hbm>> -> memref<128xi32, #tpu.memory_space<hbm>>
      tpu.enqueue_dma source(%dma_start3A_114 : memref<128xi32, #tpu.memory_space<hbm>>) target(%arg5 : memref<128xi32, #tpu.memory_space<vmem>>) target_semaphore(%run_scoped3A : memref<!tpu.dma_semaphore, #tpu.memory_space<semaphore_mem>>)
      %dma_wait3A_115 = tpu.memref_slice %arg3[%add3A_50] : memref<57344xi32, #tpu.memory_space<hbm>> -> memref<128xi32, #tpu.memory_space<hbm>>
      %dma_wait3A_116 = tpu.memref_slice %arg3[%add3A_50] : memref<57344xi32, #tpu.memory_space<hbm>> -> memref<128xi32, #tpu.memory_space<hbm>>
      tpu.wait_dma2 semaphore(%run_scoped3A : memref<!tpu.dma_semaphore, #tpu.memory_space<semaphore_mem>>) src(%dma_wait3A_116 : memref<128xi32, #tpu.memory_space<hbm>>) dst(%arg5 : memref<128xi32, #tpu.memory_space<vmem>>)
      tpu.yield
    }) : () -> ()
    %dma_start3A_51 = arith.constant 0 : i32
    %dma_start3A_52 = arith.constant 0 : i32
    %dma_start3A_53 = tpu.memref_slice %arg2[%dma_start3A_51, %dma_start3A_52] : memref<802816x128xf32, #tpu.memory_space<hbm>> -> memref<802816x128xf32, #tpu.memory_space<hbm>>
    tpu.enqueue_indirect_dma source(%dma_start3A_53 : memref<802816x128xf32, #tpu.memory_space<hbm>>) target(%arg6 : memref<128x128xf32, #tpu.memory_space<vmem>>) offsets(%arg5 : memref<128xi32, #tpu.memory_space<vmem>>) semaphore(%arg7 : memref<!tpu.dma_semaphore, #tpu.memory_space<semaphore_mem>>)
    %dma_wait3A_54 = arith.constant 0 : i32
    %dma_wait3A_55 = arith.constant 0 : i32
    %dma_wait3A_56 = tpu.memref_slice %arg2[%dma_wait3A_54, %dma_wait3A_55] : memref<802816x128xf32, #tpu.memory_space<hbm>> -> memref<802816x128xf32, #tpu.memory_space<hbm>>
    tpu.wait_indirect_dma semaphore(%arg7 : memref<!tpu.dma_semaphore, #tpu.memory_space<semaphore_mem>>) src(%dma_wait3A_56 : memref<802816x128xf32, #tpu.memory_space<hbm>>) dst(%arg6 : memref<128x128xf32, #tpu.memory_space<vmem>>)
    "tpu.region"() ({
      %run_scoped3A = tpu.sem_alloc : memref<!tpu.dma_semaphore, #tpu.memory_space<semaphore_mem>>
      %dma_start3A_113 = arith.constant 0 : i32
      %dma_start3A_114 = tpu.memref_slice %arg4[%add3A_50, %dma_start3A_113] : memref<57344x128xf32, #tpu.memory_space<hbm>> -> memref<128x128xf32, #tpu.memory_space<hbm>>
      %dma_start3A_115 = arith.constant 0 : i32
      %dma_start3A_116 = tpu.memref_slice %arg4[%add3A_50, %dma_start3A_115] : memref<57344x128xf32, #tpu.memory_space<hbm>> -> memref<128x128xf32, #tpu.memory_space<hbm>>
      tpu.enqueue_dma source(%arg6 : memref<128x128xf32, #tpu.memory_space<vmem>>) target(%dma_start3A_116 : memref<128x128xf32, #tpu.memory_space<hbm>>) target_semaphore(%run_scoped3A : memref<!tpu.dma_semaphore, #tpu.memory_space<semaphore_mem>>)
      %dma_wait3A_117 = arith.constant 0 : i32
      %dma_wait3A_118 = tpu.memref_slice %arg4[%add3A_50, %dma_wait3A_117] : memref<57344x128xf32, #tpu.memory_space<hbm>> -> memref<128x128xf32, #tpu.memory_space<hbm>>
      %dma_wait3A_119 = arith.constant 0 : i32
      %dma_wait3A_120 = tpu.memref_slice %arg4[%add3A_50, %dma_wait3A_119] : memref<57344x128xf32, #tpu.memory_space<hbm>> -> memref<128x128xf32, #tpu.memory_space<hbm>>
      tpu.wait_dma2 semaphore(%run_scoped3A : memref<!tpu.dma_semaphore, #tpu.memory_space<semaphore_mem>>) src(%arg6 : memref<128x128xf32, #tpu.memory_space<vmem>>) dst(%dma_wait3A_120 : memref<128x128xf32, #tpu.memory_space<hbm>>)
      tpu.yield
    }) : () -> ()
    %add3A_57 = arith.constant 896 : i32
    %add3A_58 = arith.addi %mul3A_2, %add3A_57 : i32
    "tpu.region"() ({
      %run_scoped3A = tpu.sem_alloc : memref<!tpu.dma_semaphore, #tpu.memory_space<semaphore_mem>>
      %dma_start3A_113 = tpu.memref_slice %arg3[%add3A_58] : memref<57344xi32, #tpu.memory_space<hbm>> -> memref<128xi32, #tpu.memory_space<hbm>>
      %dma_start3A_114 = tpu.memref_slice %arg3[%add3A_58] : memref<57344xi32, #tpu.memory_space<hbm>> -> memref<128xi32, #tpu.memory_space<hbm>>
      tpu.enqueue_dma source(%dma_start3A_114 : memref<128xi32, #tpu.memory_space<hbm>>) target(%arg5 : memref<128xi32, #tpu.memory_space<vmem>>) target_semaphore(%run_scoped3A : memref<!tpu.dma_semaphore, #tpu.memory_space<semaphore_mem>>)
      %dma_wait3A_115 = tpu.memref_slice %arg3[%add3A_58] : memref<57344xi32, #tpu.memory_space<hbm>> -> memref<128xi32, #tpu.memory_space<hbm>>
      %dma_wait3A_116 = tpu.memref_slice %arg3[%add3A_58] : memref<57344xi32, #tpu.memory_space<hbm>> -> memref<128xi32, #tpu.memory_space<hbm>>
      tpu.wait_dma2 semaphore(%run_scoped3A : memref<!tpu.dma_semaphore, #tpu.memory_space<semaphore_mem>>) src(%dma_wait3A_116 : memref<128xi32, #tpu.memory_space<hbm>>) dst(%arg5 : memref<128xi32, #tpu.memory_space<vmem>>)
      tpu.yield
    }) : () -> ()
    %dma_start3A_59 = arith.constant 0 : i32
    %dma_start3A_60 = arith.constant 0 : i32
    %dma_start3A_61 = tpu.memref_slice %arg2[%dma_start3A_59, %dma_start3A_60] : memref<802816x128xf32, #tpu.memory_space<hbm>> -> memref<802816x128xf32, #tpu.memory_space<hbm>>
    tpu.enqueue_indirect_dma source(%dma_start3A_61 : memref<802816x128xf32, #tpu.memory_space<hbm>>) target(%arg6 : memref<128x128xf32, #tpu.memory_space<vmem>>) offsets(%arg5 : memref<128xi32, #tpu.memory_space<vmem>>) semaphore(%arg7 : memref<!tpu.dma_semaphore, #tpu.memory_space<semaphore_mem>>)
    %dma_wait3A_62 = arith.constant 0 : i32
    %dma_wait3A_63 = arith.constant 0 : i32
    %dma_wait3A_64 = tpu.memref_slice %arg2[%dma_wait3A_62, %dma_wait3A_63] : memref<802816x128xf32, #tpu.memory_space<hbm>> -> memref<802816x128xf32, #tpu.memory_space<hbm>>
    tpu.wait_indirect_dma semaphore(%arg7 : memref<!tpu.dma_semaphore, #tpu.memory_space<semaphore_mem>>) src(%dma_wait3A_64 : memref<802816x128xf32, #tpu.memory_space<hbm>>) dst(%arg6 : memref<128x128xf32, #tpu.memory_space<vmem>>)
    "tpu.region"() ({
      %run_scoped3A = tpu.sem_alloc : memref<!tpu.dma_semaphore, #tpu.memory_space<semaphore_mem>>
      %dma_start3A_113 = arith.constant 0 : i32
      %dma_start3A_114 = tpu.memref_slice %arg4[%add3A_58, %dma_start3A_113] : memref<57344x128xf32, #tpu.memory_space<hbm>> -> memref<128x128xf32, #tpu.memory_space<hbm>>
      %dma_start3A_115 = arith.constant 0 : i32
      %dma_start3A_116 = tpu.memref_slice %arg4[%add3A_58, %dma_start3A_115] : memref<57344x128xf32, #tpu.memory_space<hbm>> -> memref<128x128xf32, #tpu.memory_space<hbm>>
      tpu.enqueue_dma source(%arg6 : memref<128x128xf32, #tpu.memory_space<vmem>>) target(%dma_start3A_116 : memref<128x128xf32, #tpu.memory_space<hbm>>) target_semaphore(%run_scoped3A : memref<!tpu.dma_semaphore, #tpu.memory_space<semaphore_mem>>)
      %dma_wait3A_117 = arith.constant 0 : i32
      %dma_wait3A_118 = tpu.memref_slice %arg4[%add3A_58, %dma_wait3A_117] : memref<57344x128xf32, #tpu.memory_space<hbm>> -> memref<128x128xf32, #tpu.memory_space<hbm>>
      %dma_wait3A_119 = arith.constant 0 : i32
      %dma_wait3A_120 = tpu.memref_slice %arg4[%add3A_58, %dma_wait3A_119] : memref<57344x128xf32, #tpu.memory_space<hbm>> -> memref<128x128xf32, #tpu.memory_space<hbm>>
      tpu.wait_dma2 semaphore(%run_scoped3A : memref<!tpu.dma_semaphore, #tpu.memory_space<semaphore_mem>>) src(%arg6 : memref<128x128xf32, #tpu.memory_space<vmem>>) dst(%dma_wait3A_120 : memref<128x128xf32, #tpu.memory_space<hbm>>)
      tpu.yield
    }) : () -> ()
    %add3A_65 = arith.constant 1024 : i32
    %add3A_66 = arith.addi %mul3A_2, %add3A_65 : i32
    "tpu.region"() ({
      %run_scoped3A = tpu.sem_alloc : memref<!tpu.dma_semaphore, #tpu.memory_space<semaphore_mem>>
      %dma_start3A_113 = tpu.memref_slice %arg3[%add3A_66] : memref<57344xi32, #tpu.memory_space<hbm>> -> memref<128xi32, #tpu.memory_space<hbm>>
      %dma_start3A_114 = tpu.memref_slice %arg3[%add3A_66] : memref<57344xi32, #tpu.memory_space<hbm>> -> memref<128xi32, #tpu.memory_space<hbm>>
      tpu.enqueue_dma source(%dma_start3A_114 : memref<128xi32, #tpu.memory_space<hbm>>) target(%arg5 : memref<128xi32, #tpu.memory_space<vmem>>) target_semaphore(%run_scoped3A : memref<!tpu.dma_semaphore, #tpu.memory_space<semaphore_mem>>)
      %dma_wait3A_115 = tpu.memref_slice %arg3[%add3A_66] : memref<57344xi32, #tpu.memory_space<hbm>> -> memref<128xi32, #tpu.memory_space<hbm>>
      %dma_wait3A_116 = tpu.memref_slice %arg3[%add3A_66] : memref<57344xi32, #tpu.memory_space<hbm>> -> memref<128xi32, #tpu.memory_space<hbm>>
      tpu.wait_dma2 semaphore(%run_scoped3A : memref<!tpu.dma_semaphore, #tpu.memory_space<semaphore_mem>>) src(%dma_wait3A_116 : memref<128xi32, #tpu.memory_space<hbm>>) dst(%arg5 : memref<128xi32, #tpu.memory_space<vmem>>)
      tpu.yield
    }) : () -> ()
    %dma_start3A_67 = arith.constant 0 : i32
    %dma_start3A_68 = arith.constant 0 : i32
    %dma_start3A_69 = tpu.memref_slice %arg2[%dma_start3A_67, %dma_start3A_68] : memref<802816x128xf32, #tpu.memory_space<hbm>> -> memref<802816x128xf32, #tpu.memory_space<hbm>>
    tpu.enqueue_indirect_dma source(%dma_start3A_69 : memref<802816x128xf32, #tpu.memory_space<hbm>>) target(%arg6 : memref<128x128xf32, #tpu.memory_space<vmem>>) offsets(%arg5 : memref<128xi32, #tpu.memory_space<vmem>>) semaphore(%arg7 : memref<!tpu.dma_semaphore, #tpu.memory_space<semaphore_mem>>)
    %dma_wait3A_70 = arith.constant 0 : i32
    %dma_wait3A_71 = arith.constant 0 : i32
    %dma_wait3A_72 = tpu.memref_slice %arg2[%dma_wait3A_70, %dma_wait3A_71] : memref<802816x128xf32, #tpu.memory_space<hbm>> -> memref<802816x128xf32, #tpu.memory_space<hbm>>
    tpu.wait_indirect_dma semaphore(%arg7 : memref<!tpu.dma_semaphore, #tpu.memory_space<semaphore_mem>>) src(%dma_wait3A_72 : memref<802816x128xf32, #tpu.memory_space<hbm>>) dst(%arg6 : memref<128x128xf32, #tpu.memory_space<vmem>>)
    "tpu.region"() ({
      %run_scoped3A = tpu.sem_alloc : memref<!tpu.dma_semaphore, #tpu.memory_space<semaphore_mem>>
      %dma_start3A_113 = arith.constant 0 : i32
      %dma_start3A_114 = tpu.memref_slice %arg4[%add3A_66, %dma_start3A_113] : memref<57344x128xf32, #tpu.memory_space<hbm>> -> memref<128x128xf32, #tpu.memory_space<hbm>>
      %dma_start3A_115 = arith.constant 0 : i32
      %dma_start3A_116 = tpu.memref_slice %arg4[%add3A_66, %dma_start3A_115] : memref<57344x128xf32, #tpu.memory_space<hbm>> -> memref<128x128xf32, #tpu.memory_space<hbm>>
      tpu.enqueue_dma source(%arg6 : memref<128x128xf32, #tpu.memory_space<vmem>>) target(%dma_start3A_116 : memref<128x128xf32, #tpu.memory_space<hbm>>) target_semaphore(%run_scoped3A : memref<!tpu.dma_semaphore, #tpu.memory_space<semaphore_mem>>)
      %dma_wait3A_117 = arith.constant 0 : i32
      %dma_wait3A_118 = tpu.memref_slice %arg4[%add3A_66, %dma_wait3A_117] : memref<57344x128xf32, #tpu.memory_space<hbm>> -> memref<128x128xf32, #tpu.memory_space<hbm>>
      %dma_wait3A_119 = arith.constant 0 : i32
      %dma_wait3A_120 = tpu.memref_slice %arg4[%add3A_66, %dma_wait3A_119] : memref<57344x128xf32, #tpu.memory_space<hbm>> -> memref<128x128xf32, #tpu.memory_space<hbm>>
      tpu.wait_dma2 semaphore(%run_scoped3A : memref<!tpu.dma_semaphore, #tpu.memory_space<semaphore_mem>>) src(%arg6 : memref<128x128xf32, #tpu.memory_space<vmem>>) dst(%dma_wait3A_120 : memref<128x128xf32, #tpu.memory_space<hbm>>)
      tpu.yield
    }) : () -> ()
    %add3A_73 = arith.constant 1152 : i32
    %add3A_74 = arith.addi %mul3A_2, %add3A_73 : i32
    "tpu.region"() ({
      %run_scoped3A = tpu.sem_alloc : memref<!tpu.dma_semaphore, #tpu.memory_space<semaphore_mem>>
      %dma_start3A_113 = tpu.memref_slice %arg3[%add3A_74] : memref<57344xi32, #tpu.memory_space<hbm>> -> memref<128xi32, #tpu.memory_space<hbm>>
      %dma_start3A_114 = tpu.memref_slice %arg3[%add3A_74] : memref<57344xi32, #tpu.memory_space<hbm>> -> memref<128xi32, #tpu.memory_space<hbm>>
      tpu.enqueue_dma source(%dma_start3A_114 : memref<128xi32, #tpu.memory_space<hbm>>) target(%arg5 : memref<128xi32, #tpu.memory_space<vmem>>) target_semaphore(%run_scoped3A : memref<!tpu.dma_semaphore, #tpu.memory_space<semaphore_mem>>)
      %dma_wait3A_115 = tpu.memref_slice %arg3[%add3A_74] : memref<57344xi32, #tpu.memory_space<hbm>> -> memref<128xi32, #tpu.memory_space<hbm>>
      %dma_wait3A_116 = tpu.memref_slice %arg3[%add3A_74] : memref<57344xi32, #tpu.memory_space<hbm>> -> memref<128xi32, #tpu.memory_space<hbm>>
      tpu.wait_dma2 semaphore(%run_scoped3A : memref<!tpu.dma_semaphore, #tpu.memory_space<semaphore_mem>>) src(%dma_wait3A_116 : memref<128xi32, #tpu.memory_space<hbm>>) dst(%arg5 : memref<128xi32, #tpu.memory_space<vmem>>)
      tpu.yield
    }) : () -> ()
    %dma_start3A_75 = arith.constant 0 : i32
    %dma_start3A_76 = arith.constant 0 : i32
    %dma_start3A_77 = tpu.memref_slice %arg2[%dma_start3A_75, %dma_start3A_76] : memref<802816x128xf32, #tpu.memory_space<hbm>> -> memref<802816x128xf32, #tpu.memory_space<hbm>>
    tpu.enqueue_indirect_dma source(%dma_start3A_77 : memref<802816x128xf32, #tpu.memory_space<hbm>>) target(%arg6 : memref<128x128xf32, #tpu.memory_space<vmem>>) offsets(%arg5 : memref<128xi32, #tpu.memory_space<vmem>>) semaphore(%arg7 : memref<!tpu.dma_semaphore, #tpu.memory_space<semaphore_mem>>)
    %dma_wait3A_78 = arith.constant 0 : i32
    %dma_wait3A_79 = arith.constant 0 : i32
    %dma_wait3A_80 = tpu.memref_slice %arg2[%dma_wait3A_78, %dma_wait3A_79] : memref<802816x128xf32, #tpu.memory_space<hbm>> -> memref<802816x128xf32, #tpu.memory_space<hbm>>
    tpu.wait_indirect_dma semaphore(%arg7 : memref<!tpu.dma_semaphore, #tpu.memory_space<semaphore_mem>>) src(%dma_wait3A_80 : memref<802816x128xf32, #tpu.memory_space<hbm>>) dst(%arg6 : memref<128x128xf32, #tpu.memory_space<vmem>>)
    "tpu.region"() ({
      %run_scoped3A = tpu.sem_alloc : memref<!tpu.dma_semaphore, #tpu.memory_space<semaphore_mem>>
      %dma_start3A_113 = arith.constant 0 : i32
      %dma_start3A_114 = tpu.memref_slice %arg4[%add3A_74, %dma_start3A_113] : memref<57344x128xf32, #tpu.memory_space<hbm>> -> memref<128x128xf32, #tpu.memory_space<hbm>>
      %dma_start3A_115 = arith.constant 0 : i32
      %dma_start3A_116 = tpu.memref_slice %arg4[%add3A_74, %dma_start3A_115] : memref<57344x128xf32, #tpu.memory_space<hbm>> -> memref<128x128xf32, #tpu.memory_space<hbm>>
      tpu.enqueue_dma source(%arg6 : memref<128x128xf32, #tpu.memory_space<vmem>>) target(%dma_start3A_116 : memref<128x128xf32, #tpu.memory_space<hbm>>) target_semaphore(%run_scoped3A : memref<!tpu.dma_semaphore, #tpu.memory_space<semaphore_mem>>)
      %dma_wait3A_117 = arith.constant 0 : i32
      %dma_wait3A_118 = tpu.memref_slice %arg4[%add3A_74, %dma_wait3A_117] : memref<57344x128xf32, #tpu.memory_space<hbm>> -> memref<128x128xf32, #tpu.memory_space<hbm>>
      %dma_wait3A_119 = arith.constant 0 : i32
      %dma_wait3A_120 = tpu.memref_slice %arg4[%add3A_74, %dma_wait3A_119] : memref<57344x128xf32, #tpu.memory_space<hbm>> -> memref<128x128xf32, #tpu.memory_space<hbm>>
      tpu.wait_dma2 semaphore(%run_scoped3A : memref<!tpu.dma_semaphore, #tpu.memory_space<semaphore_mem>>) src(%arg6 : memref<128x128xf32, #tpu.memory_space<vmem>>) dst(%dma_wait3A_120 : memref<128x128xf32, #tpu.memory_space<hbm>>)
      tpu.yield
    }) : () -> ()
    %add3A_81 = arith.constant 1280 : i32
    %add3A_82 = arith.addi %mul3A_2, %add3A_81 : i32
    "tpu.region"() ({
      %run_scoped3A = tpu.sem_alloc : memref<!tpu.dma_semaphore, #tpu.memory_space<semaphore_mem>>
      %dma_start3A_113 = tpu.memref_slice %arg3[%add3A_82] : memref<57344xi32, #tpu.memory_space<hbm>> -> memref<128xi32, #tpu.memory_space<hbm>>
      %dma_start3A_114 = tpu.memref_slice %arg3[%add3A_82] : memref<57344xi32, #tpu.memory_space<hbm>> -> memref<128xi32, #tpu.memory_space<hbm>>
      tpu.enqueue_dma source(%dma_start3A_114 : memref<128xi32, #tpu.memory_space<hbm>>) target(%arg5 : memref<128xi32, #tpu.memory_space<vmem>>) target_semaphore(%run_scoped3A : memref<!tpu.dma_semaphore, #tpu.memory_space<semaphore_mem>>)
      %dma_wait3A_115 = tpu.memref_slice %arg3[%add3A_82] : memref<57344xi32, #tpu.memory_space<hbm>> -> memref<128xi32, #tpu.memory_space<hbm>>
      %dma_wait3A_116 = tpu.memref_slice %arg3[%add3A_82] : memref<57344xi32, #tpu.memory_space<hbm>> -> memref<128xi32, #tpu.memory_space<hbm>>
      tpu.wait_dma2 semaphore(%run_scoped3A : memref<!tpu.dma_semaphore, #tpu.memory_space<semaphore_mem>>) src(%dma_wait3A_116 : memref<128xi32, #tpu.memory_space<hbm>>) dst(%arg5 : memref<128xi32, #tpu.memory_space<vmem>>)
      tpu.yield
    }) : () -> ()
    %dma_start3A_83 = arith.constant 0 : i32
    %dma_start3A_84 = arith.constant 0 : i32
    %dma_start3A_85 = tpu.memref_slice %arg2[%dma_start3A_83, %dma_start3A_84] : memref<802816x128xf32, #tpu.memory_space<hbm>> -> memref<802816x128xf32, #tpu.memory_space<hbm>>
    tpu.enqueue_indirect_dma source(%dma_start3A_85 : memref<802816x128xf32, #tpu.memory_space<hbm>>) target(%arg6 : memref<128x128xf32, #tpu.memory_space<vmem>>) offsets(%arg5 : memref<128xi32, #tpu.memory_space<vmem>>) semaphore(%arg7 : memref<!tpu.dma_semaphore, #tpu.memory_space<semaphore_mem>>)
    %dma_wait3A_86 = arith.constant 0 : i32
    %dma_wait3A_87 = arith.constant 0 : i32
    %dma_wait3A_88 = tpu.memref_slice %arg2[%dma_wait3A_86, %dma_wait3A_87] : memref<802816x128xf32, #tpu.memory_space<hbm>> -> memref<802816x128xf32, #tpu.memory_space<hbm>>
    tpu.wait_indirect_dma semaphore(%arg7 : memref<!tpu.dma_semaphore, #tpu.memory_space<semaphore_mem>>) src(%dma_wait3A_88 : memref<802816x128xf32, #tpu.memory_space<hbm>>) dst(%arg6 : memref<128x128xf32, #tpu.memory_space<vmem>>)
    "tpu.region"() ({
      %run_scoped3A = tpu.sem_alloc : memref<!tpu.dma_semaphore, #tpu.memory_space<semaphore_mem>>
      %dma_start3A_113 = arith.constant 0 : i32
      %dma_start3A_114 = tpu.memref_slice %arg4[%add3A_82, %dma_start3A_113] : memref<57344x128xf32, #tpu.memory_space<hbm>> -> memref<128x128xf32, #tpu.memory_space<hbm>>
      %dma_start3A_115 = arith.constant 0 : i32
      %dma_start3A_116 = tpu.memref_slice %arg4[%add3A_82, %dma_start3A_115] : memref<57344x128xf32, #tpu.memory_space<hbm>> -> memref<128x128xf32, #tpu.memory_space<hbm>>
      tpu.enqueue_dma source(%arg6 : memref<128x128xf32, #tpu.memory_space<vmem>>) target(%dma_start3A_116 : memref<128x128xf32, #tpu.memory_space<hbm>>) target_semaphore(%run_scoped3A : memref<!tpu.dma_semaphore, #tpu.memory_space<semaphore_mem>>)
      %dma_wait3A_117 = arith.constant 0 : i32
      %dma_wait3A_118 = tpu.memref_slice %arg4[%add3A_82, %dma_wait3A_117] : memref<57344x128xf32, #tpu.memory_space<hbm>> -> memref<128x128xf32, #tpu.memory_space<hbm>>
      %dma_wait3A_119 = arith.constant 0 : i32
      %dma_wait3A_120 = tpu.memref_slice %arg4[%add3A_82, %dma_wait3A_119] : memref<57344x128xf32, #tpu.memory_space<hbm>> -> memref<128x128xf32, #tpu.memory_space<hbm>>
      tpu.wait_dma2 semaphore(%run_scoped3A : memref<!tpu.dma_semaphore, #tpu.memory_space<semaphore_mem>>) src(%arg6 : memref<128x128xf32, #tpu.memory_space<vmem>>) dst(%dma_wait3A_120 : memref<128x128xf32, #tpu.memory_space<hbm>>)
      tpu.yield
    }) : () -> ()
    %add3A_89 = arith.constant 1408 : i32
    %add3A_90 = arith.addi %mul3A_2, %add3A_89 : i32
    "tpu.region"() ({
      %run_scoped3A = tpu.sem_alloc : memref<!tpu.dma_semaphore, #tpu.memory_space<semaphore_mem>>
      %dma_start3A_113 = tpu.memref_slice %arg3[%add3A_90] : memref<57344xi32, #tpu.memory_space<hbm>> -> memref<128xi32, #tpu.memory_space<hbm>>
      %dma_start3A_114 = tpu.memref_slice %arg3[%add3A_90] : memref<57344xi32, #tpu.memory_space<hbm>> -> memref<128xi32, #tpu.memory_space<hbm>>
      tpu.enqueue_dma source(%dma_start3A_114 : memref<128xi32, #tpu.memory_space<hbm>>) target(%arg5 : memref<128xi32, #tpu.memory_space<vmem>>) target_semaphore(%run_scoped3A : memref<!tpu.dma_semaphore, #tpu.memory_space<semaphore_mem>>)
      %dma_wait3A_115 = tpu.memref_slice %arg3[%add3A_90] : memref<57344xi32, #tpu.memory_space<hbm>> -> memref<128xi32, #tpu.memory_space<hbm>>
      %dma_wait3A_116 = tpu.memref_slice %arg3[%add3A_90] : memref<57344xi32, #tpu.memory_space<hbm>> -> memref<128xi32, #tpu.memory_space<hbm>>
      tpu.wait_dma2 semaphore(%run_scoped3A : memref<!tpu.dma_semaphore, #tpu.memory_space<semaphore_mem>>) src(%dma_wait3A_116 : memref<128xi32, #tpu.memory_space<hbm>>) dst(%arg5 : memref<128xi32, #tpu.memory_space<vmem>>)
      tpu.yield
    }) : () -> ()
    %dma_start3A_91 = arith.constant 0 : i32
    %dma_start3A_92 = arith.constant 0 : i32
    %dma_start3A_93 = tpu.memref_slice %arg2[%dma_start3A_91, %dma_start3A_92] : memref<802816x128xf32, #tpu.memory_space<hbm>> -> memref<802816x128xf32, #tpu.memory_space<hbm>>
    tpu.enqueue_indirect_dma source(%dma_start3A_93 : memref<802816x128xf32, #tpu.memory_space<hbm>>) target(%arg6 : memref<128x128xf32, #tpu.memory_space<vmem>>) offsets(%arg5 : memref<128xi32, #tpu.memory_space<vmem>>) semaphore(%arg7 : memref<!tpu.dma_semaphore, #tpu.memory_space<semaphore_mem>>)
    %dma_wait3A_94 = arith.constant 0 : i32
    %dma_wait3A_95 = arith.constant 0 : i32
    %dma_wait3A_96 = tpu.memref_slice %arg2[%dma_wait3A_94, %dma_wait3A_95] : memref<802816x128xf32, #tpu.memory_space<hbm>> -> memref<802816x128xf32, #tpu.memory_space<hbm>>
    tpu.wait_indirect_dma semaphore(%arg7 : memref<!tpu.dma_semaphore, #tpu.memory_space<semaphore_mem>>) src(%dma_wait3A_96 : memref<802816x128xf32, #tpu.memory_space<hbm>>) dst(%arg6 : memref<128x128xf32, #tpu.memory_space<vmem>>)
    "tpu.region"() ({
      %run_scoped3A = tpu.sem_alloc : memref<!tpu.dma_semaphore, #tpu.memory_space<semaphore_mem>>
      %dma_start3A_113 = arith.constant 0 : i32
      %dma_start3A_114 = tpu.memref_slice %arg4[%add3A_90, %dma_start3A_113] : memref<57344x128xf32, #tpu.memory_space<hbm>> -> memref<128x128xf32, #tpu.memory_space<hbm>>
      %dma_start3A_115 = arith.constant 0 : i32
      %dma_start3A_116 = tpu.memref_slice %arg4[%add3A_90, %dma_start3A_115] : memref<57344x128xf32, #tpu.memory_space<hbm>> -> memref<128x128xf32, #tpu.memory_space<hbm>>
      tpu.enqueue_dma source(%arg6 : memref<128x128xf32, #tpu.memory_space<vmem>>) target(%dma_start3A_116 : memref<128x128xf32, #tpu.memory_space<hbm>>) target_semaphore(%run_scoped3A : memref<!tpu.dma_semaphore, #tpu.memory_space<semaphore_mem>>)
      %dma_wait3A_117 = arith.constant 0 : i32
      %dma_wait3A_118 = tpu.memref_slice %arg4[%add3A_90, %dma_wait3A_117] : memref<57344x128xf32, #tpu.memory_space<hbm>> -> memref<128x128xf32, #tpu.memory_space<hbm>>
      %dma_wait3A_119 = arith.constant 0 : i32
      %dma_wait3A_120 = tpu.memref_slice %arg4[%add3A_90, %dma_wait3A_119] : memref<57344x128xf32, #tpu.memory_space<hbm>> -> memref<128x128xf32, #tpu.memory_space<hbm>>
      tpu.wait_dma2 semaphore(%run_scoped3A : memref<!tpu.dma_semaphore, #tpu.memory_space<semaphore_mem>>) src(%arg6 : memref<128x128xf32, #tpu.memory_space<vmem>>) dst(%dma_wait3A_120 : memref<128x128xf32, #tpu.memory_space<hbm>>)
      tpu.yield
    }) : () -> ()
    %add3A_97 = arith.constant 1536 : i32
    %add3A_98 = arith.addi %mul3A_2, %add3A_97 : i32
    "tpu.region"() ({
      %run_scoped3A = tpu.sem_alloc : memref<!tpu.dma_semaphore, #tpu.memory_space<semaphore_mem>>
      %dma_start3A_113 = tpu.memref_slice %arg3[%add3A_98] : memref<57344xi32, #tpu.memory_space<hbm>> -> memref<128xi32, #tpu.memory_space<hbm>>
      %dma_start3A_114 = tpu.memref_slice %arg3[%add3A_98] : memref<57344xi32, #tpu.memory_space<hbm>> -> memref<128xi32, #tpu.memory_space<hbm>>
      tpu.enqueue_dma source(%dma_start3A_114 : memref<128xi32, #tpu.memory_space<hbm>>) target(%arg5 : memref<128xi32, #tpu.memory_space<vmem>>) target_semaphore(%run_scoped3A : memref<!tpu.dma_semaphore, #tpu.memory_space<semaphore_mem>>)
      %dma_wait3A_115 = tpu.memref_slice %arg3[%add3A_98] : memref<57344xi32, #tpu.memory_space<hbm>> -> memref<128xi32, #tpu.memory_space<hbm>>
      %dma_wait3A_116 = tpu.memref_slice %arg3[%add3A_98] : memref<57344xi32, #tpu.memory_space<hbm>> -> memref<128xi32, #tpu.memory_space<hbm>>
      tpu.wait_dma2 semaphore(%run_scoped3A : memref<!tpu.dma_semaphore, #tpu.memory_space<semaphore_mem>>) src(%dma_wait3A_116 : memref<128xi32, #tpu.memory_space<hbm>>) dst(%arg5 : memref<128xi32, #tpu.memory_space<vmem>>)
      tpu.yield
    }) : () -> ()
    %dma_start3A_99 = arith.constant 0 : i32
    %dma_start3A_100 = arith.constant 0 : i32
    %dma_start3A_101 = tpu.memref_slice %arg2[%dma_start3A_99, %dma_start3A_100] : memref<802816x128xf32, #tpu.memory_space<hbm>> -> memref<802816x128xf32, #tpu.memory_space<hbm>>
    tpu.enqueue_indirect_dma source(%dma_start3A_101 : memref<802816x128xf32, #tpu.memory_space<hbm>>) target(%arg6 : memref<128x128xf32, #tpu.memory_space<vmem>>) offsets(%arg5 : memref<128xi32, #tpu.memory_space<vmem>>) semaphore(%arg7 : memref<!tpu.dma_semaphore, #tpu.memory_space<semaphore_mem>>)
    %dma_wait3A_102 = arith.constant 0 : i32
    %dma_wait3A_103 = arith.constant 0 : i32
    %dma_wait3A_104 = tpu.memref_slice %arg2[%dma_wait3A_102, %dma_wait3A_103] : memref<802816x128xf32, #tpu.memory_space<hbm>> -> memref<802816x128xf32, #tpu.memory_space<hbm>>
    tpu.wait_indirect_dma semaphore(%arg7 : memref<!tpu.dma_semaphore, #tpu.memory_space<semaphore_mem>>) src(%dma_wait3A_104 : memref<802816x128xf32, #tpu.memory_space<hbm>>) dst(%arg6 : memref<128x128xf32, #tpu.memory_space<vmem>>)
    "tpu.region"() ({
      %run_scoped3A = tpu.sem_alloc : memref<!tpu.dma_semaphore, #tpu.memory_space<semaphore_mem>>
      %dma_start3A_113 = arith.constant 0 : i32
      %dma_start3A_114 = tpu.memref_slice %arg4[%add3A_98, %dma_start3A_113] : memref<57344x128xf32, #tpu.memory_space<hbm>> -> memref<128x128xf32, #tpu.memory_space<hbm>>
      %dma_start3A_115 = arith.constant 0 : i32
      %dma_start3A_116 = tpu.memref_slice %arg4[%add3A_98, %dma_start3A_115] : memref<57344x128xf32, #tpu.memory_space<hbm>> -> memref<128x128xf32, #tpu.memory_space<hbm>>
      tpu.enqueue_dma source(%arg6 : memref<128x128xf32, #tpu.memory_space<vmem>>) target(%dma_start3A_116 : memref<128x128xf32, #tpu.memory_space<hbm>>) target_semaphore(%run_scoped3A : memref<!tpu.dma_semaphore, #tpu.memory_space<semaphore_mem>>)
      %dma_wait3A_117 = arith.constant 0 : i32
      %dma_wait3A_118 = tpu.memref_slice %arg4[%add3A_98, %dma_wait3A_117] : memref<57344x128xf32, #tpu.memory_space<hbm>> -> memref<128x128xf32, #tpu.memory_space<hbm>>
      %dma_wait3A_119 = arith.constant 0 : i32
      %dma_wait3A_120 = tpu.memref_slice %arg4[%add3A_98, %dma_wait3A_119] : memref<57344x128xf32, #tpu.memory_space<hbm>> -> memref<128x128xf32, #tpu.memory_space<hbm>>
      tpu.wait_dma2 semaphore(%run_scoped3A : memref<!tpu.dma_semaphore, #tpu.memory_space<semaphore_mem>>) src(%arg6 : memref<128x128xf32, #tpu.memory_space<vmem>>) dst(%dma_wait3A_120 : memref<128x128xf32, #tpu.memory_space<hbm>>)
      tpu.yield
    }) : () -> ()
    %add3A_105 = arith.constant 1664 : i32
    %add3A_106 = arith.addi %mul3A_2, %add3A_105 : i32
    "tpu.region"() ({
      %run_scoped3A = tpu.sem_alloc : memref<!tpu.dma_semaphore, #tpu.memory_space<semaphore_mem>>
      %dma_start3A_113 = tpu.memref_slice %arg3[%add3A_106] : memref<57344xi32, #tpu.memory_space<hbm>> -> memref<128xi32, #tpu.memory_space<hbm>>
      %dma_start3A_114 = tpu.memref_slice %arg3[%add3A_106] : memref<57344xi32, #tpu.memory_space<hbm>> -> memref<128xi32, #tpu.memory_space<hbm>>
      tpu.enqueue_dma source(%dma_start3A_114 : memref<128xi32, #tpu.memory_space<hbm>>) target(%arg5 : memref<128xi32, #tpu.memory_space<vmem>>) target_semaphore(%run_scoped3A : memref<!tpu.dma_semaphore, #tpu.memory_space<semaphore_mem>>)
      %dma_wait3A_115 = tpu.memref_slice %arg3[%add3A_106] : memref<57344xi32, #tpu.memory_space<hbm>> -> memref<128xi32, #tpu.memory_space<hbm>>
      %dma_wait3A_116 = tpu.memref_slice %arg3[%add3A_106] : memref<57344xi32, #tpu.memory_space<hbm>> -> memref<128xi32, #tpu.memory_space<hbm>>
      tpu.wait_dma2 semaphore(%run_scoped3A : memref<!tpu.dma_semaphore, #tpu.memory_space<semaphore_mem>>) src(%dma_wait3A_116 : memref<128xi32, #tpu.memory_space<hbm>>) dst(%arg5 : memref<128xi32, #tpu.memory_space<vmem>>)
      tpu.yield
    }) : () -> ()
    %dma_start3A_107 = arith.constant 0 : i32
    %dma_start3A_108 = arith.constant 0 : i32
    %dma_start3A_109 = tpu.memref_slice %arg2[%dma_start3A_107, %dma_start3A_108] : memref<802816x128xf32, #tpu.memory_space<hbm>> -> memref<802816x128xf32, #tpu.memory_space<hbm>>
    tpu.enqueue_indirect_dma source(%dma_start3A_109 : memref<802816x128xf32, #tpu.memory_space<hbm>>) target(%arg6 : memref<128x128xf32, #tpu.memory_space<vmem>>) offsets(%arg5 : memref<128xi32, #tpu.memory_space<vmem>>) semaphore(%arg7 : memref<!tpu.dma_semaphore, #tpu.memory_space<semaphore_mem>>)
    %dma_wait3A_110 = arith.constant 0 : i32
    %dma_wait3A_111 = arith.constant 0 : i32
    %dma_wait3A_112 = tpu.memref_slice %arg2[%dma_wait3A_110, %dma_wait3A_111] : memref<802816x128xf32, #tpu.memory_space<hbm>> -> memref<802816x128xf32, #tpu.memory_space<hbm>>
    tpu.wait_indirect_dma semaphore(%arg7 : memref<!tpu.dma_semaphore, #tpu.memory_space<semaphore_mem>>) src(%dma_wait3A_112 : memref<802816x128xf32, #tpu.memory_space<hbm>>) dst(%arg6 : memref<128x128xf32, #tpu.memory_space<vmem>>)
    "tpu.region"() ({
      %run_scoped3A = tpu.sem_alloc : memref<!tpu.dma_semaphore, #tpu.memory_space<semaphore_mem>>
      %dma_start3A_113 = arith.constant 0 : i32
      %dma_start3A_114 = tpu.memref_slice %arg4[%add3A_106, %dma_start3A_113] : memref<57344x128xf32, #tpu.memory_space<hbm>> -> memref<128x128xf32, #tpu.memory_space<hbm>>
      %dma_start3A_115 = arith.constant 0 : i32
      %dma_start3A_116 = tpu.memref_slice %arg4[%add3A_106, %dma_start3A_115] : memref<57344x128xf32, #tpu.memory_space<hbm>> -> memref<128x128xf32, #tpu.memory_space<hbm>>
      tpu.enqueue_dma source(%arg6 : memref<128x128xf32, #tpu.memory_space<vmem>>) target(%dma_start3A_116 : memref<128x128xf32, #tpu.memory_space<hbm>>) target_semaphore(%run_scoped3A : memref<!tpu.dma_semaphore, #tpu.memory_space<semaphore_mem>>)
      %dma_wait3A_117 = arith.constant 0 : i32
      %dma_wait3A_118 = tpu.memref_slice %arg4[%add3A_106, %dma_wait3A_117] : memref<57344x128xf32, #tpu.memory_space<hbm>> -> memref<128x128xf32, #tpu.memory_space<hbm>>
      %dma_wait3A_119 = arith.constant 0 : i32
      %dma_wait3A_120 = tpu.memref_slice %arg4[%add3A_106, %dma_wait3A_119] : memref<57344x128xf32, #tpu.memory_space<hbm>> -> memref<128x128xf32, #tpu.memory_space<hbm>>
      tpu.wait_dma2 semaphore(%run_scoped3A : memref<!tpu.dma_semaphore, #tpu.memory_space<semaphore_mem>>) src(%arg6 : memref<128x128xf32, #tpu.memory_space<vmem>>) dst(%dma_wait3A_120 : memref<128x128xf32, #tpu.memory_space<hbm>>)
      tpu.yield
    }) : () -> ()
    return
  }
}

module attributes {stable_mosaic.version = 14 : i64} {
  func.func @_scores_body(%arg0: i32, %arg1: memref<1024x1024xf32, #tpu.memory_space<vmem>>, %arg2: memref<512x1024xf32, #tpu.memory_space<vmem>>, %arg3: memref<1024x1xf32, #tpu.memory_space<vmem>>, %arg4: memref<512x1xf32, #tpu.memory_space<vmem>>, %arg5: memref<1x1xf32, #tpu.memory_space<vmem>>, %arg6: memref<4x1024x128xf32, #tpu.memory_space<vmem>>, %arg7: memref<4x1024x1xf32, #tpu.memory_space<vmem>>, %arg8: memref<1024x1024xf32, #tpu.memory_space<vmem>>) attributes {dimension_semantics = [#tpu.dimension_semantics<arbitrary>], iteration_bounds = array<i64: 196>, scalar_prefetch = 0 : i64, scratch_operands = 1 : i64, tpu.core_type = #tpu.core_type<tc>, window_params = [{pipeline_mode = #tpu.pipeline_mode<synchronous>, transform_indices = @transform_0, window_bounds = array<i64: 1024, 1024>}, {transform_indices = @transform_1, window_bounds = array<i64: 512, 1024>}, {pipeline_mode = #tpu.pipeline_mode<synchronous>, transform_indices = @transform_2, window_bounds = array<i64: 1024, 1>}, {transform_indices = @transform_3, window_bounds = array<i64: 512, 1>}, {pipeline_mode = #tpu.pipeline_mode<synchronous>, transform_indices = @transform_4, window_bounds = array<i64: 1, 1>}, {transform_indices = @transform_5, window_bounds = array<i64: 4, 1024, 128>}, {transform_indices = @transform_6, window_bounds = array<i64: 4, 1024, 1>}]} {
    %eq3A = arith.constant 0 : i32
    %eq3A_0 = arith.cmpi eq, %arg0, %eq3A : i32
    %convert_element_type3A = arith.extui %eq3A_0 : i1 to i32
    %cond3A = arith.constant 0 : i32
    %cond3A_1 = arith.cmpi ne, %convert_element_type3A, %cond3A : i32
    scf.if %cond3A_1 {
      %get3A_51 = arith.constant 0 : index
      %get3A_52 = arith.constant 0 : index
      %get3A_53 = vector.load %arg1[%get3A_51, %get3A_52] : memref<1024x1024xf32, #tpu.memory_space<vmem>>, vector<1024x1024xf32>
      %get3A_54 = arith.constant 0 : index
      %get3A_55 = arith.constant 0 : index
      %get3A_56 = vector.load %arg3[%get3A_54, %get3A_55] : memref<1024x1xf32, #tpu.memory_space<vmem>>, vector<1024x1xf32>
      %div3A_57 = vector.broadcast %get3A_56 : vector<1024x1xf32> to vector<1024x1024xf32>
      %div3A_58 = arith.divf %get3A_53, %div3A_57 : vector<1024x1024xf32>
      %swap3A_59 = arith.constant 0 : index
      %swap3A_60 = arith.constant 0 : index
      %swap3A_61 = vector.load %arg8[%swap3A_59, %swap3A_60] : memref<1024x1024xf32, #tpu.memory_space<vmem>>, vector<1024x1024xf32>
      tpu.vector_store %arg8[%swap3A_59, %swap3A_60], %div3A_58 {strides = array<i32>} : memref<1024x1024xf32, #tpu.memory_space<vmem>>, vector<1024x1024xf32>,
    } else {
    }
    %get3A = arith.constant 0 : index
    %get3A_2 = arith.constant 0 : index
    %get3A_3 = vector.load %arg2[%get3A, %get3A_2] : memref<512x1024xf32, #tpu.memory_space<vmem>>, vector<512x1024xf32>
    %get3A_4 = arith.constant 0 : index
    %get3A_5 = arith.constant 0 : index
    %get3A_6 = vector.load %arg4[%get3A_4, %get3A_5] : memref<512x1xf32, #tpu.memory_space<vmem>>, vector<512x1xf32>
    %div3A = vector.broadcast %get3A_6 : vector<512x1xf32> to vector<512x1024xf32>
    %div3A_7 = arith.divf %get3A_3, %div3A : vector<512x1024xf32>
    %get3A_8 = arith.constant 0 : index
    %get3A_9 = arith.constant 0 : index
    %get3A_10 = vector.load %arg8[%get3A_8, %get3A_9] : memref<1024x1024xf32, #tpu.memory_space<vmem>>, vector<1024x1024xf32>
    %dot_general3A = arith.constant dense<0.000000e+00> : vector<1024x512xf32>
    %dot_general3A_11 = tpu.matmul %get3A_10, %div3A_7, %dot_general3A {dimension_numbers = #tpu.dot_dimension_numbers<[1], [1], [0], [0], [0, 0, 1, 0], [], []>, transpose_lhs_hint = false} : vector<1024x1024xf32>, vector<512x1024xf32>, vector<1024x512xf32> -> vector<1024x512xf32>
    %get3A_12 = arith.constant 0 : index
    %get3A_13 = arith.constant 0 : index
    %get3A_14 = vector.load %arg5[%get3A_12, %get3A_13] : memref<1x1xf32, #tpu.memory_space<vmem>>, vector<1x1xf32>
    %div3A_15 = vector.broadcast %get3A_14 : vector<1x1xf32> to vector<1024x512xf32>
    %div3A_16 = arith.divf %dot_general3A_11, %div3A_15 : vector<1024x512xf32>
    %mul3A = arith.constant 512 : i32
    %mul3A_17 = arith.muli %arg0, %mul3A : i32
    %iota3A = tpu.iota {dimensions = array<i32: 1>} : vector<1024x512xi32>
    %add3A = vector.broadcast %mul3A_17 : i32 to vector<1024x512xi32>
    %add3A_18 = arith.addi %add3A, %iota3A : vector<1024x512xi32>
    %lt3A = arith.constant 100000 : i32
    %lt3A_19 = vector.broadcast %lt3A : i32 to vector<1024x512xi32>
    %lt3A_20 = arith.cmpi slt, %add3A_18, %lt3A_19 : vector<1024x512xi32>
    %jit3A = arith.constant 0xFF800000 : f32
    %broadcast_in_dim3A = vector.broadcast %jit3A : f32 to vector<1024x512xf32>
    %select_n3A = arith.select %lt3A_20, %div3A_16, %broadcast_in_dim3A : vector<1024x512xi1>, vector<1024x512xf32>
    %slice3A = vector.extract_strided_slice %select_n3A {offsets = [0, 0], sizes = [1024, 128], strides = [1, 1]} : vector<1024x512xf32> to vector<1024x128xf32>
    %broadcast_in_dim3A_21 = vector.shape_cast %slice3A : vector<1024x128xf32> to vector<1x1024x128xf32>
    %reduce_max3A = arith.constant dense<0xFF800000> : vector<1024xf32>
    %reduce_max3A_22 = vector.multi_reduction <maximumf>, %slice3A, %reduce_max3A [1] : vector<1024x128xf32> to vector<1024xf32>
    %broadcast_in_dim3A_23 = vector.shape_cast %reduce_max3A_22 : vector<1024xf32> to vector<1024x1xf32>
    %broadcast_in_dim3A_24 = vector.shape_cast %broadcast_in_dim3A_23 : vector<1024x1xf32> to vector<1x1024x1xf32>
    %slice3A_25 = vector.extract_strided_slice %select_n3A {offsets = [0, 128], sizes = [1024, 128], strides = [1, 1]} : vector<1024x512xf32> to vector<1024x128xf32>
    %broadcast_in_dim3A_26 = vector.shape_cast %slice3A_25 : vector<1024x128xf32> to vector<1x1024x128xf32>
    %reduce_max3A_27 = arith.constant dense<0xFF800000> : vector<1024xf32>
    %reduce_max3A_28 = vector.multi_reduction <maximumf>, %slice3A_25, %reduce_max3A_27 [1] : vector<1024x128xf32> to vector<1024xf32>
    %broadcast_in_dim3A_29 = vector.shape_cast %reduce_max3A_28 : vector<1024xf32> to vector<1024x1xf32>
    %broadcast_in_dim3A_30 = vector.shape_cast %broadcast_in_dim3A_29 : vector<1024x1xf32> to vector<1x1024x1xf32>
    %slice3A_31 = vector.extract_strided_slice %select_n3A {offsets = [0, 256], sizes = [1024, 128], strides = [1, 1]} : vector<1024x512xf32> to vector<1024x128xf32>
    %broadcast_in_dim3A_32 = vector.shape_cast %slice3A_31 : vector<1024x128xf32> to vector<1x1024x128xf32>
    %reduce_max3A_33 = arith.constant dense<0xFF800000> : vector<1024xf32>
    %reduce_max3A_34 = vector.multi_reduction <maximumf>, %slice3A_31, %reduce_max3A_33 [1] : vector<1024x128xf32> to vector<1024xf32>
    %broadcast_in_dim3A_35 = vector.shape_cast %reduce_max3A_34 : vector<1024xf32> to vector<1024x1xf32>
    %broadcast_in_dim3A_36 = vector.shape_cast %broadcast_in_dim3A_35 : vector<1024x1xf32> to vector<1x1024x1xf32>
    %slice3A_37 = vector.extract_strided_slice %select_n3A {offsets = [0, 384], sizes = [1024, 128], strides = [1, 1]} : vector<1024x512xf32> to vector<1024x128xf32>
    %broadcast_in_dim3A_38 = vector.shape_cast %slice3A_37 : vector<1024x128xf32> to vector<1x1024x128xf32>
    %reduce_max3A_39 = arith.constant dense<0xFF800000> : vector<1024xf32>
    %reduce_max3A_40 = vector.multi_reduction <maximumf>, %slice3A_37, %reduce_max3A_39 [1] : vector<1024x128xf32> to vector<1024xf32>
    %broadcast_in_dim3A_41 = vector.shape_cast %reduce_max3A_40 : vector<1024xf32> to vector<1024x1xf32>
    %broadcast_in_dim3A_42 = vector.shape_cast %broadcast_in_dim3A_41 : vector<1024x1xf32> to vector<1x1024x1xf32>
    %concatenate3A = tpu.concatenate %broadcast_in_dim3A_21, %broadcast_in_dim3A_26, %broadcast_in_dim3A_32, %broadcast_in_dim3A_38 in 0 : vector<1x1024x128xf32>, vector<1x1024x128xf32>, vector<1x1024x128xf32>, vector<1x1024x128xf32> -> vector<4x1024x128xf32>
    %swap3A = arith.constant 0 : index
    %swap3A_43 = arith.constant 0 : index
    %swap3A_44 = arith.constant 0 : index
    %swap3A_45 = vector.load %arg6[%swap3A, %swap3A_43, %swap3A_44] : memref<4x1024x128xf32, #tpu.memory_space<vmem>>, vector<4x1024x128xf32>
    tpu.vector_store %arg6[%swap3A, %swap3A_43, %swap3A_44], %concatenate3A {strides = array<i32>} : memref<4x1024x128xf32, #tpu.memory_space<vmem>>, vector<4x1024x128xf32>,
    %concatenate3A_46 = tpu.concatenate %broadcast_in_dim3A_24, %broadcast_in_dim3A_30, %broadcast_in_dim3A_36, %broadcast_in_dim3A_42 in 0 : vector<1x1024x1xf32>, vector<1x1024x1xf32>, vector<1x1024x1xf32>, vector<1x1024x1xf32> -> vector<4x1024x1xf32>
    %swap3A_47 = arith.constant 0 : index
    %swap3A_48 = arith.constant 0 : index
    %swap3A_49 = arith.constant 0 : index
    %swap3A_50 = vector.load %arg7[%swap3A_47, %swap3A_48, %swap3A_49] : memref<4x1024x1xf32, #tpu.memory_space<vmem>>, vector<4x1024x1xf32>
    tpu.vector_store %arg7[%swap3A_47, %swap3A_48, %swap3A_49], %concatenate3A_46 {strides = array<i32>} : memref<4x1024x1xf32, #tpu.memory_space<vmem>>, vector<4x1024x1xf32>,
    return
  }
  func.func @transform_0(%arg0: i32) -> (i32, i32) {
    %c0_i32 = arith.constant 0 : i32
    %c0_i32_0 = arith.constant 0 : i32
    %c0_i32_1 = arith.constant 0 : i32
    return %c0_i32, %c0_i32_0 : i32, i32
  }
  func.func @transform_1(%arg0: i32) -> (i32, i32) {
    %c0_i32 = arith.constant 0 : i32
    %c0_i32_0 = arith.constant 0 : i32
    return %arg0, %c0_i32 : i32, i32
  }
  func.func @transform_2(%arg0: i32) -> (i32, i32) {
    %c0_i32 = arith.constant 0 : i32
    %c0_i32_0 = arith.constant 0 : i32
    %c0_i32_1 = arith.constant 0 : i32
    return %c0_i32, %c0_i32_0 : i32, i32
  }
  func.func @transform_3(%arg0: i32) -> (i32, i32) {
    %c0_i32 = arith.constant 0 : i32
    %c0_i32_0 = arith.constant 0 : i32
    return %arg0, %c0_i32 : i32, i32
  }
  func.func @transform_4(%arg0: i32) -> (i32, i32) {
    %c0_i32 = arith.constant 0 : i32
    %c0_i32_0 = arith.constant 0 : i32
    %c0_i32_1 = arith.constant 0 : i32
    return %c0_i32, %c0_i32_0 : i32, i32
  }
  func.func @transform_5(%arg0: i32) -> (i32, i32, i32) {
    %c0_i32 = arith.constant 0 : i32
    %c0_i32_0 = arith.constant 0 : i32
    %c0_i32_1 = arith.constant 0 : i32
    return %arg0, %c0_i32, %c0_i32_0 : i32, i32, i32
  }
  func.func @transform_6(%arg0: i32) -> (i32, i32, i32) {
    %c0_i32 = arith.constant 0 : i32
    %c0_i32_0 = arith.constant 0 : i32
    %c0_i32_1 = arith.constant 0 : i32
    return %arg0, %c0_i32, %c0_i32_0 : i32, i32, i32
  }
}

module attributes {stable_mosaic.version = 14 : i64} {
  func.func @_select_body(%arg0: memref<1024x784xf32, #tpu.memory_space<vmem>>, %arg1: memref<1024x56xi32, #tpu.memory_space<vmem>>, %arg2: memref<1024x56xi32, #tpu.memory_space<vmem>>) attributes {dimension_semantics = [], scalar_prefetch = 0 : i64, scratch_operands = 0 : i64, tpu.core_type = #tpu.core_type<tc>} {
    %iota3A = tpu.iota {dimensions = array<i32: 1>} : vector<1024x784xi32>
    %iota3A_0 = tpu.iota {dimensions = array<i32: 1>} : vector<1024x56xi32>
    %get3A = arith.constant 0 : index
    %get3A_1 = arith.constant 0 : index
    %get3A_2 = vector.load %arg0[%get3A, %get3A_1] : memref<1024x784xf32, #tpu.memory_space<vmem>>, vector<1024x784xf32>
    %broadcast_in_dim3A = arith.constant 0 : i32
    %broadcast_in_dim3A_3 = vector.broadcast %broadcast_in_dim3A : i32 to vector<1024x56xi32>
    %scan3A = arith.constant 0 : i32
    %scan3A_4 = arith.constant 56 : i32
    %scan3A_5 = arith.addi %scan3A, %scan3A_4 : i32
    %scan3A_6 = arith.constant 2 : i32
    %scan3A_7:2 = scf.for %scan3A_17 = %scan3A to %scan3A_5 step %scan3A_6 iter_args(%scan3A_18 = %get3A_2, %scan3A_19 = %broadcast_in_dim3A_3) -> (vector<1024x784xf32>, vector<1024x56xi32>)  : i32 {
      %reduce_max3A = arith.constant dense<0xFF800000> : vector<1024xf32>
      %reduce_max3A_20 = vector.multi_reduction <maximumf>, %scan3A_18, %reduce_max3A [1] : vector<1024x784xf32> to vector<1024xf32>
      %broadcast_in_dim3A_21 = vector.shape_cast %reduce_max3A_20 : vector<1024xf32> to vector<1024x1xf32>
      %eq3A = vector.broadcast %broadcast_in_dim3A_21 : vector<1024x1xf32> to vector<1024x784xf32>
      %eq3A_22 = arith.cmpf oeq, %scan3A_18, %eq3A : vector<1024x784xf32>
      %jit3A = arith.constant 2147483647 : i32
      %broadcast_in_dim3A_23 = vector.broadcast %jit3A : i32 to vector<1024x784xi32>
      %select_n3A = arith.select %eq3A_22, %iota3A, %broadcast_in_dim3A_23 : vector<1024x784xi1>, vector<1024x784xi32>
      %reduce_min3A = arith.constant dense<2147483647> : vector<1024xi32>
      %reduce_min3A_24 = vector.multi_reduction <minsi>, %select_n3A, %reduce_min3A [1] : vector<1024x784xi32> to vector<1024xi32>
      %broadcast_in_dim3A_25 = vector.shape_cast %reduce_min3A_24 : vector<1024xi32> to vector<1024x1xi32>
      %eq3A_26 = vector.broadcast %scan3A_17 : i32 to vector<1024x56xi32>
      %eq3A_27 = arith.cmpi eq, %iota3A_0, %eq3A_26 : vector<1024x56xi32>
      %broadcast_in_dim3A_28 = vector.shape_cast %broadcast_in_dim3A_25 : vector<1024x1xi32> to vector<1024x1xi32>
      %broadcast_in_dim3A_29 = vector.broadcast %broadcast_in_dim3A_28 : vector<1024x1xi32> to vector<1024x56xi32>
      %select_n3A_30 = arith.select %eq3A_27, %broadcast_in_dim3A_29, %scan3A_19 : vector<1024x56xi1>, vector<1024x56xi32>
      %eq3A_31 = vector.broadcast %broadcast_in_dim3A_25 : vector<1024x1xi32> to vector<1024x784xi32>
      %eq3A_32 = arith.cmpi eq, %iota3A, %eq3A_31 : vector<1024x784xi32>
      %jit3A_33 = arith.constant 0xFF800000 : f32
      %broadcast_in_dim3A_34 = vector.broadcast %jit3A_33 : f32 to vector<1024x784xf32>
      %select_n3A_35 = arith.select %eq3A_32, %broadcast_in_dim3A_34, %scan3A_18 : vector<1024x784xi1>, vector<1024x784xf32>
      %scan3A_36 = arith.constant 1 : i32
      %scan3A_37 = arith.addi %scan3A_17, %scan3A_36 : i32
      %reduce_max3A_38 = arith.constant dense<0xFF800000> : vector<1024xf32>
      %reduce_max3A_39 = vector.multi_reduction <maximumf>, %select_n3A_35, %reduce_max3A_38 [1] : vector<1024x784xf32> to vector<1024xf32>
      %broadcast_in_dim3A_40 = vector.shape_cast %reduce_max3A_39 : vector<1024xf32> to vector<1024x1xf32>
      %eq3A_41 = vector.broadcast %broadcast_in_dim3A_40 : vector<1024x1xf32> to vector<1024x784xf32>
      %eq3A_42 = arith.cmpf oeq, %select_n3A_35, %eq3A_41 : vector<1024x784xf32>
      %jit3A_43 = arith.constant 2147483647 : i32
      %broadcast_in_dim3A_44 = vector.broadcast %jit3A_43 : i32 to vector<1024x784xi32>
      %select_n3A_45 = arith.select %eq3A_42, %iota3A, %broadcast_in_dim3A_44 : vector<1024x784xi1>, vector<1024x784xi32>
      %reduce_min3A_46 = arith.constant dense<2147483647> : vector<1024xi32>
      %reduce_min3A_47 = vector.multi_reduction <minsi>, %select_n3A_45, %reduce_min3A_46 [1] : vector<1024x784xi32> to vector<1024xi32>
      %broadcast_in_dim3A_48 = vector.shape_cast %reduce_min3A_47 : vector<1024xi32> to vector<1024x1xi32>
      %eq3A_49 = vector.broadcast %scan3A_37 : i32 to vector<1024x56xi32>
      %eq3A_50 = arith.cmpi eq, %iota3A_0, %eq3A_49 : vector<1024x56xi32>
      %broadcast_in_dim3A_51 = vector.shape_cast %broadcast_in_dim3A_48 : vector<1024x1xi32> to vector<1024x1xi32>
      %broadcast_in_dim3A_52 = vector.broadcast %broadcast_in_dim3A_51 : vector<1024x1xi32> to vector<1024x56xi32>
      %select_n3A_53 = arith.select %eq3A_50, %broadcast_in_dim3A_52, %select_n3A_30 : vector<1024x56xi1>, vector<1024x56xi32>
      %eq3A_54 = vector.broadcast %broadcast_in_dim3A_48 : vector<1024x1xi32> to vector<1024x784xi32>
      %eq3A_55 = arith.cmpi eq, %iota3A, %eq3A_54 : vector<1024x784xi32>
      %jit3A_56 = arith.constant 0xFF800000 : f32
      %broadcast_in_dim3A_57 = vector.broadcast %jit3A_56 : f32 to vector<1024x784xf32>
      %select_n3A_58 = arith.select %eq3A_55, %broadcast_in_dim3A_57, %select_n3A_35 : vector<1024x784xi1>, vector<1024x784xf32>
      scf.yield %select_n3A_58, %select_n3A_53 : vector<1024x784xf32>, vector<1024x56xi32>
    }
    %scan3A_8 = arith.constant 56 : i32
    %iota3A_9 = tpu.iota {dimensions = array<i32: 0>} : vector<1024x56xi32>
    %mul3A = arith.constant 1024 : i32
    %mul3A_10 = vector.broadcast %mul3A : i32 to vector<1024x56xi32>
    %mul3A_11 = arith.muli %scan3A_7#1, %mul3A_10 : vector<1024x56xi32>
    %add3A = arith.addi %mul3A_11, %iota3A_9 : vector<1024x56xi32>
    %swap3A = arith.constant 0 : index
    %swap3A_12 = arith.constant 0 : index
    %swap3A_13 = vector.load %arg1[%swap3A, %swap3A_12] : memref<1024x56xi32, #tpu.memory_space<vmem>>, vector<1024x56xi32>
    tpu.vector_store %arg1[%swap3A, %swap3A_12], %add3A {strides = array<i32>} : memref<1024x56xi32, #tpu.memory_space<vmem>>, vector<1024x56xi32>,
    %swap3A_14 = arith.constant 0 : index
    %swap3A_15 = arith.constant 0 : index
    %swap3A_16 = vector.load %arg2[%swap3A_14, %swap3A_15] : memref<1024x56xi32, #tpu.memory_space<vmem>>, vector<1024x56xi32>
    tpu.vector_store %arg2[%swap3A_14, %swap3A_15], %scan3A_7#1 {strides = array<i32>} : memref<1024x56xi32, #tpu.memory_space<vmem>>, vector<1024x56xi32>,
    return
  }
}

module attributes {stable_mosaic.version = 14 : i64} {
  func.func @_refine_body(%arg0: i32, %arg1: memref<7168x128xf32, #tpu.memory_space<vmem>>, %arg2: memref<128x56xi32, #tpu.memory_space<vmem>>, %arg3: memref<128x56xi32, #tpu.memory_space<vmem>>, %arg4: memref<128x56xi32, #tpu.memory_space<vmem>>) attributes {dimension_semantics = [#tpu.dimension_semantics<arbitrary>], iteration_bounds = array<i64: 8>, scalar_prefetch = 0 : i64, scratch_operands = 0 : i64, tpu.core_type = #tpu.core_type<tc>, window_params = [{transform_indices = @transform_0, window_bounds = array<i64: 7168, 128>}, {transform_indices = @transform_1, window_bounds = array<i64: 128, 56>}, {transform_indices = @transform_2, window_bounds = array<i64: 128, 56>}, {transform_indices = @transform_3, window_bounds = array<i64: 128, 56>}]} {
    %get3A = arith.constant 0 : index
    %get3A_0 = arith.constant 0 : index
    %get3A_1 = vector.load %arg1[%get3A, %get3A_0] : memref<7168x128xf32, #tpu.memory_space<vmem>>, vector<7168x128xf32>
    %reshape3A = vector.shape_cast %get3A_1 : vector<7168x128xf32> to vector<128x56x128xf32>
    %get3A_2 = arith.constant 0 : index
    %get3A_3 = arith.constant 0 : index
    %get3A_4 = vector.load %arg2[%get3A_2, %get3A_3] : memref<128x56xi32, #tpu.memory_space<vmem>>, vector<128x56xi32>
    %slice3A = vector.extract_strided_slice %reshape3A {offsets = [0, 0, 0], sizes = [128, 56, 16], strides = [1, 1, 1]} : vector<128x56x128xf32> to vector<128x56x16xf32>
    %reduce_max3A = arith.constant dense<0xFF800000> : vector<128x56xf32>
    %reduce_max3A_5 = vector.multi_reduction <maximumf>, %slice3A, %reduce_max3A [2] : vector<128x56x16xf32> to vector<128x56xf32>
    %mul3A = arith.constant 128 : i32
    %mul3A_6 = vector.broadcast %mul3A : i32 to vector<128x56xi32>
    %mul3A_7 = arith.muli %get3A_4, %mul3A_6 : vector<128x56xi32>
    %add3A = arith.constant 0 : i32
    %add3A_8 = vector.broadcast %add3A : i32 to vector<128x56xi32>
    %add3A_9 = arith.addi %mul3A_7, %add3A_8 : vector<128x56xi32>
    %slice3A_10 = vector.extract_strided_slice %reshape3A {offsets = [0, 0, 16], sizes = [128, 56, 16], strides = [1, 1, 1]} : vector<128x56x128xf32> to vector<128x56x16xf32>
    %reduce_max3A_11 = arith.constant dense<0xFF800000> : vector<128x56xf32>
    %reduce_max3A_12 = vector.multi_reduction <maximumf>, %slice3A_10, %reduce_max3A_11 [2] : vector<128x56x16xf32> to vector<128x56xf32>
    %mul3A_13 = arith.constant 128 : i32
    %mul3A_14 = vector.broadcast %mul3A_13 : i32 to vector<128x56xi32>
    %mul3A_15 = arith.muli %get3A_4, %mul3A_14 : vector<128x56xi32>
    %add3A_16 = arith.constant 16 : i32
    %add3A_17 = vector.broadcast %add3A_16 : i32 to vector<128x56xi32>
    %add3A_18 = arith.addi %mul3A_15, %add3A_17 : vector<128x56xi32>
    %slice3A_19 = vector.extract_strided_slice %reshape3A {offsets = [0, 0, 32], sizes = [128, 56, 16], strides = [1, 1, 1]} : vector<128x56x128xf32> to vector<128x56x16xf32>
    %reduce_max3A_20 = arith.constant dense<0xFF800000> : vector<128x56xf32>
    %reduce_max3A_21 = vector.multi_reduction <maximumf>, %slice3A_19, %reduce_max3A_20 [2] : vector<128x56x16xf32> to vector<128x56xf32>
    %mul3A_22 = arith.constant 128 : i32
    %mul3A_23 = vector.broadcast %mul3A_22 : i32 to vector<128x56xi32>
    %mul3A_24 = arith.muli %get3A_4, %mul3A_23 : vector<128x56xi32>
    %add3A_25 = arith.constant 32 : i32
    %add3A_26 = vector.broadcast %add3A_25 : i32 to vector<128x56xi32>
    %add3A_27 = arith.addi %mul3A_24, %add3A_26 : vector<128x56xi32>
    %slice3A_28 = vector.extract_strided_slice %reshape3A {offsets = [0, 0, 48], sizes = [128, 56, 16], strides = [1, 1, 1]} : vector<128x56x128xf32> to vector<128x56x16xf32>
    %reduce_max3A_29 = arith.constant dense<0xFF800000> : vector<128x56xf32>
    %reduce_max3A_30 = vector.multi_reduction <maximumf>, %slice3A_28, %reduce_max3A_29 [2] : vector<128x56x16xf32> to vector<128x56xf32>
    %mul3A_31 = arith.constant 128 : i32
    %mul3A_32 = vector.broadcast %mul3A_31 : i32 to vector<128x56xi32>
    %mul3A_33 = arith.muli %get3A_4, %mul3A_32 : vector<128x56xi32>
    %add3A_34 = arith.constant 48 : i32
    %add3A_35 = vector.broadcast %add3A_34 : i32 to vector<128x56xi32>
    %add3A_36 = arith.addi %mul3A_33, %add3A_35 : vector<128x56xi32>
    %slice3A_37 = vector.extract_strided_slice %reshape3A {offsets = [0, 0, 64], sizes = [128, 56, 16], strides = [1, 1, 1]} : vector<128x56x128xf32> to vector<128x56x16xf32>
    %reduce_max3A_38 = arith.constant dense<0xFF800000> : vector<128x56xf32>
    %reduce_max3A_39 = vector.multi_reduction <maximumf>, %slice3A_37, %reduce_max3A_38 [2] : vector<128x56x16xf32> to vector<128x56xf32>
    %mul3A_40 = arith.constant 128 : i32
    %mul3A_41 = vector.broadcast %mul3A_40 : i32 to vector<128x56xi32>
    %mul3A_42 = arith.muli %get3A_4, %mul3A_41 : vector<128x56xi32>
    %add3A_43 = arith.constant 64 : i32
    %add3A_44 = vector.broadcast %add3A_43 : i32 to vector<128x56xi32>
    %add3A_45 = arith.addi %mul3A_42, %add3A_44 : vector<128x56xi32>
    %slice3A_46 = vector.extract_strided_slice %reshape3A {offsets = [0, 0, 80], sizes = [128, 56, 16], strides = [1, 1, 1]} : vector<128x56x128xf32> to vector<128x56x16xf32>
    %reduce_max3A_47 = arith.constant dense<0xFF800000> : vector<128x56xf32>
    %reduce_max3A_48 = vector.multi_reduction <maximumf>, %slice3A_46, %reduce_max3A_47 [2] : vector<128x56x16xf32> to vector<128x56xf32>
    %mul3A_49 = arith.constant 128 : i32
    %mul3A_50 = vector.broadcast %mul3A_49 : i32 to vector<128x56xi32>
    %mul3A_51 = arith.muli %get3A_4, %mul3A_50 : vector<128x56xi32>
    %add3A_52 = arith.constant 80 : i32
    %add3A_53 = vector.broadcast %add3A_52 : i32 to vector<128x56xi32>
    %add3A_54 = arith.addi %mul3A_51, %add3A_53 : vector<128x56xi32>
    %slice3A_55 = vector.extract_strided_slice %reshape3A {offsets = [0, 0, 96], sizes = [128, 56, 16], strides = [1, 1, 1]} : vector<128x56x128xf32> to vector<128x56x16xf32>
    %reduce_max3A_56 = arith.constant dense<0xFF800000> : vector<128x56xf32>
    %reduce_max3A_57 = vector.multi_reduction <maximumf>, %slice3A_55, %reduce_max3A_56 [2] : vector<128x56x16xf32> to vector<128x56xf32>
    %mul3A_58 = arith.constant 128 : i32
    %mul3A_59 = vector.broadcast %mul3A_58 : i32 to vector<128x56xi32>
    %mul3A_60 = arith.muli %get3A_4, %mul3A_59 : vector<128x56xi32>
    %add3A_61 = arith.constant 96 : i32
    %add3A_62 = vector.broadcast %add3A_61 : i32 to vector<128x56xi32>
    %add3A_63 = arith.addi %mul3A_60, %add3A_62 : vector<128x56xi32>
    %slice3A_64 = vector.extract_strided_slice %reshape3A {offsets = [0, 0, 112], sizes = [128, 56, 16], strides = [1, 1, 1]} : vector<128x56x128xf32> to vector<128x56x16xf32>
    %reduce_max3A_65 = arith.constant dense<0xFF800000> : vector<128x56xf32>
    %reduce_max3A_66 = vector.multi_reduction <maximumf>, %slice3A_64, %reduce_max3A_65 [2] : vector<128x56x16xf32> to vector<128x56xf32>
    %mul3A_67 = arith.constant 128 : i32
    %mul3A_68 = vector.broadcast %mul3A_67 : i32 to vector<128x56xi32>
    %mul3A_69 = arith.muli %get3A_4, %mul3A_68 : vector<128x56xi32>
    %add3A_70 = arith.constant 112 : i32
    %add3A_71 = vector.broadcast %add3A_70 : i32 to vector<128x56xi32>
    %add3A_72 = arith.addi %mul3A_69, %add3A_71 : vector<128x56xi32>
    %concatenate3A = tpu.concatenate %reduce_max3A_5, %reduce_max3A_12, %reduce_max3A_21, %reduce_max3A_30, %reduce_max3A_39, %reduce_max3A_48, %reduce_max3A_57, %reduce_max3A_66 in 1 : vector<128x56xf32>, vector<128x56xf32>, vector<128x56xf32>, vector<128x56xf32>, vector<128x56xf32>, vector<128x56xf32>, vector<128x56xf32>, vector<128x56xf32> -> vector<128x448xf32>
    %concatenate3A_73 = tpu.concatenate %add3A_9, %add3A_18, %add3A_27, %add3A_36, %add3A_45, %add3A_54, %add3A_63, %add3A_72 in 1 : vector<128x56xi32>, vector<128x56xi32>, vector<128x56xi32>, vector<128x56xi32>, vector<128x56xi32>, vector<128x56xi32>, vector<128x56xi32>, vector<128x56xi32> -> vector<128x448xi32>
    %iota3A = tpu.iota {dimensions = array<i32: 1>} : vector<128x448xi32>
    %iota3A_74 = tpu.iota {dimensions = array<i32: 1>} : vector<128x56xi32>
    %broadcast_in_dim3A = arith.constant 0 : i32
    %broadcast_in_dim3A_75 = vector.broadcast %broadcast_in_dim3A : i32 to vector<128x56xi32>
    %broadcast_in_dim3A_76 = arith.constant 0 : i32
    %broadcast_in_dim3A_77 = vector.broadcast %broadcast_in_dim3A_76 : i32 to vector<128x56xi32>
    %scan3A = arith.constant 0 : i32
    %scan3A_78 = arith.constant 56 : i32
    %scan3A_79 = arith.addi %scan3A, %scan3A_78 : i32
    %scan3A_80 = arith.constant 2 : i32
    %scan3A_81:3 = scf.for %scan3A_97 = %scan3A to %scan3A_79 step %scan3A_80 iter_args(%scan3A_98 = %concatenate3A, %scan3A_99 = %broadcast_in_dim3A_75, %scan3A_100 = %broadcast_in_dim3A_77) -> (vector<128x448xf32>, vector<128x56xi32>, vector<128x56xi32>)  : i32 {
      %reduce_max3A_101 = arith.constant dense<0xFF800000> : vector<128xf32>
      %reduce_max3A_102 = vector.multi_reduction <maximumf>, %scan3A_98, %reduce_max3A_101 [1] : vector<128x448xf32> to vector<128xf32>
      %broadcast_in_dim3A_103 = vector.shape_cast %reduce_max3A_102 : vector<128xf32> to vector<128x1xf32>
      %eq3A = vector.broadcast %broadcast_in_dim3A_103 : vector<128x1xf32> to vector<128x448xf32>
      %eq3A_104 = arith.cmpf oeq, %scan3A_98, %eq3A : vector<128x448xf32>
      %jit3A = arith.constant 2147483647 : i32
      %broadcast_in_dim3A_105 = vector.broadcast %jit3A : i32 to vector<128x448xi32>
      %select_n3A = arith.select %eq3A_104, %concatenate3A_73, %broadcast_in_dim3A_105 : vector<128x448xi1>, vector<128x448xi32>
      %reduce_min3A = arith.constant dense<2147483647> : vector<128xi32>
      %reduce_min3A_106 = vector.multi_reduction <minsi>, %select_n3A, %reduce_min3A [1] : vector<128x448xi32> to vector<128xi32>
      %broadcast_in_dim3A_107 = vector.shape_cast %reduce_min3A_106 : vector<128xi32> to vector<128x1xi32>
      %eq3A_108 = vector.broadcast %broadcast_in_dim3A_107 : vector<128x1xi32> to vector<128x448xi32>
      %eq3A_109 = arith.cmpi eq, %concatenate3A_73, %eq3A_108 : vector<128x448xi32>
      %jit3A_110 = arith.constant 2147483647 : i32
      %broadcast_in_dim3A_111 = vector.broadcast %jit3A_110 : i32 to vector<128x448xi32>
      %select_n3A_112 = arith.select %eq3A_109, %iota3A, %broadcast_in_dim3A_111 : vector<128x448xi1>, vector<128x448xi32>
      %reduce_min3A_113 = arith.constant dense<2147483647> : vector<128xi32>
      %reduce_min3A_114 = vector.multi_reduction <minsi>, %select_n3A_112, %reduce_min3A_113 [1] : vector<128x448xi32> to vector<128xi32>
      %broadcast_in_dim3A_115 = vector.shape_cast %reduce_min3A_114 : vector<128xi32> to vector<128x1xi32>
      %jit3A_116 = arith.constant 56 : i32
      %eq3A_117 = arith.constant 0 : i32
      %eq3A_118 = arith.cmpi eq, %jit3A_116, %eq3A_117 : i32
      %jit3A_119 = arith.constant 1 : i32
      %select_n3A_120 = arith.select %eq3A_118, %jit3A_119, %jit3A_116 : i32
      %rem3A = vector.broadcast %select_n3A_120 : i32 to vector<128x1xi32>
      %rem3A_121 = arith.remsi %broadcast_in_dim3A_115, %rem3A : vector<128x1xi32>
      %ne3A = arith.constant 0 : i32
      %ne3A_122 = vector.broadcast %ne3A : i32 to vector<128x1xi32>
      %ne3A_123 = arith.cmpi ne, %rem3A_121, %ne3A_122 : vector<128x1xi32>
      %lt3A = arith.constant 0 : i32
      %lt3A_124 = vector.broadcast %lt3A : i32 to vector<128x1xi32>
      %lt3A_125 = arith.cmpi slt, %rem3A_121, %lt3A_124 : vector<128x1xi32>
      %lt3A_126 = arith.constant 0 : i32
      %lt3A_127 = arith.cmpi slt, %select_n3A_120, %lt3A_126 : i32
      %ne3A_128 = vector.broadcast %lt3A_127 : i1 to vector<128x1xi1>
      %ne3A_129 = vector.broadcast %ne3A_128 : vector<128x1xi1> to vector<128x1xi1>
      %ne3A_130 = arith.xori %lt3A_125, %ne3A_129 : vector<128x1xi1>
      %and3A = arith.andi %ne3A_130, %ne3A_123 : vector<128x1xi1>
      %add3A_131 = vector.broadcast %select_n3A_120 : i32 to vector<128x1xi32>
      %add3A_132 = arith.addi %rem3A_121, %add3A_131 : vector<128x1xi32>
      %select_n3A_133 = arith.select %and3A, %add3A_132, %rem3A_121 : vector<128x1xi1>, vector<128x1xi32>
      %mul3A_134 = arith.constant 8 : i32
      %mul3A_135 = vector.broadcast %mul3A_134 : i32 to vector<128x1xi32>
      %mul3A_136 = arith.muli %select_n3A_133, %mul3A_135 : vector<128x1xi32>
      %jit3A_137 = arith.constant 56 : i32
      %div3A = vector.broadcast %jit3A_137 : i32 to vector<128x1xi32>
      %div3A_138 = arith.divsi %broadcast_in_dim3A_115, %div3A : vector<128x1xi32>
      %sign3A = arith.constant 0 : i32
      %sign3A_139 = vector.broadcast %sign3A : i32 to vector<128x1xi32>
      %sign3A_140 = arith.cmpi sgt, %broadcast_in_dim3A_115, %sign3A_139 : vector<128x1xi32>
      %sign3A_141 = arith.extui %sign3A_140 : vector<128x1xi1> to vector<128x1xi32>
      %sign3A_142 = arith.constant 0 : i32
      %sign3A_143 = vector.broadcast %sign3A_142 : i32 to vector<128x1xi32>
      %sign3A_144 = arith.cmpi slt, %broadcast_in_dim3A_115, %sign3A_143 : vector<128x1xi32>
      %sign3A_145 = arith.extui %sign3A_144 : vector<128x1xi1> to vector<128x1xi32>
      %sign3A_146 = arith.subi %sign3A_141, %sign3A_145 : vector<128x1xi32>
      %sign3A_147 = arith.constant 0 : i32
      %sign3A_148 = arith.cmpi sgt, %jit3A_137, %sign3A_147 : i32
      %sign3A_149 = arith.extui %sign3A_148 : i1 to i32
      %sign3A_150 = arith.constant 0 : i32
      %sign3A_151 = arith.cmpi slt, %jit3A_137, %sign3A_150 : i32
      %sign3A_152 = arith.extui %sign3A_151 : i1 to i32
      %sign3A_153 = arith.subi %sign3A_149, %sign3A_152 : i32
      %ne3A_154 = vector.broadcast %sign3A_153 : i32 to vector<128x1xi32>
      %ne3A_155 = arith.cmpi ne, %sign3A_146, %ne3A_154 : vector<128x1xi32>
      %rem3A_156 = vector.broadcast %jit3A_137 : i32 to vector<128x1xi32>
      %rem3A_157 = arith.remsi %broadcast_in_dim3A_115, %rem3A_156 : vector<128x1xi32>
      %ne3A_158 = arith.constant 0 : i32
      %ne3A_159 = vector.broadcast %ne3A_158 : i32 to vector<128x1xi32>
      %ne3A_160 = arith.cmpi ne, %rem3A_157, %ne3A_159 : vector<128x1xi32>
      %and3A_161 = arith.andi %ne3A_155, %ne3A_160 : vector<128x1xi1>
      %sub3A = arith.constant 1 : i32
      %sub3A_162 = vector.broadcast %sub3A : i32 to vector<128x1xi32>
      %sub3A_163 = arith.subi %div3A_138, %sub3A_162 : vector<128x1xi32>
      %select_n3A_164 = arith.select %and3A_161, %sub3A_163, %div3A_138 : vector<128x1xi1>, vector<128x1xi32>
      %add3A_165 = arith.addi %mul3A_136, %select_n3A_164 : vector<128x1xi32>
      %eq3A_166 = vector.broadcast %scan3A_97 : i32 to vector<128x56xi32>
      %eq3A_167 = arith.cmpi eq, %iota3A_74, %eq3A_166 : vector<128x56xi32>
      %broadcast_in_dim3A_168 = vector.shape_cast %add3A_165 : vector<128x1xi32> to vector<128x1xi32>
      %broadcast_in_dim3A_169 = vector.broadcast %broadcast_in_dim3A_168 : vector<128x1xi32> to vector<128x56xi32>
      %select_n3A_170 = arith.select %eq3A_167, %broadcast_in_dim3A_169, %scan3A_99 : vector<128x56xi1>, vector<128x56xi32>
      %eq3A_171 = vector.broadcast %scan3A_97 : i32 to vector<128x56xi32>
      %eq3A_172 = arith.cmpi eq, %iota3A_74, %eq3A_171 : vector<128x56xi32>
      %broadcast_in_dim3A_173 = vector.shape_cast %broadcast_in_dim3A_107 : vector<128x1xi32> to vector<128x1xi32>
      %broadcast_in_dim3A_174 = vector.broadcast %broadcast_in_dim3A_173 : vector<128x1xi32> to vector<128x56xi32>
      %select_n3A_175 = arith.select %eq3A_172, %broadcast_in_dim3A_174, %scan3A_100 : vector<128x56xi1>, vector<128x56xi32>
      %jit3A_176 = arith.constant 0xFF800000 : f32
      %broadcast_in_dim3A_177 = vector.broadcast %jit3A_176 : f32 to vector<128x448xf32>
      %select_n3A_178 = arith.select %eq3A_109, %broadcast_in_dim3A_177, %scan3A_98 : vector<128x448xi1>, vector<128x448xf32>
      %scan3A_179 = arith.constant 1 : i32
      %scan3A_180 = arith.addi %scan3A_97, %scan3A_179 : i32
      %reduce_max3A_181 = arith.constant dense<0xFF800000> : vector<128xf32>
      %reduce_max3A_182 = vector.multi_reduction <maximumf>, %select_n3A_178, %reduce_max3A_181 [1] : vector<128x448xf32> to vector<128xf32>
      %broadcast_in_dim3A_183 = vector.shape_cast %reduce_max3A_182 : vector<128xf32> to vector<128x1xf32>
      %eq3A_184 = vector.broadcast %broadcast_in_dim3A_183 : vector<128x1xf32> to vector<128x448xf32>
      %eq3A_185 = arith.cmpf oeq, %select_n3A_178, %eq3A_184 : vector<128x448xf32>
      %jit3A_186 = arith.constant 2147483647 : i32
      %broadcast_in_dim3A_187 = vector.broadcast %jit3A_186 : i32 to vector<128x448xi32>
      %select_n3A_188 = arith.select %eq3A_185, %concatenate3A_73, %broadcast_in_dim3A_187 : vector<128x448xi1>, vector<128x448xi32>
      %reduce_min3A_189 = arith.constant dense<2147483647> : vector<128xi32>
      %reduce_min3A_190 = vector.multi_reduction <minsi>, %select_n3A_188, %reduce_min3A_189 [1] : vector<128x448xi32> to vector<128xi32>
      %broadcast_in_dim3A_191 = vector.shape_cast %reduce_min3A_190 : vector<128xi32> to vector<128x1xi32>
      %eq3A_192 = vector.broadcast %broadcast_in_dim3A_191 : vector<128x1xi32> to vector<128x448xi32>
      %eq3A_193 = arith.cmpi eq, %concatenate3A_73, %eq3A_192 : vector<128x448xi32>
      %jit3A_194 = arith.constant 2147483647 : i32
      %broadcast_in_dim3A_195 = vector.broadcast %jit3A_194 : i32 to vector<128x448xi32>
      %select_n3A_196 = arith.select %eq3A_193, %iota3A, %broadcast_in_dim3A_195 : vector<128x448xi1>, vector<128x448xi32>
      %reduce_min3A_197 = arith.constant dense<2147483647> : vector<128xi32>
      %reduce_min3A_198 = vector.multi_reduction <minsi>, %select_n3A_196, %reduce_min3A_197 [1] : vector<128x448xi32> to vector<128xi32>
      %broadcast_in_dim3A_199 = vector.shape_cast %reduce_min3A_198 : vector<128xi32> to vector<128x1xi32>
      %jit3A_200 = arith.constant 56 : i32
      %eq3A_201 = arith.constant 0 : i32
      %eq3A_202 = arith.cmpi eq, %jit3A_200, %eq3A_201 : i32
      %jit3A_203 = arith.constant 1 : i32
      %select_n3A_204 = arith.select %eq3A_202, %jit3A_203, %jit3A_200 : i32
      %rem3A_205 = vector.broadcast %select_n3A_204 : i32 to vector<128x1xi32>
      %rem3A_206 = arith.remsi %broadcast_in_dim3A_199, %rem3A_205 : vector<128x1xi32>
      %ne3A_207 = arith.constant 0 : i32
      %ne3A_208 = vector.broadcast %ne3A_207 : i32 to vector<128x1xi32>
      %ne3A_209 = arith.cmpi ne, %rem3A_206, %ne3A_208 : vector<128x1xi32>
      %lt3A_210 = arith.constant 0 : i32
      %lt3A_211 = vector.broadcast %lt3A_210 : i32 to vector<128x1xi32>
      %lt3A_212 = arith.cmpi slt, %rem3A_206, %lt3A_211 : vector<128x1xi32>
      %lt3A_213 = arith.constant 0 : i32
      %lt3A_214 = arith.cmpi slt, %select_n3A_204, %lt3A_213 : i32
      %ne3A_215 = vector.broadcast %lt3A_214 : i1 to vector<128x1xi1>
      %ne3A_216 = vector.broadcast %ne3A_215 : vector<128x1xi1> to vector<128x1xi1>
      %ne3A_217 = arith.xori %lt3A_212, %ne3A_216 : vector<128x1xi1>
      %and3A_218 = arith.andi %ne3A_217, %ne3A_209 : vector<128x1xi1>
      %add3A_219 = vector.broadcast %select_n3A_204 : i32 to vector<128x1xi32>
      %add3A_220 = arith.addi %rem3A_206, %add3A_219 : vector<128x1xi32>
      %select_n3A_221 = arith.select %and3A_218, %add3A_220, %rem3A_206 : vector<128x1xi1>, vector<128x1xi32>
      %mul3A_222 = arith.constant 8 : i32
      %mul3A_223 = vector.broadcast %mul3A_222 : i32 to vector<128x1xi32>
      %mul3A_224 = arith.muli %select_n3A_221, %mul3A_223 : vector<128x1xi32>
      %jit3A_225 = arith.constant 56 : i32
      %div3A_226 = vector.broadcast %jit3A_225 : i32 to vector<128x1xi32>
      %div3A_227 = arith.divsi %broadcast_in_dim3A_199, %div3A_226 : vector<128x1xi32>
      %sign3A_228 = arith.constant 0 : i32
      %sign3A_229 = vector.broadcast %sign3A_228 : i32 to vector<128x1xi32>
      %sign3A_230 = arith.cmpi sgt, %broadcast_in_dim3A_199, %sign3A_229 : vector<128x1xi32>
      %sign3A_231 = arith.extui %sign3A_230 : vector<128x1xi1> to vector<128x1xi32>
      %sign3A_232 = arith.constant 0 : i32
      %sign3A_233 = vector.broadcast %sign3A_232 : i32 to vector<128x1xi32>
      %sign3A_234 = arith.cmpi slt, %broadcast_in_dim3A_199, %sign3A_233 : vector<128x1xi32>
      %sign3A_235 = arith.extui %sign3A_234 : vector<128x1xi1> to vector<128x1xi32>
      %sign3A_236 = arith.subi %sign3A_231, %sign3A_235 : vector<128x1xi32>
      %sign3A_237 = arith.constant 0 : i32
      %sign3A_238 = arith.cmpi sgt, %jit3A_225, %sign3A_237 : i32
      %sign3A_239 = arith.extui %sign3A_238 : i1 to i32
      %sign3A_240 = arith.constant 0 : i32
      %sign3A_241 = arith.cmpi slt, %jit3A_225, %sign3A_240 : i32
      %sign3A_242 = arith.extui %sign3A_241 : i1 to i32
      %sign3A_243 = arith.subi %sign3A_239, %sign3A_242 : i32
      %ne3A_244 = vector.broadcast %sign3A_243 : i32 to vector<128x1xi32>
      %ne3A_245 = arith.cmpi ne, %sign3A_236, %ne3A_244 : vector<128x1xi32>
      %rem3A_246 = vector.broadcast %jit3A_225 : i32 to vector<128x1xi32>
      %rem3A_247 = arith.remsi %broadcast_in_dim3A_199, %rem3A_246 : vector<128x1xi32>
      %ne3A_248 = arith.constant 0 : i32
      %ne3A_249 = vector.broadcast %ne3A_248 : i32 to vector<128x1xi32>
      %ne3A_250 = arith.cmpi ne, %rem3A_247, %ne3A_249 : vector<128x1xi32>
      %and3A_251 = arith.andi %ne3A_245, %ne3A_250 : vector<128x1xi1>
      %sub3A_252 = arith.constant 1 : i32
      %sub3A_253 = vector.broadcast %sub3A_252 : i32 to vector<128x1xi32>
      %sub3A_254 = arith.subi %div3A_227, %sub3A_253 : vector<128x1xi32>
      %select_n3A_255 = arith.select %and3A_251, %sub3A_254, %div3A_227 : vector<128x1xi1>, vector<128x1xi32>
      %add3A_256 = arith.addi %mul3A_224, %select_n3A_255 : vector<128x1xi32>
      %eq3A_257 = vector.broadcast %scan3A_180 : i32 to vector<128x56xi32>
      %eq3A_258 = arith.cmpi eq, %iota3A_74, %eq3A_257 : vector<128x56xi32>
      %broadcast_in_dim3A_259 = vector.shape_cast %add3A_256 : vector<128x1xi32> to vector<128x1xi32>
      %broadcast_in_dim3A_260 = vector.broadcast %broadcast_in_dim3A_259 : vector<128x1xi32> to vector<128x56xi32>
      %select_n3A_261 = arith.select %eq3A_258, %broadcast_in_dim3A_260, %select_n3A_170 : vector<128x56xi1>, vector<128x56xi32>
      %eq3A_262 = vector.broadcast %scan3A_180 : i32 to vector<128x56xi32>
      %eq3A_263 = arith.cmpi eq, %iota3A_74, %eq3A_262 : vector<128x56xi32>
      %broadcast_in_dim3A_264 = vector.shape_cast %broadcast_in_dim3A_191 : vector<128x1xi32> to vector<128x1xi32>
      %broadcast_in_dim3A_265 = vector.broadcast %broadcast_in_dim3A_264 : vector<128x1xi32> to vector<128x56xi32>
      %select_n3A_266 = arith.select %eq3A_263, %broadcast_in_dim3A_265, %select_n3A_175 : vector<128x56xi1>, vector<128x56xi32>
      %jit3A_267 = arith.constant 0xFF800000 : f32
      %broadcast_in_dim3A_268 = vector.broadcast %jit3A_267 : f32 to vector<128x448xf32>
      %select_n3A_269 = arith.select %eq3A_193, %broadcast_in_dim3A_268, %select_n3A_178 : vector<128x448xi1>, vector<128x448xf32>
      scf.yield %select_n3A_269, %select_n3A_261, %select_n3A_266 : vector<128x448xf32>, vector<128x56xi32>, vector<128x56xi32>
    }
    %scan3A_82 = arith.constant 56 : i32
    %mul3A_83 = arith.constant 128 : i32
    %mul3A_84 = arith.muli %arg0, %mul3A_83 : i32
    %iota3A_85 = tpu.iota {dimensions = array<i32: 0>} : vector<128x56xi32>
    %add3A_86 = vector.broadcast %mul3A_84 : i32 to vector<128x56xi32>
    %add3A_87 = arith.addi %add3A_86, %iota3A_85 : vector<128x56xi32>
    %mul3A_88 = arith.constant 448 : i32
    %mul3A_89 = vector.broadcast %mul3A_88 : i32 to vector<128x56xi32>
    %mul3A_90 = arith.muli %add3A_87, %mul3A_89 : vector<128x56xi32>
    %add3A_91 = arith.addi %mul3A_90, %scan3A_81#1 : vector<128x56xi32>
    %swap3A = arith.constant 0 : index
    %swap3A_92 = arith.constant 0 : index
    %swap3A_93 = vector.load %arg3[%swap3A, %swap3A_92] : memref<128x56xi32, #tpu.memory_space<vmem>>, vector<128x56xi32>
    tpu.vector_store %arg3[%swap3A, %swap3A_92], %add3A_91 {strides = array<i32>} : memref<128x56xi32, #tpu.memory_space<vmem>>, vector<128x56xi32>,
    %swap3A_94 = arith.constant 0 : index
    %swap3A_95 = arith.constant 0 : index
    %swap3A_96 = vector.load %arg4[%swap3A_94, %swap3A_95] : memref<128x56xi32, #tpu.memory_space<vmem>>, vector<128x56xi32>
    tpu.vector_store %arg4[%swap3A_94, %swap3A_95], %scan3A_81#2 {strides = array<i32>} : memref<128x56xi32, #tpu.memory_space<vmem>>, vector<128x56xi32>,
    return
  }
  func.func @transform_0(%arg0: i32) -> (i32, i32) {
    %c0_i32 = arith.constant 0 : i32
    %c0_i32_0 = arith.constant 0 : i32
    return %arg0, %c0_i32 : i32, i32
  }
  func.func @transform_1(%arg0: i32) -> (i32, i32) {
    %c0_i32 = arith.constant 0 : i32
    %c0_i32_0 = arith.constant 0 : i32
    return %arg0, %c0_i32 : i32, i32
  }
  func.func @transform_2(%arg0: i32) -> (i32, i32) {
    %c0_i32 = arith.constant 0 : i32
    %c0_i32_0 = arith.constant 0 : i32
    return %arg0, %c0_i32 : i32, i32
  }
  func.func @transform_3(%arg0: i32) -> (i32, i32) {
    %c0_i32 = arith.constant 0 : i32
    %c0_i32_0 = arith.constant 0 : i32
    return %arg0, %c0_i32 : i32, i32
  }
}

module attributes {stable_mosaic.version = 14 : i64} {
  func.func @_final_body(%arg0: i32, %arg1: memref<896x128xf32, #tpu.memory_space<vmem>>, %arg2: memref<128x7x8xi32, #tpu.memory_space<vmem>>, %arg3: memref<128x50xf32, #tpu.memory_space<vmem>>, %arg4: memref<128x50xi32, #tpu.memory_space<vmem>>) attributes {dimension_semantics = [#tpu.dimension_semantics<arbitrary>], iteration_bounds = array<i64: 8>, scalar_prefetch = 0 : i64, scratch_operands = 0 : i64, tpu.core_type = #tpu.core_type<tc>, window_params = [{transform_indices = @transform_0, window_bounds = array<i64: 896, 128>}, {transform_indices = @transform_1, window_bounds = array<i64: 128, 7, 8>}, {transform_indices = @transform_2, window_bounds = array<i64: 128, 50>}, {transform_indices = @transform_3, window_bounds = array<i64: 128, 50>}]} {
    %get3A = arith.constant 0 : index
    %get3A_0 = arith.constant 0 : index
    %get3A_1 = arith.constant 0 : index
    %get3A_2 = vector.load %arg2[%get3A, %get3A_0, %get3A_1] : memref<128x7x8xi32, #tpu.memory_space<vmem>>, vector<128x7x8xi32>
    %slice3A = vector.extract_strided_slice %get3A_2 {offsets = [0, 0, 0], sizes = [128, 7, 1], strides = [1, 1, 1]} : vector<128x7x8xi32> to vector<128x7x1xi32>
    %broadcast_in_dim3A = vector.shape_cast %slice3A : vector<128x7x1xi32> to vector<128x7x1xi32>
    %broadcast_in_dim3A_3 = vector.broadcast %broadcast_in_dim3A : vector<128x7x1xi32> to vector<128x7x16xi32>
    %slice3A_4 = vector.extract_strided_slice %get3A_2 {offsets = [0, 0, 1], sizes = [128, 7, 1], strides = [1, 1, 1]} : vector<128x7x8xi32> to vector<128x7x1xi32>
    %broadcast_in_dim3A_5 = vector.shape_cast %slice3A_4 : vector<128x7x1xi32> to vector<128x7x1xi32>
    %broadcast_in_dim3A_6 = vector.broadcast %broadcast_in_dim3A_5 : vector<128x7x1xi32> to vector<128x7x16xi32>
    %slice3A_7 = vector.extract_strided_slice %get3A_2 {offsets = [0, 0, 2], sizes = [128, 7, 1], strides = [1, 1, 1]} : vector<128x7x8xi32> to vector<128x7x1xi32>
    %broadcast_in_dim3A_8 = vector.shape_cast %slice3A_7 : vector<128x7x1xi32> to vector<128x7x1xi32>
    %broadcast_in_dim3A_9 = vector.broadcast %broadcast_in_dim3A_8 : vector<128x7x1xi32> to vector<128x7x16xi32>
    %slice3A_10 = vector.extract_strided_slice %get3A_2 {offsets = [0, 0, 3], sizes = [128, 7, 1], strides = [1, 1, 1]} : vector<128x7x8xi32> to vector<128x7x1xi32>
    %broadcast_in_dim3A_11 = vector.shape_cast %slice3A_10 : vector<128x7x1xi32> to vector<128x7x1xi32>
    %broadcast_in_dim3A_12 = vector.broadcast %broadcast_in_dim3A_11 : vector<128x7x1xi32> to vector<128x7x16xi32>
    %slice3A_13 = vector.extract_strided_slice %get3A_2 {offsets = [0, 0, 4], sizes = [128, 7, 1], strides = [1, 1, 1]} : vector<128x7x8xi32> to vector<128x7x1xi32>
    %broadcast_in_dim3A_14 = vector.shape_cast %slice3A_13 : vector<128x7x1xi32> to vector<128x7x1xi32>
    %broadcast_in_dim3A_15 = vector.broadcast %broadcast_in_dim3A_14 : vector<128x7x1xi32> to vector<128x7x16xi32>
    %slice3A_16 = vector.extract_strided_slice %get3A_2 {offsets = [0, 0, 5], sizes = [128, 7, 1], strides = [1, 1, 1]} : vector<128x7x8xi32> to vector<128x7x1xi32>
    %broadcast_in_dim3A_17 = vector.shape_cast %slice3A_16 : vector<128x7x1xi32> to vector<128x7x1xi32>
    %broadcast_in_dim3A_18 = vector.broadcast %broadcast_in_dim3A_17 : vector<128x7x1xi32> to vector<128x7x16xi32>
    %slice3A_19 = vector.extract_strided_slice %get3A_2 {offsets = [0, 0, 6], sizes = [128, 7, 1], strides = [1, 1, 1]} : vector<128x7x8xi32> to vector<128x7x1xi32>
    %broadcast_in_dim3A_20 = vector.shape_cast %slice3A_19 : vector<128x7x1xi32> to vector<128x7x1xi32>
    %broadcast_in_dim3A_21 = vector.broadcast %broadcast_in_dim3A_20 : vector<128x7x1xi32> to vector<128x7x16xi32>
    %slice3A_22 = vector.extract_strided_slice %get3A_2 {offsets = [0, 0, 7], sizes = [128, 7, 1], strides = [1, 1, 1]} : vector<128x7x8xi32> to vector<128x7x1xi32>
    %broadcast_in_dim3A_23 = vector.shape_cast %slice3A_22 : vector<128x7x1xi32> to vector<128x7x1xi32>
    %broadcast_in_dim3A_24 = vector.broadcast %broadcast_in_dim3A_23 : vector<128x7x1xi32> to vector<128x7x16xi32>
    %concatenate3A = tpu.concatenate %broadcast_in_dim3A_3, %broadcast_in_dim3A_6, %broadcast_in_dim3A_9, %broadcast_in_dim3A_12, %broadcast_in_dim3A_15, %broadcast_in_dim3A_18, %broadcast_in_dim3A_21, %broadcast_in_dim3A_24 in 2 : vector<128x7x16xi32>, vector<128x7x16xi32>, vector<128x7x16xi32>, vector<128x7x16xi32>, vector<128x7x16xi32>, vector<128x7x16xi32>, vector<128x7x16xi32>, vector<128x7x16xi32> -> vector<128x7x128xi32>
    %iota3A = tpu.iota {dimensions = array<i32: 2>} : vector<128x7x128xi32>
    %and3A = arith.constant 15 : i32
    %and3A_25 = vector.broadcast %and3A : i32 to vector<128x7x128xi32>
    %and3A_26 = arith.andi %iota3A, %and3A_25 : vector<128x7x128xi32>
    %add3A = arith.addi %concatenate3A, %and3A_26 : vector<128x7x128xi32>
    %iota3A_27 = tpu.iota {dimensions = array<i32: 1>} : vector<128x56xi32>
    %get3A_28 = arith.constant 0 : index
    %get3A_29 = arith.constant 0 : index
    %get3A_30 = vector.load %arg1[%get3A_28, %get3A_29] : memref<896x128xf32, #tpu.memory_space<vmem>>, vector<896x128xf32>
    %reshape3A = vector.shape_cast %get3A_30 : vector<896x128xf32> to vector<128x7x128xf32>
    %broadcast_in_dim3A_31 = arith.constant 0xFF800000 : f32
    %broadcast_in_dim3A_32 = vector.broadcast %broadcast_in_dim3A_31 : f32 to vector<128x56xf32>
    %broadcast_in_dim3A_33 = arith.constant 0 : i32
    %broadcast_in_dim3A_34 = vector.broadcast %broadcast_in_dim3A_33 : i32 to vector<128x56xi32>
    %scan3A = arith.constant 0 : i32
    %scan3A_35 = arith.constant 50 : i32
    %scan3A_36 = arith.addi %scan3A, %scan3A_35 : i32
    %scan3A_37 = arith.constant 2 : i32
    %scan3A_38:3 = scf.for %scan3A_52 = %scan3A to %scan3A_36 step %scan3A_37 iter_args(%scan3A_53 = %reshape3A, %scan3A_54 = %broadcast_in_dim3A_32, %scan3A_55 = %broadcast_in_dim3A_34) -> (vector<128x7x128xf32>, vector<128x56xf32>, vector<128x56xi32>)  : i32 {
      %reduce_max3A = arith.constant dense<0xFF800000> : vector<128x7xf32>
      %reduce_max3A_56 = vector.multi_reduction <maximumf>, %scan3A_53, %reduce_max3A [2] : vector<128x7x128xf32> to vector<128x7xf32>
      %broadcast_in_dim3A_57 = vector.shape_cast %reduce_max3A_56 : vector<128x7xf32> to vector<128x7x1xf32>
      %reduce_max3A_58 = arith.constant dense<0xFF800000> : vector<128x1xf32>
      %reduce_max3A_59 = vector.multi_reduction <maximumf>, %broadcast_in_dim3A_57, %reduce_max3A_58 [1] : vector<128x7x1xf32> to vector<128x1xf32>
      %broadcast_in_dim3A_60 = vector.shape_cast %reduce_max3A_59 : vector<128x1xf32> to vector<128x1x1xf32>
      %eq3A = vector.broadcast %broadcast_in_dim3A_60 : vector<128x1x1xf32> to vector<128x7x128xf32>
      %eq3A_61 = arith.cmpf oeq, %scan3A_53, %eq3A : vector<128x7x128xf32>
      %jit3A = arith.constant 2147483647 : i32
      %broadcast_in_dim3A_62 = vector.broadcast %jit3A : i32 to vector<128x7x128xi32>
      %select_n3A = arith.select %eq3A_61, %add3A, %broadcast_in_dim3A_62 : vector<128x7x128xi1>, vector<128x7x128xi32>
      %reduce_min3A = arith.constant dense<2147483647> : vector<128x7xi32>
      %reduce_min3A_63 = vector.multi_reduction <minsi>, %select_n3A, %reduce_min3A [2] : vector<128x7x128xi32> to vector<128x7xi32>
      %broadcast_in_dim3A_64 = vector.shape_cast %reduce_min3A_63 : vector<128x7xi32> to vector<128x7x1xi32>
      %reduce_min3A_65 = arith.constant dense<2147483647> : vector<128x1xi32>
      %reduce_min3A_66 = vector.multi_reduction <minsi>, %broadcast_in_dim3A_64, %reduce_min3A_65 [1] : vector<128x7x1xi32> to vector<128x1xi32>
      %broadcast_in_dim3A_67 = vector.shape_cast %reduce_min3A_66 : vector<128x1xi32> to vector<128x1x1xi32>
      %eq3A_68 = vector.broadcast %scan3A_52 : i32 to vector<128x56xi32>
      %eq3A_69 = arith.cmpi eq, %iota3A_27, %eq3A_68 : vector<128x56xi32>
      %squeeze3A = vector.shape_cast %broadcast_in_dim3A_60 : vector<128x1x1xf32> to vector<128x1xf32>
      %broadcast_in_dim3A_70 = vector.shape_cast %squeeze3A : vector<128x1xf32> to vector<128x1xf32>
      %broadcast_in_dim3A_71 = vector.broadcast %broadcast_in_dim3A_70 : vector<128x1xf32> to vector<128x56xf32>
      %select_n3A_72 = arith.select %eq3A_69, %broadcast_in_dim3A_71, %scan3A_54 : vector<128x56xi1>, vector<128x56xf32>
      %eq3A_73 = vector.broadcast %scan3A_52 : i32 to vector<128x56xi32>
      %eq3A_74 = arith.cmpi eq, %iota3A_27, %eq3A_73 : vector<128x56xi32>
      %squeeze3A_75 = vector.shape_cast %broadcast_in_dim3A_67 : vector<128x1x1xi32> to vector<128x1xi32>
      %broadcast_in_dim3A_76 = vector.shape_cast %squeeze3A_75 : vector<128x1xi32> to vector<128x1xi32>
      %broadcast_in_dim3A_77 = vector.broadcast %broadcast_in_dim3A_76 : vector<128x1xi32> to vector<128x56xi32>
      %select_n3A_78 = arith.select %eq3A_74, %broadcast_in_dim3A_77, %scan3A_55 : vector<128x56xi1>, vector<128x56xi32>
      %eq3A_79 = vector.broadcast %broadcast_in_dim3A_67 : vector<128x1x1xi32> to vector<128x7x128xi32>
      %eq3A_80 = arith.cmpi eq, %add3A, %eq3A_79 : vector<128x7x128xi32>
      %jit3A_81 = arith.constant 0xFF800000 : f32
      %broadcast_in_dim3A_82 = vector.broadcast %jit3A_81 : f32 to vector<128x7x128xf32>
      %select_n3A_83 = arith.select %eq3A_80, %broadcast_in_dim3A_82, %scan3A_53 : vector<128x7x128xi1>, vector<128x7x128xf32>
      %scan3A_84 = arith.constant 1 : i32
      %scan3A_85 = arith.addi %scan3A_52, %scan3A_84 : i32
      %reduce_max3A_86 = arith.constant dense<0xFF800000> : vector<128x7xf32>
      %reduce_max3A_87 = vector.multi_reduction <maximumf>, %select_n3A_83, %reduce_max3A_86 [2] : vector<128x7x128xf32> to vector<128x7xf32>
      %broadcast_in_dim3A_88 = vector.shape_cast %reduce_max3A_87 : vector<128x7xf32> to vector<128x7x1xf32>
      %reduce_max3A_89 = arith.constant dense<0xFF800000> : vector<128x1xf32>
      %reduce_max3A_90 = vector.multi_reduction <maximumf>, %broadcast_in_dim3A_88, %reduce_max3A_89 [1] : vector<128x7x1xf32> to vector<128x1xf32>
      %broadcast_in_dim3A_91 = vector.shape_cast %reduce_max3A_90 : vector<128x1xf32> to vector<128x1x1xf32>
      %eq3A_92 = vector.broadcast %broadcast_in_dim3A_91 : vector<128x1x1xf32> to vector<128x7x128xf32>
      %eq3A_93 = arith.cmpf oeq, %select_n3A_83, %eq3A_92 : vector<128x7x128xf32>
      %jit3A_94 = arith.constant 2147483647 : i32
      %broadcast_in_dim3A_95 = vector.broadcast %jit3A_94 : i32 to vector<128x7x128xi32>
      %select_n3A_96 = arith.select %eq3A_93, %add3A, %broadcast_in_dim3A_95 : vector<128x7x128xi1>, vector<128x7x128xi32>
      %reduce_min3A_97 = arith.constant dense<2147483647> : vector<128x7xi32>
      %reduce_min3A_98 = vector.multi_reduction <minsi>, %select_n3A_96, %reduce_min3A_97 [2] : vector<128x7x128xi32> to vector<128x7xi32>
      %broadcast_in_dim3A_99 = vector.shape_cast %reduce_min3A_98 : vector<128x7xi32> to vector<128x7x1xi32>
      %reduce_min3A_100 = arith.constant dense<2147483647> : vector<128x1xi32>
      %reduce_min3A_101 = vector.multi_reduction <minsi>, %broadcast_in_dim3A_99, %reduce_min3A_100 [1] : vector<128x7x1xi32> to vector<128x1xi32>
      %broadcast_in_dim3A_102 = vector.shape_cast %reduce_min3A_101 : vector<128x1xi32> to vector<128x1x1xi32>
      %eq3A_103 = vector.broadcast %scan3A_85 : i32 to vector<128x56xi32>
      %eq3A_104 = arith.cmpi eq, %iota3A_27, %eq3A_103 : vector<128x56xi32>
      %squeeze3A_105 = vector.shape_cast %broadcast_in_dim3A_91 : vector<128x1x1xf32> to vector<128x1xf32>
      %broadcast_in_dim3A_106 = vector.shape_cast %squeeze3A_105 : vector<128x1xf32> to vector<128x1xf32>
      %broadcast_in_dim3A_107 = vector.broadcast %broadcast_in_dim3A_106 : vector<128x1xf32> to vector<128x56xf32>
      %select_n3A_108 = arith.select %eq3A_104, %broadcast_in_dim3A_107, %select_n3A_72 : vector<128x56xi1>, vector<128x56xf32>
      %eq3A_109 = vector.broadcast %scan3A_85 : i32 to vector<128x56xi32>
      %eq3A_110 = arith.cmpi eq, %iota3A_27, %eq3A_109 : vector<128x56xi32>
      %squeeze3A_111 = vector.shape_cast %broadcast_in_dim3A_102 : vector<128x1x1xi32> to vector<128x1xi32>
      %broadcast_in_dim3A_112 = vector.shape_cast %squeeze3A_111 : vector<128x1xi32> to vector<128x1xi32>
      %broadcast_in_dim3A_113 = vector.broadcast %broadcast_in_dim3A_112 : vector<128x1xi32> to vector<128x56xi32>
      %select_n3A_114 = arith.select %eq3A_110, %broadcast_in_dim3A_113, %select_n3A_78 : vector<128x56xi1>, vector<128x56xi32>
      %eq3A_115 = vector.broadcast %broadcast_in_dim3A_102 : vector<128x1x1xi32> to vector<128x7x128xi32>
      %eq3A_116 = arith.cmpi eq, %add3A, %eq3A_115 : vector<128x7x128xi32>
      %jit3A_117 = arith.constant 0xFF800000 : f32
      %broadcast_in_dim3A_118 = vector.broadcast %jit3A_117 : f32 to vector<128x7x128xf32>
      %select_n3A_119 = arith.select %eq3A_116, %broadcast_in_dim3A_118, %select_n3A_83 : vector<128x7x128xi1>, vector<128x7x128xf32>
      scf.yield %select_n3A_119, %select_n3A_108, %select_n3A_114 : vector<128x7x128xf32>, vector<128x56xf32>, vector<128x56xi32>
    }
    %scan3A_39 = arith.constant 50 : i32
    %slice3A_40 = vector.extract_strided_slice %scan3A_38#1 {offsets = [0, 0], sizes = [128, 1], strides = [1, 1]} : vector<128x56xf32> to vector<128x1xf32>
    %sub3A = vector.broadcast %slice3A_40 : vector<128x1xf32> to vector<128x56xf32>
    %sub3A_41 = arith.subf %scan3A_38#1, %sub3A : vector<128x56xf32>
    %exp3A = math.exp %sub3A_41 : vector<128x56xf32>
    %reduce_sum3A = arith.constant dense<0.000000e+00> : vector<128xf32>
    %reduce_sum3A_42 = vector.multi_reduction <add>, %exp3A, %reduce_sum3A [1] : vector<128x56xf32> to vector<128xf32>
    %broadcast_in_dim3A_43 = vector.shape_cast %reduce_sum3A_42 : vector<128xf32> to vector<128x1xf32>
    %div3A = vector.broadcast %broadcast_in_dim3A_43 : vector<128x1xf32> to vector<128x56xf32>
    %div3A_44 = arith.divf %exp3A, %div3A : vector<128x56xf32>
    %slice3A_45 = vector.extract_strided_slice %div3A_44 {offsets = [0, 0], sizes = [128, 50], strides = [1, 1]} : vector<128x56xf32> to vector<128x50xf32>
    %swap3A = arith.constant 0 : index
    %swap3A_46 = arith.constant 0 : index
    %swap3A_47 = vector.load %arg3[%swap3A, %swap3A_46] : memref<128x50xf32, #tpu.memory_space<vmem>>, vector<128x50xf32>
    tpu.vector_store %arg3[%swap3A, %swap3A_46], %slice3A_45 {strides = array<i32>} : memref<128x50xf32, #tpu.memory_space<vmem>>, vector<128x50xf32>,
    %slice3A_48 = vector.extract_strided_slice %scan3A_38#2 {offsets = [0, 0], sizes = [128, 50], strides = [1, 1]} : vector<128x56xi32> to vector<128x50xi32>
    %swap3A_49 = arith.constant 0 : index
    %swap3A_50 = arith.constant 0 : index
    %swap3A_51 = vector.load %arg4[%swap3A_49, %swap3A_50] : memref<128x50xi32, #tpu.memory_space<vmem>>, vector<128x50xi32>
    tpu.vector_store %arg4[%swap3A_49, %swap3A_50], %slice3A_48 {strides = array<i32>} : memref<128x50xi32, #tpu.memory_space<vmem>>, vector<128x50xi32>,
    return
  }
  func.func @transform_0(%arg0: i32) -> (i32, i32) {
    %c0_i32 = arith.constant 0 : i32
    %c0_i32_0 = arith.constant 0 : i32
    return %arg0, %c0_i32 : i32, i32
  }
  func.func @transform_1(%arg0: i32) -> (i32, i32, i32) {
    %c0_i32 = arith.constant 0 : i32
    %c0_i32_0 = arith.constant 0 : i32
    %c0_i32_1 = arith.constant 0 : i32
    return %arg0, %c0_i32, %c0_i32_0 : i32, i32, i32
  }
  func.func @transform_2(%arg0: i32) -> (i32, i32) {
    %c0_i32 = arith.constant 0 : i32
    %c0_i32_0 = arith.constant 0 : i32
    return %arg0, %c0_i32 : i32, i32
  }
  func.func @transform_3(%arg0: i32) -> (i32, i32) {
    %c0_i32 = arith.constant 0 : i32
    %c0_i32_0 = arith.constant 0 : i32
    return %arg0, %c0_i32 : i32, i32
  }
}

</mosaic_0001>

<sc_bundles>
// kernel: kernel.11.cloned.1.call-start
scs
__scs_entry_jumppad:
0x0: {  	(pc) =	sbr.rel $0x88, $3  }
0x1: {  	(tag) =	ssettag $0x0;
	lr =	simm.s32 $0x1  }
0x2: {  	[smem:$0x3F9E] =	sst lr;
	_ =	strace $0xD0000000  }
0x3: {  	_ = 	snop  }
0x4: {  	_ = 	snop  }
0x5: {  	_ = 	snop  }
0x6: {  	_ = 	snop  }
0x7: {  	_ = 	snop  }
__scs_overlays_trampoline_lowered:
0x8: {  	[smem:$0x3FAD] =	sst s0  }
0x9: {  	[smem:$0x3FAE] =	sst s1  }
0xa: {  	[smem:$0x3FAF] =	sst s2  }
0xb: {  	[smem:$0x3FB0] =	sst s3  }
0xc: {  	[smem:$0x3FB1] =	sst s4  }
0xd: {  	[smem:$0x3FB2] =	sst s5  }
0xe: {  	[smem:$0x3FB3] =	sst s6  }
0xf: {  	[smem:$0x3FB4] =	sst s7  }
0x10: {  	[smem:$0x3FB5] =	sst s8  }
0x11: {  	[smem:$0x3FB6] =	sst s9;
	s0 =	simm.s32 @!p0 $0x0  }
0x12: {  	s1 =	sld [smem:$0x3F9C];
	s0 =	simm.s32 @p0 $0x1  }
0x13: {  	[smem:$0x3FB7] =	sst s0;
	s0 =	simm.s32 @!p1 $0x0  }
0x14: {  	s2 =	sld [smem:$0x3F9B];
	s0 =	simm.s32 @p1 $0x1  }
0x15: {  	[smem:$0x3FB8] =	sst s0;
	s0 =	simm.s32 @!p2 $0x0  }
0x16: {  	s3 =	sld [smem:$0x3FDB];
	s0 =	simm.s32 @p2 $0x1  }
0x17: {  	s4 =	simm.s32 $0x1BF5;
	[smem:$0x3FBA] =	sst s0  }
0x18: {  	s0 =	sld [smem:$0x3F9D];
	_ =	swait.ge [sflag:s4], $0x0  }
0x19: {  	s7 =	sld [smem:$0x3F9E]  }
0x1a: {  	s8 =	sadd.s32 $0xFFFFE003, lr  }
0x1b: {  	s9 =	sadd.s32 $0xFFFFFEF7, lr;
	s5 =	simm.s32 $0xFFFFFFFF;
	p2 =	slt.u32 s8, $0xFFFFF086  }
0x1c: {  	p1 =	slt.u32 s9, $0xF7A;
	s5 =	simm.s32 @!p2 $0x0  }
0x1d: {  	s5 =	simm.s32 @p1 $0x1;
	p0 =	seq.s32 s7, s2  }
0x1e: {  	s7 =	smul.u32 @!p0 $0xF7A, s2;
	p2 =	seq.s32 @!p0 s5, $0x0  }
0x1f: {  	s9 =	smul.u32 $0xF7A, s1;
	s8 =	simm.s32 @!p0 $0x1BF5;
	p2 =	por !p2, p0  }
0x20: {  	[sflag:s8] =	ssyncset.s32 @!p0 $0xFFFFF086;
	s6 =	sadd.s32 @!p0 s3, s7;
	s7 =	simm.s32 @!p0 $0x108  }
0x21: {  	s3 =	sadd.s32 s3, s9;
	s6 =	sadd.s32 @!p0 $0x88, s6;
	s7 =	simm.s32 @p2 $0x1082  }
0x22: {  	[simem:s7], [sflag:s8] =	dma.local @!p0 [hbm:s6], $0xF7A  }
0x23: {  	s9 =	sor.u32 $0xD0000000, s2;
	s6 =	simm.s32 $0x108;
	_ =	swait.ge @!p0 [sflag:s8], $0x0  }
0x24: {  	s3 =	sadd.s32 $0x88, s3;
	s6 =	simm.s32 @!p1 $0x1082;
	[sflag:s4] =	ssyncset.s32 $0xFFFFF086  }
0x25: {  	[simem:s6], [sflag:s4] =	dma.local [hbm:s3], $0xF7A  }
0x26: {  	[smem:$0x3F9E] =	sst s1;
	(tag) =	ssettag s2;
	_ =	strace s9  }
0x27: {  	s1 =	sld [smem:$0x3FAE]  }
0x28: {  	s2 =	sld [smem:$0x3FAF]  }
0x29: {  	s4 =	sld [smem:$0x3FB1]  }
0x2a: {  	p0 =	seq.s32 s5, $0x0;
	s5 =	sld [smem:$0x3FB2]  }
0x2b: {  	s6 =	sld [smem:$0x3FB3]  }
0x2c: {  	s7 =	sld [smem:$0x3FB4]  }
0x2d: {  	s3 =	simm.s32 $0x108;
	s8 =	sld [smem:$0x3FB5]  }
0x2e: {  	s3 =	simm.s32 @!p0 $0x1082;
	s9 =	sld [smem:$0x3FB6]  }
0x2f: {  	lr =	sadd.s32 s0, s3;
	s0 =	sld [smem:$0x3FAD]  }
0x30: {  	s3 =	sld [smem:$0x3FB0]  }
0x31: {  	[smem:$0x3FB9] =	sst s10  }
0x32: {  	s10 =	sld [smem:$0x3FB7];
	_ =	sdelay $0x3  }
0x33: {  	p0 =	seq.s32 s10, $0x1;
	s10 =	sld [smem:$0x3FB9];
	_ =	sdelay $0x3  }
0x34: {  	[smem:$0x3FB9] =	sst s10  }
0x35: {  	s10 =	sld [smem:$0x3FB8];
	_ =	sdelay $0x3  }
0x36: {  	p1 =	seq.s32 s10, $0x1;
	s10 =	sld [smem:$0x3FB9];
	_ =	sdelay $0x3  }
0x37: {  	[smem:$0x3FB9] =	sst s10  }
0x38: {  	s10 =	sld [smem:$0x3FBA]  }
0x39: {  	_ = 	snop;
	(pc) =	sbr.ind lr, $3  }
0x3a: {  	_ = 	snop  }
0x3b: {  	_ = 	snop  }
0x3c: {  	p2 =	seq.s32 s10, $0x1;
	s10 =	sld [smem:$0x3FB9]  }
0x3d: {  	_ =	shalt  }
0x3e: {  	_ =	shalt  }
0x3f: {  	_ =	shalt  }
0x40: {  	_ =	shalt  }
0x41: {  	_ =	shalt  }
0x42: {  	_ =	shalt  }
0x43: {  	_ =	shalt  }
0x44: {  	_ =	shalt  }
0x45: {  	_ =	shalt  }
0x46: {  	_ =	shalt  }
0x47: {  	_ =	shalt  }
0x48: {  	_ =	shalt  }
0x49: {  	_ =	shalt  }
0x4a: {  	_ =	shalt  }
0x4b: {  	_ =	shalt  }
0x4c: {  	_ =	shalt  }
0x4d: {  	_ =	shalt  }
0x4e: {  	_ =	shalt  }
0x4f: {  	_ =	shalt  }
0x50: {  	_ =	shalt  }
0x51: {  	_ =	shalt  }
0x52: {  	_ =	shalt  }
0x53: {  	_ =	shalt  }
0x54: {  	_ =	shalt  }
0x55: {  	_ =	shalt  }
0x56: {  	_ =	shalt  }
0x57: {  	_ =	shalt  }
0x58: {  	_ =	shalt  }
0x59: {  	_ =	shalt  }
0x5a: {  	_ =	shalt  }
0x5b: {  	_ =	shalt  }
0x5c: {  	_ =	shalt  }
0x5d: {  	_ =	shalt  }
0x5e: {  	_ =	shalt  }
0x5f: {  	_ =	shalt  }
0x60: {  	_ =	shalt  }
0x61: {  	_ =	shalt  }
0x62: {  	_ =	shalt  }
0x63: {  	_ =	shalt  }
0x64: {  	_ =	shalt  }
0x65: {  	_ =	shalt  }
0x66: {  	_ =	shalt  }
0x67: {  	_ =	shalt  }
0x68: {  	_ =	shalt  }
0x69: {  	_ =	shalt  }
0x6a: {  	_ =	shalt  }
0x6b: {  	_ =	shalt  }
0x6c: {  	_ =	shalt  }
0x6d: {  	_ =	shalt  }
0x6e: {  	_ =	shalt  }
0x6f: {  	_ =	shalt  }
0x70: {  	_ =	shalt  }
0x71: {  	_ =	shalt  }
0x72: {  	_ =	shalt  }
0x73: {  	_ =	shalt  }
0x74: {  	_ =	shalt  }
0x75: {  	_ =	shalt  }
0x76: {  	_ =	shalt  }
0x77: {  	_ =	shalt  }
0x78: {  	_ =	shalt  }
0x79: {  	_ =	shalt  }
0x7a: {  	_ =	shalt  }
0x7b: {  	_ =	shalt  }
0x7c: {  	_ =	shalt  }
0x7d: {  	_ =	shalt  }
0x7e: {  	_ =	shalt  }
0x7f: {  	_ =	shalt  }
0x80: {  	_ =	shalt  }
0x81: {  	_ =	shalt  }
0x82: {  	_ =	shalt  }
0x83: {  	_ =	shalt  }
0x84: {  	_ =	shalt  }
0x85: {  	_ =	shalt  }
0x86: {  	_ =	shalt  }
0x87: {  	_ =	shalt  }
.Lfunc_end0:
.L_simem_size_0:
called_computation.1_lowered:
.L_overlay_start_0:
0x88: {  	s2 =	sld [smem:$0x3FD9]  }
0x89: {  	s3 =	sld [smem:$0x3FFE];
	_ =	sdelay $0x1  }
0x8a: {  	s1 =	srdreg.scid  }
0x8b: {  	s0 =	sand.u32 $0x1, s1  }
0x8c: {  	s14 =	sshll.u32 s0, $0xA;
	s2 =	sadd.s32 s3, s2  }
0x8d: {  	s2 =	sadd.s32 s2, s14  }
0x8e: {  	[smem:$0x3FC5] =	sst s2  }
0x8f: {  	_ = 	snop  }
0x90: {  	s2 =	sld [smem:$0x3FD0];
	_ =	sdelay $0x2  }
0x91: {  	s15 =	simm.s32 $0xA;
	s4 =	simm.s32 $0x10  }
0x92: {  	[smem:s4], [sflag:s15] =	dma.local [hbm:s2], $0x1  }
0x93: {  	_ =	swait.eq [sflag:s15], $0x1  }
0x94: {  	[sflag:s15] =	ssyncset.done $0x0  }
0x95: {  	[sflag:s15] =	ssyncadd.s32 $0xFFFFFFFF  }
0x96: {  	s16 =	sld [smem:$0x11];
	(tm) =	ssettm $0x1  }
0x97: {  	s17 =	sld [smem:$0x3FFB];
	_ =	sdelay $0x3  }
0x98: {  	_ =	strace s17  }
0x99: {  	s3 =	sld [smem:$0x3FFC];
	_ =	sdelay $0x3  }
0x9a: {  	_ =	strace s3  }
0x9b: {  	s3 =	sld [smem:$0x3FFD];
	_ =	sdelay $0x3  }
0x9c: {  	_ =	strace s3  }
0x9d: {  	_ =	strace $0x8FFFFFFF  }
0x9e: {  	s18 =	sld [smem:$0x3FDB];
	_ =	sdelay $0x1  }
0x9f: {  	s19 =	simm.s32 $_scs_section_size  }
0xa0: {  	s5 =	simm.s32 $_size__tile_overlayer_lowered;
	s6 =	simm.s32 $_tile_overlayer_lowered  }
0xa1: {  	s22 =	simm.s32 $0x1BFF;
	s21 =	sshll.u32 s6, $0x1;
	s3 =	sadd.s32 s19, s18  }
0xa2: {  	s7 =	simm.s32 $0x0;
	s20 =	sshll.u32 s5, $0x1;
	s5 =	sadd.s32 s21, s3  }
0xa3: {  	[timem:s7], [sflag:s22] =	dma.local [hbm:s5], s20  }
0xa4: {  	_ =	swait.ge [sflag:s22], s20  }
0xa5: {  	s4 =	ssub.s32 $0x0, s20;
	[sflag:s22] =	ssyncset.done $0x0  }
0xa6: {  	[sflag:s22] =	ssyncadd.s32 s4;
	_ =	sdelay $0x1  }
0xa7: {  	s23 =	simm.s32 $0x1B8B  }
0xa8: {  	_ =	swait.ge [sflag:s23], $0x1  }
0xa9: {  	[sflag:s23] =	ssyncset.done $0x0  }
0xaa: {  	s25 =	simm.s32 $0x1B8E;
	s24 =	sld [smem:$0x3FFE];
	[sflag:s23] =	ssyncadd.s32 $0xFFFFFFFF  }
0xab: {  	s26 =	simm.s32 $execute0_lowered;
	[smem:$0x3FD2] =	sst s25  }
0xac: {  	s5 =	sshll.u32 s26, $0x1;
	_ =	strace $0x80000049;
	[dreg:$0x1] =	wrdreg $0xFFFFFFFF  }
0xad: {  	s28 =	simm.s32 $_size_execute0_lowered;
	s3 =	sadd.s32 s3, s5;
	[dreg:$0x0] =	wrdreg $0x0  }
0xae: {  	s5 =	sshll.u32 s28, $0x1;
	[dreg:$0x2] =	wrdreg s3  }
0xaf: {  	[dreg:$0x3] =	wrdreg s5  }
0xb0: {  	[dreg:$0x4] =	wrdreg $0xC0  }
0xb1: {  	_ =	task [dreg:s7], $0x5FFFF  }
0xb2: {  	[dreg:$0x1] =	wrdreg $0xFFFFFFFF  }
0xb3: {  	[dreg:$0x0] =	wrdreg $0x60  }
0xb4: {  	[dreg:$0x2] =	wrdreg s24  }
0xb5: {  	[dreg:$0x3] =	wrdreg s16  }
0xb6: {  	[dreg:$0x4] =	wrdreg $0x9  }
0xb7: {  	_ =	task.clear_ibuf [dreg:s7], $0x5FFFF;
	_ =	strace $0x90000049  }
0xb8: {  	s29 =	simm.s32 $0x9;
	_ =	strace $0x8000004B  }
0xb9: {  	_ =	swait.ge [sflag:s29], $0x1  }
0xba: {  	[sflag:s29] =	ssyncadd.s32 $0xFFFFFFFF  }
0xbb: {  	_ =	strace $0x9000004B  }
0xbc: {  	_ =	sfence  }
0xbd: {  	s30 =	sld [smem:$0x0];
	_ =	sdelay $0x2  }
0xbe: {  	s31 =	sshll.u32 s1, $0xD;
	s1 =	sshrl.u32 s1, $0x2  }
0xbf: {  	s3 =	sand.u32 $0x4000, s31;
	s1 =	sadd.s32 s1, s30  }
0xc0: {  	s0 =	sor.u32 s3, s0;
	s1 =	sshll.u32 s1, $0x11  }
0xc1: {  	s0 =	sor.u32 s1, s0  }
0xc2: {  	s0 =	sadd.s32 $0x8F2B, s0  }
0xc3: {  	[sflag:s0] =	ssyncadd.remote.s32 $0x1  }
0xc4: {  	_ =	sfence.sel $0xFFFF  }
0xc5: {  	[dreg:$0x0] =	wrdreg $0xFFFFFFFF;
	(pc) =	sbr.abs _section_cstart, $3  }
0xc6: {  	[dreg:$0x1] =	wrdreg $0xFFFFFFFF  }
0xc7: {  	_ =	task.clear_ibuf [dreg:s7], $0x2FFFF;
	_ =	strace $0x9FFFFFFF  }
0xc8: {  	(tm) =	ssettm $0x7FFFFFFF  }
0xc9: {  	_ =	shalt  }
tec
execute0_lowered:
.L_overlay_start_1:
0x0: {  	(tag) =	ssettag $0x1  }
0x1: {  	v1 =	vlaneseq.u32  }
0x2: {  	v0 =	vmul.u32 $0x80, v1  }
0x3: {  	v1 =	vmul.u32 $0x10, v1  }
0x4: {  	v6 =	vor.u32 $0x1, v0  }
0x5: {  	v7 =	vor.u32 $0x1, v1;
	v8 =	vor.u32 $0x2, v0;
	v9 =	vor.u32 $0x2, v1  }
0x6: {  	v10 =	vor.u32 $0x3, v0;
	v11 =	vor.u32 $0x3, v1;
	v12 =	vor.u32 $0x4, v0  }
0x7: {  	v13 =	vor.u32 $0x4, v1;
	v14 =	vor.u32 $0x5, v0;
	v15 =	vor.u32 $0x5, v1  }
0x8: {  	v16 =	vor.u32 $0x6, v0;
	v17 =	vor.u32 $0x6, v1;
	v18 =	vor.u32 $0x7, v0  }
0x9: {  	v19 =	vor.u32 $0x7, v1;
	v20 =	vor.u32 $0x8, v0;
	v21 =	vor.u32 $0x8, v1  }
0xa: {  	v22 =	vor.u32 $0x9, v0;
	v23 =	vor.u32 $0x9, v1;
	v24 =	vor.u32 $0xA, v0  }
0xb: {  	v25 =	vor.u32 $0xA, v1;
	v26 =	vor.u32 $0xB, v0;
	v27 =	vor.u32 $0xB, v1  }
0xc: {  	v28 =	vor.u32 $0xC, v0;
	v29 =	vor.u32 $0xC, v1;
	v30 =	vor.u32 $0xD, v0  }
0xd: {  	s4 =	rddreg [dreg:$0x0];
	v31 =	vor.u32 $0xD, v1;
	v32 =	vor.u32 $0xE, v0;
	v33 =	vor.u32 $0xE, v1  }
0xe: {  	s6 =	rddreg [dreg:$0x1];
	v34 =	vor.u32 $0xF, v0;
	v35 =	vor.u32 $0xF, v1;
	v36 =	vor.u32 $0x800, v0  }
0xf: {  	s0 =	rddreg [dreg:$0x2];
	v37 =	vor.u32 $0x100, v1;
	v38 =	vor.u32 $0x801, v0;
	v39 =	vor.u32 $0x101, v1  }
0x10: {  	s1 =	stileid.u32;
	s2 =	simm.s32 $0x0;
	s3 =	srdreg.scid;
	v40 =	vor.u32 $0x802, v0;
	v41 =	vor.u32 $0x102, v1;
	v42 =	vor.u32 $0x803, v0  }
0x11: {  	s11 =	simm.s32 $0x4100;
	s12 =	simm.s32 $0x0;
	s5 =	smul.u32 $0x1C00, s1;
	v43 =	vor.u32 $0x103, v1;
	v44 =	vor.u32 $0x804, v0;
	v45 =	vor.u32 $0x104, v1  }
0x12: {  	[smem:$0x7FF] =	sst s2;
	s7 =	sand.u32 $0x1, s3;
	s8 =	smul.u32 $0xE00, s1;
	v46 =	vor.u32 $0x805, v0;
	v47 =	vor.u32 $0x105, v1;
	v48 =	vor.u32 $0x806, v0  }
0x13: {  	_ =	strace $0x8000004A;
	s9 =	smul.u32 $0x700, s7;
	s10 =	ssub.s32 $0x2, s7;
	v49 =	vor.u32 $0x106, v1;
	v50 =	vor.u32 $0x807, v0;
	v2 =	vor.u32 $0x80E, v0  }
0x14: {  	s3 =	sadd.s32 $0x4E00, s4;
	s7 =	smul.u32 $0xE00, s7;
	v51 =	vor.u32 $0x107, v1;
	s31 =	sshrl.u32 s10, $0x1;
	v52 =	vor.u32 $0x808, v0;
	v62 =	vor.u32 $0x80D, v0;
	[tilespmem:$0x1FFB0] =	vst v2  }
0x15: {  	s4 =	sadd.s32 s5, s4;
	v53 =	vor.u32 $0x108, v1;
	v54 =	vor.u32 $0x809, v0;
	v63 =	vor.u32 $0x10D, v1;
	s8 =	sadd.s32 s9, s8;
	s5 =	ssub.s32 s10, s31;
	[tilespmem:$0x1FFE0] =	vst v62  }
0x16: {  	v55 =	vor.u32 $0x109, v1;
	v56 =	vor.u32 $0x80A, v0;
	s7 =	sadd.s32 s7, s4;
	s9 =	simm.s32 $0x100;
	s10 =	simm.s32 $0x1;
	v2 =	vor.u32 $0x10E, v1;
	[tilespmem:$0x1FFF0] =	vst v63  }
0x17: {  	v57 =	vor.u32 $0x10A, v1;
	v58 =	vor.u32 $0x80B, v0;
	s8 =	sshrl.u32 s8, $0x3;
	s4 =	smax.u32 s5, $0x1;
	s5 =	sadd.s32 $0xE4E00, s7;
	[tilespmem:$0x1FFC0] =	vst v2;
	v2 =	vor.u32 $0x80F, v0  }
0x18: {  	v59 =	vor.u32 $0x10B, v1;
	v60 =	vor.u32 $0x80C, v0;
	v61 =	vor.u32 $0x10C, v1;
	s7 =	simm.s32 $0x2;
	s6 =	sadd.s32 s8, s6;
	s8 =	simm.s32 $0x80;
	[tilespmem:$0x1FFD0] =	vst v2  }
.LBB2_1:
0x19: {  	s13 =	smov.u32 s5;
	s14 =	simm.s32 $0x0  }
.LBB2_2:
0x1a: {  	v62 =	vmov v61  }
0x1b: {  	s15 =	sadd.s32 s14, s6;
	v61 =	vmovc v60;
	v60 =	vmovc v59;
	v59 =	vmov v58;
	v58 =	vmov v57;
	v57 =	vmov v56  }
0x1c: {  	v56 =	vmovc v55;
	v55 =	vmovc v54;
	v54 =	vmov v53;
	v53 =	vmov v52;
	v52 =	vmov v51;
	[tilespmem:s2], [sflag:$0x2] =	stream.linear.gather [hbm4b:s15+s2], $0x80, $0x38;
	[tilespmem:$0x4900] =	vst v63  }
0x1d: {  	v51 =	vmovc v50;
	v50 =	vmovc v49;
	v49 =	vmov v48;
	v48 =	vmov v47;
	v47 =	vmov v46;
	_ =	swait.ge [sflag:s7], $0x80  }
0x1e: {  	v46 =	vmovc v45;
	v45 =	vmovc v44;
	v44 =	vmov v43;
	v43 =	vmov v42;
	v42 =	vmov v41;
	[sflag:s7] =	ssyncset.done $0x0  }
0x1f: {  	v41 =	vmovc v40;
	v40 =	vmovc v39;
	v39 =	vmov v38;
	v38 =	vmov v37;
	v37 =	vmov v36;
	[sflag:s7] =	ssyncadd.s32 $0xFFFFFF80  }
0x20: {  	v36 =	vmovc v35;
	v35 =	vmovc v34;
	v34 =	vmov v33;
	v33 =	vmov v32;
	v32 =	vmov v31;
	v63 =	vld [tilespmem:$0x0]  }
0x21: {  	v31 =	vmovc v30;
	v30 =	vmovc v29;
	v29 =	vmov v28;
	v28 =	vmov v27;
	v27 =	vmov v26;
	v2 =	vld [tilespmem:$0x10]  }
0x22: {  	v26 =	vmovc v25;
	v25 =	vmovc v24;
	v24 =	vmov v23;
	v23 =	vmov v22;
	v22 =	vmov v21;
	v3 =	vld [tilespmem:$0x20]  }
0x23: {  	v21 =	vmovc v20;
	v20 =	vmovc v19;
	v19 =	vmov v18;
	v18 =	vmov v17;
	v17 =	vmov v16;
	v4 =	vld [tilespmem:$0x30]  }
0x24: {  	v16 =	vmovc v15;
	v15 =	vmovc v14;
	v14 =	vmov v13;
	v13 =	vmov v12;
	v12 =	vmov v11;
	v5 =	vld [tilespmem:$0x40]  }
0x25: {  	v11 =	vmovc v10;
	v10 =	vmovc v9;
	v9 =	vmov v8;
	v8 =	vmov v7;
	v7 =	vmov v6;
	v6 =	vld [tilespmem:$0x50]  }
0x26: {  	v2 =	vshrl.u32 v2, $0x3  }
0x27: {  	[tilespmem:$0x90] =	vst v2;
	v2 =	vshrl.u32 v3, $0x3  }
0x28: {  	[tilespmem:$0xA0] =	vst v2;
	v2 =	vshrl.u32 v4, $0x3  }
0x29: {  	[tilespmem:$0xB0] =	vst v2;
	v2 =	vshrl.u32 v5, $0x3  }
0x2a: {  	v63 =	vshrl.u32 v63, $0x3;
	[tilespmem:$0xC0] =	vst v2;
	v2 =	vshrl.u32 v6, $0x3;
	v6 =	vmovc v7;
	v7 =	vmovc v8;
	v8 =	vmov v9  }
0x2b: {  	v9 =	vmovc v10;
	v10 =	vmovc v11;
	v11 =	vmov v12;
	v12 =	vmov v13;
	v13 =	vmov v14  }
0x2c: {  	v14 =	vmovc v15;
	v15 =	vmovc v16;
	v16 =	vmov v17;
	v17 =	vmov v18;
	v18 =	vmov v19  }
0x2d: {  	[tilespmem:$0x80] =	vst v63;
	v63 =	vld [tilespmem:$0x60];
	v19 =	vmovc v20;
	v20 =	vmovc v21;
	v21 =	vmov v22;
	v22 =	vmov v23;
	v23 =	vmov v24  }
0x2e: {  	v3 =	vld [tilespmem:$0x70];
	v24 =	vmovc v25;
	v25 =	vmovc v26;
	v26 =	vmov v27;
	v27 =	vmov v28;
	v28 =	vmov v29  }
0x2f: {  	v29 =	vmovc v30;
	v30 =	vmovc v31;
	v31 =	vmov v32;
	v32 =	vmov v33;
	v33 =	vmov v34  }
0x30: {  	v34 =	vmovc v35;
	v35 =	vmovc v36;
	v36 =	vmov v37;
	v37 =	vmov v38;
	v38 =	vmov v39  }
0x31: {  	v39 =	vmovc v40;
	v40 =	vmovc v41;
	v41 =	vmov v42;
	v42 =	vmov v43;
	v43 =	vmov v44  }
0x32: {  	v44 =	vmovc v45;
	v45 =	vmovc v46;
	v46 =	vmov v47;
	v47 =	vmov v48;
	[tilespmem:$0xD0] =	vst v2;
	v2 =	vshrl.u32 v63, $0x3  }
0x33: {  	v48 =	vmovc v49;
	v49 =	vmovc v50;
	v50 =	vmov v51;
	v51 =	vmov v52;
	[tilespmem:$0xE0] =	vst v2;
	v2 =	vshrl.u32 v3, $0x3  }
0x34: {  	v52 =	vmovc v53;
	v53 =	vmovc v54;
	v54 =	vmov v55;
	v55 =	vmov v56;
	v56 =	vmov v57;
	[tilespmem:$0xF0] =	vst v2  }
0x35: {  	v57 =	vmovc v58;
	v58 =	vmovc v59;
	v59 =	vmov v60;
	v60 =	vmov v61;
	v61 =	vmov v62;
	v62 =	vld [tilespmem:$0x1FFE0];
	[tilespmem:s9], [sflag:$0x1] =	stream.indirect.gather [hbm4b:s3+s8], $0x80, s8, s8, $0xb8  }
0x36: {  	v63 =	vld [tilespmem:$0x1FFF0];
	_ =	swait.ge [sflag:s10], $0x4000  }
0x37: {  	[sflag:s10] =	ssyncset.done $0x0  }
0x38: {  	[sflag:s10] =	ssyncadd.s32 $0xFFFFC000  }
0x39: {  	v2 =	vld [tilespmem:$0x0];
	_ =	sdelay $0x4  }
0x3a: {  	v2 =	vshll.u32 v2, $0x4  }
0x3b: {  	v2 =	vand.u32 $0x70, v2  }
0x3c: {  	v3 =	vor.u32 v0, v2;
	_ =	sdelay $0x4  }
0x3d: {  	v3 =	vld.idx.msk [tilespmem:v3+s9+$0x0], $0xffff  }
0x3e: {  	v4 =	vor.u32 v6, v2;
	_ =	sdelay $0x3  }
0x3f: {  	[tilespmem:v1+s11+$0x0] =	vst.idx.msk $0xffff, v3  }
0x40: {  	v3 =	vld.idx.msk [tilespmem:v4+s9+$0x0], $0xffff  }
0x41: {  	v4 =	vor.u32 v8, v2;
	_ =	sdelay $0x3  }
0x42: {  	[tilespmem:v7+s11+$0x0] =	vst.idx.msk $0xffff, v3  }
0x43: {  	v3 =	vld.idx.msk [tilespmem:v4+s9+$0x0], $0xffff  }
0x44: {  	v4 =	vor.u32 v10, v2;
	_ =	sdelay $0x3  }
0x45: {  	[tilespmem:v9+s11+$0x0] =	vst.idx.msk $0xffff, v3  }
0x46: {  	v3 =	vld.idx.msk [tilespmem:v4+s9+$0x0], $0xffff  }
0x47: {  	v4 =	vor.u32 v12, v2;
	_ =	sdelay $0x3  }
0x48: {  	[tilespmem:v11+s11+$0x0] =	vst.idx.msk $0xffff, v3  }
0x49: {  	v3 =	vld.idx.msk [tilespmem:v4+s9+$0x0], $0xffff  }
0x4a: {  	v4 =	vor.u32 v14, v2;
	_ =	sdelay $0x3  }
0x4b: {  	[tilespmem:v13+s11+$0x0] =	vst.idx.msk $0xffff, v3  }
0x4c: {  	v3 =	vld.idx.msk [tilespmem:v4+s9+$0x0], $0xffff  }
0x4d: {  	v4 =	vor.u32 v16, v2;
	_ =	sdelay $0x3  }
0x4e: {  	[tilespmem:v15+s11+$0x0] =	vst.idx.msk $0xffff, v3  }
0x4f: {  	v3 =	vld.idx.msk [tilespmem:v4+s9+$0x0], $0xffff  }
0x50: {  	v4 =	vor.u32 v18, v2;
	_ =	sdelay $0x3  }
0x51: {  	[tilespmem:v17+s11+$0x0] =	vst.idx.msk $0xffff, v3  }
0x52: {  	v3 =	vld.idx.msk [tilespmem:v4+s9+$0x0], $0xffff  }
0x53: {  	v4 =	vor.u32 v20, v2;
	_ =	sdelay $0x3  }
0x54: {  	[tilespmem:v19+s11+$0x0] =	vst.idx.msk $0xffff, v3  }
0x55: {  	v3 =	vld.idx.msk [tilespmem:v4+s9+$0x0], $0xffff  }
0x56: {  	v4 =	vor.u32 v22, v2;
	_ =	sdelay $0x3  }
0x57: {  	[tilespmem:v21+s11+$0x0] =	vst.idx.msk $0xffff, v3  }
0x58: {  	v3 =	vld.idx.msk [tilespmem:v4+s9+$0x0], $0xffff  }
0x59: {  	v4 =	vor.u32 v24, v2;
	_ =	sdelay $0x3  }
0x5a: {  	[tilespmem:v23+s11+$0x0] =	vst.idx.msk $0xffff, v3  }
0x5b: {  	v3 =	vld.idx.msk [tilespmem:v4+s9+$0x0], $0xffff  }
0x5c: {  	v4 =	vor.u32 v26, v2;
	_ =	sdelay $0x3  }
0x5d: {  	[tilespmem:v25+s11+$0x0] =	vst.idx.msk $0xffff, v3  }
0x5e: {  	v3 =	vld.idx.msk [tilespmem:v4+s9+$0x0], $0xffff  }
0x5f: {  	v4 =	vor.u32 v28, v2;
	_ =	sdelay $0x3  }
0x60: {  	[tilespmem:v27+s11+$0x0] =	vst.idx.msk $0xffff, v3  }
0x61: {  	v3 =	vld.idx.msk [tilespmem:v4+s9+$0x0], $0xffff  }
0x62: {  	v4 =	vor.u32 v30, v2;
	_ =	sdelay $0x3  }
0x63: {  	[tilespmem:v29+s11+$0x0] =	vst.idx.msk $0xffff, v3  }
0x64: {  	v3 =	vld.idx.msk [tilespmem:v4+s9+$0x0], $0xffff  }
0x65: {  	v4 =	vor.u32 v32, v2;
	_ =	sdelay $0x3  }
0x66: {  	[tilespmem:v31+s11+$0x0] =	vst.idx.msk $0xffff, v3  }
0x67: {  	v3 =	vld.idx.msk [tilespmem:v4+s9+$0x0], $0xffff  }
0x68: {  	v2 =	vor.u32 v34, v2;
	_ =	sdelay $0x3  }
0x69: {  	[tilespmem:v33+s11+$0x0] =	vst.idx.msk $0xffff, v3  }
0x6a: {  	v2 =	vld.idx.msk [tilespmem:v2+s9+$0x0], $0xffff;
	_ =	sdelay $0x4  }
0x6b: {  	[tilespmem:v35+s11+$0x0] =	vst.idx.msk $0xffff, v2  }
0x6c: {  	v2 =	vld [tilespmem:$0x10];
	_ =	sdelay $0x4  }
0x6d: {  	v2 =	vshll.u32 v2, $0x4  }
0x6e: {  	v2 =	vand.u32 $0x70, v2  }
0x6f: {  	v3 =	vor.u32 v36, v2;
	_ =	sdelay $0x4  }
0x70: {  	v3 =	vld.idx.msk [tilespmem:v3+s9+$0x0], $0xffff  }
0x71: {  	v4 =	vor.u32 v38, v2;
	_ =	sdelay $0x3  }
0x72: {  	[tilespmem:v37+s11+$0x0] =	vst.idx.msk $0xffff, v3  }
0x73: {  	v3 =	vld.idx.msk [tilespmem:v4+s9+$0x0], $0xffff  }
0x74: {  	v4 =	vor.u32 v40, v2;
	_ =	sdelay $0x3  }
0x75: {  	[tilespmem:v39+s11+$0x0] =	vst.idx.msk $0xffff, v3  }
0x76: {  	v3 =	vld.idx.msk [tilespmem:v4+s9+$0x0], $0xffff  }
0x77: {  	v4 =	vor.u32 v42, v2;
	_ =	sdelay $0x3  }
0x78: {  	[tilespmem:v41+s11+$0x0] =	vst.idx.msk $0xffff, v3  }
0x79: {  	v3 =	vld.idx.msk [tilespmem:v4+s9+$0x0], $0xffff  }
0x7a: {  	v4 =	vor.u32 v44, v2;
	_ =	sdelay $0x3  }
0x7b: {  	[tilespmem:v43+s11+$0x0] =	vst.idx.msk $0xffff, v3  }
0x7c: {  	v3 =	vld.idx.msk [tilespmem:v4+s9+$0x0], $0xffff  }
0x7d: {  	v4 =	vor.u32 v46, v2;
	_ =	sdelay $0x3  }
0x7e: {  	[tilespmem:v45+s11+$0x0] =	vst.idx.msk $0xffff, v3  }
0x7f: {  	v3 =	vld.idx.msk [tilespmem:v4+s9+$0x0], $0xffff  }
0x80: {  	v4 =	vor.u32 v48, v2;
	_ =	sdelay $0x3  }
0x81: {  	[tilespmem:v47+s11+$0x0] =	vst.idx.msk $0xffff, v3  }
0x82: {  	v3 =	vld.idx.msk [tilespmem:v4+s9+$0x0], $0xffff  }
0x83: {  	v4 =	vor.u32 v50, v2;
	_ =	sdelay $0x3  }
0x84: {  	[tilespmem:v49+s11+$0x0] =	vst.idx.msk $0xffff, v3  }
0x85: {  	v3 =	vld.idx.msk [tilespmem:v4+s9+$0x0], $0xffff  }
0x86: {  	v4 =	vor.u32 v52, v2;
	_ =	sdelay $0x3  }
0x87: {  	[tilespmem:v51+s11+$0x0] =	vst.idx.msk $0xffff, v3  }
0x88: {  	v3 =	vld.idx.msk [tilespmem:v4+s9+$0x0], $0xffff  }
0x89: {  	v4 =	vor.u32 v54, v2;
	_ =	sdelay $0x3  }
0x8a: {  	[tilespmem:v53+s11+$0x0] =	vst.idx.msk $0xffff, v3  }
0x8b: {  	v3 =	vld.idx.msk [tilespmem:v4+s9+$0x0], $0xffff  }
0x8c: {  	v4 =	vor.u32 v56, v2;
	_ =	sdelay $0x3  }
0x8d: {  	[tilespmem:v55+s11+$0x0] =	vst.idx.msk $0xffff, v3  }
0x8e: {  	v3 =	vld.idx.msk [tilespmem:v4+s9+$0x0], $0xffff  }
0x8f: {  	v4 =	vor.u32 v58, v2;
	_ =	sdelay $0x3  }
0x90: {  	[tilespmem:v57+s11+$0x0] =	vst.idx.msk $0xffff, v3  }
0x91: {  	v3 =	vld.idx.msk [tilespmem:v4+s9+$0x0], $0xffff  }
0x92: {  	v4 =	vor.u32 v60, v2;
	_ =	sdelay $0x3  }
0x93: {  	[tilespmem:v59+s11+$0x0] =	vst.idx.msk $0xffff, v3  }
0x94: {  	v3 =	vld.idx.msk [tilespmem:v4+s9+$0x0], $0xffff  }
0x95: {  	v4 =	vor.u32 v62, v2;
	_ =	sdelay $0x3  }
0x96: {  	[tilespmem:v61+s11+$0x0] =	vst.idx.msk $0xffff, v3  }
0x97: {  	v3 =	vld.idx.msk [tilespmem:v4+s9+$0x0], $0xffff  }
0x98: {  	v4 =	vld [tilespmem:$0x1FFB0];
	_ =	sdelay $0x4  }
0x99: {  	v4 =	vor.u32 v4, v2;
	_ =	sdelay $0x3  }
0x9a: {  	[tilespmem:v63+s11+$0x0] =	vst.idx.msk $0xffff, v3  }
0x9b: {  	v3 =	vld.idx.msk [tilespmem:v4+s9+$0x0], $0xffff  }
0x9c: {  	v4 =	vld [tilespmem:$0x1FFD0];
	_ =	sdelay $0x4  }
0x9d: {  	v2 =	vor.u32 v4, v2;
	v4 =	vld [tilespmem:$0x1FFC0];
	_ =	sdelay $0x7  }
0x9e: {  	[tilespmem:v4+s11+$0x0] =	vst.idx.msk $0xffff, v3  }
0x9f: {  	v3 =	vor.u32 $0x10F, v1;
	v2 =	vld.idx.msk [tilespmem:v2+s9+$0x0], $0xffff;
	_ =	sdelay $0x4  }
0xa0: {  	[tilespmem:v3+s11+$0x0] =	vst.idx.msk $0xffff, v2  }
0xa1: {  	v2 =	vld [tilespmem:$0x20];
	_ =	sdelay $0x4  }
0xa2: {  	v2 =	vshll.u32 v2, $0x4  }
0xa3: {  	v3 =	vor.u32 $0x1000, v0;
	v2 =	vand.u32 $0x70, v2  }
0xa4: {  	v3 =	vor.u32 v3, v2;
	_ =	sdelay $0x4  }
0xa5: {  	v5 =	vor.u32 $0x1001, v0;
	v4 =	vor.u32 $0x200, v1;
	v3 =	vld.idx.msk [tilespmem:v3+s9+$0x0], $0xffff  }
0xa6: {  	v5 =	vor.u32 v5, v2;
	_ =	sdelay $0x3  }
0xa7: {  	[tilespmem:v4+s11+$0x0] =	vst.idx.msk $0xffff, v3  }
0xa8: {  	v4 =	vor.u32 $0x201, v1;
	v3 =	vld.idx.msk [tilespmem:v5+s9+$0x0], $0xffff;
	v5 =	vor.u32 $0x1002, v0  }
0xa9: {  	v5 =	vor.u32 v5, v2;
	_ =	sdelay $0x3  }
0xaa: {  	[tilespmem:v4+s11+$0x0] =	vst.idx.msk $0xffff, v3  }
0xab: {  	v4 =	vor.u32 $0x202, v1;
	v3 =	vld.idx.msk [tilespmem:v5+s9+$0x0], $0xffff;
	v5 =	vor.u32 $0x1003, v0  }
0xac: {  	v5 =	vor.u32 v5, v2;
	_ =	sdelay $0x3  }
0xad: {  	[tilespmem:v4+s11+$0x0] =	vst.idx.msk $0xffff, v3  }
0xae: {  	v4 =	vor.u32 $0x203, v1;
	v3 =	vld.idx.msk [tilespmem:v5+s9+$0x0], $0xffff;
	v5 =	vor.u32 $0x1004, v0  }
0xaf: {  	v5 =	vor.u32 v5, v2;
	_ =	sdelay $0x3  }
0xb0: {  	[tilespmem:v4+s11+$0x0] =	vst.idx.msk $0xffff, v3  }
0xb1: {  	v4 =	vor.u32 $0x204, v1;
	v3 =	vld.idx.msk [tilespmem:v5+s9+$0x0], $0xffff;
	v5 =	vor.u32 $0x1005, v0  }
0xb2: {  	v5 =	vor.u32 v5, v2;
	_ =	sdelay $0x3  }
0xb3: {  	[tilespmem:v4+s11+$0x0] =	vst.idx.msk $0xffff, v3  }
0xb4: {  	v4 =	vor.u32 $0x205, v1;
	v3 =	vld.idx.msk [tilespmem:v5+s9+$0x0], $0xffff;
	v5 =	vor.u32 $0x1006, v0  }
0xb5: {  	v5 =	vor.u32 v5, v2;
	_ =	sdelay $0x3  }
0xb6: {  	[tilespmem:v4+s11+$0x0] =	vst.idx.msk $0xffff, v3  }
0xb7: {  	v4 =	vor.u32 $0x206, v1;
	v3 =	vld.idx.msk [tilespmem:v5+s9+$0x0], $0xffff;
	v5 =	vor.u32 $0x1007, v0  }
0xb8: {  	v5 =	vor.u32 v5, v2;
	_ =	sdelay $0x3  }
0xb9: {  	[tilespmem:v4+s11+$0x0] =	vst.idx.msk $0xffff, v3  }
0xba: {  	v4 =	vor.u32 $0x207, v1;
	v3 =	vld.idx.msk [tilespmem:v5+s9+$0x0], $0xffff;
	v5 =	vor.u32 $0x1008, v0  }
0xbb: {  	v5 =	vor.u32 v5, v2;
	_ =	sdelay $0x3  }
0xbc: {  	[tilespmem:v4+s11+$0x0] =	vst.idx.msk $0xffff, v3  }
0xbd: {  	v4 =	vor.u32 $0x208, v1;
	v3 =	vld.idx.msk [tilespmem:v5+s9+$0x0], $0xffff;
	v5 =	vor.u32 $0x1009, v0  }
0xbe: {  	v5 =	vor.u32 v5, v2;
	_ =	sdelay $0x3  }
0xbf: {  	[tilespmem:v4+s11+$0x0] =	vst.idx.msk $0xffff, v3  }
0xc0: {  	v4 =	vor.u32 $0x209, v1;
	v3 =	vld.idx.msk [tilespmem:v5+s9+$0x0], $0xffff;
	v5 =	vor.u32 $0x100A, v0  }
0xc1: {  	v5 =	vor.u32 v5, v2;
	_ =	sdelay $0x3  }
0xc2: {  	[tilespmem:v4+s11+$0x0] =	vst.idx.msk $0xffff, v3  }
0xc3: {  	v4 =	vor.u32 $0x20A, v1;
	v3 =	vld.idx.msk [tilespmem:v5+s9+$0x0], $0xffff;
	v5 =	vor.u32 $0x100B, v0  }
0xc4: {  	v5 =	vor.u32 v5, v2;
	_ =	sdelay $0x3  }
0xc5: {  	[tilespmem:v4+s11+$0x0] =	vst.idx.msk $0xffff, v3  }
0xc6: {  	v4 =	vor.u32 $0x20B, v1;
	v3 =	vld.idx.msk [tilespmem:v5+s9+$0x0], $0xffff;
	v5 =	vor.u32 $0x100C, v0  }
0xc7: {  	v5 =	vor.u32 v5, v2;
	_ =	sdelay $0x3  }
0xc8: {  	[tilespmem:v4+s11+$0x0] =	vst.idx.msk $0xffff, v3  }
0xc9: {  	v4 =	vor.u32 $0x20C, v1;
	v3 =	vld.idx.msk [tilespmem:v5+s9+$0x0], $0xffff;
	v5 =	vor.u32 $0x100D, v0  }
0xca: {  	v5 =	vor.u32 v5, v2;
	_ =	sdelay $0x3  }
0xcb: {  	[tilespmem:v4+s11+$0x0] =	vst.idx.msk $0xffff, v3  }
0xcc: {  	v4 =	vor.u32 $0x20D, v1;
	v3 =	vld.idx.msk [tilespmem:v5+s9+$0x0], $0xffff;
	v5 =	vor.u32 $0x100E, v0  }
0xcd: {  	v5 =	vor.u32 v5, v2;
	_ =	sdelay $0x3  }
0xce: {  	[tilespmem:v4+s11+$0x0] =	vst.idx.msk $0xffff, v3  }
0xcf: {  	v4 =	vor.u32 $0x20E, v1;
	v3 =	vld.idx.msk [tilespmem:v5+s9+$0x0], $0xffff;
	v5 =	vor.u32 $0x100F, v0  }
0xd0: {  	v2 =	vor.u32 v5, v2;
	_ =	sdelay $0x3  }
0xd1: {  	[tilespmem:v4+s11+$0x0] =	vst.idx.msk $0xffff, v3  }
0xd2: {  	v3 =	vor.u32 $0x20F, v1;
	v2 =	vld.idx.msk [tilespmem:v2+s9+$0x0], $0xffff;
	_ =	sdelay $0x4  }
0xd3: {  	[tilespmem:v3+s11+$0x0] =	vst.idx.msk $0xffff, v2  }
0xd4: {  	v2 =	vld [tilespmem:$0x30];
	_ =	sdelay $0x4  }
0xd5: {  	v2 =	vshll.u32 v2, $0x4  }
0xd6: {  	v3 =	vor.u32 $0x1800, v0;
	v2 =	vand.u32 $0x70, v2  }
0xd7: {  	v3 =	vor.u32 v3, v2;
	_ =	sdelay $0x4  }
0xd8: {  	v5 =	vor.u32 $0x1801, v0;
	v4 =	vor.u32 $0x300, v1;
	v3 =	vld.idx.msk [tilespmem:v3+s9+$0x0], $0xffff  }
0xd9: {  	v5 =	vor.u32 v5, v2;
	_ =	sdelay $0x3  }
0xda: {  	[tilespmem:v4+s11+$0x0] =	vst.idx.msk $0xffff, v3  }
0xdb: {  	v4 =	vor.u32 $0x301, v1;
	v3 =	vld.idx.msk [tilespmem:v5+s9+$0x0], $0xffff;
	v5 =	vor.u32 $0x1802, v0  }
0xdc: {  	v5 =	vor.u32 v5, v2;
	_ =	sdelay $0x3  }
0xdd: {  	[tilespmem:v4+s11+$0x0] =	vst.idx.msk $0xffff, v3  }
0xde: {  	v4 =	vor.u32 $0x302, v1;
	v3 =	vld.idx.msk [tilespmem:v5+s9+$0x0], $0xffff;
	v5 =	vor.u32 $0x1803, v0  }
0xdf: {  	v5 =	vor.u32 v5, v2;
	_ =	sdelay $0x3  }
0xe0: {  	[tilespmem:v4+s11+$0x0] =	vst.idx.msk $0xffff, v3  }
0xe1: {  	v4 =	vor.u32 $0x303, v1;
	v3 =	vld.idx.msk [tilespmem:v5+s9+$0x0], $0xffff;
	v5 =	vor.u32 $0x1804, v0  }
0xe2: {  	v5 =	vor.u32 v5, v2;
	_ =	sdelay $0x3  }
0xe3: {  	[tilespmem:v4+s11+$0x0] =	vst.idx.msk $0xffff, v3  }
0xe4: {  	v4 =	vor.u32 $0x304, v1;
	v3 =	vld.idx.msk [tilespmem:v5+s9+$0x0], $0xffff;
	v5 =	vor.u32 $0x1805, v0  }
0xe5: {  	v5 =	vor.u32 v5, v2;
	_ =	sdelay $0x3  }
0xe6: {  	[tilespmem:v4+s11+$0x0] =	vst.idx.msk $0xffff, v3  }
0xe7: {  	v4 =	vor.u32 $0x305, v1;
	v3 =	vld.idx.msk [tilespmem:v5+s9+$0x0], $0xffff;
	v5 =	vor.u32 $0x1806, v0  }
0xe8: {  	v5 =	vor.u32 v5, v2;
	_ =	sdelay $0x3  }
0xe9: {  	[tilespmem:v4+s11+$0x0] =	vst.idx.msk $0xffff, v3  }
0xea: {  	v4 =	vor.u32 $0x306, v1;
	v3 =	vld.idx.msk [tilespmem:v5+s9+$0x0], $0xffff;
	v5 =	vor.u32 $0x1807, v0  }
0xeb: {  	v5 =	vor.u32 v5, v2;
	_ =	sdelay $0x3  }
0xec: {  	[tilespmem:v4+s11+$0x0] =	vst.idx.msk $0xffff, v3  }
0xed: {  	v4 =	vor.u32 $0x307, v1;
	v3 =	vld.idx.msk [tilespmem:v5+s9+$0x0], $0xffff;
	v5 =	vor.u32 $0x1808, v0  }
0xee: {  	v5 =	vor.u32 v5, v2;
	_ =	sdelay $0x3  }
0xef: {  	[tilespmem:v4+s11+$0x0] =	vst.idx.msk $0xffff, v3  }
0xf0: {  	v4 =	vor.u32 $0x308, v1;
	v3 =	vld.idx.msk [tilespmem:v5+s9+$0x0], $0xffff;
	v5 =	vor.u32 $0x1809, v0  }
0xf1: {  	v5 =	vor.u32 v5, v2;
	_ =	sdelay $0x3  }
0xf2: {  	[tilespmem:v4+s11+$0x0] =	vst.idx.msk $0xffff, v3  }
0xf3: {  	v4 =	vor.u32 $0x309, v1;
	v3 =	vld.idx.msk [tilespmem:v5+s9+$0x0], $0xffff;
	v5 =	vor.u32 $0x180A, v0  }
0xf4: {  	v5 =	vor.u32 v5, v2;
	_ =	sdelay $0x3  }
0xf5: {  	[tilespmem:v4+s11+$0x0] =	vst.idx.msk $0xffff, v3  }
0xf6: {  	v4 =	vor.u32 $0x30A, v1;
	v3 =	vld.idx.msk [tilespmem:v5+s9+$0x0], $0xffff;
	v5 =	vor.u32 $0x180B, v0  }
0xf7: {  	v5 =	vor.u32 v5, v2;
	_ =	sdelay $0x3  }
0xf8: {  	[tilespmem:v4+s11+$0x0] =	vst.idx.msk $0xffff, v3  }
0xf9: {  	v4 =	vor.u32 $0x30B, v1;
	v3 =	vld.idx.msk [tilespmem:v5+s9+$0x0], $0xffff;
	v5 =	vor.u32 $0x180C, v0  }
0xfa: {  	v5 =	vor.u32 v5, v2;
	_ =	sdelay $0x3  }
0xfb: {  	[tilespmem:v4+s11+$0x0] =	vst.idx.msk $0xffff, v3  }
0xfc: {  	v4 =	vor.u32 $0x30C, v1;
	v3 =	vld.idx.msk [tilespmem:v5+s9+$0x0], $0xffff;
	v5 =	vor.u32 $0x180D, v0  }
0xfd: {  	v5 =	vor.u32 v5, v2;
	_ =	sdelay $0x3  }
0xfe: {  	[tilespmem:v4+s11+$0x0] =	vst.idx.msk $0xffff, v3  }
0xff: {  	v4 =	vor.u32 $0x30D, v1;
	v3 =	vld.idx.msk [tilespmem:v5+s9+$0x0], $0xffff;
	v5 =	vor.u32 $0x180E, v0  }
0x100: {  	v5 =	vor.u32 v5, v2;
	_ =	sdelay $0x3  }
0x101: {  	[tilespmem:v4+s11+$0x0] =	vst.idx.msk $0xffff, v3  }
0x102: {  	v4 =	vor.u32 $0x30E, v1;
	v3 =	vld.idx.msk [tilespmem:v5+s9+$0x0], $0xffff;
	v5 =	vor.u32 $0x180F, v0  }
0x103: {  	v2 =	vor.u32 v5, v2;
	_ =	sdelay $0x3  }
0x104: {  	[tilespmem:v4+s11+$0x0] =	vst.idx.msk $0xffff, v3  }
0x105: {  	v3 =	vor.u32 $0x30F, v1;
	v2 =	vld.idx.msk [tilespmem:v2+s9+$0x0], $0xffff;
	_ =	sdelay $0x4  }
0x106: {  	[tilespmem:v3+s11+$0x0] =	vst.idx.msk $0xffff, v2  }
0x107: {  	v2 =	vld [tilespmem:$0x40];
	_ =	sdelay $0x4  }
0x108: {  	v2 =	vshll.u32 v2, $0x4  }
0x109: {  	v3 =	vor.u32 $0x2000, v0;
	v2 =	vand.u32 $0x70, v2  }
0x10a: {  	v3 =	vor.u32 v3, v2;
	_ =	sdelay $0x4  }
0x10b: {  	v5 =	vor.u32 $0x2001, v0;
	v4 =	vor.u32 $0x400, v1;
	v3 =	vld.idx.msk [tilespmem:v3+s9+$0x0], $0xffff  }
0x10c: {  	v5 =	vor.u32 v5, v2;
	_ =	sdelay $0x3  }
0x10d: {  	[tilespmem:v4+s11+$0x0] =	vst.idx.msk $0xffff, v3  }
0x10e: {  	v4 =	vor.u32 $0x401, v1;
	v3 =	vld.idx.msk [tilespmem:v5+s9+$0x0], $0xffff;
	v5 =	vor.u32 $0x2002, v0  }
0x10f: {  	v5 =	vor.u32 v5, v2;
	_ =	sdelay $0x3  }
0x110: {  	[tilespmem:v4+s11+$0x0] =	vst.idx.msk $0xffff, v3  }
0x111: {  	v4 =	vor.u32 $0x402, v1;
	v3 =	vld.idx.msk [tilespmem:v5+s9+$0x0], $0xffff;
	v5 =	vor.u32 $0x2003, v0  }
0x112: {  	v5 =	vor.u32 v5, v2;
	_ =	sdelay $0x3  }
0x113: {  	[tilespmem:v4+s11+$0x0] =	vst.idx.msk $0xffff, v3  }
0x114: {  	v4 =	vor.u32 $0x403, v1;
	v3 =	vld.idx.msk [tilespmem:v5+s9+$0x0], $0xffff;
	v5 =	vor.u32 $0x2004, v0  }
0x115: {  	v5 =	vor.u32 v5, v2;
	_ =	sdelay $0x3  }
0x116: {  	[tilespmem:v4+s11+$0x0] =	vst.idx.msk $0xffff, v3  }
0x117: {  	v4 =	vor.u32 $0x404, v1;
	v3 =	vld.idx.msk [tilespmem:v5+s9+$0x0], $0xffff;
	v5 =	vor.u32 $0x2005, v0  }
0x118: {  	v5 =	vor.u32 v5, v2;
	_ =	sdelay $0x3  }
0x119: {  	[tilespmem:v4+s11+$0x0] =	vst.idx.msk $0xffff, v3  }
0x11a: {  	v4 =	vor.u32 $0x405, v1;
	v3 =	vld.idx.msk [tilespmem:v5+s9+$0x0], $0xffff;
	v5 =	vor.u32 $0x2006, v0  }
0x11b: {  	v5 =	vor.u32 v5, v2;
	_ =	sdelay $0x3  }
0x11c: {  	[tilespmem:v4+s11+$0x0] =	vst.idx.msk $0xffff, v3  }
0x11d: {  	v4 =	vor.u32 $0x406, v1;
	v3 =	vld.idx.msk [tilespmem:v5+s9+$0x0], $0xffff;
	v5 =	vor.u32 $0x2007, v0  }
0x11e: {  	v5 =	vor.u32 v5, v2;
	_ =	sdelay $0x3  }
0x11f: {  	[tilespmem:v4+s11+$0x0] =	vst.idx.msk $0xffff, v3  }
0x120: {  	v4 =	vor.u32 $0x407, v1;
	v3 =	vld.idx.msk [tilespmem:v5+s9+$0x0], $0xffff;
	v5 =	vor.u32 $0x2008, v0  }
0x121: {  	v5 =	vor.u32 v5, v2;
	_ =	sdelay $0x3  }
0x122: {  	[tilespmem:v4+s11+$0x0] =	vst.idx.msk $0xffff, v3  }
0x123: {  	v4 =	vor.u32 $0x408, v1;
	v3 =	vld.idx.msk [tilespmem:v5+s9+$0x0], $0xffff;
	v5 =	vor.u32 $0x2009, v0  }
0x124: {  	v5 =	vor.u32 v5, v2;
	_ =	sdelay $0x3  }
0x125: {  	[tilespmem:v4+s11+$0x0] =	vst.idx.msk $0xffff, v3  }
0x126: {  	v4 =	vor.u32 $0x409, v1;
	v3 =	vld.idx.msk [tilespmem:v5+s9+$0x0], $0xffff;
	v5 =	vor.u32 $0x200A, v0  }
0x127: {  	v5 =	vor.u32 v5, v2;
	_ =	sdelay $0x3  }
0x128: {  	[tilespmem:v4+s11+$0x0] =	vst.idx.msk $0xffff, v3  }
0x129: {  	v4 =	vor.u32 $0x40A, v1;
	v3 =	vld.idx.msk [tilespmem:v5+s9+$0x0], $0xffff;
	v5 =	vor.u32 $0x200B, v0  }
0x12a: {  	v5 =	vor.u32 v5, v2;
	_ =	sdelay $0x3  }
0x12b: {  	[tilespmem:v4+s11+$0x0] =	vst.idx.msk $0xffff, v3  }
0x12c: {  	v4 =	vor.u32 $0x40B, v1;
	v3 =	vld.idx.msk [tilespmem:v5+s9+$0x0], $0xffff;
	v5 =	vor.u32 $0x200C, v0  }
0x12d: {  	v5 =	vor.u32 v5, v2;
	_ =	sdelay $0x3  }
0x12e: {  	[tilespmem:v4+s11+$0x0] =	vst.idx.msk $0xffff, v3  }
0x12f: {  	v4 =	vor.u32 $0x40C, v1;
	v3 =	vld.idx.msk [tilespmem:v5+s9+$0x0], $0xffff;
	v5 =	vor.u32 $0x200D, v0  }
0x130: {  	v5 =	vor.u32 v5, v2;
	_ =	sdelay $0x3  }
0x131: {  	[tilespmem:v4+s11+$0x0] =	vst.idx.msk $0xffff, v3  }
0x132: {  	v4 =	vor.u32 $0x40D, v1;
	v3 =	vld.idx.msk [tilespmem:v5+s9+$0x0], $0xffff;
	v5 =	vor.u32 $0x200E, v0  }
0x133: {  	v5 =	vor.u32 v5, v2;
	_ =	sdelay $0x3  }
0x134: {  	[tilespmem:v4+s11+$0x0] =	vst.idx.msk $0xffff, v3  }
0x135: {  	v4 =	vor.u32 $0x40E, v1;
	v3 =	vld.idx.msk [tilespmem:v5+s9+$0x0], $0xffff;
	v5 =	vor.u32 $0x200F, v0  }
0x136: {  	v2 =	vor.u32 v5, v2;
	_ =	sdelay $0x3  }
0x137: {  	[tilespmem:v4+s11+$0x0] =	vst.idx.msk $0xffff, v3  }
0x138: {  	v3 =	vor.u32 $0x40F, v1;
	v2 =	vld.idx.msk [tilespmem:v2+s9+$0x0], $0xffff;
	_ =	sdelay $0x4  }
0x139: {  	[tilespmem:v3+s11+$0x0] =	vst.idx.msk $0xffff, v2  }
0x13a: {  	v2 =	vld [tilespmem:$0x50];
	_ =	sdelay $0x4  }
0x13b: {  	v2 =	vshll.u32 v2, $0x4  }
0x13c: {  	v3 =	vor.u32 $0x2800, v0;
	v2 =	vand.u32 $0x70, v2  }
0x13d: {  	v3 =	vor.u32 v3, v2;
	_ =	sdelay $0x4  }
0x13e: {  	v5 =	vor.u32 $0x2801, v0;
	v4 =	vor.u32 $0x500, v1;
	v3 =	vld.idx.msk [tilespmem:v3+s9+$0x0], $0xffff  }
0x13f: {  	v5 =	vor.u32 v5, v2;
	_ =	sdelay $0x3  }
0x140: {  	[tilespmem:v4+s11+$0x0] =	vst.idx.msk $0xffff, v3  }
0x141: {  	v4 =	vor.u32 $0x501, v1;
	v3 =	vld.idx.msk [tilespmem:v5+s9+$0x0], $0xffff;
	v5 =	vor.u32 $0x2802, v0  }
0x142: {  	v5 =	vor.u32 v5, v2;
	_ =	sdelay $0x3  }
0x143: {  	[tilespmem:v4+s11+$0x0] =	vst.idx.msk $0xffff, v3  }
0x144: {  	v4 =	vor.u32 $0x502, v1;
	v3 =	vld.idx.msk [tilespmem:v5+s9+$0x0], $0xffff;
	v5 =	vor.u32 $0x2803, v0  }
0x145: {  	v5 =	vor.u32 v5, v2;
	_ =	sdelay $0x3  }
0x146: {  	[tilespmem:v4+s11+$0x0] =	vst.idx.msk $0xffff, v3  }
0x147: {  	v4 =	vor.u32 $0x503, v1;
	v3 =	vld.idx.msk [tilespmem:v5+s9+$0x0], $0xffff;
	v5 =	vor.u32 $0x2804, v0  }
0x148: {  	v5 =	vor.u32 v5, v2;
	_ =	sdelay $0x3  }
0x149: {  	[tilespmem:v4+s11+$0x0] =	vst.idx.msk $0xffff, v3  }
0x14a: {  	v4 =	vor.u32 $0x504, v1;
	v3 =	vld.idx.msk [tilespmem:v5+s9+$0x0], $0xffff;
	v5 =	vor.u32 $0x2805, v0  }
0x14b: {  	v5 =	vor.u32 v5, v2;
	_ =	sdelay $0x3  }
0x14c: {  	[tilespmem:v4+s11+$0x0] =	vst.idx.msk $0xffff, v3  }
0x14d: {  	v4 =	vor.u32 $0x505, v1;
	v3 =	vld.idx.msk [tilespmem:v5+s9+$0x0], $0xffff;
	v5 =	vor.u32 $0x2806, v0  }
0x14e: {  	v5 =	vor.u32 v5, v2;
	_ =	sdelay $0x3  }
0x14f: {  	[tilespmem:v4+s11+$0x0] =	vst.idx.msk $0xffff, v3  }
0x150: {  	v4 =	vor.u32 $0x506, v1;
	v3 =	vld.idx.msk [tilespmem:v5+s9+$0x0], $0xffff;
	v5 =	vor.u32 $0x2807, v0  }
0x151: {  	v5 =	vor.u32 v5, v2;
	_ =	sdelay $0x3  }
0x152: {  	[tilespmem:v4+s11+$0x0] =	vst.idx.msk $0xffff, v3  }
0x153: {  	v4 =	vor.u32 $0x507, v1;
	v3 =	vld.idx.msk [tilespmem:v5+s9+$0x0], $0xffff;
	v5 =	vor.u32 $0x2808, v0  }
0x154: {  	v5 =	vor.u32 v5, v2;
	_ =	sdelay $0x3  }
0x155: {  	[tilespmem:v4+s11+$0x0] =	vst.idx.msk $0xffff, v3  }
0x156: {  	v4 =	vor.u32 $0x508, v1;
	v3 =	vld.idx.msk [tilespmem:v5+s9+$0x0], $0xffff;
	v5 =	vor.u32 $0x2809, v0  }
0x157: {  	v5 =	vor.u32 v5, v2;
	_ =	sdelay $0x3  }
0x158: {  	[tilespmem:v4+s11+$0x0] =	vst.idx.msk $0xffff, v3  }
0x159: {  	v4 =	vor.u32 $0x509, v1;
	v3 =	vld.idx.msk [tilespmem:v5+s9+$0x0], $0xffff;
	v5 =	vor.u32 $0x280A, v0  }
0x15a: {  	v5 =	vor.u32 v5, v2;
	_ =	sdelay $0x3  }
0x15b: {  	[tilespmem:v4+s11+$0x0] =	vst.idx.msk $0xffff, v3  }
0x15c: {  	v4 =	vor.u32 $0x50A, v1;
	v3 =	vld.idx.msk [tilespmem:v5+s9+$0x0], $0xffff;
	v5 =	vor.u32 $0x280B, v0  }
0x15d: {  	v5 =	vor.u32 v5, v2;
	_ =	sdelay $0x3  }
0x15e: {  	[tilespmem:v4+s11+$0x0] =	vst.idx.msk $0xffff, v3  }
0x15f: {  	v4 =	vor.u32 $0x50B, v1;
	v3 =	vld.idx.msk [tilespmem:v5+s9+$0x0], $0xffff;
	v5 =	vor.u32 $0x280C, v0  }
0x160: {  	v5 =	vor.u32 v5, v2;
	_ =	sdelay $0x3  }
0x161: {  	[tilespmem:v4+s11+$0x0] =	vst.idx.msk $0xffff, v3  }
0x162: {  	v4 =	vor.u32 $0x50C, v1;
	v3 =	vld.idx.msk [tilespmem:v5+s9+$0x0], $0xffff;
	v5 =	vor.u32 $0x280D, v0  }
0x163: {  	v5 =	vor.u32 v5, v2;
	_ =	sdelay $0x3  }
0x164: {  	[tilespmem:v4+s11+$0x0] =	vst.idx.msk $0xffff, v3  }
0x165: {  	v4 =	vor.u32 $0x50D, v1;
	v3 =	vld.idx.msk [tilespmem:v5+s9+$0x0], $0xffff;
	v5 =	vor.u32 $0x280E, v0  }
0x166: {  	v5 =	vor.u32 v5, v2;
	_ =	sdelay $0x3  }
0x167: {  	[tilespmem:v4+s11+$0x0] =	vst.idx.msk $0xffff, v3  }
0x168: {  	v4 =	vor.u32 $0x50E, v1;
	v3 =	vld.idx.msk [tilespmem:v5+s9+$0x0], $0xffff;
	v5 =	vor.u32 $0x280F, v0  }
0x169: {  	v2 =	vor.u32 v5, v2;
	_ =	sdelay $0x3  }
0x16a: {  	[tilespmem:v4+s11+$0x0] =	vst.idx.msk $0xffff, v3  }
0x16b: {  	v3 =	vor.u32 $0x50F, v1;
	v2 =	vld.idx.msk [tilespmem:v2+s9+$0x0], $0xffff;
	_ =	sdelay $0x4  }
0x16c: {  	[tilespmem:v3+s11+$0x0] =	vst.idx.msk $0xffff, v2  }
0x16d: {  	v2 =	vld [tilespmem:$0x60];
	_ =	sdelay $0x4  }
0x16e: {  	v2 =	vshll.u32 v2, $0x4  }
0x16f: {  	v3 =	vor.u32 $0x3000, v0;
	v2 =	vand.u32 $0x70, v2  }
0x170: {  	v3 =	vor.u32 v3, v2;
	_ =	sdelay $0x4  }
0x171: {  	v5 =	vor.u32 $0x3001, v0;
	v4 =	vor.u32 $0x600, v1;
	v3 =	vld.idx.msk [tilespmem:v3+s9+$0x0], $0xffff  }
0x172: {  	v5 =	vor.u32 v5, v2;
	_ =	sdelay $0x3  }
0x173: {  	[tilespmem:v4+s11+$0x0] =	vst.idx.msk $0xffff, v3  }
0x174: {  	v4 =	vor.u32 $0x601, v1;
	v3 =	vld.idx.msk [tilespmem:v5+s9+$0x0], $0xffff;
	v5 =	vor.u32 $0x3002, v0  }
0x175: {  	v5 =	vor.u32 v5, v2;
	_ =	sdelay $0x3  }
0x176: {  	[tilespmem:v4+s11+$0x0] =	vst.idx.msk $0xffff, v3  }
0x177: {  	v4 =	vor.u32 $0x602, v1;
	v3 =	vld.idx.msk [tilespmem:v5+s9+$0x0], $0xffff;
	v5 =	vor.u32 $0x3003, v0  }
0x178: {  	v5 =	vor.u32 v5, v2;
	_ =	sdelay $0x3  }
0x179: {  	[tilespmem:v4+s11+$0x0] =	vst.idx.msk $0xffff, v3  }
0x17a: {  	v4 =	vor.u32 $0x603, v1;
	v3 =	vld.idx.msk [tilespmem:v5+s9+$0x0], $0xffff;
	v5 =	vor.u32 $0x3004, v0  }
0x17b: {  	v5 =	vor.u32 v5, v2;
	_ =	sdelay $0x3  }
0x17c: {  	[tilespmem:v4+s11+$0x0] =	vst.idx.msk $0xffff, v3  }
0x17d: {  	v4 =	vor.u32 $0x604, v1;
	v3 =	vld.idx.msk [tilespmem:v5+s9+$0x0], $0xffff;
	v5 =	vor.u32 $0x3005, v0  }
0x17e: {  	v5 =	vor.u32 v5, v2;
	_ =	sdelay $0x3  }
0x17f: {  	[tilespmem:v4+s11+$0x0] =	vst.idx.msk $0xffff, v3  }
0x180: {  	v4 =	vor.u32 $0x605, v1;
	v3 =	vld.idx.msk [tilespmem:v5+s9+$0x0], $0xffff;
	v5 =	vor.u32 $0x3006, v0  }
0x181: {  	v5 =	vor.u32 v5, v2;
	_ =	sdelay $0x3  }
0x182: {  	[tilespmem:v4+s11+$0x0] =	vst.idx.msk $0xffff, v3  }
0x183: {  	v4 =	vor.u32 $0x606, v1;
	v3 =	vld.idx.msk [tilespmem:v5+s9+$0x0], $0xffff;
	v5 =	vor.u32 $0x3007, v0  }
0x184: {  	v5 =	vor.u32 v5, v2;
	_ =	sdelay $0x3  }
0x185: {  	[tilespmem:v4+s11+$0x0] =	vst.idx.msk $0xffff, v3  }
0x186: {  	v4 =	vor.u32 $0x607, v1;
	v3 =	vld.idx.msk [tilespmem:v5+s9+$0x0], $0xffff;
	v5 =	vor.u32 $0x3008, v0  }
0x187: {  	v5 =	vor.u32 v5, v2;
	_ =	sdelay $0x3  }
0x188: {  	[tilespmem:v4+s11+$0x0] =	vst.idx.msk $0xffff, v3  }
0x189: {  	v4 =	vor.u32 $0x608, v1;
	v3 =	vld.idx.msk [tilespmem:v5+s9+$0x0], $0xffff;
	v5 =	vor.u32 $0x3009, v0  }
0x18a: {  	v5 =	vor.u32 v5, v2;
	_ =	sdelay $0x3  }
0x18b: {  	[tilespmem:v4+s11+$0x0] =	vst.idx.msk $0xffff, v3  }
0x18c: {  	v4 =	vor.u32 $0x609, v1;
	v3 =	vld.idx.msk [tilespmem:v5+s9+$0x0], $0xffff;
	v5 =	vor.u32 $0x300A, v0  }
0x18d: {  	v5 =	vor.u32 v5, v2;
	_ =	sdelay $0x3  }
0x18e: {  	[tilespmem:v4+s11+$0x0] =	vst.idx.msk $0xffff, v3  }
0x18f: {  	v4 =	vor.u32 $0x60A, v1;
	v3 =	vld.idx.msk [tilespmem:v5+s9+$0x0], $0xffff;
	v5 =	vor.u32 $0x300B, v0  }
0x190: {  	v5 =	vor.u32 v5, v2;
	_ =	sdelay $0x3  }
0x191: {  	[tilespmem:v4+s11+$0x0] =	vst.idx.msk $0xffff, v3  }
0x192: {  	v4 =	vor.u32 $0x60B, v1;
	v3 =	vld.idx.msk [tilespmem:v5+s9+$0x0], $0xffff;
	v5 =	vor.u32 $0x300C, v0  }
0x193: {  	v5 =	vor.u32 v5, v2;
	_ =	sdelay $0x3  }
0x194: {  	[tilespmem:v4+s11+$0x0] =	vst.idx.msk $0xffff, v3  }
0x195: {  	v4 =	vor.u32 $0x60C, v1;
	v3 =	vld.idx.msk [tilespmem:v5+s9+$0x0], $0xffff;
	v5 =	vor.u32 $0x300D, v0  }
0x196: {  	v5 =	vor.u32 v5, v2;
	_ =	sdelay $0x3  }
0x197: {  	[tilespmem:v4+s11+$0x0] =	vst.idx.msk $0xffff, v3  }
0x198: {  	v4 =	vor.u32 $0x60D, v1;
	v3 =	vld.idx.msk [tilespmem:v5+s9+$0x0], $0xffff;
	v5 =	vor.u32 $0x300E, v0  }
0x199: {  	v5 =	vor.u32 v5, v2;
	_ =	sdelay $0x3  }
0x19a: {  	[tilespmem:v4+s11+$0x0] =	vst.idx.msk $0xffff, v3  }
0x19b: {  	v4 =	vor.u32 $0x60E, v1;
	v3 =	vld.idx.msk [tilespmem:v5+s9+$0x0], $0xffff;
	v5 =	vor.u32 $0x300F, v0  }
0x19c: {  	v2 =	vor.u32 v5, v2;
	_ =	sdelay $0x3  }
0x19d: {  	[tilespmem:v4+s11+$0x0] =	vst.idx.msk $0xffff, v3  }
0x19e: {  	v3 =	vor.u32 $0x60F, v1;
	v2 =	vld.idx.msk [tilespmem:v2+s9+$0x0], $0xffff;
	_ =	sdelay $0x4  }
0x19f: {  	[tilespmem:v3+s11+$0x0] =	vst.idx.msk $0xffff, v2  }
0x1a0: {  	v2 =	vld [tilespmem:$0x70];
	_ =	sdelay $0x4  }
0x1a1: {  	v2 =	vshll.u32 v2, $0x4  }
0x1a2: {  	v3 =	vor.u32 $0x3800, v0;
	v2 =	vand.u32 $0x70, v2  }
0x1a3: {  	v3 =	vor.u32 v3, v2;
	_ =	sdelay $0x4  }
0x1a4: {  	v5 =	vor.u32 $0x3801, v0;
	v4 =	vor.u32 $0x700, v1;
	v3 =	vld.idx.msk [tilespmem:v3+s9+$0x0], $0xffff  }
0x1a5: {  	v5 =	vor.u32 v5, v2;
	_ =	sdelay $0x3  }
0x1a6: {  	[tilespmem:v4+s11+$0x0] =	vst.idx.msk $0xffff, v3  }
0x1a7: {  	v4 =	vor.u32 $0x701, v1;
	v3 =	vld.idx.msk [tilespmem:v5+s9+$0x0], $0xffff;
	v5 =	vor.u32 $0x3802, v0  }
0x1a8: {  	v5 =	vor.u32 v5, v2;
	_ =	sdelay $0x3  }
0x1a9: {  	[tilespmem:v4+s11+$0x0] =	vst.idx.msk $0xffff, v3  }
0x1aa: {  	v4 =	vor.u32 $0x702, v1;
	v3 =	vld.idx.msk [tilespmem:v5+s9+$0x0], $0xffff;
	v5 =	vor.u32 $0x3803, v0  }
0x1ab: {  	v5 =	vor.u32 v5, v2;
	_ =	sdelay $0x3  }
0x1ac: {  	[tilespmem:v4+s11+$0x0] =	vst.idx.msk $0xffff, v3  }
0x1ad: {  	v4 =	vor.u32 $0x703, v1;
	v3 =	vld.idx.msk [tilespmem:v5+s9+$0x0], $0xffff;
	v5 =	vor.u32 $0x3804, v0  }
0x1ae: {  	v5 =	vor.u32 v5, v2;
	_ =	sdelay $0x3  }
0x1af: {  	[tilespmem:v4+s11+$0x0] =	vst.idx.msk $0xffff, v3  }
0x1b0: {  	v4 =	vor.u32 $0x704, v1;
	v3 =	vld.idx.msk [tilespmem:v5+s9+$0x0], $0xffff;
	v5 =	vor.u32 $0x3805, v0  }
0x1b1: {  	v5 =	vor.u32 v5, v2;
	_ =	sdelay $0x3  }
0x1b2: {  	[tilespmem:v4+s11+$0x0] =	vst.idx.msk $0xffff, v3  }
0x1b3: {  	v4 =	vor.u32 $0x705, v1;
	v3 =	vld.idx.msk [tilespmem:v5+s9+$0x0], $0xffff;
	v5 =	vor.u32 $0x3806, v0  }
0x1b4: {  	v5 =	vor.u32 v5, v2;
	_ =	sdelay $0x3  }
0x1b5: {  	[tilespmem:v4+s11+$0x0] =	vst.idx.msk $0xffff, v3  }
0x1b6: {  	v4 =	vor.u32 $0x706, v1;
	v3 =	vld.idx.msk [tilespmem:v5+s9+$0x0], $0xffff;
	v5 =	vor.u32 $0x3807, v0  }
0x1b7: {  	v5 =	vor.u32 v5, v2;
	_ =	sdelay $0x3  }
0x1b8: {  	[tilespmem:v4+s11+$0x0] =	vst.idx.msk $0xffff, v3  }
0x1b9: {  	v4 =	vor.u32 $0x707, v1;
	v3 =	vld.idx.msk [tilespmem:v5+s9+$0x0], $0xffff;
	v5 =	vor.u32 $0x3808, v0  }
0x1ba: {  	v5 =	vor.u32 v5, v2;
	_ =	sdelay $0x3  }
0x1bb: {  	[tilespmem:v4+s11+$0x0] =	vst.idx.msk $0xffff, v3  }
0x1bc: {  	v4 =	vor.u32 $0x708, v1;
	v3 =	vld.idx.msk [tilespmem:v5+s9+$0x0], $0xffff;
	v5 =	vor.u32 $0x3809, v0  }
0x1bd: {  	v5 =	vor.u32 v5, v2;
	_ =	sdelay $0x3  }
0x1be: {  	[tilespmem:v4+s11+$0x0] =	vst.idx.msk $0xffff, v3  }
0x1bf: {  	v4 =	vor.u32 $0x709, v1;
	v3 =	vld.idx.msk [tilespmem:v5+s9+$0x0], $0xffff;
	v5 =	vor.u32 $0x380A, v0  }
0x1c0: {  	v5 =	vor.u32 v5, v2;
	_ =	sdelay $0x3  }
0x1c1: {  	[tilespmem:v4+s11+$0x0] =	vst.idx.msk $0xffff, v3  }
0x1c2: {  	v4 =	vor.u32 $0x70A, v1;
	v3 =	vld.idx.msk [tilespmem:v5+s9+$0x0], $0xffff;
	v5 =	vor.u32 $0x380B, v0  }
0x1c3: {  	v5 =	vor.u32 v5, v2;
	_ =	sdelay $0x3  }
0x1c4: {  	[tilespmem:v4+s11+$0x0] =	vst.idx.msk $0xffff, v3  }
0x1c5: {  	v4 =	vor.u32 $0x70B, v1;
	v3 =	vld.idx.msk [tilespmem:v5+s9+$0x0], $0xffff;
	v5 =	vor.u32 $0x380C, v0  }
0x1c6: {  	v5 =	vor.u32 v5, v2;
	_ =	sdelay $0x3  }
0x1c7: {  	[tilespmem:v4+s11+$0x0] =	vst.idx.msk $0xffff, v3  }
0x1c8: {  	v4 =	vor.u32 $0x70C, v1;
	v3 =	vld.idx.msk [tilespmem:v5+s9+$0x0], $0xffff;
	v5 =	vor.u32 $0x380D, v0  }
0x1c9: {  	v5 =	vor.u32 v5, v2;
	_ =	sdelay $0x3  }
0x1ca: {  	[tilespmem:v4+s11+$0x0] =	vst.idx.msk $0xffff, v3  }
0x1cb: {  	v4 =	vor.u32 $0x70D, v1;
	v3 =	vld.idx.msk [tilespmem:v5+s9+$0x0], $0xffff;
	v5 =	vor.u32 $0x380E, v0  }
0x1cc: {  	v5 =	vor.u32 v5, v2;
	_ =	sdelay $0x3  }
0x1cd: {  	[tilespmem:v4+s11+$0x0] =	vst.idx.msk $0xffff, v3  }
0x1ce: {  	v4 =	vor.u32 $0x70E, v1;
	v3 =	vld.idx.msk [tilespmem:v5+s9+$0x0], $0xffff;
	v5 =	vor.u32 $0x380F, v0  }
0x1cf: {  	v2 =	vor.u32 v5, v2;
	_ =	sdelay $0x3  }
0x1d0: {  	[tilespmem:v4+s11+$0x0] =	vst.idx.msk $0xffff, v3  }
0x1d1: {  	v3 =	vor.u32 $0x70F, v1;
	v2 =	vld.idx.msk [tilespmem:v2+s9+$0x0], $0xffff;
	_ =	sdelay $0x3  }
0x1d2: {  	p0 =	sne.s32 s14, $0xD0  }
.Ltmp0:
0x1d3: {  	[tilespmem:v3+s11+$0x0] =	vst.idx.msk $0xffff, v2;
	(pc) =	sbr.rel @p0 .LBB2_2-.Ltmp0, $4  }
0x1d4: {  	[hbm4b:s13+s2] =	stream.linear.scatter [tilespmem:s11], [sflag:$0x2], $0x800, $0x38;
	[tilespmem:$0x4900] =	vst v63  }
0x1d5: {  	_ =	swait.ge [sflag:s7], $0x800  }
0x1d6: {  	[sflag:s7] =	ssyncset.done $0x0  }
0x1d7: {  	s14 =	sadd.s32 $0x10, s14;
	s13 =	sadd.s32 $0x100, s13;
	[sflag:s7] =	ssyncadd.s32 $0xFFFFF800  }
0x1d8: {  	s12 =	sadd.s32 $0x1, s12  }
0x1d9: {  	p0 =	sne.s32 s12, s4  }
.Ltmp1:
0x1da: {  	_ = 	snop;
	(pc) =	sbr.rel @p0 .LBB2_1-.Ltmp1, $1  }
0x1db: {  	_ =	sdelay $0x3  }
0x1dc: {  	_ =	sfence.sel $0x180000  }
0x1dd: {  	[bflag:$0x0] =	sbarrier.arrive $0xFFFF  }
0x1de: {  	p0 =	sne.s32 s1, $0x0;
	_ =	strace $0x9000004A  }
0x1df: {  	s0 =	sadd.s32 @!p0 $0x100000, s0;
	[bflag:$0x2] =	sbarrier.arrive $0xFFFF  }
0x1e0: {  	[sflag:s0] =	ssyncadd.tile.s32 @!p0 $0x1;
	_ =	shalt  }
.Lfunc_end2:
_tile_overlayer_lowered:
.L_overlay_start_2:
0x1e1: {  	(tag) =	ssettag $0x2  }
0x1e2: {  	s0 =	rddreg [dreg:$0x0];
	s2 =	stileid.u32  }
0x1e3: {  	s1 =	rddreg [dreg:$0x1];
	p0 =	sne.s32 s2, $0x0  }
0x1e4: {  	s3 =	rddreg [dreg:$0x2];
	[bflag:$0x3] =	sbarrier.arrive $0xFFFF;
	s2 =	simm.s32 @!p0 $0x1C02  }
0x1e5: {  	[timem:s3], [sflag:s2] =	dma.local @!p0 [hbm:s0], s1  }
0x1e6: {  	s0 =	simm.s32 @!p0 $0x2  }
0x1e7: {  	_ =	swait.ge @!p0 [sflag:s0], s1  }
0x1e8: {  	s1 =	ssub.s32 @!p0 $0x0, s1;
	[sflag:s0] =	ssyncset.done @!p0 $0x0  }
0x1e9: {  	[sflag:s0] =	ssyncadd.s32 @!p0 s1  }
0x1ea: {  	[bflag:$0x3] =	sbarrier.arrive $0xFFFF  }
0x1eb: {  	_ =	shalt  }

// kernel: kernel.8.cloned.1.call-start
scs
__scs_entry_jumppad:
0x0: {  	(pc) =	sbr.rel $0x88, $3  }
0x1: {  	(tag) =	ssettag $0x0;
	lr =	simm.s32 $0x1  }
0x2: {  	[smem:$0x3F9E] =	sst lr;
	_ =	strace $0xD0000000  }
0x3: {  	_ = 	snop  }
0x4: {  	_ = 	snop  }
0x5: {  	_ = 	snop  }
0x6: {  	_ = 	snop  }
0x7: {  	_ = 	snop  }
__scs_overlays_trampoline_lowered:
0x8: {  	[smem:$0x3FAD] =	sst s0  }
0x9: {  	[smem:$0x3FAE] =	sst s1  }
0xa: {  	[smem:$0x3FAF] =	sst s2  }
0xb: {  	[smem:$0x3FB0] =	sst s3  }
0xc: {  	[smem:$0x3FB1] =	sst s4  }
0xd: {  	[smem:$0x3FB2] =	sst s5  }
0xe: {  	[smem:$0x3FB3] =	sst s6  }
0xf: {  	[smem:$0x3FB4] =	sst s7  }
0x10: {  	[smem:$0x3FB5] =	sst s8  }
0x11: {  	[smem:$0x3FB6] =	sst s9;
	s0 =	simm.s32 @!p0 $0x0  }
0x12: {  	s1 =	sld [smem:$0x3F9C];
	s0 =	simm.s32 @p0 $0x1  }
0x13: {  	[smem:$0x3FB7] =	sst s0;
	s0 =	simm.s32 @!p1 $0x0  }
0x14: {  	s2 =	sld [smem:$0x3F9B];
	s0 =	simm.s32 @p1 $0x1  }
0x15: {  	[smem:$0x3FB8] =	sst s0;
	s0 =	simm.s32 @!p2 $0x0  }
0x16: {  	s3 =	sld [smem:$0x3FDB];
	s0 =	simm.s32 @p2 $0x1  }
0x17: {  	s4 =	simm.s32 $0x1BF5;
	[smem:$0x3FBA] =	sst s0  }
0x18: {  	s0 =	sld [smem:$0x3F9D];
	_ =	swait.ge [sflag:s4], $0x0  }
0x19: {  	s7 =	sld [smem:$0x3F9E]  }
0x1a: {  	s8 =	sadd.s32 $0xFFFFE003, lr  }
0x1b: {  	s9 =	sadd.s32 $0xFFFFFEF7, lr;
	s5 =	simm.s32 $0xFFFFFFFF;
	p2 =	slt.u32 s8, $0xFFFFF086  }
0x1c: {  	p1 =	slt.u32 s9, $0xF7A;
	s5 =	simm.s32 @!p2 $0x0  }
0x1d: {  	s5 =	simm.s32 @p1 $0x1;
	p0 =	seq.s32 s7, s2  }
0x1e: {  	s7 =	smul.u32 @!p0 $0xF7A, s2;
	p2 =	seq.s32 @!p0 s5, $0x0  }
0x1f: {  	s9 =	smul.u32 $0xF7A, s1;
	s8 =	simm.s32 @!p0 $0x1BF5;
	p2 =	por !p2, p0  }
0x20: {  	[sflag:s8] =	ssyncset.s32 @!p0 $0xFFFFF086;
	s6 =	sadd.s32 @!p0 s3, s7;
	s7 =	simm.s32 @!p0 $0x108  }
0x21: {  	s3 =	sadd.s32 s3, s9;
	s6 =	sadd.s32 @!p0 $0x88, s6;
	s7 =	simm.s32 @p2 $0x1082  }
0x22: {  	[simem:s7], [sflag:s8] =	dma.local @!p0 [hbm:s6], $0xF7A  }
0x23: {  	s9 =	sor.u32 $0xD0000000, s2;
	s6 =	simm.s32 $0x108;
	_ =	swait.ge @!p0 [sflag:s8], $0x0  }
0x24: {  	s3 =	sadd.s32 $0x88, s3;
	s6 =	simm.s32 @!p1 $0x1082;
	[sflag:s4] =	ssyncset.s32 $0xFFFFF086  }
0x25: {  	[simem:s6], [sflag:s4] =	dma.local [hbm:s3], $0xF7A  }
0x26: {  	[smem:$0x3F9E] =	sst s1;
	(tag) =	ssettag s2;
	_ =	strace s9  }
0x27: {  	s1 =	sld [smem:$0x3FAE]  }
0x28: {  	s2 =	sld [smem:$0x3FAF]  }
0x29: {  	s4 =	sld [smem:$0x3FB1]  }
0x2a: {  	p0 =	seq.s32 s5, $0x0;
	s5 =	sld [smem:$0x3FB2]  }
0x2b: {  	s6 =	sld [smem:$0x3FB3]  }
0x2c: {  	s7 =	sld [smem:$0x3FB4]  }
0x2d: {  	s3 =	simm.s32 $0x108;
	s8 =	sld [smem:$0x3FB5]  }
0x2e: {  	s3 =	simm.s32 @!p0 $0x1082;
	s9 =	sld [smem:$0x3FB6]  }
0x2f: {  	lr =	sadd.s32 s0, s3;
	s0 =	sld [smem:$0x3FAD]  }
0x30: {  	s3 =	sld [smem:$0x3FB0]  }
0x31: {  	[smem:$0x3FB9] =	sst s10  }
0x32: {  	s10 =	sld [smem:$0x3FB7];
	_ =	sdelay $0x3  }
0x33: {  	p0 =	seq.s32 s10, $0x1;
	s10 =	sld [smem:$0x3FB9];
	_ =	sdelay $0x3  }
0x34: {  	[smem:$0x3FB9] =	sst s10  }
0x35: {  	s10 =	sld [smem:$0x3FB8];
	_ =	sdelay $0x3  }
0x36: {  	p1 =	seq.s32 s10, $0x1;
	s10 =	sld [smem:$0x3FB9];
	_ =	sdelay $0x3  }
0x37: {  	[smem:$0x3FB9] =	sst s10  }
0x38: {  	s10 =	sld [smem:$0x3FBA]  }
0x39: {  	_ = 	snop;
	(pc) =	sbr.ind lr, $3  }
0x3a: {  	_ = 	snop  }
0x3b: {  	_ = 	snop  }
0x3c: {  	p2 =	seq.s32 s10, $0x1;
	s10 =	sld [smem:$0x3FB9]  }
0x3d: {  	_ =	shalt  }
0x3e: {  	_ =	shalt  }
0x3f: {  	_ =	shalt  }
0x40: {  	_ =	shalt  }
0x41: {  	_ =	shalt  }
0x42: {  	_ =	shalt  }
0x43: {  	_ =	shalt  }
0x44: {  	_ =	shalt  }
0x45: {  	_ =	shalt  }
0x46: {  	_ =	shalt  }
0x47: {  	_ =	shalt  }
0x48: {  	_ =	shalt  }
0x49: {  	_ =	shalt  }
0x4a: {  	_ =	shalt  }
0x4b: {  	_ =	shalt  }
0x4c: {  	_ =	shalt  }
0x4d: {  	_ =	shalt  }
0x4e: {  	_ =	shalt  }
0x4f: {  	_ =	shalt  }
0x50: {  	_ =	shalt  }
0x51: {  	_ =	shalt  }
0x52: {  	_ =	shalt  }
0x53: {  	_ =	shalt  }
0x54: {  	_ =	shalt  }
0x55: {  	_ =	shalt  }
0x56: {  	_ =	shalt  }
0x57: {  	_ =	shalt  }
0x58: {  	_ =	shalt  }
0x59: {  	_ =	shalt  }
0x5a: {  	_ =	shalt  }
0x5b: {  	_ =	shalt  }
0x5c: {  	_ =	shalt  }
0x5d: {  	_ =	shalt  }
0x5e: {  	_ =	shalt  }
0x5f: {  	_ =	shalt  }
0x60: {  	_ =	shalt  }
0x61: {  	_ =	shalt  }
0x62: {  	_ =	shalt  }
0x63: {  	_ =	shalt  }
0x64: {  	_ =	shalt  }
0x65: {  	_ =	shalt  }
0x66: {  	_ =	shalt  }
0x67: {  	_ =	shalt  }
0x68: {  	_ =	shalt  }
0x69: {  	_ =	shalt  }
0x6a: {  	_ =	shalt  }
0x6b: {  	_ =	shalt  }
0x6c: {  	_ =	shalt  }
0x6d: {  	_ =	shalt  }
0x6e: {  	_ =	shalt  }
0x6f: {  	_ =	shalt  }
0x70: {  	_ =	shalt  }
0x71: {  	_ =	shalt  }
0x72: {  	_ =	shalt  }
0x73: {  	_ =	shalt  }
0x74: {  	_ =	shalt  }
0x75: {  	_ =	shalt  }
0x76: {  	_ =	shalt  }
0x77: {  	_ =	shalt  }
0x78: {  	_ =	shalt  }
0x79: {  	_ =	shalt  }
0x7a: {  	_ =	shalt  }
0x7b: {  	_ =	shalt  }
0x7c: {  	_ =	shalt  }
0x7d: {  	_ =	shalt  }
0x7e: {  	_ =	shalt  }
0x7f: {  	_ =	shalt  }
0x80: {  	_ =	shalt  }
0x81: {  	_ =	shalt  }
0x82: {  	_ =	shalt  }
0x83: {  	_ =	shalt  }
0x84: {  	_ =	shalt  }
0x85: {  	_ =	shalt  }
0x86: {  	_ =	shalt  }
0x87: {  	_ =	shalt  }
.Lfunc_end0:
.L_simem_size_0:
called_computation_lowered:
.L_overlay_start_0:
0x88: {  	s2 =	sld [smem:$0x3FD9]  }
0x89: {  	s3 =	sld [smem:$0x3FFE];
	_ =	sdelay $0x1  }
0x8a: {  	s1 =	srdreg.scid  }
0x8b: {  	s0 =	sand.u32 $0x1, s1  }
0x8c: {  	s14 =	sshll.u32 s0, $0xA;
	s2 =	sadd.s32 s3, s2  }
0x8d: {  	s2 =	sadd.s32 s2, s14  }
0x8e: {  	[smem:$0x3FC5] =	sst s2  }
0x8f: {  	_ = 	snop  }
0x90: {  	s2 =	sld [smem:$0x3FD0];
	_ =	sdelay $0x2  }
0x91: {  	s15 =	simm.s32 $0xA;
	s4 =	simm.s32 $0x10  }
0x92: {  	[smem:s4], [sflag:s15] =	dma.local [hbm:s2], $0x1  }
0x93: {  	_ =	swait.eq [sflag:s15], $0x1  }
0x94: {  	[sflag:s15] =	ssyncset.done $0x0  }
0x95: {  	[sflag:s15] =	ssyncadd.s32 $0xFFFFFFFF  }
0x96: {  	s16 =	sld [smem:$0x11];
	(tm) =	ssettm $0x1  }
0x97: {  	s17 =	sld [smem:$0x3FFB];
	_ =	sdelay $0x3  }
0x98: {  	_ =	strace s17  }
0x99: {  	s3 =	sld [smem:$0x3FFC];
	_ =	sdelay $0x3  }
0x9a: {  	_ =	strace s3  }
0x9b: {  	s3 =	sld [smem:$0x3FFD];
	_ =	sdelay $0x3  }
0x9c: {  	_ =	strace s3  }
0x9d: {  	_ =	strace $0x8FFFFFFF  }
0x9e: {  	s18 =	sld [smem:$0x3FDB];
	_ =	sdelay $0x1  }
0x9f: {  	s19 =	simm.s32 $_scs_section_size  }
0xa0: {  	s5 =	simm.s32 $_size__tile_overlayer_lowered;
	s6 =	simm.s32 $_tile_overlayer_lowered  }
0xa1: {  	s22 =	simm.s32 $0x1BFF;
	s21 =	sshll.u32 s6, $0x1;
	s3 =	sadd.s32 s19, s18  }
0xa2: {  	s7 =	simm.s32 $0x0;
	s20 =	sshll.u32 s5, $0x1;
	s5 =	sadd.s32 s21, s3  }
0xa3: {  	[timem:s7], [sflag:s22] =	dma.local [hbm:s5], s20  }
0xa4: {  	_ =	swait.ge [sflag:s22], s20  }
0xa5: {  	s4 =	ssub.s32 $0x0, s20;
	[sflag:s22] =	ssyncset.done $0x0  }
0xa6: {  	[sflag:s22] =	ssyncadd.s32 s4;
	_ =	sdelay $0x1  }
0xa7: {  	s23 =	simm.s32 $0x1B8B  }
0xa8: {  	_ =	swait.ge [sflag:s23], $0x1  }
0xa9: {  	[sflag:s23] =	ssyncset.done $0x0  }
0xaa: {  	s25 =	simm.s32 $0x1B8E;
	s24 =	sld [smem:$0x3FFE];
	[sflag:s23] =	ssyncadd.s32 $0xFFFFFFFF  }
0xab: {  	s26 =	simm.s32 $execute0_lowered;
	[smem:$0x3FD2] =	sst s25  }
0xac: {  	s5 =	sshll.u32 s26, $0x1;
	_ =	strace $0x80000046;
	[dreg:$0x1] =	wrdreg $0xFFFFFFFF  }
0xad: {  	s28 =	simm.s32 $_size_execute0_lowered;
	s3 =	sadd.s32 s3, s5;
	[dreg:$0x0] =	wrdreg $0x0  }
0xae: {  	s5 =	sshll.u32 s28, $0x1;
	[dreg:$0x2] =	wrdreg s3  }
0xaf: {  	[dreg:$0x3] =	wrdreg s5  }
0xb0: {  	[dreg:$0x4] =	wrdreg $0xC0  }
0xb1: {  	_ =	task [dreg:s7], $0x5FFFF  }
0xb2: {  	[dreg:$0x1] =	wrdreg $0xFFFFFFFF  }
0xb3: {  	[dreg:$0x0] =	wrdreg $0x60  }
0xb4: {  	[dreg:$0x2] =	wrdreg s24  }
0xb5: {  	[dreg:$0x3] =	wrdreg s16  }
0xb6: {  	[dreg:$0x4] =	wrdreg $0x9  }
0xb7: {  	_ =	task.clear_ibuf [dreg:s7], $0x5FFFF;
	_ =	strace $0x90000046  }
0xb8: {  	s29 =	simm.s32 $0x9;
	_ =	strace $0x80000048  }
0xb9: {  	_ =	swait.ge [sflag:s29], $0x1  }
0xba: {  	[sflag:s29] =	ssyncadd.s32 $0xFFFFFFFF  }
0xbb: {  	_ =	strace $0x90000048  }
0xbc: {  	_ =	sfence  }
0xbd: {  	s30 =	sld [smem:$0x0];
	_ =	sdelay $0x2  }
0xbe: {  	s31 =	sshll.u32 s1, $0xD;
	s1 =	sshrl.u32 s1, $0x2  }
0xbf: {  	s3 =	sand.u32 $0x4000, s31;
	s1 =	sadd.s32 s1, s30  }
0xc0: {  	s0 =	sor.u32 s3, s0;
	s1 =	sshll.u32 s1, $0x11  }
0xc1: {  	s0 =	sor.u32 s1, s0  }
0xc2: {  	s0 =	sadd.s32 $0x8F2B, s0  }
0xc3: {  	[sflag:s0] =	ssyncadd.remote.s32 $0x1  }
0xc4: {  	_ =	sfence.sel $0xFFFF  }
0xc5: {  	[dreg:$0x0] =	wrdreg $0xFFFFFFFF;
	(pc) =	sbr.abs _section_cstart, $3  }
0xc6: {  	[dreg:$0x1] =	wrdreg $0xFFFFFFFF  }
0xc7: {  	_ =	task.clear_ibuf [dreg:s7], $0x2FFFF;
	_ =	strace $0x9FFFFFFF  }
0xc8: {  	(tm) =	ssettm $0x7FFFFFFF  }
0xc9: {  	_ =	shalt  }
tec
execute0_lowered:
.L_overlay_start_1:
0x0: {  	(tag) =	ssettag $0x1  }
0x1: {  	s0 =	srdreg.scid;
	s1 =	stileid.u32  }
0x2: {  	s31 =	sand.u32 $0x1, s0;
	s20 =	sshll.u32 s1, $0x1  }
0x3: {  	s3 =	sor.u32 s31, s20  }
0x4: {  	s4 =	rddreg [dreg:$0x0];
	s0 =	smul.u32 $0x700, s3  }
0x5: {  	s30 =	rddreg [dreg:$0x1];
	s2 =	simm.s32 $0x0;
	s3 =	smul.u32 $0x7000, s3  }
0x6: {  	[smem:$0x7FF] =	sst s2;
	s1 =	sadd.s32 $0x4E00, s4  }
0x7: {  	_ =	strace $0x80000047;
	s5 =	sshrl.u32 s0, $0x3;
	s3 =	sadd.s32 s1, s3  }
0x8: {  	s21 =	sor.u32 $0x80, s0;
	s5 =	sadd.s32 s30, s5;
	[dreg:$0x4] =	wrdreg s3  }
0x9: {  	s22 =	sshrl.u32 s21, $0x3;
	[dreg:$0x3] =	wrdreg s5  }
0xa: {  	s3 =	sadd.s32 s30, s22;
	s5 =	sshll.u32 s21, $0x4;
	s6 =	rddreg [dreg:$0x3]  }
0xb: {  	[dreg:$0x5] =	wrdreg s3;
	s23 =	sadd.s32 s1, s5  }
0xc: {  	s3 =	simm.s32 $0x2;
	[dreg:$0x6] =	wrdreg s23  }
0xd: {  	[tilespmem:s2], [sflag:$0x2] =	stream.linear.gather [hbm4b:s6+s2], $0x80, $0x38;
	[tilespmem:$0x4080] =	vst v63  }
0xe: {  	_ =	swait.ge [sflag:s3], $0x80  }
0xf: {  	s4 =	sadd.s32 $0xDC7800, s4;
	[sflag:s3] =	ssyncset.done $0x0  }
0x10: {  	s5 =	simm.s32 $0x80;
	s6 =	simm.s32 $0x1;
	[sflag:s3] =	ssyncadd.s32 $0xFFFFFF80  }
0x11: {  	[tilespmem:s5], [sflag:$0x1] =	stream.indirect.gather [hbm4b:s4+s5], $0x80, s2, s5, $0xb8;
	[tilespmem:$0x4080] =	vst v63  }
0x12: {  	_ =	swait.ge [sflag:s6], $0x4000  }
0x13: {  	[sflag:s6] =	ssyncset.done $0x0  }
0x14: {  	s7 =	rddreg [dreg:$0x4];
	[sflag:s6] =	ssyncadd.s32 $0xFFFFC000  }
0x15: {  	[hbm4b:s7+s2] =	stream.linear.scatter [tilespmem:s5], [sflag:$0x2], $0x4000, $0x38;
	[tilespmem:$0x4080] =	vst v63  }
0x16: {  	_ =	swait.ge [sflag:s3], $0x4000  }
0x17: {  	[sflag:s3] =	ssyncset.done $0x0  }
0x18: {  	s24 =	rddreg [dreg:$0x5];
	[sflag:s3] =	ssyncadd.s32 $0xFFFFC000  }
0x19: {  	[tilespmem:s2], [sflag:$0x2] =	stream.linear.gather [hbm4b:s24+s2], $0x80, $0x38;
	[tilespmem:$0x4080] =	vst v63  }
0x1a: {  	_ =	swait.ge [sflag:s3], $0x80  }
0x1b: {  	[sflag:s3] =	ssyncset.done $0x0  }
0x1c: {  	[sflag:s3] =	ssyncadd.s32 $0xFFFFFF80  }
0x1d: {  	[tilespmem:s5], [sflag:$0x1] =	stream.indirect.gather [hbm4b:s4+s5], $0x80, s2, s5, $0xb8;
	[tilespmem:$0x4080] =	vst v63  }
0x1e: {  	_ =	swait.ge [sflag:s6], $0x4000  }
0x1f: {  	[sflag:s6] =	ssyncset.done $0x0  }
0x20: {  	s25 =	rddreg [dreg:$0x6];
	[sflag:s6] =	ssyncadd.s32 $0xFFFFC000  }
0x21: {  	[hbm4b:s25+s2] =	stream.linear.scatter [tilespmem:s5], [sflag:$0x2], $0x4000, $0x38;
	[tilespmem:$0x4080] =	vst v63  }
0x22: {  	s8 =	sadd.s32 $0x100, s0;
	_ =	swait.ge [sflag:s3], $0x4000  }
0x23: {  	s26 =	sshrl.u32 s8, $0x3;
	[sflag:s3] =	ssyncset.done $0x0  }
0x24: {  	s7 =	sadd.s32 s30, s26;
	[sflag:s3] =	ssyncadd.s32 $0xFFFFC000  }
0x25: {  	[tilespmem:s2], [sflag:$0x2] =	stream.linear.gather [hbm4b:s7+s2], $0x80, $0x38;
	[tilespmem:$0x4080] =	vst v63  }
0x26: {  	_ =	swait.ge [sflag:s3], $0x80  }
0x27: {  	[sflag:s3] =	ssyncset.done $0x0  }
0x28: {  	[sflag:s3] =	ssyncadd.s32 $0xFFFFFF80  }
0x29: {  	[tilespmem:s5], [sflag:$0x1] =	stream.indirect.gather [hbm4b:s4+s5], $0x80, s2, s5, $0xb8;
	[tilespmem:$0x4080] =	vst v63  }
0x2a: {  	_ =	swait.ge [sflag:s6], $0x4000  }
0x2b: {  	s8 =	sshll.u32 s8, $0x4;
	[sflag:s6] =	ssyncset.done $0x0  }
0x2c: {  	s8 =	sadd.s32 s1, s8;
	[sflag:s6] =	ssyncadd.s32 $0xFFFFC000  }
0x2d: {  	[hbm4b:s8+s2] =	stream.linear.scatter [tilespmem:s5], [sflag:$0x2], $0x4000, $0x38;
	[tilespmem:$0x4080] =	vst v63  }
0x2e: {  	s10 =	sadd.s32 $0x180, s0;
	_ =	swait.ge [sflag:s3], $0x4000  }
0x2f: {  	s9 =	sshrl.u32 s10, $0x3;
	[sflag:s3] =	ssyncset.done $0x0  }
0x30: {  	s9 =	sadd.s32 s30, s9;
	[sflag:s3] =	ssyncadd.s32 $0xFFFFC000  }
0x31: {  	[tilespmem:s2], [sflag:$0x2] =	stream.linear.gather [hbm4b:s9+s2], $0x80, $0x38;
	[tilespmem:$0x4080] =	vst v63  }
0x32: {  	_ =	swait.ge [sflag:s3], $0x80  }
0x33: {  	[sflag:s3] =	ssyncset.done $0x0  }
0x34: {  	[sflag:s3] =	ssyncadd.s32 $0xFFFFFF80  }
0x35: {  	[tilespmem:s5], [sflag:$0x1] =	stream.indirect.gather [hbm4b:s4+s5], $0x80, s2, s5, $0xb8;
	[tilespmem:$0x4080] =	vst v63  }
0x36: {  	_ =	swait.ge [sflag:s6], $0x4000  }
0x37: {  	s10 =	sshll.u32 s10, $0x4;
	[sflag:s6] =	ssyncset.done $0x0  }
0x38: {  	s10 =	sadd.s32 s1, s10;
	[sflag:s6] =	ssyncadd.s32 $0xFFFFC000  }
0x39: {  	[hbm4b:s10+s2] =	stream.linear.scatter [tilespmem:s5], [sflag:$0x2], $0x4000, $0x38;
	[tilespmem:$0x4080] =	vst v63  }
0x3a: {  	s12 =	sadd.s32 $0x200, s0;
	_ =	swait.ge [sflag:s3], $0x4000  }
0x3b: {  	s11 =	sshrl.u32 s12, $0x3;
	[sflag:s3] =	ssyncset.done $0x0  }
0x3c: {  	s11 =	sadd.s32 s30, s11;
	[sflag:s3] =	ssyncadd.s32 $0xFFFFC000  }
0x3d: {  	[tilespmem:s2], [sflag:$0x2] =	stream.linear.gather [hbm4b:s11+s2], $0x80, $0x38;
	[tilespmem:$0x4080] =	vst v63  }
0x3e: {  	_ =	swait.ge [sflag:s3], $0x80  }
0x3f: {  	[sflag:s3] =	ssyncset.done $0x0  }
0x40: {  	[sflag:s3] =	ssyncadd.s32 $0xFFFFFF80  }
0x41: {  	[tilespmem:s5], [sflag:$0x1] =	stream.indirect.gather [hbm4b:s4+s5], $0x80, s2, s5, $0xb8;
	[tilespmem:$0x4080] =	vst v63  }
0x42: {  	_ =	swait.ge [sflag:s6], $0x4000  }
0x43: {  	s12 =	sshll.u32 s12, $0x4;
	[sflag:s6] =	ssyncset.done $0x0  }
0x44: {  	s12 =	sadd.s32 s1, s12;
	[sflag:s6] =	ssyncadd.s32 $0xFFFFC000  }
0x45: {  	[hbm4b:s12+s2] =	stream.linear.scatter [tilespmem:s5], [sflag:$0x2], $0x4000, $0x38;
	[tilespmem:$0x4080] =	vst v63  }
0x46: {  	s14 =	sadd.s32 $0x280, s0;
	_ =	swait.ge [sflag:s3], $0x4000  }
0x47: {  	s13 =	sshrl.u32 s14, $0x3;
	[sflag:s3] =	ssyncset.done $0x0  }
0x48: {  	s13 =	sadd.s32 s30, s13;
	[sflag:s3] =	ssyncadd.s32 $0xFFFFC000  }
0x49: {  	[tilespmem:s2], [sflag:$0x2] =	stream.linear.gather [hbm4b:s13+s2], $0x80, $0x38;
	[tilespmem:$0x4080] =	vst v63  }
0x4a: {  	_ =	swait.ge [sflag:s3], $0x80  }
0x4b: {  	[sflag:s3] =	ssyncset.done $0x0  }
0x4c: {  	[sflag:s3] =	ssyncadd.s32 $0xFFFFFF80  }
0x4d: {  	[tilespmem:s5], [sflag:$0x1] =	stream.indirect.gather [hbm4b:s4+s5], $0x80, s2, s5, $0xb8;
	[tilespmem:$0x4080] =	vst v63  }
0x4e: {  	_ =	swait.ge [sflag:s6], $0x4000  }
0x4f: {  	s14 =	sshll.u32 s14, $0x4;
	[sflag:s6] =	ssyncset.done $0x0  }
0x50: {  	s14 =	sadd.s32 s1, s14;
	[sflag:s6] =	ssyncadd.s32 $0xFFFFC000  }
0x51: {  	[hbm4b:s14+s2] =	stream.linear.scatter [tilespmem:s5], [sflag:$0x2], $0x4000, $0x38;
	[tilespmem:$0x4080] =	vst v63  }
0x52: {  	s16 =	sadd.s32 $0x300, s0;
	_ =	swait.ge [sflag:s3], $0x4000  }
0x53: {  	s15 =	sshrl.u32 s16, $0x3;
	[sflag:s3] =	ssyncset.done $0x0  }
0x54: {  	s15 =	sadd.s32 s30, s15;
	[sflag:s3] =	ssyncadd.s32 $0xFFFFC000  }
0x55: {  	[tilespmem:s2], [sflag:$0x2] =	stream.linear.gather [hbm4b:s15+s2], $0x80, $0x38;
	[tilespmem:$0x4080] =	vst v63  }
0x56: {  	_ =	swait.ge [sflag:s3], $0x80  }
0x57: {  	[sflag:s3] =	ssyncset.done $0x0  }
0x58: {  	[sflag:s3] =	ssyncadd.s32 $0xFFFFFF80  }
0x59: {  	[tilespmem:s5], [sflag:$0x1] =	stream.indirect.gather [hbm4b:s4+s5], $0x80, s2, s5, $0xb8;
	[tilespmem:$0x4080] =	vst v63  }
0x5a: {  	_ =	swait.ge [sflag:s6], $0x4000  }
0x5b: {  	s16 =	sshll.u32 s16, $0x4;
	[sflag:s6] =	ssyncset.done $0x0  }
0x5c: {  	s16 =	sadd.s32 s1, s16;
	[sflag:s6] =	ssyncadd.s32 $0xFFFFC000  }
0x5d: {  	[hbm4b:s16+s2] =	stream.linear.scatter [tilespmem:s5], [sflag:$0x2], $0x4000, $0x38;
	[tilespmem:$0x4080] =	vst v63  }
0x5e: {  	s18 =	sadd.s32 $0x380, s0;
	_ =	swait.ge [sflag:s3], $0x4000  }
0x5f: {  	s17 =	sshrl.u32 s18, $0x3;
	[sflag:s3] =	ssyncset.done $0x0  }
0x60: {  	s17 =	sadd.s32 s30, s17;
	[sflag:s3] =	ssyncadd.s32 $0xFFFFC000  }
0x61: {  	[tilespmem:s2], [sflag:$0x2] =	stream.linear.gather [hbm4b:s17+s2], $0x80, $0x38;
	[tilespmem:$0x4080] =	vst v63  }
0x62: {  	_ =	swait.ge [sflag:s3], $0x80  }
0x63: {  	[sflag:s3] =	ssyncset.done $0x0  }
0x64: {  	[sflag:s3] =	ssyncadd.s32 $0xFFFFFF80  }
0x65: {  	[tilespmem:s5], [sflag:$0x1] =	stream.indirect.gather [hbm4b:s4+s5], $0x80, s2, s5, $0xb8;
	[tilespmem:$0x4080] =	vst v63  }
0x66: {  	_ =	swait.ge [sflag:s6], $0x4000  }
0x67: {  	s18 =	sshll.u32 s18, $0x4;
	[sflag:s6] =	ssyncset.done $0x0  }
0x68: {  	s18 =	sadd.s32 s1, s18;
	[sflag:s6] =	ssyncadd.s32 $0xFFFFC000  }
0x69: {  	[hbm4b:s18+s2] =	stream.linear.scatter [tilespmem:s5], [sflag:$0x2], $0x4000, $0x38;
	[tilespmem:$0x4080] =	vst v63  }
0x6a: {  	s20 =	sadd.s32 $0x400, s0;
	_ =	swait.ge [sflag:s3], $0x4000  }
0x6b: {  	s19 =	sshrl.u32 s20, $0x3;
	[sflag:s3] =	ssyncset.done $0x0  }
0x6c: {  	s19 =	sadd.s32 s30, s19;
	[sflag:s3] =	ssyncadd.s32 $0xFFFFC000  }
0x6d: {  	[tilespmem:s2], [sflag:$0x2] =	stream.linear.gather [hbm4b:s19+s2], $0x80, $0x38;
	[tilespmem:$0x4080] =	vst v63  }
0x6e: {  	_ =	swait.ge [sflag:s3], $0x80  }
0x6f: {  	[sflag:s3] =	ssyncset.done $0x0  }
0x70: {  	[sflag:s3] =	ssyncadd.s32 $0xFFFFFF80  }
0x71: {  	[tilespmem:s5], [sflag:$0x1] =	stream.indirect.gather [hbm4b:s4+s5], $0x80, s2, s5, $0xb8;
	[tilespmem:$0x4080] =	vst v63  }
0x72: {  	_ =	swait.ge [sflag:s6], $0x4000  }
0x73: {  	s20 =	sshll.u32 s20, $0x4;
	[sflag:s6] =	ssyncset.done $0x0  }
0x74: {  	s20 =	sadd.s32 s1, s20;
	[sflag:s6] =	ssyncadd.s32 $0xFFFFC000  }
0x75: {  	[hbm4b:s20+s2] =	stream.linear.scatter [tilespmem:s5], [sflag:$0x2], $0x4000, $0x38;
	[tilespmem:$0x4080] =	vst v63  }
0x76: {  	s22 =	sadd.s32 $0x480, s0;
	_ =	swait.ge [sflag:s3], $0x4000  }
0x77: {  	s21 =	sshrl.u32 s22, $0x3;
	[sflag:s3] =	ssyncset.done $0x0  }
0x78: {  	s21 =	sadd.s32 s30, s21;
	[sflag:s3] =	ssyncadd.s32 $0xFFFFC000  }
0x79: {  	[tilespmem:s2], [sflag:$0x2] =	stream.linear.gather [hbm4b:s21+s2], $0x80, $0x38;
	[tilespmem:$0x4080] =	vst v63  }
0x7a: {  	_ =	swait.ge [sflag:s3], $0x80  }
0x7b: {  	[sflag:s3] =	ssyncset.done $0x0  }
0x7c: {  	[sflag:s3] =	ssyncadd.s32 $0xFFFFFF80  }
0x7d: {  	[tilespmem:s5], [sflag:$0x1] =	stream.indirect.gather [hbm4b:s4+s5], $0x80, s2, s5, $0xb8;
	[tilespmem:$0x4080] =	vst v63  }
0x7e: {  	_ =	swait.ge [sflag:s6], $0x4000  }
0x7f: {  	s22 =	sshll.u32 s22, $0x4;
	[sflag:s6] =	ssyncset.done $0x0  }
0x80: {  	s22 =	sadd.s32 s1, s22;
	[sflag:s6] =	ssyncadd.s32 $0xFFFFC000  }
0x81: {  	[hbm4b:s22+s2] =	stream.linear.scatter [tilespmem:s5], [sflag:$0x2], $0x4000, $0x38;
	[tilespmem:$0x4080] =	vst v63  }
0x82: {  	s24 =	sadd.s32 $0x500, s0;
	_ =	swait.ge [sflag:s3], $0x4000  }
0x83: {  	s23 =	sshrl.u32 s24, $0x3;
	[sflag:s3] =	ssyncset.done $0x0  }
0x84: {  	s23 =	sadd.s32 s30, s23;
	[sflag:s3] =	ssyncadd.s32 $0xFFFFC000  }
0x85: {  	[tilespmem:s2], [sflag:$0x2] =	stream.linear.gather [hbm4b:s23+s2], $0x80, $0x38;
	[tilespmem:$0x4080] =	vst v63  }
0x86: {  	_ =	swait.ge [sflag:s3], $0x80  }
0x87: {  	[sflag:s3] =	ssyncset.done $0x0  }
0x88: {  	[sflag:s3] =	ssyncadd.s32 $0xFFFFFF80  }
0x89: {  	[tilespmem:s5], [sflag:$0x1] =	stream.indirect.gather [hbm4b:s4+s5], $0x80, s2, s5, $0xb8;
	[tilespmem:$0x4080] =	vst v63  }
0x8a: {  	_ =	swait.ge [sflag:s6], $0x4000  }
0x8b: {  	s24 =	sshll.u32 s24, $0x4;
	[sflag:s6] =	ssyncset.done $0x0  }
0x8c: {  	s24 =	sadd.s32 s1, s24;
	[sflag:s6] =	ssyncadd.s32 $0xFFFFC000  }
0x8d: {  	[hbm4b:s24+s2] =	stream.linear.scatter [tilespmem:s5], [sflag:$0x2], $0x4000, $0x38;
	[tilespmem:$0x4080] =	vst v63  }
0x8e: {  	s26 =	sadd.s32 $0x580, s0;
	_ =	swait.ge [sflag:s3], $0x4000  }
0x8f: {  	s25 =	sshrl.u32 s26, $0x3;
	[sflag:s3] =	ssyncset.done $0x0  }
0x90: {  	s25 =	sadd.s32 s30, s25;
	[sflag:s3] =	ssyncadd.s32 $0xFFFFC000  }
0x91: {  	[tilespmem:s2], [sflag:$0x2] =	stream.linear.gather [hbm4b:s25+s2], $0x80, $0x38;
	[tilespmem:$0x4080] =	vst v63  }
0x92: {  	_ =	swait.ge [sflag:s3], $0x80  }
0x93: {  	[sflag:s3] =	ssyncset.done $0x0  }
0x94: {  	[sflag:s3] =	ssyncadd.s32 $0xFFFFFF80  }
0x95: {  	[tilespmem:s5], [sflag:$0x1] =	stream.indirect.gather [hbm4b:s4+s5], $0x80, s2, s5, $0xb8;
	[tilespmem:$0x4080] =	vst v63  }
0x96: {  	_ =	swait.ge [sflag:s6], $0x4000  }
0x97: {  	s26 =	sshll.u32 s26, $0x4;
	[sflag:s6] =	ssyncset.done $0x0  }
0x98: {  	s26 =	sadd.s32 s1, s26;
	[dreg:$0x7] =	wrdreg s1;
	[sflag:s6] =	ssyncadd.s32 $0xFFFFC000  }
0x99: {  	[hbm4b:s26+s2] =	stream.linear.scatter [tilespmem:s5], [sflag:$0x2], $0x4000, $0x38;
	[tilespmem:$0x4080] =	vst v63  }
0x9a: {  	s29 =	sadd.s32 $0x600, s0;
	_ =	swait.ge [sflag:s3], $0x4000  }
0x9b: {  	s28 =	sshrl.u32 s29, $0x3;
	[sflag:s3] =	ssyncset.done $0x0  }
0x9c: {  	s28 =	sadd.s32 s30, s28;
	[sflag:s3] =	ssyncadd.s32 $0xFFFFC000  }
0x9d: {  	[tilespmem:s2], [sflag:$0x2] =	stream.linear.gather [hbm4b:s28+s2], $0x80, $0x38;
	[tilespmem:$0x4080] =	vst v63  }
0x9e: {  	_ =	swait.ge [sflag:s3], $0x80  }
0x9f: {  	[sflag:s3] =	ssyncset.done $0x0  }
0xa0: {  	[sflag:s3] =	ssyncadd.s32 $0xFFFFFF80  }
0xa1: {  	[tilespmem:s5], [sflag:$0x1] =	stream.indirect.gather [hbm4b:s4+s5], $0x80, s2, s5, $0xb8;
	[tilespmem:$0x4080] =	vst v63  }
0xa2: {  	_ =	swait.ge [sflag:s6], $0x4000  }
0xa3: {  	s29 =	sshll.u32 s29, $0x4;
	[sflag:s6] =	ssyncset.done $0x0  }
0xa4: {  	s29 =	sadd.s32 s1, s29;
	s0 =	sadd.s32 $0x680, s0;
	[sflag:s6] =	ssyncadd.s32 $0xFFFFC000  }
0xa5: {  	[hbm4b:s29+s2] =	stream.linear.scatter [tilespmem:s5], [sflag:$0x2], $0x4000, $0x38;
	[tilespmem:$0x4080] =	vst v63  }
0xa6: {  	s1 =	sshrl.u32 s0, $0x3;
	_ =	swait.ge [sflag:s3], $0x4000  }
0xa7: {  	s30 =	sadd.s32 s30, s1;
	s1 =	ssub.s32 $0x2, s31;
	[sflag:s3] =	ssyncset.done $0x0  }
0xa8: {  	s31 =	sshrl.u32 s1, $0x1;
	[sflag:s3] =	ssyncadd.s32 $0xFFFFC000  }
0xa9: {  	[tilespmem:s2], [sflag:$0x2] =	stream.linear.gather [hbm4b:s30+s2], $0x80, $0x38;
	[tilespmem:$0x4080] =	vst v63  }
0xaa: {  	s1 =	ssub.s32 s1, s31;
	_ =	swait.ge [sflag:s3], $0x80  }
0xab: {  	s1 =	smax.u32 s1, $0x1;
	[sflag:s3] =	ssyncset.done $0x0  }
0xac: {  	p0 =	sne.s32 s1, $0x1;
	[sflag:s3] =	ssyncadd.s32 $0xFFFFFF80  }
0xad: {  	[tilespmem:s5], [sflag:$0x1] =	stream.indirect.gather [hbm4b:s4+s5], $0x80, s2, s5, $0xb8;
	[tilespmem:$0x4080] =	vst v63  }
.Ltmp0:
0xae: {  	_ =	swait.ge [sflag:s6], $0x4000;
	(pc) =	sbr.rel @!p0 .LBB2_2-.Ltmp0, $4  }
0xaf: {  	s0 =	sshll.u32 s0, $0x4;
	[sflag:s6] =	ssyncset.done $0x0;
	s31 =	rddreg [dreg:$0x7]  }
0xb0: {  	s31 =	sadd.s32 s31, s0;
	[sflag:s6] =	ssyncadd.s32 $0xFFFFC000  }
0xb1: {  	[hbm4b:s31+s2] =	stream.linear.scatter [tilespmem:s5], [sflag:$0x2], $0x4000, $0x38;
	[tilespmem:$0x4080] =	vst v63  }
0xb2: {  	s1 =	sadd.s32 $0xFFFFFFFF, s1;
	_ =	swait.ge [sflag:s3], $0x4000  }
.LBB2_1:
0xb3: {  	[sflag:s3] =	ssyncset.done $0x0  }
0xb4: {  	s0 =	rddreg [dreg:$0x3];
	[sflag:s3] =	ssyncadd.s32 $0xFFFFC000  }
0xb5: {  	[tilespmem:s2], [sflag:$0x2] =	stream.linear.gather [hbm4b:s0+s2], $0x80, $0x38;
	[tilespmem:$0x4080] =	vst v63  }
0xb6: {  	_ =	swait.ge [sflag:s3], $0x80  }
0xb7: {  	[sflag:s3] =	ssyncset.done $0x0  }
0xb8: {  	[sflag:s3] =	ssyncadd.s32 $0xFFFFFF80  }
0xb9: {  	[tilespmem:s5], [sflag:$0x1] =	stream.indirect.gather [hbm4b:s4+s5], $0x80, s2, s5, $0xb8;
	[tilespmem:$0x4080] =	vst v63  }
0xba: {  	_ =	swait.ge [sflag:s6], $0x4000  }
0xbb: {  	[sflag:s6] =	ssyncset.done $0x0  }
0xbc: {  	s0 =	rddreg [dreg:$0x4];
	[sflag:s6] =	ssyncadd.s32 $0xFFFFC000  }
0xbd: {  	[hbm4b:s0+s2] =	stream.linear.scatter [tilespmem:s5], [sflag:$0x2], $0x4000, $0x38;
	[tilespmem:$0x4080] =	vst v63  }
0xbe: {  	_ =	swait.ge [sflag:s3], $0x4000  }
0xbf: {  	[sflag:s3] =	ssyncset.done $0x0  }
0xc0: {  	s0 =	rddreg [dreg:$0x5];
	[sflag:s3] =	ssyncadd.s32 $0xFFFFC000  }
0xc1: {  	[tilespmem:s2], [sflag:$0x2] =	stream.linear.gather [hbm4b:s0+s2], $0x80, $0x38;
	[tilespmem:$0x4080] =	vst v63  }
0xc2: {  	_ =	swait.ge [sflag:s3], $0x80  }
0xc3: {  	[sflag:s3] =	ssyncset.done $0x0  }
0xc4: {  	[sflag:s3] =	ssyncadd.s32 $0xFFFFFF80  }
0xc5: {  	[tilespmem:s5], [sflag:$0x1] =	stream.indirect.gather [hbm4b:s4+s5], $0x80, s2, s5, $0xb8;
	[tilespmem:$0x4080] =	vst v63  }
0xc6: {  	_ =	swait.ge [sflag:s6], $0x4000  }
0xc7: {  	[sflag:s6] =	ssyncset.done $0x0  }
0xc8: {  	s0 =	rddreg [dreg:$0x6];
	[sflag:s6] =	ssyncadd.s32 $0xFFFFC000  }
0xc9: {  	[hbm4b:s0+s2] =	stream.linear.scatter [tilespmem:s5], [sflag:$0x2], $0x4000, $0x38;
	[tilespmem:$0x4080] =	vst v63  }
0xca: {  	_ =	swait.ge [sflag:s3], $0x4000  }
0xcb: {  	[sflag:s3] =	ssyncset.done $0x0  }
0xcc: {  	[sflag:s3] =	ssyncadd.s32 $0xFFFFC000  }
0xcd: {  	[tilespmem:s2], [sflag:$0x2] =	stream.linear.gather [hbm4b:s7+s2], $0x80, $0x38;
	[tilespmem:$0x4080] =	vst v63  }
0xce: {  	_ =	swait.ge [sflag:s3], $0x80  }
0xcf: {  	[sflag:s3] =	ssyncset.done $0x0  }
0xd0: {  	[sflag:s3] =	ssyncadd.s32 $0xFFFFFF80  }
0xd1: {  	[tilespmem:s5], [sflag:$0x1] =	stream.indirect.gather [hbm4b:s4+s5], $0x80, s2, s5, $0xb8;
	[tilespmem:$0x4080] =	vst v63  }
0xd2: {  	_ =	swait.ge [sflag:s6], $0x4000  }
0xd3: {  	[sflag:s6] =	ssyncset.done $0x0  }
0xd4: {  	[sflag:s6] =	ssyncadd.s32 $0xFFFFC000  }
0xd5: {  	[hbm4b:s8+s2] =	stream.linear.scatter [tilespmem:s5], [sflag:$0x2], $0x4000, $0x38;
	[tilespmem:$0x4080] =	vst v63  }
0xd6: {  	_ =	swait.ge [sflag:s3], $0x4000  }
0xd7: {  	[sflag:s3] =	ssyncset.done $0x0  }
0xd8: {  	[sflag:s3] =	ssyncadd.s32 $0xFFFFC000  }
0xd9: {  	[tilespmem:s2], [sflag:$0x2] =	stream.linear.gather [hbm4b:s9+s2], $0x80, $0x38;
	[tilespmem:$0x4080] =	vst v63  }
0xda: {  	_ =	swait.ge [sflag:s3], $0x80  }
0xdb: {  	[sflag:s3] =	ssyncset.done $0x0  }
0xdc: {  	[sflag:s3] =	ssyncadd.s32 $0xFFFFFF80  }
0xdd: {  	[tilespmem:s5], [sflag:$0x1] =	stream.indirect.gather [hbm4b:s4+s5], $0x80, s2, s5, $0xb8;
	[tilespmem:$0x4080] =	vst v63  }
0xde: {  	_ =	swait.ge [sflag:s6], $0x4000  }
0xdf: {  	[sflag:s6] =	ssyncset.done $0x0  }
0xe0: {  	[sflag:s6] =	ssyncadd.s32 $0xFFFFC000  }
0xe1: {  	[hbm4b:s10+s2] =	stream.linear.scatter [tilespmem:s5], [sflag:$0x2], $0x4000, $0x38;
	[tilespmem:$0x4080] =	vst v63  }
0xe2: {  	_ =	swait.ge [sflag:s3], $0x4000  }
0xe3: {  	[sflag:s3] =	ssyncset.done $0x0  }
0xe4: {  	[sflag:s3] =	ssyncadd.s32 $0xFFFFC000  }
0xe5: {  	[tilespmem:s2], [sflag:$0x2] =	stream.linear.gather [hbm4b:s11+s2], $0x80, $0x38;
	[tilespmem:$0x4080] =	vst v63  }
0xe6: {  	_ =	swait.ge [sflag:s3], $0x80  }
0xe7: {  	[sflag:s3] =	ssyncset.done $0x0  }
0xe8: {  	[sflag:s3] =	ssyncadd.s32 $0xFFFFFF80  }
0xe9: {  	[tilespmem:s5], [sflag:$0x1] =	stream.indirect.gather [hbm4b:s4+s5], $0x80, s2, s5, $0xb8;
	[tilespmem:$0x4080] =	vst v63  }
0xea: {  	_ =	swait.ge [sflag:s6], $0x4000  }
0xeb: {  	[sflag:s6] =	ssyncset.done $0x0  }
0xec: {  	[sflag:s6] =	ssyncadd.s32 $0xFFFFC000  }
0xed: {  	[hbm4b:s12+s2] =	stream.linear.scatter [tilespmem:s5], [sflag:$0x2], $0x4000, $0x38;
	[tilespmem:$0x4080] =	vst v63  }
0xee: {  	_ =	swait.ge [sflag:s3], $0x4000  }
0xef: {  	[sflag:s3] =	ssyncset.done $0x0  }
0xf0: {  	[sflag:s3] =	ssyncadd.s32 $0xFFFFC000  }
0xf1: {  	[tilespmem:s2], [sflag:$0x2] =	stream.linear.gather [hbm4b:s13+s2], $0x80, $0x38;
	[tilespmem:$0x4080] =	vst v63  }
0xf2: {  	_ =	swait.ge [sflag:s3], $0x80  }
0xf3: {  	[sflag:s3] =	ssyncset.done $0x0  }
0xf4: {  	[sflag:s3] =	ssyncadd.s32 $0xFFFFFF80  }
0xf5: {  	[tilespmem:s5], [sflag:$0x1] =	stream.indirect.gather [hbm4b:s4+s5], $0x80, s2, s5, $0xb8;
	[tilespmem:$0x4080] =	vst v63  }
0xf6: {  	_ =	swait.ge [sflag:s6], $0x4000  }
0xf7: {  	[sflag:s6] =	ssyncset.done $0x0  }
0xf8: {  	[sflag:s6] =	ssyncadd.s32 $0xFFFFC000  }
0xf9: {  	[hbm4b:s14+s2] =	stream.linear.scatter [tilespmem:s5], [sflag:$0x2], $0x4000, $0x38;
	[tilespmem:$0x4080] =	vst v63  }
0xfa: {  	_ =	swait.ge [sflag:s3], $0x4000  }
0xfb: {  	[sflag:s3] =	ssyncset.done $0x0  }
0xfc: {  	[sflag:s3] =	ssyncadd.s32 $0xFFFFC000  }
0xfd: {  	[tilespmem:s2], [sflag:$0x2] =	stream.linear.gather [hbm4b:s15+s2], $0x80, $0x38;
	[tilespmem:$0x4080] =	vst v63  }
0xfe: {  	_ =	swait.ge [sflag:s3], $0x80  }
0xff: {  	[sflag:s3] =	ssyncset.done $0x0  }
0x100: {  	[sflag:s3] =	ssyncadd.s32 $0xFFFFFF80  }
0x101: {  	[tilespmem:s5], [sflag:$0x1] =	stream.indirect.gather [hbm4b:s4+s5], $0x80, s2, s5, $0xb8;
	[tilespmem:$0x4080] =	vst v63  }
0x102: {  	_ =	swait.ge [sflag:s6], $0x4000  }
0x103: {  	[sflag:s6] =	ssyncset.done $0x0  }
0x104: {  	[sflag:s6] =	ssyncadd.s32 $0xFFFFC000  }
0x105: {  	[hbm4b:s16+s2] =	stream.linear.scatter [tilespmem:s5], [sflag:$0x2], $0x4000, $0x38;
	[tilespmem:$0x4080] =	vst v63  }
0x106: {  	_ =	swait.ge [sflag:s3], $0x4000  }
0x107: {  	[sflag:s3] =	ssyncset.done $0x0  }
0x108: {  	[sflag:s3] =	ssyncadd.s32 $0xFFFFC000  }
0x109: {  	[tilespmem:s2], [sflag:$0x2] =	stream.linear.gather [hbm4b:s17+s2], $0x80, $0x38;
	[tilespmem:$0x4080] =	vst v63  }
0x10a: {  	_ =	swait.ge [sflag:s3], $0x80  }
0x10b: {  	[sflag:s3] =	ssyncset.done $0x0  }
0x10c: {  	[sflag:s3] =	ssyncadd.s32 $0xFFFFFF80  }
0x10d: {  	[tilespmem:s5], [sflag:$0x1] =	stream.indirect.gather [hbm4b:s4+s5], $0x80, s2, s5, $0xb8;
	[tilespmem:$0x4080] =	vst v63  }
0x10e: {  	_ =	swait.ge [sflag:s6], $0x4000  }
0x10f: {  	[sflag:s6] =	ssyncset.done $0x0  }
0x110: {  	[sflag:s6] =	ssyncadd.s32 $0xFFFFC000  }
0x111: {  	[hbm4b:s18+s2] =	stream.linear.scatter [tilespmem:s5], [sflag:$0x2], $0x4000, $0x38;
	[tilespmem:$0x4080] =	vst v63  }
0x112: {  	_ =	swait.ge [sflag:s3], $0x4000  }
0x113: {  	[sflag:s3] =	ssyncset.done $0x0  }
0x114: {  	[sflag:s3] =	ssyncadd.s32 $0xFFFFC000  }
0x115: {  	[tilespmem:s2], [sflag:$0x2] =	stream.linear.gather [hbm4b:s19+s2], $0x80, $0x38;
	[tilespmem:$0x4080] =	vst v63  }
0x116: {  	_ =	swait.ge [sflag:s3], $0x80  }
0x117: {  	[sflag:s3] =	ssyncset.done $0x0  }
0x118: {  	[sflag:s3] =	ssyncadd.s32 $0xFFFFFF80  }
0x119: {  	[tilespmem:s5], [sflag:$0x1] =	stream.indirect.gather [hbm4b:s4+s5], $0x80, s2, s5, $0xb8;
	[tilespmem:$0x4080] =	vst v63  }
0x11a: {  	_ =	swait.ge [sflag:s6], $0x4000  }
0x11b: {  	[sflag:s6] =	ssyncset.done $0x0  }
0x11c: {  	[sflag:s6] =	ssyncadd.s32 $0xFFFFC000  }
0x11d: {  	[hbm4b:s20+s2] =	stream.linear.scatter [tilespmem:s5], [sflag:$0x2], $0x4000, $0x38;
	[tilespmem:$0x4080] =	vst v63  }
0x11e: {  	_ =	swait.ge [sflag:s3], $0x4000  }
0x11f: {  	[sflag:s3] =	ssyncset.done $0x0  }
0x120: {  	[sflag:s3] =	ssyncadd.s32 $0xFFFFC000  }
0x121: {  	[tilespmem:s2], [sflag:$0x2] =	stream.linear.gather [hbm4b:s21+s2], $0x80, $0x38;
	[tilespmem:$0x4080] =	vst v63  }
0x122: {  	_ =	swait.ge [sflag:s3], $0x80  }
0x123: {  	[sflag:s3] =	ssyncset.done $0x0  }
0x124: {  	[sflag:s3] =	ssyncadd.s32 $0xFFFFFF80  }
0x125: {  	[tilespmem:s5], [sflag:$0x1] =	stream.indirect.gather [hbm4b:s4+s5], $0x80, s2, s5, $0xb8;
	[tilespmem:$0x4080] =	vst v63  }
0x126: {  	_ =	swait.ge [sflag:s6], $0x4000  }
0x127: {  	[sflag:s6] =	ssyncset.done $0x0  }
0x128: {  	[sflag:s6] =	ssyncadd.s32 $0xFFFFC000  }
0x129: {  	[hbm4b:s22+s2] =	stream.linear.scatter [tilespmem:s5], [sflag:$0x2], $0x4000, $0x38;
	[tilespmem:$0x4080] =	vst v63  }
0x12a: {  	_ =	swait.ge [sflag:s3], $0x4000  }
0x12b: {  	[sflag:s3] =	ssyncset.done $0x0  }
0x12c: {  	[sflag:s3] =	ssyncadd.s32 $0xFFFFC000  }
0x12d: {  	[tilespmem:s2], [sflag:$0x2] =	stream.linear.gather [hbm4b:s23+s2], $0x80, $0x38;
	[tilespmem:$0x4080] =	vst v63  }
0x12e: {  	_ =	swait.ge [sflag:s3], $0x80  }
0x12f: {  	[sflag:s3] =	ssyncset.done $0x0  }
0x130: {  	[sflag:s3] =	ssyncadd.s32 $0xFFFFFF80  }
0x131: {  	[tilespmem:s5], [sflag:$0x1] =	stream.indirect.gather [hbm4b:s4+s5], $0x80, s2, s5, $0xb8;
	[tilespmem:$0x4080] =	vst v63  }
0x132: {  	_ =	swait.ge [sflag:s6], $0x4000  }
0x133: {  	[sflag:s6] =	ssyncset.done $0x0  }
0x134: {  	[sflag:s6] =	ssyncadd.s32 $0xFFFFC000  }
0x135: {  	[hbm4b:s24+s2] =	stream.linear.scatter [tilespmem:s5], [sflag:$0x2], $0x4000, $0x38;
	[tilespmem:$0x4080] =	vst v63  }
0x136: {  	_ =	swait.ge [sflag:s3], $0x4000  }
0x137: {  	[sflag:s3] =	ssyncset.done $0x0  }
0x138: {  	[sflag:s3] =	ssyncadd.s32 $0xFFFFC000  }
0x139: {  	[tilespmem:s2], [sflag:$0x2] =	stream.linear.gather [hbm4b:s25+s2], $0x80, $0x38;
	[tilespmem:$0x4080] =	vst v63  }
0x13a: {  	_ =	swait.ge [sflag:s3], $0x80  }
0x13b: {  	[sflag:s3] =	ssyncset.done $0x0  }
0x13c: {  	[sflag:s3] =	ssyncadd.s32 $0xFFFFFF80  }
0x13d: {  	[tilespmem:s5], [sflag:$0x1] =	stream.indirect.gather [hbm4b:s4+s5], $0x80, s2, s5, $0xb8;
	[tilespmem:$0x4080] =	vst v63  }
0x13e: {  	_ =	swait.ge [sflag:s6], $0x4000  }
0x13f: {  	[sflag:s6] =	ssyncset.done $0x0  }
0x140: {  	[sflag:s6] =	ssyncadd.s32 $0xFFFFC000  }
0x141: {  	[hbm4b:s26+s2] =	stream.linear.scatter [tilespmem:s5], [sflag:$0x2], $0x4000, $0x38;
	[tilespmem:$0x4080] =	vst v63  }
0x142: {  	_ =	swait.ge [sflag:s3], $0x4000  }
0x143: {  	[sflag:s3] =	ssyncset.done $0x0  }
0x144: {  	[sflag:s3] =	ssyncadd.s32 $0xFFFFC000  }
0x145: {  	[tilespmem:s2], [sflag:$0x2] =	stream.linear.gather [hbm4b:s28+s2], $0x80, $0x38;
	[tilespmem:$0x4080] =	vst v63  }
0x146: {  	_ =	swait.ge [sflag:s3], $0x80  }
0x147: {  	[sflag:s3] =	ssyncset.done $0x0  }
0x148: {  	[sflag:s3] =	ssyncadd.s32 $0xFFFFFF80  }
0x149: {  	[tilespmem:s5], [sflag:$0x1] =	stream.indirect.gather [hbm4b:s4+s5], $0x80, s2, s5, $0xb8;
	[tilespmem:$0x4080] =	vst v63  }
0x14a: {  	_ =	swait.ge [sflag:s6], $0x4000  }
0x14b: {  	[sflag:s6] =	ssyncset.done $0x0  }
0x14c: {  	[sflag:s6] =	ssyncadd.s32 $0xFFFFC000  }
0x14d: {  	[hbm4b:s29+s2] =	stream.linear.scatter [tilespmem:s5], [sflag:$0x2], $0x4000, $0x38;
	[tilespmem:$0x4080] =	vst v63  }
0x14e: {  	_ =	swait.ge [sflag:s3], $0x4000  }
0x14f: {  	[sflag:s3] =	ssyncset.done $0x0  }
0x150: {  	[sflag:s3] =	ssyncadd.s32 $0xFFFFC000  }
0x151: {  	[tilespmem:s2], [sflag:$0x2] =	stream.linear.gather [hbm4b:s30+s2], $0x80, $0x38;
	[tilespmem:$0x4080] =	vst v63  }
0x152: {  	_ =	swait.ge [sflag:s3], $0x80  }
0x153: {  	[sflag:s3] =	ssyncset.done $0x0  }
0x154: {  	p0 =	sne.s32 s1, $0x1;
	[sflag:s3] =	ssyncadd.s32 $0xFFFFFF80  }
0x155: {  	[tilespmem:s5], [sflag:$0x1] =	stream.indirect.gather [hbm4b:s4+s5], $0x80, s2, s5, $0xb8;
	[tilespmem:$0x4080] =	vst v63  }
.Ltmp1:
0x156: {  	_ =	swait.ge [sflag:s6], $0x4000;
	(pc) =	sbr.rel @p0 .LBB2_1-.Ltmp1, $4  }
0x157: {  	[sflag:s6] =	ssyncset.done $0x0  }
0x158: {  	[sflag:s6] =	ssyncadd.s32 $0xFFFFC000  }
0x159: {  	[hbm4b:s31+s2] =	stream.linear.scatter [tilespmem:s5], [sflag:$0x2], $0x4000, $0x38;
	[tilespmem:$0x4080] =	vst v63  }
0x15a: {  	s1 =	sadd.s32 $0xFFFFFFFF, s1;
	_ =	swait.ge [sflag:s3], $0x4000  }
.LBB2_2:
0x15b: {  	[sflag:s3] =	ssyncset.done $0x0  }
0x15c: {  	[sflag:s3] =	ssyncadd.s32 $0xFFFFC000  }
0x15d: {  	_ =	sfence.sel $0x180000  }
0x15e: {  	[bflag:$0x0] =	sbarrier.arrive $0xFFFF  }
0x15f: {  	_ =	strace $0x90000047  }
0x160: {  	s0 =	stileid.u32;
	[bflag:$0x2] =	sbarrier.arrive $0xFFFF  }
0x161: {  	p0 =	sne.s32 s0, $0x0;
	s0 =	rddreg [dreg:$0x2]  }
0x162: {  	s0 =	sadd.s32 @!p0 $0x100000, s0  }
0x163: {  	[sflag:s0] =	ssyncadd.tile.s32 @!p0 $0x1;
	_ =	shalt  }
.Lfunc_end2:
_tile_overlayer_lowered:
.L_overlay_start_2:
0x164: {  	(tag) =	ssettag $0x2  }
0x165: {  	s0 =	rddreg [dreg:$0x0];
	s2 =	stileid.u32  }
0x166: {  	s1 =	rddreg [dreg:$0x1];
	p0 =	sne.s32 s2, $0x0  }
0x167: {  	s3 =	rddreg [dreg:$0x2];
	[bflag:$0x3] =	sbarrier.arrive $0xFFFF;
	s2 =	simm.s32 @!p0 $0x1C02  }
0x168: {  	[timem:s3], [sflag:s2] =	dma.local @!p0 [hbm:s0], s1  }
0x169: {  	s0 =	simm.s32 @!p0 $0x2  }
0x16a: {  	_ =	swait.ge @!p0 [sflag:s0], s1  }
0x16b: {  	s1 =	ssub.s32 @!p0 $0x0, s1;
	[sflag:s0] =	ssyncset.done @!p0 $0x0  }
0x16c: {  	[sflag:s0] =	ssyncadd.s32 @!p0 s1  }
0x16d: {  	[bflag:$0x3] =	sbarrier.arrive $0xFFFF  }
0x16e: {  	_ =	shalt  }

</sc_bundles>
